<compile_context>
chip_gen: v7x
topology: tpu7x:2x2x1
jax: 0.10.2.dev20260603
libtpu: 0.0.44.dev20260713+nightly
codegen_flags: <defaults>
</compile_context>

<pallas_src>
import functools

import jax
import jax.numpy as jnp
from jax import lax
from jax.experimental import pallas as pl
from jax.experimental.pallas import tpu as pltpu
from jax.experimental.pallas import tpu_sc as plsc

N = 10000
D = 128
E = 320000
NC = 2
NS = 16
NW = NC * NS
CHUNK = 128
SCH = 20
NSB = 4
CPW = NSB * SCH
PADE = NW * CPW * CHUNK
NPAD = 10240
RPT = NPAD // NS
NWBC = RPT // CHUNK
DPT = NPAD // NS

_mesh = plsc.VectorSubcoreMesh(core_axis_name="c", subcore_axis_name="s")


@functools.partial(
    pl.kernel,
    out_type=jax.ShapeDtypeStruct((NC * NPAD,), jnp.float32),
    mesh=_mesh,
    scratch_types=[
        pltpu.VMEM((SCH, CHUNK), jnp.int32),
        pltpu.VMEM((SCH, CHUNK), jnp.int32),
        pltpu.VMEM((CHUNK,), jnp.float32),
        pltpu.VMEM((DPT,), jnp.float32),
        pltpu.VMEM_SHARED((NPAD,), jnp.float32),
        pltpu.SemaphoreType.DMA,
        pltpu.SemaphoreType.DMA,
    ],
)
def _deg_kernel(dst_hbm, out_hbm, d0, d1, ones, wb, acc, sc, st):
    c = lax.axis_index("c")
    s = lax.axis_index("s")
    w = s * NC + c

    @pl.loop(0, DPT // 16)
    def _zero(i):
        wb[pl.ds(i * 16, 16)] = jnp.zeros((16,), jnp.float32)

    @pl.loop(0, CHUNK // 16)
    def _one(i):
        ones[pl.ds(i * 16, 16)] = jnp.ones((16,), jnp.float32)

    pltpu.sync_copy(wb, acc.at[pl.ds(s * DPT, DPT)])
    plsc.subcore_barrier()

    def drain_scatters():
        @pl.loop(0, SCH)
        def _drain(ch):
            pltpu.make_async_copy(ones, acc.at[pl.ds(0, CHUNK)], sc).wait()

    dbufs = [d0, d1]
    pltpu.sync_copy(dst_hbm.at[w, 0], d0)
    stage = None
    for b in range(NSB):
        db = dbufs[b % 2]
        if stage is not None:
            stage.wait()
            stage = None
        if b + 1 < NSB:
            stage = pltpu.async_copy(dst_hbm.at[w, b + 1], dbufs[(b + 1) % 2], st)

        @pl.loop(0, SCH)
        def _edges(ch):
            pltpu.async_copy(ones, acc.at[db.at[ch]], sc, add=True)

        drain_scatters()

    plsc.subcore_barrier()
    pltpu.sync_copy(acc.at[pl.ds(s * DPT, DPT)], wb)
    pltpu.sync_copy(wb, out_hbm.at[pl.ds(c * NPAD + s * DPT, DPT)])


@functools.partial(
    pl.kernel,
    out_type=jax.ShapeDtypeStruct((NC, NPAD, D), jnp.float32),
    mesh=_mesh,
    scratch_types=[
        pltpu.VMEM((SCH, CHUNK), jnp.int32),
        pltpu.VMEM((SCH, CHUNK), jnp.int32),
        pltpu.VMEM((SCH, CHUNK), jnp.int32),
        pltpu.VMEM((SCH, CHUNK), jnp.int32),
        pltpu.VMEM((CHUNK, D), jnp.float32),
        pltpu.VMEM((CHUNK, D), jnp.float32),
        pltpu.VMEM_SHARED((NPAD, D), jnp.float32),
        pltpu.SemaphoreType.DMA,
        pltpu.SemaphoreType.DMA,
        pltpu.SemaphoreType.DMA,
        pltpu.SemaphoreType.DMA,
        pltpu.SemaphoreType.DMA,
    ],
)
def _spmm_kernel(xp_hbm, src_hbm, dst_hbm, out_hbm,
                 is0, id0, is1, id1, r0, r1, acc, g0, g1, st, sc0, sc1):
    c = lax.axis_index("c")
    s = lax.axis_index("s")
    w = s * NC + c

    @pl.loop(0, CHUNK)
    def _zero(r):
        for j in range(D // 16):
            r0[r, pl.ds(j * 16, 16)] = jnp.zeros((16,), jnp.float32)

    for j in range(NWBC):
        pltpu.sync_copy(r0, acc.at[pl.ds(s * RPT + j * CHUNK, CHUNK), :])
    plsc.subcore_barrier()

    def wait_gather(buf, sem):
        pltpu.make_async_copy(xp_hbm.at[pl.ds(0, CHUNK)], buf, sem).wait()

    def wait_scatter(sem):
        pltpu.make_async_copy(r0, acc.at[pl.ds(0, CHUNK), :], sem).wait()

    ibufs = [(is0, id0), (is1, id1)]
    pltpu.sync_copy(src_hbm.at[w, 0], is0)
    pltpu.sync_copy(dst_hbm.at[w, 0], id0)
    stage = None
    for b in range(NSB):
        sb, db = ibufs[b % 2]
        if stage is not None:
            stage[0].wait()
            stage[1].wait()
            stage = None
        if b + 1 < NSB:
            nsb, ndb = ibufs[(b + 1) % 2]
            stage = (
                pltpu.async_copy(src_hbm.at[w, b + 1], nsb, st),
                pltpu.async_copy(dst_hbm.at[w, b + 1], ndb, st),
            )

        pltpu.async_copy(xp_hbm.at[sb.at[0]], r0, g0)
        pltpu.async_copy(xp_hbm.at[sb.at[1]], r1, g1)
        wait_gather(r0, g0)
        pltpu.async_copy(r0, acc.at[db.at[0]], sc0, add=True)
        wait_gather(r1, g1)
        pltpu.async_copy(r1, acc.at[db.at[1]], sc1, add=True)

        @pl.loop(2, SCH, step=2)
        def _pipe(i):
            wait_scatter(sc0)
            pltpu.async_copy(xp_hbm.at[sb.at[i]], r0, g0)
            wait_scatter(sc1)
            pltpu.async_copy(xp_hbm.at[sb.at[i + 1]], r1, g1)
            wait_gather(r0, g0)
            pltpu.async_copy(r0, acc.at[db.at[i]], sc0, add=True)
            wait_gather(r1, g1)
            pltpu.async_copy(r1, acc.at[db.at[i + 1]], sc1, add=True)

        wait_scatter(sc0)
        wait_scatter(sc1)

    plsc.subcore_barrier()
    wdesc = [None, None]
    for j in range(NWBC):
        buf, sem = (r0, g0) if j % 2 == 0 else (r1, g1)
        if wdesc[j % 2] is not None:
            wdesc[j % 2].wait()
        base = s * RPT + j * CHUNK
        pltpu.sync_copy(acc.at[pl.ds(base, CHUNK), :], buf)
        wdesc[j % 2] = pltpu.async_copy(
            buf, out_hbm.at[c, pl.ds(base, CHUNK), :], sem)
    wdesc[0].wait()
    wdesc[1].wait()


def _scale_body(x_ref, degp_ref, xp_ref, dinv_ref):
    deg = degp_ref[:, 0:1] + degp_ref[:, 1:2] + 1.0
    dinv = lax.rsqrt(deg)
    dinv_ref[...] = dinv
    xp_ref[...] = x_ref[...] * dinv


_scale_call = pl.pallas_call(
    _scale_body,
    out_shape=(
        jax.ShapeDtypeStruct((N, D), jnp.float32),
        jax.ShapeDtypeStruct((N, 1), jnp.float32),
    ),
)


def _dense_body(p_ref, xp_ref, dinv_ref, w1_ref, b1_ref, w2_ref, tp_ref):
    dinv = dinv_ref[...]
    s1 = (p_ref[0, :N] + p_ref[1, :N] + xp_ref[...]) * dinv
    h = jnp.dot(s1, w1_ref[...], preferred_element_type=jnp.float32)
    h = jnp.maximum(h + b1_ref[...].reshape(1, -1), 0.0)
    t = jnp.dot(h, w2_ref[...], preferred_element_type=jnp.float32)
    tp_ref[...] = t * dinv


_dense_call = pl.pallas_call(
    _dense_body,
    out_shape=jax.ShapeDtypeStruct((N, D), jnp.float32),
)


def _softmax_body(q_ref, tp_ref, dinv_ref, b2_ref, o_ref):
    s2 = (q_ref[0, :N] + q_ref[1, :N] + tp_ref[...]) * dinv_ref[...]
    s2 = s2 + b2_ref[...].reshape(1, -1)
    m = jnp.max(s2, axis=1, keepdims=True)
    e = jnp.exp(s2 - m)
    o_ref[...] = e / jnp.sum(e, axis=1, keepdims=True)


_softmax_call = pl.pallas_call(
    _softmax_body,
    out_shape=jax.ShapeDtypeStruct((N, D), jnp.float32),
)


def kernel(x, edge_index, W1, b1, W2, b2):
    ei = edge_index.astype(jnp.int32)
    pad_src = jnp.arange(PADE - E, dtype=jnp.int32) % N
    pad_dst = N + jnp.arange(PADE - E, dtype=jnp.int32) % (NPAD - N)
    src = jnp.concatenate([ei[0], pad_src]).reshape(NW, NSB, SCH, CHUNK)
    dst = jnp.concatenate([ei[1], pad_dst]).reshape(NW, NSB, SCH, CHUNK)

    deg_p = _deg_kernel(dst).reshape(NC, NPAD)
    deg_p = deg_p[:, :N].T
    xp, dinv = _scale_call(x, deg_p)
    p = _spmm_kernel(xp, src, dst)
    tp = _dense_call(p, xp, dinv, W1, b1, W2)
    q = _spmm_kernel(tp, src, dst)
    return _softmax_call(q, tp, dinv, b2)

# --- scband reference (transcript-rebuilt; emitter-appended) ---
"""Pipeline reference for scband-qy-given-x-64527588655429 (READ-ONLY COPY).

The authoritative reference and input builder live on the scoring server;
editing this copy changes nothing except your own understanding.
"""

import jax, jax.numpy as jnp
import numpy as np

N_NODES = 10000
D_IN = 128
D_OUT = 128


def gcn_conv(x, edge_index, W, b):
    num_nodes = x.shape[0]
    src = edge_index[0]
    dst = edge_index[1]
    # add self loops (GCNConv default add_self_loops=True)
    sl = jnp.arange(num_nodes, dtype=edge_index.dtype)
    src = jnp.concatenate([src, sl])
    dst = jnp.concatenate([dst, sl])
    # symmetric normalization: deg computed on destination nodes
    deg = jnp.zeros((num_nodes,), dtype=x.dtype).at[dst].add(1.0)
    deg_inv_sqrt = jnp.where(deg > 0, 1.0 / jnp.sqrt(deg), 0.0)
    norm = deg_inv_sqrt[src] * deg_inv_sqrt[dst]
    h = x @ W
    msg = h[src] * norm[:, None]
    out = jnp.zeros((num_nodes, W.shape[1]), dtype=x.dtype).at[dst].add(msg)
    return out + b


def setup_inputs(seed: int = 0) -> dict:
    key = jax.random.key(seed)
    k1, k2, k3, k4, k5, k6 = jax.random.split(key, 6)
    x = jax.random.normal(k1, (N_NODES, D_IN), dtype=jnp.float32)
    edge_index = jax.random.randint(k2, (2, 320000), 0, N_NODES, dtype=jnp.int64)
    # conv1: in -> 2*out ; conv2: 2*out -> out
    W1 = jax.random.normal(k3, (D_IN, 2 * D_OUT), dtype=jnp.float32) * (1.0 / np.sqrt(D_IN))
    b1 = jnp.zeros((2 * D_OUT,), dtype=jnp.float32)
    W2 = jax.random.normal(k4, (2 * D_OUT, D_OUT), dtype=jnp.float32) * (1.0 / np.sqrt(2 * D_OUT))
    b2 = jnp.zeros((D_OUT,), dtype=jnp.float32)
    return {"x": x, "edge_index": edge_index, "W1": W1, "b1": b1, "W2": W2, "b2": b2}


def reference(x, edge_index, W1, b1, W2, b2):
    h = jax.nn.relu(gcn_conv(x, edge_index, W1, b1))
    out = gcn_conv(h, edge_index, W2, b2)
    return jax.nn.softmax(out, axis=1)

if __name__ == "__main__":
    import jax
    _d = setup_inputs()
    print(jax.jit(kernel)(*tuple(_d.values())))

</pallas_src>

<mosaic_0001>
#map = affine_map<(d0, d1) -> (0, 0, 0, 0)>
#map1 = affine_map<(d0, d1) -> (0)>
module attributes {stable_mosaic.version = 14 : i64} {
  func.func @_deg_kernel(%arg0: i32, %arg1: i32, %arg2: memref<32x4x20x128xi32, #tpu.memory_space<hbm>>, %arg3: memref<20480xf32, #tpu.memory_space<hbm>>, %arg4: memref<20x128xi32, #tpu.memory_space<vmem>>, %arg5: memref<20x128xi32, #tpu.memory_space<vmem>>, %arg6: memref<128xf32, #tpu.memory_space<vmem>>, %arg7: memref<640xf32, #tpu.memory_space<vmem>>, %arg8: memref<10240xf32, #tpu.memory_space<vmem_shared>>, %arg9: memref<!tpu.dma_semaphore, #tpu.memory_space<semaphore_mem>>, %arg10: memref<!tpu.dma_semaphore, #tpu.memory_space<semaphore_mem>>) attributes {dimension_semantics = [#tpu.dimension_semantics<core_parallel>, #tpu.dimension_semantics<subcore_parallel>], iteration_bounds = array<i64: 2, 16>, scalar_prefetch = 0 : i64, scratch_operands = 7 : i64, tpu.core_type = #tpu.core_type<sc_vector_subcore>, window_params = [{transform_indices = #map}, {transform_indices = #map1}]} {
    %mul3A = arith.constant 2 : i32
    %mul3A_0 = arith.muli %arg1, %mul3A : i32
    %add3A = arith.addi %mul3A_0, %arg0 : i32
    %scan3A = arith.constant 0 : i32
    %scan3A_1 = arith.constant 40 : i32
    %scan3A_2 = arith.addi %scan3A, %scan3A_1 : i32
    %scan3A_3 = arith.constant 1 : i32
    scf.for %scan3A_112 = %scan3A to %scan3A_2 step %scan3A_3  : i32 {
      %mul3A_113 = arith.constant 1 : i32
      %mul3A_114 = arith.muli %scan3A_112, %mul3A_113 : i32
      %add3A_115 = arith.constant 0 : i32
      %add3A_116 = arith.addi %add3A_115, %mul3A_114 : i32
      %broadcast_in_dim3A = arith.constant 0.000000e+00 : f32
      %broadcast_in_dim3A_117 = vector.broadcast %broadcast_in_dim3A : f32 to vector<16xf32>
      %mul3A_118 = arith.constant 16 : i32
      %mul3A_119 = arith.muli %add3A_116, %mul3A_118 : i32
      %swap3A = arith.index_cast %mul3A_119 : i32 to index
      %swap3A_120 = tpu.vector_load %arg7[%swap3A] {strides = array<i32>} : memref<640xf32, #tpu.memory_space<vmem>>, vector<16xf32>,
      %swap3A_121 = vector.shape_cast %swap3A_120 : vector<16xf32> to vector<16xf32>
      %swap3A_122 = vector.shape_cast %broadcast_in_dim3A_117 : vector<16xf32> to vector<16xf32>
      tpu.vector_store %arg7[%swap3A], %swap3A_122 {strides = array<i32>} : memref<640xf32, #tpu.memory_space<vmem>>, vector<16xf32>,
    }
    %scan3A_4 = arith.constant 40 : i32
    %scan3A_5 = arith.constant 0 : i32
    %scan3A_6 = arith.constant 8 : i32
    %scan3A_7 = arith.addi %scan3A_5, %scan3A_6 : i32
    %scan3A_8 = arith.constant 1 : i32
    scf.for %scan3A_112 = %scan3A_5 to %scan3A_7 step %scan3A_8  : i32 {
      %mul3A_113 = arith.constant 1 : i32
      %mul3A_114 = arith.muli %scan3A_112, %mul3A_113 : i32
      %add3A_115 = arith.constant 0 : i32
      %add3A_116 = arith.addi %add3A_115, %mul3A_114 : i32
      %broadcast_in_dim3A = arith.constant 1.000000e+00 : f32
      %broadcast_in_dim3A_117 = vector.broadcast %broadcast_in_dim3A : f32 to vector<16xf32>
      %mul3A_118 = arith.constant 16 : i32
      %mul3A_119 = arith.muli %add3A_116, %mul3A_118 : i32
      %swap3A = arith.index_cast %mul3A_119 : i32 to index
      %swap3A_120 = tpu.vector_load %arg6[%swap3A] {strides = array<i32>} : memref<128xf32, #tpu.memory_space<vmem>>, vector<16xf32>,
      %swap3A_121 = vector.shape_cast %swap3A_120 : vector<16xf32> to vector<16xf32>
      %swap3A_122 = vector.shape_cast %broadcast_in_dim3A_117 : vector<16xf32> to vector<16xf32>
      tpu.vector_store %arg6[%swap3A], %swap3A_122 {strides = array<i32>} : memref<128xf32, #tpu.memory_space<vmem>>, vector<16xf32>,
    }
    %scan3A_9 = arith.constant 8 : i32
    %mul3A_10 = arith.constant 640 : i32
    %mul3A_11 = arith.muli %arg1, %mul3A_10 : i32
    "tpu.region"() ({
      %run_scoped3A_112 = tpu.sem_alloc : memref<!tpu.dma_semaphore, #tpu.memory_space<semaphore_mem>>
      %dma_start3A_113 = tpu.memref_slice %arg8[%mul3A_11] : memref<10240xf32, #tpu.memory_space<vmem_shared>> -> memref<640xf32, #tpu.memory_space<vmem_shared>>
      %dma_start3A_114 = tpu.memref_slice %arg8[%mul3A_11] : memref<10240xf32, #tpu.memory_space<vmem_shared>> -> memref<640xf32, #tpu.memory_space<vmem_shared>>
      tpu.enqueue_dma source(%arg7 : memref<640xf32, #tpu.memory_space<vmem>>) target(%dma_start3A_114 : memref<640xf32, #tpu.memory_space<vmem_shared>>) target_semaphore(%run_scoped3A_112 : memref<!tpu.dma_semaphore, #tpu.memory_space<semaphore_mem>>)
      %dma_wait3A_115 = tpu.memref_slice %arg8[%mul3A_11] : memref<10240xf32, #tpu.memory_space<vmem_shared>> -> memref<640xf32, #tpu.memory_space<vmem_shared>>
      %dma_wait3A_116 = tpu.memref_slice %arg8[%mul3A_11] : memref<10240xf32, #tpu.memory_space<vmem_shared>> -> memref<640xf32, #tpu.memory_space<vmem_shared>>
      tpu.wait_dma2 semaphore(%run_scoped3A_112 : memref<!tpu.dma_semaphore, #tpu.memory_space<semaphore_mem>>) src(%arg7 : memref<640xf32, #tpu.memory_space<vmem>>) dst(%dma_wait3A_116 : memref<640xf32, #tpu.memory_space<vmem_shared>>)
      tpu.yield
    }) : () -> ()
    %barrier3A = arith.constant 0 : index
    tpu.barrier barrier_id(%barrier3A)
    %run_scoped3A = arith.constant 0 : i32
    "tpu.region"() ({
      %run_scoped3A_112 = tpu.sem_alloc : memref<!tpu.dma_semaphore, #tpu.memory_space<semaphore_mem>>
      %dma_start3A_113 = arith.constant 0 : i32
      %dma_start3A_114 = arith.constant 0 : i32
      %dma_start3A_115 = tpu.memref_slice %arg2[%add3A, %run_scoped3A, %dma_start3A_113, %dma_start3A_114] : memref<32x4x20x128xi32, #tpu.memory_space<hbm>> -> memref<1x1x20x128xi32, #tpu.memory_space<hbm>>
      %dma_start3A_116 = tpu.memref_squeeze %dma_start3A_115 : memref<1x1x20x128xi32, #tpu.memory_space<hbm>> -> memref<20x128xi32, #tpu.memory_space<hbm>>
      %dma_start3A_117 = arith.constant 0 : i32
      %dma_start3A_118 = arith.constant 0 : i32
      %dma_start3A_119 = tpu.memref_slice %arg2[%add3A, %run_scoped3A, %dma_start3A_117, %dma_start3A_118] : memref<32x4x20x128xi32, #tpu.memory_space<hbm>> -> memref<1x1x20x128xi32, #tpu.memory_space<hbm>>
      %dma_start3A_120 = tpu.memref_squeeze %dma_start3A_119 : memref<1x1x20x128xi32, #tpu.memory_space<hbm>> -> memref<20x128xi32, #tpu.memory_space<hbm>>
      tpu.enqueue_dma source(%dma_start3A_120 : memref<20x128xi32, #tpu.memory_space<hbm>>) target(%arg4 : memref<20x128xi32, #tpu.memory_space<vmem>>) target_semaphore(%run_scoped3A_112 : memref<!tpu.dma_semaphore, #tpu.memory_space<semaphore_mem>>)
      %dma_wait3A_121 = arith.constant 0 : i32
      %dma_wait3A_122 = arith.constant 0 : i32
      %dma_wait3A_123 = tpu.memref_slice %arg2[%add3A, %run_scoped3A, %dma_wait3A_121, %dma_wait3A_122] : memref<32x4x20x128xi32, #tpu.memory_space<hbm>> -> memref<1x1x20x128xi32, #tpu.memory_space<hbm>>
      %dma_wait3A_124 = tpu.memref_squeeze %dma_wait3A_123 : memref<1x1x20x128xi32, #tpu.memory_space<hbm>> -> memref<20x128xi32, #tpu.memory_space<hbm>>
      %dma_wait3A_125 = arith.constant 0 : i32
      %dma_wait3A_126 = arith.constant 0 : i32
      %dma_wait3A_127 = tpu.memref_slice %arg2[%add3A, %run_scoped3A, %dma_wait3A_125, %dma_wait3A_126] : memref<32x4x20x128xi32, #tpu.memory_space<hbm>> -> memref<1x1x20x128xi32, #tpu.memory_space<hbm>>
      %dma_wait3A_128 = tpu.memref_squeeze %dma_wait3A_127 : memref<1x1x20x128xi32, #tpu.memory_space<hbm>> -> memref<20x128xi32, #tpu.memory_space<hbm>>
      tpu.wait_dma2 semaphore(%run_scoped3A_112 : memref<!tpu.dma_semaphore, #tpu.memory_space<semaphore_mem>>) src(%dma_wait3A_128 : memref<20x128xi32, #tpu.memory_space<hbm>>) dst(%arg4 : memref<20x128xi32, #tpu.memory_space<vmem>>)
      tpu.yield
    }) : () -> ()
    %dma_start3A = arith.constant 1 : i32
    %dma_start3A_12 = arith.constant 0 : i32
    %dma_start3A_13 = arith.constant 0 : i32
    %dma_start3A_14 = tpu.memref_slice %arg2[%add3A, %dma_start3A, %dma_start3A_12, %dma_start3A_13] : memref<32x4x20x128xi32, #tpu.memory_space<hbm>> -> memref<1x1x20x128xi32, #tpu.memory_space<hbm>>
    %dma_start3A_15 = tpu.memref_squeeze %dma_start3A_14 : memref<1x1x20x128xi32, #tpu.memory_space<hbm>> -> memref<20x128xi32, #tpu.memory_space<hbm>>
    %dma_start3A_16 = arith.constant 0 : i32
    %dma_start3A_17 = arith.constant 0 : i32
    %dma_start3A_18 = tpu.memref_slice %arg2[%add3A, %dma_start3A, %dma_start3A_16, %dma_start3A_17] : memref<32x4x20x128xi32, #tpu.memory_space<hbm>> -> memref<1x1x20x128xi32, #tpu.memory_space<hbm>>
    %dma_start3A_19 = tpu.memref_squeeze %dma_start3A_18 : memref<1x1x20x128xi32, #tpu.memory_space<hbm>> -> memref<20x128xi32, #tpu.memory_space<hbm>>
    tpu.enqueue_dma source(%dma_start3A_19 : memref<20x128xi32, #tpu.memory_space<hbm>>) target(%arg5 : memref<20x128xi32, #tpu.memory_space<vmem>>) target_semaphore(%arg10 : memref<!tpu.dma_semaphore, #tpu.memory_space<semaphore_mem>>)
    %scan3A_20 = arith.constant 0 : i32
    %scan3A_21 = arith.constant 20 : i32
    %scan3A_22 = arith.addi %scan3A_20, %scan3A_21 : i32
    %scan3A_23 = arith.constant 1 : i32
    scf.for %scan3A_112 = %scan3A_20 to %scan3A_22 step %scan3A_23  : i32 {
      %mul3A_113 = arith.constant 1 : i32
      %mul3A_114 = arith.muli %scan3A_112, %mul3A_113 : i32
      %add3A_115 = arith.constant 0 : i32
      %add3A_116 = arith.addi %add3A_115, %mul3A_114 : i32
      %dma_start3A_117 = arith.constant 0 : i32
      %dma_start3A_118 = tpu.memref_slice %arg4[%add3A_116, %dma_start3A_117] : memref<20x128xi32, #tpu.memory_space<vmem>> -> memref<1x128xi32, #tpu.memory_space<vmem>>
      %dma_start3A_119 = tpu.memref_squeeze %dma_start3A_118 : memref<1x128xi32, #tpu.memory_space<vmem>> -> memref<128xi32, #tpu.memory_space<vmem>>
      %dma_start3A_120 = arith.constant 0 : i32
      %dma_start3A_121 = tpu.memref_slice %arg8[%dma_start3A_120] : memref<10240xf32, #tpu.memory_space<vmem_shared>> -> memref<10240xf32, #tpu.memory_space<vmem_shared>>
      tpu.enqueue_indirect_dma source(%arg6 : memref<128xf32, #tpu.memory_space<vmem>>) target(%dma_start3A_121 : memref<10240xf32, #tpu.memory_space<vmem_shared>>) offsets(%dma_start3A_119 : memref<128xi32, #tpu.memory_space<vmem>>) semaphore(%arg9 : memref<!tpu.dma_semaphore, #tpu.memory_space<semaphore_mem>>) {add = true}
    }
    %scan3A_24 = arith.constant 20 : i32
    %scan3A_25 = arith.constant 0 : i32
    %scan3A_26 = arith.constant 20 : i32
    %scan3A_27 = arith.addi %scan3A_25, %scan3A_26 : i32
    %scan3A_28 = arith.constant 1 : i32
    scf.for %scan3A_112 = %scan3A_25 to %scan3A_27 step %scan3A_28  : i32 {
      %mul3A_113 = arith.constant 1 : i32
      %mul3A_114 = arith.muli %scan3A_112, %mul3A_113 : i32
      %add3A_115 = arith.constant 0 : i32
      %add3A_116 = arith.addi %add3A_115, %mul3A_114 : i32
      %dma_wait3A_117 = arith.constant 0 : i32
      %dma_wait3A_118 = tpu.memref_slice %arg8[%dma_wait3A_117] : memref<10240xf32, #tpu.memory_space<vmem_shared>> -> memref<128xf32, #tpu.memory_space<vmem_shared>>
      %dma_wait3A_119 = arith.constant 0 : i32
      %dma_wait3A_120 = tpu.memref_slice %arg8[%dma_wait3A_119] : memref<10240xf32, #tpu.memory_space<vmem_shared>> -> memref<128xf32, #tpu.memory_space<vmem_shared>>
      tpu.wait_dma2 semaphore(%arg9 : memref<!tpu.dma_semaphore, #tpu.memory_space<semaphore_mem>>) src(%arg6 : memref<128xf32, #tpu.memory_space<vmem>>) dst(%dma_wait3A_120 : memref<128xf32, #tpu.memory_space<vmem_shared>>)
    }
    %scan3A_29 = arith.constant 20 : i32
    %dma_wait3A = arith.constant 1 : i32
    %dma_wait3A_30 = arith.constant 0 : i32
    %dma_wait3A_31 = arith.constant 0 : i32
    %dma_wait3A_32 = tpu.memref_slice %arg2[%add3A, %dma_wait3A, %dma_wait3A_30, %dma_wait3A_31] : memref<32x4x20x128xi32, #tpu.memory_space<hbm>> -> memref<1x1x20x128xi32, #tpu.memory_space<hbm>>
    %dma_wait3A_33 = tpu.memref_squeeze %dma_wait3A_32 : memref<1x1x20x128xi32, #tpu.memory_space<hbm>> -> memref<20x128xi32, #tpu.memory_space<hbm>>
    %dma_wait3A_34 = arith.constant 0 : i32
    %dma_wait3A_35 = arith.constant 0 : i32
    %dma_wait3A_36 = tpu.memref_slice %arg2[%add3A, %dma_wait3A, %dma_wait3A_34, %dma_wait3A_35] : memref<32x4x20x128xi32, #tpu.memory_space<hbm>> -> memref<1x1x20x128xi32, #tpu.memory_space<hbm>>
    %dma_wait3A_37 = tpu.memref_squeeze %dma_wait3A_36 : memref<1x1x20x128xi32, #tpu.memory_space<hbm>> -> memref<20x128xi32, #tpu.memory_space<hbm>>
    tpu.wait_dma2 semaphore(%arg10 : memref<!tpu.dma_semaphore, #tpu.memory_space<semaphore_mem>>) src(%dma_wait3A_37 : memref<20x128xi32, #tpu.memory_space<hbm>>) dst(%arg5 : memref<20x128xi32, #tpu.memory_space<vmem>>)
    %dma_start3A_38 = arith.constant 2 : i32
    %dma_start3A_39 = arith.constant 0 : i32
    %dma_start3A_40 = arith.constant 0 : i32
    %dma_start3A_41 = tpu.memref_slice %arg2[%add3A, %dma_start3A_38, %dma_start3A_39, %dma_start3A_40] : memref<32x4x20x128xi32, #tpu.memory_space<hbm>> -> memref<1x1x20x128xi32, #tpu.memory_space<hbm>>
    %dma_start3A_42 = tpu.memref_squeeze %dma_start3A_41 : memref<1x1x20x128xi32, #tpu.memory_space<hbm>> -> memref<20x128xi32, #tpu.memory_space<hbm>>
    %dma_start3A_43 = arith.constant 0 : i32
    %dma_start3A_44 = arith.constant 0 : i32
    %dma_start3A_45 = tpu.memref_slice %arg2[%add3A, %dma_start3A_38, %dma_start3A_43, %dma_start3A_44] : memref<32x4x20x128xi32, #tpu.memory_space<hbm>> -> memref<1x1x20x128xi32, #tpu.memory_space<hbm>>
    %dma_start3A_46 = tpu.memref_squeeze %dma_start3A_45 : memref<1x1x20x128xi32, #tpu.memory_space<hbm>> -> memref<20x128xi32, #tpu.memory_space<hbm>>
    tpu.enqueue_dma source(%dma_start3A_46 : memref<20x128xi32, #tpu.memory_space<hbm>>) target(%arg4 : memref<20x128xi32, #tpu.memory_space<vmem>>) target_semaphore(%arg10 : memref<!tpu.dma_semaphore, #tpu.memory_space<semaphore_mem>>)
    %scan3A_47 = arith.constant 0 : i32
    %scan3A_48 = arith.constant 20 : i32
    %scan3A_49 = arith.addi %scan3A_47, %scan3A_48 : i32
    %scan3A_50 = arith.constant 1 : i32
    scf.for %scan3A_112 = %scan3A_47 to %scan3A_49 step %scan3A_50  : i32 {
      %mul3A_113 = arith.constant 1 : i32
      %mul3A_114 = arith.muli %scan3A_112, %mul3A_113 : i32
      %add3A_115 = arith.constant 0 : i32
      %add3A_116 = arith.addi %add3A_115, %mul3A_114 : i32
      %dma_start3A_117 = arith.constant 0 : i32
      %dma_start3A_118 = tpu.memref_slice %arg5[%add3A_116, %dma_start3A_117] : memref<20x128xi32, #tpu.memory_space<vmem>> -> memref<1x128xi32, #tpu.memory_space<vmem>>
      %dma_start3A_119 = tpu.memref_squeeze %dma_start3A_118 : memref<1x128xi32, #tpu.memory_space<vmem>> -> memref<128xi32, #tpu.memory_space<vmem>>
      %dma_start3A_120 = arith.constant 0 : i32
      %dma_start3A_121 = tpu.memref_slice %arg8[%dma_start3A_120] : memref<10240xf32, #tpu.memory_space<vmem_shared>> -> memref<10240xf32, #tpu.memory_space<vmem_shared>>
      tpu.enqueue_indirect_dma source(%arg6 : memref<128xf32, #tpu.memory_space<vmem>>) target(%dma_start3A_121 : memref<10240xf32, #tpu.memory_space<vmem_shared>>) offsets(%dma_start3A_119 : memref<128xi32, #tpu.memory_space<vmem>>) semaphore(%arg9 : memref<!tpu.dma_semaphore, #tpu.memory_space<semaphore_mem>>) {add = true}
    }
    %scan3A_51 = arith.constant 20 : i32
    %scan3A_52 = arith.constant 0 : i32
    %scan3A_53 = arith.constant 20 : i32
    %scan3A_54 = arith.addi %scan3A_52, %scan3A_53 : i32
    %scan3A_55 = arith.constant 1 : i32
    scf.for %scan3A_112 = %scan3A_52 to %scan3A_54 step %scan3A_55  : i32 {
      %mul3A_113 = arith.constant 1 : i32
      %mul3A_114 = arith.muli %scan3A_112, %mul3A_113 : i32
      %add3A_115 = arith.constant 0 : i32
      %add3A_116 = arith.addi %add3A_115, %mul3A_114 : i32
      %dma_wait3A_117 = arith.constant 0 : i32
      %dma_wait3A_118 = tpu.memref_slice %arg8[%dma_wait3A_117] : memref<10240xf32, #tpu.memory_space<vmem_shared>> -> memref<128xf32, #tpu.memory_space<vmem_shared>>
      %dma_wait3A_119 = arith.constant 0 : i32
      %dma_wait3A_120 = tpu.memref_slice %arg8[%dma_wait3A_119] : memref<10240xf32, #tpu.memory_space<vmem_shared>> -> memref<128xf32, #tpu.memory_space<vmem_shared>>
      tpu.wait_dma2 semaphore(%arg9 : memref<!tpu.dma_semaphore, #tpu.memory_space<semaphore_mem>>) src(%arg6 : memref<128xf32, #tpu.memory_space<vmem>>) dst(%dma_wait3A_120 : memref<128xf32, #tpu.memory_space<vmem_shared>>)
    }
    %scan3A_56 = arith.constant 20 : i32
    %dma_wait3A_57 = arith.constant 2 : i32
    %dma_wait3A_58 = arith.constant 0 : i32
    %dma_wait3A_59 = arith.constant 0 : i32
    %dma_wait3A_60 = tpu.memref_slice %arg2[%add3A, %dma_wait3A_57, %dma_wait3A_58, %dma_wait3A_59] : memref<32x4x20x128xi32, #tpu.memory_space<hbm>> -> memref<1x1x20x128xi32, #tpu.memory_space<hbm>>
    %dma_wait3A_61 = tpu.memref_squeeze %dma_wait3A_60 : memref<1x1x20x128xi32, #tpu.memory_space<hbm>> -> memref<20x128xi32, #tpu.memory_space<hbm>>
    %dma_wait3A_62 = arith.constant 0 : i32
    %dma_wait3A_63 = arith.constant 0 : i32
    %dma_wait3A_64 = tpu.memref_slice %arg2[%add3A, %dma_wait3A_57, %dma_wait3A_62, %dma_wait3A_63] : memref<32x4x20x128xi32, #tpu.memory_space<hbm>> -> memref<1x1x20x128xi32, #tpu.memory_space<hbm>>
    %dma_wait3A_65 = tpu.memref_squeeze %dma_wait3A_64 : memref<1x1x20x128xi32, #tpu.memory_space<hbm>> -> memref<20x128xi32, #tpu.memory_space<hbm>>
    tpu.wait_dma2 semaphore(%arg10 : memref<!tpu.dma_semaphore, #tpu.memory_space<semaphore_mem>>) src(%dma_wait3A_65 : memref<20x128xi32, #tpu.memory_space<hbm>>) dst(%arg4 : memref<20x128xi32, #tpu.memory_space<vmem>>)
    %dma_start3A_66 = arith.constant 3 : i32
    %dma_start3A_67 = arith.constant 0 : i32
    %dma_start3A_68 = arith.constant 0 : i32
    %dma_start3A_69 = tpu.memref_slice %arg2[%add3A, %dma_start3A_66, %dma_start3A_67, %dma_start3A_68] : memref<32x4x20x128xi32, #tpu.memory_space<hbm>> -> memref<1x1x20x128xi32, #tpu.memory_space<hbm>>
    %dma_start3A_70 = tpu.memref_squeeze %dma_start3A_69 : memref<1x1x20x128xi32, #tpu.memory_space<hbm>> -> memref<20x128xi32, #tpu.memory_space<hbm>>
    %dma_start3A_71 = arith.constant 0 : i32
    %dma_start3A_72 = arith.constant 0 : i32
    %dma_start3A_73 = tpu.memref_slice %arg2[%add3A, %dma_start3A_66, %dma_start3A_71, %dma_start3A_72] : memref<32x4x20x128xi32, #tpu.memory_space<hbm>> -> memref<1x1x20x128xi32, #tpu.memory_space<hbm>>
    %dma_start3A_74 = tpu.memref_squeeze %dma_start3A_73 : memref<1x1x20x128xi32, #tpu.memory_space<hbm>> -> memref<20x128xi32, #tpu.memory_space<hbm>>
    tpu.enqueue_dma source(%dma_start3A_74 : memref<20x128xi32, #tpu.memory_space<hbm>>) target(%arg5 : memref<20x128xi32, #tpu.memory_space<vmem>>) target_semaphore(%arg10 : memref<!tpu.dma_semaphore, #tpu.memory_space<semaphore_mem>>)
    %scan3A_75 = arith.constant 0 : i32
    %scan3A_76 = arith.constant 20 : i32
    %scan3A_77 = arith.addi %scan3A_75, %scan3A_76 : i32
    %scan3A_78 = arith.constant 1 : i32
    scf.for %scan3A_112 = %scan3A_75 to %scan3A_77 step %scan3A_78  : i32 {
      %mul3A_113 = arith.constant 1 : i32
      %mul3A_114 = arith.muli %scan3A_112, %mul3A_113 : i32
      %add3A_115 = arith.constant 0 : i32
      %add3A_116 = arith.addi %add3A_115, %mul3A_114 : i32
      %dma_start3A_117 = arith.constant 0 : i32
      %dma_start3A_118 = tpu.memref_slice %arg4[%add3A_116, %dma_start3A_117] : memref<20x128xi32, #tpu.memory_space<vmem>> -> memref<1x128xi32, #tpu.memory_space<vmem>>
      %dma_start3A_119 = tpu.memref_squeeze %dma_start3A_118 : memref<1x128xi32, #tpu.memory_space<vmem>> -> memref<128xi32, #tpu.memory_space<vmem>>
      %dma_start3A_120 = arith.constant 0 : i32
      %dma_start3A_121 = tpu.memref_slice %arg8[%dma_start3A_120] : memref<10240xf32, #tpu.memory_space<vmem_shared>> -> memref<10240xf32, #tpu.memory_space<vmem_shared>>
      tpu.enqueue_indirect_dma source(%arg6 : memref<128xf32, #tpu.memory_space<vmem>>) target(%dma_start3A_121 : memref<10240xf32, #tpu.memory_space<vmem_shared>>) offsets(%dma_start3A_119 : memref<128xi32, #tpu.memory_space<vmem>>) semaphore(%arg9 : memref<!tpu.dma_semaphore, #tpu.memory_space<semaphore_mem>>) {add = true}
    }
    %scan3A_79 = arith.constant 20 : i32
    %scan3A_80 = arith.constant 0 : i32
    %scan3A_81 = arith.constant 20 : i32
    %scan3A_82 = arith.addi %scan3A_80, %scan3A_81 : i32
    %scan3A_83 = arith.constant 1 : i32
    scf.for %scan3A_112 = %scan3A_80 to %scan3A_82 step %scan3A_83  : i32 {
      %mul3A_113 = arith.constant 1 : i32
      %mul3A_114 = arith.muli %scan3A_112, %mul3A_113 : i32
      %add3A_115 = arith.constant 0 : i32
      %add3A_116 = arith.addi %add3A_115, %mul3A_114 : i32
      %dma_wait3A_117 = arith.constant 0 : i32
      %dma_wait3A_118 = tpu.memref_slice %arg8[%dma_wait3A_117] : memref<10240xf32, #tpu.memory_space<vmem_shared>> -> memref<128xf32, #tpu.memory_space<vmem_shared>>
      %dma_wait3A_119 = arith.constant 0 : i32
      %dma_wait3A_120 = tpu.memref_slice %arg8[%dma_wait3A_119] : memref<10240xf32, #tpu.memory_space<vmem_shared>> -> memref<128xf32, #tpu.memory_space<vmem_shared>>
      tpu.wait_dma2 semaphore(%arg9 : memref<!tpu.dma_semaphore, #tpu.memory_space<semaphore_mem>>) src(%arg6 : memref<128xf32, #tpu.memory_space<vmem>>) dst(%dma_wait3A_120 : memref<128xf32, #tpu.memory_space<vmem_shared>>)
    }
    %scan3A_84 = arith.constant 20 : i32
    %dma_wait3A_85 = arith.constant 3 : i32
    %dma_wait3A_86 = arith.constant 0 : i32
    %dma_wait3A_87 = arith.constant 0 : i32
    %dma_wait3A_88 = tpu.memref_slice %arg2[%add3A, %dma_wait3A_85, %dma_wait3A_86, %dma_wait3A_87] : memref<32x4x20x128xi32, #tpu.memory_space<hbm>> -> memref<1x1x20x128xi32, #tpu.memory_space<hbm>>
    %dma_wait3A_89 = tpu.memref_squeeze %dma_wait3A_88 : memref<1x1x20x128xi32, #tpu.memory_space<hbm>> -> memref<20x128xi32, #tpu.memory_space<hbm>>
    %dma_wait3A_90 = arith.constant 0 : i32
    %dma_wait3A_91 = arith.constant 0 : i32
    %dma_wait3A_92 = tpu.memref_slice %arg2[%add3A, %dma_wait3A_85, %dma_wait3A_90, %dma_wait3A_91] : memref<32x4x20x128xi32, #tpu.memory_space<hbm>> -> memref<1x1x20x128xi32, #tpu.memory_space<hbm>>
    %dma_wait3A_93 = tpu.memref_squeeze %dma_wait3A_92 : memref<1x1x20x128xi32, #tpu.memory_space<hbm>> -> memref<20x128xi32, #tpu.memory_space<hbm>>
    tpu.wait_dma2 semaphore(%arg10 : memref<!tpu.dma_semaphore, #tpu.memory_space<semaphore_mem>>) src(%dma_wait3A_93 : memref<20x128xi32, #tpu.memory_space<hbm>>) dst(%arg5 : memref<20x128xi32, #tpu.memory_space<vmem>>)
    %scan3A_94 = arith.constant 0 : i32
    %scan3A_95 = arith.constant 20 : i32
    %scan3A_96 = arith.addi %scan3A_94, %scan3A_95 : i32
    %scan3A_97 = arith.constant 1 : i32
    scf.for %scan3A_112 = %scan3A_94 to %scan3A_96 step %scan3A_97  : i32 {
      %mul3A_113 = arith.constant 1 : i32
      %mul3A_114 = arith.muli %scan3A_112, %mul3A_113 : i32
      %add3A_115 = arith.constant 0 : i32
      %add3A_116 = arith.addi %add3A_115, %mul3A_114 : i32
      %dma_start3A_117 = arith.constant 0 : i32
      %dma_start3A_118 = tpu.memref_slice %arg5[%add3A_116, %dma_start3A_117] : memref<20x128xi32, #tpu.memory_space<vmem>> -> memref<1x128xi32, #tpu.memory_space<vmem>>
      %dma_start3A_119 = tpu.memref_squeeze %dma_start3A_118 : memref<1x128xi32, #tpu.memory_space<vmem>> -> memref<128xi32, #tpu.memory_space<vmem>>
      %dma_start3A_120 = arith.constant 0 : i32
      %dma_start3A_121 = tpu.memref_slice %arg8[%dma_start3A_120] : memref<10240xf32, #tpu.memory_space<vmem_shared>> -> memref<10240xf32, #tpu.memory_space<vmem_shared>>
      tpu.enqueue_indirect_dma source(%arg6 : memref<128xf32, #tpu.memory_space<vmem>>) target(%dma_start3A_121 : memref<10240xf32, #tpu.memory_space<vmem_shared>>) offsets(%dma_start3A_119 : memref<128xi32, #tpu.memory_space<vmem>>) semaphore(%arg9 : memref<!tpu.dma_semaphore, #tpu.memory_space<semaphore_mem>>) {add = true}
    }
    %scan3A_98 = arith.constant 20 : i32
    %scan3A_99 = arith.constant 0 : i32
    %scan3A_100 = arith.constant 20 : i32
    %scan3A_101 = arith.addi %scan3A_99, %scan3A_100 : i32
    %scan3A_102 = arith.constant 1 : i32
    scf.for %scan3A_112 = %scan3A_99 to %scan3A_101 step %scan3A_102  : i32 {
      %mul3A_113 = arith.constant 1 : i32
      %mul3A_114 = arith.muli %scan3A_112, %mul3A_113 : i32
      %add3A_115 = arith.constant 0 : i32
      %add3A_116 = arith.addi %add3A_115, %mul3A_114 : i32
      %dma_wait3A_117 = arith.constant 0 : i32
      %dma_wait3A_118 = tpu.memref_slice %arg8[%dma_wait3A_117] : memref<10240xf32, #tpu.memory_space<vmem_shared>> -> memref<128xf32, #tpu.memory_space<vmem_shared>>
      %dma_wait3A_119 = arith.constant 0 : i32
      %dma_wait3A_120 = tpu.memref_slice %arg8[%dma_wait3A_119] : memref<10240xf32, #tpu.memory_space<vmem_shared>> -> memref<128xf32, #tpu.memory_space<vmem_shared>>
      tpu.wait_dma2 semaphore(%arg9 : memref<!tpu.dma_semaphore, #tpu.memory_space<semaphore_mem>>) src(%arg6 : memref<128xf32, #tpu.memory_space<vmem>>) dst(%dma_wait3A_120 : memref<128xf32, #tpu.memory_space<vmem_shared>>)
    }
    %scan3A_103 = arith.constant 20 : i32
    %barrier3A_104 = arith.constant 0 : index
    tpu.barrier barrier_id(%barrier3A_104)
    %mul3A_105 = arith.constant 640 : i32
    %mul3A_106 = arith.muli %arg1, %mul3A_105 : i32
    "tpu.region"() ({
      %run_scoped3A_112 = tpu.sem_alloc : memref<!tpu.dma_semaphore, #tpu.memory_space<semaphore_mem>>
      %dma_start3A_113 = tpu.memref_slice %arg8[%mul3A_106] : memref<10240xf32, #tpu.memory_space<vmem_shared>> -> memref<640xf32, #tpu.memory_space<vmem_shared>>
      %dma_start3A_114 = tpu.memref_slice %arg8[%mul3A_106] : memref<10240xf32, #tpu.memory_space<vmem_shared>> -> memref<640xf32, #tpu.memory_space<vmem_shared>>
      tpu.enqueue_dma source(%dma_start3A_114 : memref<640xf32, #tpu.memory_space<vmem_shared>>) target(%arg7 : memref<640xf32, #tpu.memory_space<vmem>>) target_semaphore(%run_scoped3A_112 : memref<!tpu.dma_semaphore, #tpu.memory_space<semaphore_mem>>)
      %dma_wait3A_115 = tpu.memref_slice %arg8[%mul3A_106] : memref<10240xf32, #tpu.memory_space<vmem_shared>> -> memref<640xf32, #tpu.memory_space<vmem_shared>>
      %dma_wait3A_116 = tpu.memref_slice %arg8[%mul3A_106] : memref<10240xf32, #tpu.memory_space<vmem_shared>> -> memref<640xf32, #tpu.memory_space<vmem_shared>>
      tpu.wait_dma2 semaphore(%run_scoped3A_112 : memref<!tpu.dma_semaphore, #tpu.memory_space<semaphore_mem>>) src(%dma_wait3A_116 : memref<640xf32, #tpu.memory_space<vmem_shared>>) dst(%arg7 : memref<640xf32, #tpu.memory_space<vmem>>)
      tpu.yield
    }) : () -> ()
    %mul3A_107 = arith.constant 10240 : i32
    %mul3A_108 = arith.muli %arg0, %mul3A_107 : i32
    %mul3A_109 = arith.constant 640 : i32
    %mul3A_110 = arith.muli %arg1, %mul3A_109 : i32
    %add3A_111 = arith.addi %mul3A_108, %mul3A_110 : i32
    "tpu.region"() ({
      %run_scoped3A_112 = tpu.sem_alloc : memref<!tpu.dma_semaphore, #tpu.memory_space<semaphore_mem>>
      %dma_start3A_113 = tpu.memref_slice %arg3[%add3A_111] : memref<20480xf32, #tpu.memory_space<hbm>> -> memref<640xf32, #tpu.memory_space<hbm>>
      %dma_start3A_114 = tpu.memref_slice %arg3[%add3A_111] : memref<20480xf32, #tpu.memory_space<hbm>> -> memref<640xf32, #tpu.memory_space<hbm>>
      tpu.enqueue_dma source(%arg7 : memref<640xf32, #tpu.memory_space<vmem>>) target(%dma_start3A_114 : memref<640xf32, #tpu.memory_space<hbm>>) target_semaphore(%run_scoped3A_112 : memref<!tpu.dma_semaphore, #tpu.memory_space<semaphore_mem>>)
      %dma_wait3A_115 = tpu.memref_slice %arg3[%add3A_111] : memref<20480xf32, #tpu.memory_space<hbm>> -> memref<640xf32, #tpu.memory_space<hbm>>
      %dma_wait3A_116 = tpu.memref_slice %arg3[%add3A_111] : memref<20480xf32, #tpu.memory_space<hbm>> -> memref<640xf32, #tpu.memory_space<hbm>>
      tpu.wait_dma2 semaphore(%run_scoped3A_112 : memref<!tpu.dma_semaphore, #tpu.memory_space<semaphore_mem>>) src(%arg7 : memref<640xf32, #tpu.memory_space<vmem>>) dst(%dma_wait3A_116 : memref<640xf32, #tpu.memory_space<hbm>>)
      tpu.yield
    }) : () -> ()
    return
  }
}

#map = affine_map<(d0, d1) -> (0, 0)>
#map1 = affine_map<(d0, d1) -> (0, 0, 0, 0)>
#map2 = affine_map<(d0, d1) -> (0, 0, 0)>
module attributes {stable_mosaic.version = 14 : i64} {
  func.func @_spmm_kernel(%arg0: i32, %arg1: i32, %arg2: memref<10000x128xf32, #tpu.memory_space<hbm>>, %arg3: memref<32x4x20x128xi32, #tpu.memory_space<hbm>>, %arg4: memref<32x4x20x128xi32, #tpu.memory_space<hbm>>, %arg5: memref<2x10240x128xf32, #tpu.memory_space<hbm>>, %arg6: memref<20x128xi32, #tpu.memory_space<vmem>>, %arg7: memref<20x128xi32, #tpu.memory_space<vmem>>, %arg8: memref<20x128xi32, #tpu.memory_space<vmem>>, %arg9: memref<20x128xi32, #tpu.memory_space<vmem>>, %arg10: memref<128x128xf32, #tpu.memory_space<vmem>>, %arg11: memref<128x128xf32, #tpu.memory_space<vmem>>, %arg12: memref<10240x128xf32, #tpu.memory_space<vmem_shared>>, %arg13: memref<!tpu.dma_semaphore, #tpu.memory_space<semaphore_mem>>, %arg14: memref<!tpu.dma_semaphore, #tpu.memory_space<semaphore_mem>>, %arg15: memref<!tpu.dma_semaphore, #tpu.memory_space<semaphore_mem>>, %arg16: memref<!tpu.dma_semaphore, #tpu.memory_space<semaphore_mem>>, %arg17: memref<!tpu.dma_semaphore, #tpu.memory_space<semaphore_mem>>) attributes {dimension_semantics = [#tpu.dimension_semantics<core_parallel>, #tpu.dimension_semantics<subcore_parallel>], iteration_bounds = array<i64: 2, 16>, scalar_prefetch = 0 : i64, scratch_operands = 12 : i64, tpu.core_type = #tpu.core_type<sc_vector_subcore>, window_params = [{transform_indices = #map}, {transform_indices = #map1}, {transform_indices = #map1}, {transform_indices = #map2}]} {
    %mul3A = arith.constant 2 : i32
    %mul3A_0 = arith.muli %arg1, %mul3A : i32
    %add3A = arith.addi %mul3A_0, %arg0 : i32
    %scan3A = arith.constant 0 : i32
    %scan3A_1 = arith.constant 128 : i32
    %scan3A_2 = arith.addi %scan3A, %scan3A_1 : i32
    %scan3A_3 = arith.constant 1 : i32
    scf.for %scan3A_441 = %scan3A to %scan3A_2 step %scan3A_3  : i32 {
      %mul3A_442 = arith.constant 1 : i32
      %mul3A_443 = arith.muli %scan3A_441, %mul3A_442 : i32
      %add3A_444 = arith.constant 0 : i32
      %add3A_445 = arith.addi %add3A_444, %mul3A_443 : i32
      %broadcast_in_dim3A = arith.constant 0.000000e+00 : f32
      %broadcast_in_dim3A_446 = vector.broadcast %broadcast_in_dim3A : f32 to vector<16xf32>
      %swap3A = arith.index_cast %add3A_445 : i32 to index
      %swap3A_447 = arith.constant 0 : index
      %swap3A_448 = tpu.vector_load %arg10[%swap3A, %swap3A_447] {strides = array<i32>} : memref<128x128xf32, #tpu.memory_space<vmem>>, vector<1x16xf32>,
      %swap3A_449 = vector.shape_cast %swap3A_448 : vector<1x16xf32> to vector<16xf32>
      %swap3A_450 = vector.shape_cast %broadcast_in_dim3A_446 : vector<16xf32> to vector<1x16xf32>
      tpu.vector_store %arg10[%swap3A, %swap3A_447], %swap3A_450 {strides = array<i32>} : memref<128x128xf32, #tpu.memory_space<vmem>>, vector<1x16xf32>,
      %broadcast_in_dim3A_451 = arith.constant 0.000000e+00 : f32
      %broadcast_in_dim3A_452 = vector.broadcast %broadcast_in_dim3A_451 : f32 to vector<16xf32>
      %swap3A_453 = arith.index_cast %add3A_445 : i32 to index
      %swap3A_454 = arith.constant 16 : index
      %swap3A_455 = tpu.vector_load %arg10[%swap3A_453, %swap3A_454] {strides = array<i32>} : memref<128x128xf32, #tpu.memory_space<vmem>>, vector<1x16xf32>,
      %swap3A_456 = vector.shape_cast %swap3A_455 : vector<1x16xf32> to vector<16xf32>
      %swap3A_457 = vector.shape_cast %broadcast_in_dim3A_452 : vector<16xf32> to vector<1x16xf32>
      tpu.vector_store %arg10[%swap3A_453, %swap3A_454], %swap3A_457 {strides = array<i32>} : memref<128x128xf32, #tpu.memory_space<vmem>>, vector<1x16xf32>,
      %broadcast_in_dim3A_458 = arith.constant 0.000000e+00 : f32
      %broadcast_in_dim3A_459 = vector.broadcast %broadcast_in_dim3A_458 : f32 to vector<16xf32>
      %swap3A_460 = arith.index_cast %add3A_445 : i32 to index
      %swap3A_461 = arith.constant 32 : index
      %swap3A_462 = tpu.vector_load %arg10[%swap3A_460, %swap3A_461] {strides = array<i32>} : memref<128x128xf32, #tpu.memory_space<vmem>>, vector<1x16xf32>,
      %swap3A_463 = vector.shape_cast %swap3A_462 : vector<1x16xf32> to vector<16xf32>
      %swap3A_464 = vector.shape_cast %broadcast_in_dim3A_459 : vector<16xf32> to vector<1x16xf32>
      tpu.vector_store %arg10[%swap3A_460, %swap3A_461], %swap3A_464 {strides = array<i32>} : memref<128x128xf32, #tpu.memory_space<vmem>>, vector<1x16xf32>,
      %broadcast_in_dim3A_465 = arith.constant 0.000000e+00 : f32
      %broadcast_in_dim3A_466 = vector.broadcast %broadcast_in_dim3A_465 : f32 to vector<16xf32>
      %swap3A_467 = arith.index_cast %add3A_445 : i32 to index
      %swap3A_468 = arith.constant 48 : index
      %swap3A_469 = tpu.vector_load %arg10[%swap3A_467, %swap3A_468] {strides = array<i32>} : memref<128x128xf32, #tpu.memory_space<vmem>>, vector<1x16xf32>,
      %swap3A_470 = vector.shape_cast %swap3A_469 : vector<1x16xf32> to vector<16xf32>
      %swap3A_471 = vector.shape_cast %broadcast_in_dim3A_466 : vector<16xf32> to vector<1x16xf32>
      tpu.vector_store %arg10[%swap3A_467, %swap3A_468], %swap3A_471 {strides = array<i32>} : memref<128x128xf32, #tpu.memory_space<vmem>>, vector<1x16xf32>,
      %broadcast_in_dim3A_472 = arith.constant 0.000000e+00 : f32
      %broadcast_in_dim3A_473 = vector.broadcast %broadcast_in_dim3A_472 : f32 to vector<16xf32>
      %swap3A_474 = arith.index_cast %add3A_445 : i32 to index
      %swap3A_475 = arith.constant 64 : index
      %swap3A_476 = tpu.vector_load %arg10[%swap3A_474, %swap3A_475] {strides = array<i32>} : memref<128x128xf32, #tpu.memory_space<vmem>>, vector<1x16xf32>,
      %swap3A_477 = vector.shape_cast %swap3A_476 : vector<1x16xf32> to vector<16xf32>
      %swap3A_478 = vector.shape_cast %broadcast_in_dim3A_473 : vector<16xf32> to vector<1x16xf32>
      tpu.vector_store %arg10[%swap3A_474, %swap3A_475], %swap3A_478 {strides = array<i32>} : memref<128x128xf32, #tpu.memory_space<vmem>>, vector<1x16xf32>,
      %broadcast_in_dim3A_479 = arith.constant 0.000000e+00 : f32
      %broadcast_in_dim3A_480 = vector.broadcast %broadcast_in_dim3A_479 : f32 to vector<16xf32>
      %swap3A_481 = arith.index_cast %add3A_445 : i32 to index
      %swap3A_482 = arith.constant 80 : index
      %swap3A_483 = tpu.vector_load %arg10[%swap3A_481, %swap3A_482] {strides = array<i32>} : memref<128x128xf32, #tpu.memory_space<vmem>>, vector<1x16xf32>,
      %swap3A_484 = vector.shape_cast %swap3A_483 : vector<1x16xf32> to vector<16xf32>
      %swap3A_485 = vector.shape_cast %broadcast_in_dim3A_480 : vector<16xf32> to vector<1x16xf32>
      tpu.vector_store %arg10[%swap3A_481, %swap3A_482], %swap3A_485 {strides = array<i32>} : memref<128x128xf32, #tpu.memory_space<vmem>>, vector<1x16xf32>,
      %broadcast_in_dim3A_486 = arith.constant 0.000000e+00 : f32
      %broadcast_in_dim3A_487 = vector.broadcast %broadcast_in_dim3A_486 : f32 to vector<16xf32>
      %swap3A_488 = arith.index_cast %add3A_445 : i32 to index
      %swap3A_489 = arith.constant 96 : index
      %swap3A_490 = tpu.vector_load %arg10[%swap3A_488, %swap3A_489] {strides = array<i32>} : memref<128x128xf32, #tpu.memory_space<vmem>>, vector<1x16xf32>,
      %swap3A_491 = vector.shape_cast %swap3A_490 : vector<1x16xf32> to vector<16xf32>
      %swap3A_492 = vector.shape_cast %broadcast_in_dim3A_487 : vector<16xf32> to vector<1x16xf32>
      tpu.vector_store %arg10[%swap3A_488, %swap3A_489], %swap3A_492 {strides = array<i32>} : memref<128x128xf32, #tpu.memory_space<vmem>>, vector<1x16xf32>,
      %broadcast_in_dim3A_493 = arith.constant 0.000000e+00 : f32
      %broadcast_in_dim3A_494 = vector.broadcast %broadcast_in_dim3A_493 : f32 to vector<16xf32>
      %swap3A_495 = arith.index_cast %add3A_445 : i32 to index
      %swap3A_496 = arith.constant 112 : index
      %swap3A_497 = tpu.vector_load %arg10[%swap3A_495, %swap3A_496] {strides = array<i32>} : memref<128x128xf32, #tpu.memory_space<vmem>>, vector<1x16xf32>,
      %swap3A_498 = vector.shape_cast %swap3A_497 : vector<1x16xf32> to vector<16xf32>
      %swap3A_499 = vector.shape_cast %broadcast_in_dim3A_494 : vector<16xf32> to vector<1x16xf32>
      tpu.vector_store %arg10[%swap3A_495, %swap3A_496], %swap3A_499 {strides = array<i32>} : memref<128x128xf32, #tpu.memory_space<vmem>>, vector<1x16xf32>,
    }
    %scan3A_4 = arith.constant 128 : i32
    %mul3A_5 = arith.constant 640 : i32
    %mul3A_6 = arith.muli %arg1, %mul3A_5 : i32
    %add3A_7 = arith.constant 0 : i32
    %add3A_8 = arith.addi %mul3A_6, %add3A_7 : i32
    "tpu.region"() ({
      %run_scoped3A_441 = tpu.sem_alloc : memref<!tpu.dma_semaphore, #tpu.memory_space<semaphore_mem>>
      %dma_start3A_442 = arith.constant 0 : i32
      %dma_start3A_443 = tpu.memref_slice %arg12[%add3A_8, %dma_start3A_442] : memref<10240x128xf32, #tpu.memory_space<vmem_shared>> -> memref<128x128xf32, #tpu.memory_space<vmem_shared>>
      %dma_start3A_444 = arith.constant 0 : i32
      %dma_start3A_445 = tpu.memref_slice %arg12[%add3A_8, %dma_start3A_444] : memref<10240x128xf32, #tpu.memory_space<vmem_shared>> -> memref<128x128xf32, #tpu.memory_space<vmem_shared>>
      tpu.enqueue_dma source(%arg10 : memref<128x128xf32, #tpu.memory_space<vmem>>) target(%dma_start3A_445 : memref<128x128xf32, #tpu.memory_space<vmem_shared>>) target_semaphore(%run_scoped3A_441 : memref<!tpu.dma_semaphore, #tpu.memory_space<semaphore_mem>>)
      %dma_wait3A_446 = arith.constant 0 : i32
      %dma_wait3A_447 = tpu.memref_slice %arg12[%add3A_8, %dma_wait3A_446] : memref<10240x128xf32, #tpu.memory_space<vmem_shared>> -> memref<128x128xf32, #tpu.memory_space<vmem_shared>>
      %dma_wait3A_448 = arith.constant 0 : i32
      %dma_wait3A_449 = tpu.memref_slice %arg12[%add3A_8, %dma_wait3A_448] : memref<10240x128xf32, #tpu.memory_space<vmem_shared>> -> memref<128x128xf32, #tpu.memory_space<vmem_shared>>
      tpu.wait_dma2 semaphore(%run_scoped3A_441 : memref<!tpu.dma_semaphore, #tpu.memory_space<semaphore_mem>>) src(%arg10 : memref<128x128xf32, #tpu.memory_space<vmem>>) dst(%dma_wait3A_449 : memref<128x128xf32, #tpu.memory_space<vmem_shared>>)
      tpu.yield
    }) : () -> ()
    %mul3A_9 = arith.constant 640 : i32
    %mul3A_10 = arith.muli %arg1, %mul3A_9 : i32
    %add3A_11 = arith.constant 128 : i32
    %add3A_12 = arith.addi %mul3A_10, %add3A_11 : i32
    "tpu.region"() ({
      %run_scoped3A_441 = tpu.sem_alloc : memref<!tpu.dma_semaphore, #tpu.memory_space<semaphore_mem>>
      %dma_start3A_442 = arith.constant 0 : i32
      %dma_start3A_443 = tpu.memref_slice %arg12[%add3A_12, %dma_start3A_442] : memref<10240x128xf32, #tpu.memory_space<vmem_shared>> -> memref<128x128xf32, #tpu.memory_space<vmem_shared>>
      %dma_start3A_444 = arith.constant 0 : i32
      %dma_start3A_445 = tpu.memref_slice %arg12[%add3A_12, %dma_start3A_444] : memref<10240x128xf32, #tpu.memory_space<vmem_shared>> -> memref<128x128xf32, #tpu.memory_space<vmem_shared>>
      tpu.enqueue_dma source(%arg10 : memref<128x128xf32, #tpu.memory_space<vmem>>) target(%dma_start3A_445 : memref<128x128xf32, #tpu.memory_space<vmem_shared>>) target_semaphore(%run_scoped3A_441 : memref<!tpu.dma_semaphore, #tpu.memory_space<semaphore_mem>>)
      %dma_wait3A_446 = arith.constant 0 : i32
      %dma_wait3A_447 = tpu.memref_slice %arg12[%add3A_12, %dma_wait3A_446] : memref<10240x128xf32, #tpu.memory_space<vmem_shared>> -> memref<128x128xf32, #tpu.memory_space<vmem_shared>>
      %dma_wait3A_448 = arith.constant 0 : i32
      %dma_wait3A_449 = tpu.memref_slice %arg12[%add3A_12, %dma_wait3A_448] : memref<10240x128xf32, #tpu.memory_space<vmem_shared>> -> memref<128x128xf32, #tpu.memory_space<vmem_shared>>
      tpu.wait_dma2 semaphore(%run_scoped3A_441 : memref<!tpu.dma_semaphore, #tpu.memory_space<semaphore_mem>>) src(%arg10 : memref<128x128xf32, #tpu.memory_space<vmem>>) dst(%dma_wait3A_449 : memref<128x128xf32, #tpu.memory_space<vmem_shared>>)
      tpu.yield
    }) : () -> ()
    %mul3A_13 = arith.constant 640 : i32
    %mul3A_14 = arith.muli %arg1, %mul3A_13 : i32
    %add3A_15 = arith.constant 256 : i32
    %add3A_16 = arith.addi %mul3A_14, %add3A_15 : i32
    "tpu.region"() ({
      %run_scoped3A_441 = tpu.sem_alloc : memref<!tpu.dma_semaphore, #tpu.memory_space<semaphore_mem>>
      %dma_start3A_442 = arith.constant 0 : i32
      %dma_start3A_443 = tpu.memref_slice %arg12[%add3A_16, %dma_start3A_442] : memref<10240x128xf32, #tpu.memory_space<vmem_shared>> -> memref<128x128xf32, #tpu.memory_space<vmem_shared>>
      %dma_start3A_444 = arith.constant 0 : i32
      %dma_start3A_445 = tpu.memref_slice %arg12[%add3A_16, %dma_start3A_444] : memref<10240x128xf32, #tpu.memory_space<vmem_shared>> -> memref<128x128xf32, #tpu.memory_space<vmem_shared>>
      tpu.enqueue_dma source(%arg10 : memref<128x128xf32, #tpu.memory_space<vmem>>) target(%dma_start3A_445 : memref<128x128xf32, #tpu.memory_space<vmem_shared>>) target_semaphore(%run_scoped3A_441 : memref<!tpu.dma_semaphore, #tpu.memory_space<semaphore_mem>>)
      %dma_wait3A_446 = arith.constant 0 : i32
      %dma_wait3A_447 = tpu.memref_slice %arg12[%add3A_16, %dma_wait3A_446] : memref<10240x128xf32, #tpu.memory_space<vmem_shared>> -> memref<128x128xf32, #tpu.memory_space<vmem_shared>>
      %dma_wait3A_448 = arith.constant 0 : i32
      %dma_wait3A_449 = tpu.memref_slice %arg12[%add3A_16, %dma_wait3A_448] : memref<10240x128xf32, #tpu.memory_space<vmem_shared>> -> memref<128x128xf32, #tpu.memory_space<vmem_shared>>
      tpu.wait_dma2 semaphore(%run_scoped3A_441 : memref<!tpu.dma_semaphore, #tpu.memory_space<semaphore_mem>>) src(%arg10 : memref<128x128xf32, #tpu.memory_space<vmem>>) dst(%dma_wait3A_449 : memref<128x128xf32, #tpu.memory_space<vmem_shared>>)
      tpu.yield
    }) : () -> ()
    %mul3A_17 = arith.constant 640 : i32
    %mul3A_18 = arith.muli %arg1, %mul3A_17 : i32
    %add3A_19 = arith.constant 384 : i32
    %add3A_20 = arith.addi %mul3A_18, %add3A_19 : i32
    "tpu.region"() ({
      %run_scoped3A_441 = tpu.sem_alloc : memref<!tpu.dma_semaphore, #tpu.memory_space<semaphore_mem>>
      %dma_start3A_442 = arith.constant 0 : i32
      %dma_start3A_443 = tpu.memref_slice %arg12[%add3A_20, %dma_start3A_442] : memref<10240x128xf32, #tpu.memory_space<vmem_shared>> -> memref<128x128xf32, #tpu.memory_space<vmem_shared>>
      %dma_start3A_444 = arith.constant 0 : i32
      %dma_start3A_445 = tpu.memref_slice %arg12[%add3A_20, %dma_start3A_444] : memref<10240x128xf32, #tpu.memory_space<vmem_shared>> -> memref<128x128xf32, #tpu.memory_space<vmem_shared>>
      tpu.enqueue_dma source(%arg10 : memref<128x128xf32, #tpu.memory_space<vmem>>) target(%dma_start3A_445 : memref<128x128xf32, #tpu.memory_space<vmem_shared>>) target_semaphore(%run_scoped3A_441 : memref<!tpu.dma_semaphore, #tpu.memory_space<semaphore_mem>>)
      %dma_wait3A_446 = arith.constant 0 : i32
      %dma_wait3A_447 = tpu.memref_slice %arg12[%add3A_20, %dma_wait3A_446] : memref<10240x128xf32, #tpu.memory_space<vmem_shared>> -> memref<128x128xf32, #tpu.memory_space<vmem_shared>>
      %dma_wait3A_448 = arith.constant 0 : i32
      %dma_wait3A_449 = tpu.memref_slice %arg12[%add3A_20, %dma_wait3A_448] : memref<10240x128xf32, #tpu.memory_space<vmem_shared>> -> memref<128x128xf32, #tpu.memory_space<vmem_shared>>
      tpu.wait_dma2 semaphore(%run_scoped3A_441 : memref<!tpu.dma_semaphore, #tpu.memory_space<semaphore_mem>>) src(%arg10 : memref<128x128xf32, #tpu.memory_space<vmem>>) dst(%dma_wait3A_449 : memref<128x128xf32, #tpu.memory_space<vmem_shared>>)
      tpu.yield
    }) : () -> ()
    %mul3A_21 = arith.constant 640 : i32
    %mul3A_22 = arith.muli %arg1, %mul3A_21 : i32
    %add3A_23 = arith.constant 512 : i32
    %add3A_24 = arith.addi %mul3A_22, %add3A_23 : i32
    "tpu.region"() ({
      %run_scoped3A_441 = tpu.sem_alloc : memref<!tpu.dma_semaphore, #tpu.memory_space<semaphore_mem>>
      %dma_start3A_442 = arith.constant 0 : i32
      %dma_start3A_443 = tpu.memref_slice %arg12[%add3A_24, %dma_start3A_442] : memref<10240x128xf32, #tpu.memory_space<vmem_shared>> -> memref<128x128xf32, #tpu.memory_space<vmem_shared>>
      %dma_start3A_444 = arith.constant 0 : i32
      %dma_start3A_445 = tpu.memref_slice %arg12[%add3A_24, %dma_start3A_444] : memref<10240x128xf32, #tpu.memory_space<vmem_shared>> -> memref<128x128xf32, #tpu.memory_space<vmem_shared>>
      tpu.enqueue_dma source(%arg10 : memref<128x128xf32, #tpu.memory_space<vmem>>) target(%dma_start3A_445 : memref<128x128xf32, #tpu.memory_space<vmem_shared>>) target_semaphore(%run_scoped3A_441 : memref<!tpu.dma_semaphore, #tpu.memory_space<semaphore_mem>>)
      %dma_wait3A_446 = arith.constant 0 : i32
      %dma_wait3A_447 = tpu.memref_slice %arg12[%add3A_24, %dma_wait3A_446] : memref<10240x128xf32, #tpu.memory_space<vmem_shared>> -> memref<128x128xf32, #tpu.memory_space<vmem_shared>>
      %dma_wait3A_448 = arith.constant 0 : i32
      %dma_wait3A_449 = tpu.memref_slice %arg12[%add3A_24, %dma_wait3A_448] : memref<10240x128xf32, #tpu.memory_space<vmem_shared>> -> memref<128x128xf32, #tpu.memory_space<vmem_shared>>
      tpu.wait_dma2 semaphore(%run_scoped3A_441 : memref<!tpu.dma_semaphore, #tpu.memory_space<semaphore_mem>>) src(%arg10 : memref<128x128xf32, #tpu.memory_space<vmem>>) dst(%dma_wait3A_449 : memref<128x128xf32, #tpu.memory_space<vmem_shared>>)
      tpu.yield
    }) : () -> ()
    %barrier3A = arith.constant 0 : index
    tpu.barrier barrier_id(%barrier3A)
    %run_scoped3A = arith.constant 0 : i32
    "tpu.region"() ({
      %run_scoped3A_441 = tpu.sem_alloc : memref<!tpu.dma_semaphore, #tpu.memory_space<semaphore_mem>>
      %dma_start3A_442 = arith.constant 0 : i32
      %dma_start3A_443 = arith.constant 0 : i32
      %dma_start3A_444 = tpu.memref_slice %arg3[%add3A, %run_scoped3A, %dma_start3A_442, %dma_start3A_443] : memref<32x4x20x128xi32, #tpu.memory_space<hbm>> -> memref<1x1x20x128xi32, #tpu.memory_space<hbm>>
      %dma_start3A_445 = tpu.memref_squeeze %dma_start3A_444 : memref<1x1x20x128xi32, #tpu.memory_space<hbm>> -> memref<20x128xi32, #tpu.memory_space<hbm>>
      %dma_start3A_446 = arith.constant 0 : i32
      %dma_start3A_447 = arith.constant 0 : i32
      %dma_start3A_448 = tpu.memref_slice %arg3[%add3A, %run_scoped3A, %dma_start3A_446, %dma_start3A_447] : memref<32x4x20x128xi32, #tpu.memory_space<hbm>> -> memref<1x1x20x128xi32, #tpu.memory_space<hbm>>
      %dma_start3A_449 = tpu.memref_squeeze %dma_start3A_448 : memref<1x1x20x128xi32, #tpu.memory_space<hbm>> -> memref<20x128xi32, #tpu.memory_space<hbm>>
      tpu.enqueue_dma source(%dma_start3A_449 : memref<20x128xi32, #tpu.memory_space<hbm>>) target(%arg6 : memref<20x128xi32, #tpu.memory_space<vmem>>) target_semaphore(%run_scoped3A_441 : memref<!tpu.dma_semaphore, #tpu.memory_space<semaphore_mem>>)
      %dma_wait3A_450 = arith.constant 0 : i32
      %dma_wait3A_451 = arith.constant 0 : i32
      %dma_wait3A_452 = tpu.memref_slice %arg3[%add3A, %run_scoped3A, %dma_wait3A_450, %dma_wait3A_451] : memref<32x4x20x128xi32, #tpu.memory_space<hbm>> -> memref<1x1x20x128xi32, #tpu.memory_space<hbm>>
      %dma_wait3A_453 = tpu.memref_squeeze %dma_wait3A_452 : memref<1x1x20x128xi32, #tpu.memory_space<hbm>> -> memref<20x128xi32, #tpu.memory_space<hbm>>
      %dma_wait3A_454 = arith.constant 0 : i32
      %dma_wait3A_455 = arith.constant 0 : i32
      %dma_wait3A_456 = tpu.memref_slice %arg3[%add3A, %run_scoped3A, %dma_wait3A_454, %dma_wait3A_455] : memref<32x4x20x128xi32, #tpu.memory_space<hbm>> -> memref<1x1x20x128xi32, #tpu.memory_space<hbm>>
      %dma_wait3A_457 = tpu.memref_squeeze %dma_wait3A_456 : memref<1x1x20x128xi32, #tpu.memory_space<hbm>> -> memref<20x128xi32, #tpu.memory_space<hbm>>
      tpu.wait_dma2 semaphore(%run_scoped3A_441 : memref<!tpu.dma_semaphore, #tpu.memory_space<semaphore_mem>>) src(%dma_wait3A_457 : memref<20x128xi32, #tpu.memory_space<hbm>>) dst(%arg6 : memref<20x128xi32, #tpu.memory_space<vmem>>)
      tpu.yield
    }) : () -> ()
    %run_scoped3A_25 = arith.constant 0 : i32
    "tpu.region"() ({
      %run_scoped3A_441 = tpu.sem_alloc : memref<!tpu.dma_semaphore, #tpu.memory_space<semaphore_mem>>
      %dma_start3A_442 = arith.constant 0 : i32
      %dma_start3A_443 = arith.constant 0 : i32
      %dma_start3A_444 = tpu.memref_slice %arg4[%add3A, %run_scoped3A_25, %dma_start3A_442, %dma_start3A_443] : memref<32x4x20x128xi32, #tpu.memory_space<hbm>> -> memref<1x1x20x128xi32, #tpu.memory_space<hbm>>
      %dma_start3A_445 = tpu.memref_squeeze %dma_start3A_444 : memref<1x1x20x128xi32, #tpu.memory_space<hbm>> -> memref<20x128xi32, #tpu.memory_space<hbm>>
      %dma_start3A_446 = arith.constant 0 : i32
      %dma_start3A_447 = arith.constant 0 : i32
      %dma_start3A_448 = tpu.memref_slice %arg4[%add3A, %run_scoped3A_25, %dma_start3A_446, %dma_start3A_447] : memref<32x4x20x128xi32, #tpu.memory_space<hbm>> -> memref<1x1x20x128xi32, #tpu.memory_space<hbm>>
      %dma_start3A_449 = tpu.memref_squeeze %dma_start3A_448 : memref<1x1x20x128xi32, #tpu.memory_space<hbm>> -> memref<20x128xi32, #tpu.memory_space<hbm>>
      tpu.enqueue_dma source(%dma_start3A_449 : memref<20x128xi32, #tpu.memory_space<hbm>>) target(%arg7 : memref<20x128xi32, #tpu.memory_space<vmem>>) target_semaphore(%run_scoped3A_441 : memref<!tpu.dma_semaphore, #tpu.memory_space<semaphore_mem>>)
      %dma_wait3A_450 = arith.constant 0 : i32
      %dma_wait3A_451 = arith.constant 0 : i32
      %dma_wait3A_452 = tpu.memref_slice %arg4[%add3A, %run_scoped3A_25, %dma_wait3A_450, %dma_wait3A_451] : memref<32x4x20x128xi32, #tpu.memory_space<hbm>> -> memref<1x1x20x128xi32, #tpu.memory_space<hbm>>
      %dma_wait3A_453 = tpu.memref_squeeze %dma_wait3A_452 : memref<1x1x20x128xi32, #tpu.memory_space<hbm>> -> memref<20x128xi32, #tpu.memory_space<hbm>>
      %dma_wait3A_454 = arith.constant 0 : i32
      %dma_wait3A_455 = arith.constant 0 : i32
      %dma_wait3A_456 = tpu.memref_slice %arg4[%add3A, %run_scoped3A_25, %dma_wait3A_454, %dma_wait3A_455] : memref<32x4x20x128xi32, #tpu.memory_space<hbm>> -> memref<1x1x20x128xi32, #tpu.memory_space<hbm>>
      %dma_wait3A_457 = tpu.memref_squeeze %dma_wait3A_456 : memref<1x1x20x128xi32, #tpu.memory_space<hbm>> -> memref<20x128xi32, #tpu.memory_space<hbm>>
      tpu.wait_dma2 semaphore(%run_scoped3A_441 : memref<!tpu.dma_semaphore, #tpu.memory_space<semaphore_mem>>) src(%dma_wait3A_457 : memref<20x128xi32, #tpu.memory_space<hbm>>) dst(%arg7 : memref<20x128xi32, #tpu.memory_space<vmem>>)
      tpu.yield
    }) : () -> ()
    %dma_start3A = arith.constant 1 : i32
    %dma_start3A_26 = arith.constant 0 : i32
    %dma_start3A_27 = arith.constant 0 : i32
    %dma_start3A_28 = tpu.memref_slice %arg3[%add3A, %dma_start3A, %dma_start3A_26, %dma_start3A_27] : memref<32x4x20x128xi32, #tpu.memory_space<hbm>> -> memref<1x1x20x128xi32, #tpu.memory_space<hbm>>
    %dma_start3A_29 = tpu.memref_squeeze %dma_start3A_28 : memref<1x1x20x128xi32, #tpu.memory_space<hbm>> -> memref<20x128xi32, #tpu.memory_space<hbm>>
    %dma_start3A_30 = arith.constant 0 : i32
    %dma_start3A_31 = arith.constant 0 : i32
    %dma_start3A_32 = tpu.memref_slice %arg3[%add3A, %dma_start3A, %dma_start3A_30, %dma_start3A_31] : memref<32x4x20x128xi32, #tpu.memory_space<hbm>> -> memref<1x1x20x128xi32, #tpu.memory_space<hbm>>
    %dma_start3A_33 = tpu.memref_squeeze %dma_start3A_32 : memref<1x1x20x128xi32, #tpu.memory_space<hbm>> -> memref<20x128xi32, #tpu.memory_space<hbm>>
    tpu.enqueue_dma source(%dma_start3A_33 : memref<20x128xi32, #tpu.memory_space<hbm>>) target(%arg8 : memref<20x128xi32, #tpu.memory_space<vmem>>) target_semaphore(%arg15 : memref<!tpu.dma_semaphore, #tpu.memory_space<semaphore_mem>>)
    %dma_start3A_34 = arith.constant 1 : i32
    %dma_start3A_35 = arith.constant 0 : i32
    %dma_start3A_36 = arith.constant 0 : i32
    %dma_start3A_37 = tpu.memref_slice %arg4[%add3A, %dma_start3A_34, %dma_start3A_35, %dma_start3A_36] : memref<32x4x20x128xi32, #tpu.memory_space<hbm>> -> memref<1x1x20x128xi32, #tpu.memory_space<hbm>>
    %dma_start3A_38 = tpu.memref_squeeze %dma_start3A_37 : memref<1x1x20x128xi32, #tpu.memory_space<hbm>> -> memref<20x128xi32, #tpu.memory_space<hbm>>
    %dma_start3A_39 = arith.constant 0 : i32
    %dma_start3A_40 = arith.constant 0 : i32
    %dma_start3A_41 = tpu.memref_slice %arg4[%add3A, %dma_start3A_34, %dma_start3A_39, %dma_start3A_40] : memref<32x4x20x128xi32, #tpu.memory_space<hbm>> -> memref<1x1x20x128xi32, #tpu.memory_space<hbm>>
    %dma_start3A_42 = tpu.memref_squeeze %dma_start3A_41 : memref<1x1x20x128xi32, #tpu.memory_space<hbm>> -> memref<20x128xi32, #tpu.memory_space<hbm>>
    tpu.enqueue_dma source(%dma_start3A_42 : memref<20x128xi32, #tpu.memory_space<hbm>>) target(%arg9 : memref<20x128xi32, #tpu.memory_space<vmem>>) target_semaphore(%arg15 : memref<!tpu.dma_semaphore, #tpu.memory_space<semaphore_mem>>)
    %dma_start3A_43 = arith.constant 0 : i32
    %dma_start3A_44 = arith.constant 0 : i32
    %dma_start3A_45 = tpu.memref_slice %arg6[%dma_start3A_43, %dma_start3A_44] : memref<20x128xi32, #tpu.memory_space<vmem>> -> memref<1x128xi32, #tpu.memory_space<vmem>>
    %dma_start3A_46 = tpu.memref_squeeze %dma_start3A_45 : memref<1x128xi32, #tpu.memory_space<vmem>> -> memref<128xi32, #tpu.memory_space<vmem>>
    %dma_start3A_47 = arith.constant 0 : i32
    %dma_start3A_48 = arith.constant 0 : i32
    %dma_start3A_49 = tpu.memref_slice %arg2[%dma_start3A_47, %dma_start3A_48] : memref<10000x128xf32, #tpu.memory_space<hbm>> -> memref<10000x128xf32, #tpu.memory_space<hbm>>
    tpu.enqueue_indirect_dma source(%dma_start3A_49 : memref<10000x128xf32, #tpu.memory_space<hbm>>) target(%arg10 : memref<128x128xf32, #tpu.memory_space<vmem>>) offsets(%dma_start3A_46 : memref<128xi32, #tpu.memory_space<vmem>>) semaphore(%arg13 : memref<!tpu.dma_semaphore, #tpu.memory_space<semaphore_mem>>)
    %dma_start3A_50 = arith.constant 1 : i32
    %dma_start3A_51 = arith.constant 0 : i32
    %dma_start3A_52 = tpu.memref_slice %arg6[%dma_start3A_50, %dma_start3A_51] : memref<20x128xi32, #tpu.memory_space<vmem>> -> memref<1x128xi32, #tpu.memory_space<vmem>>
    %dma_start3A_53 = tpu.memref_squeeze %dma_start3A_52 : memref<1x128xi32, #tpu.memory_space<vmem>> -> memref<128xi32, #tpu.memory_space<vmem>>
    %dma_start3A_54 = arith.constant 0 : i32
    %dma_start3A_55 = arith.constant 0 : i32
    %dma_start3A_56 = tpu.memref_slice %arg2[%dma_start3A_54, %dma_start3A_55] : memref<10000x128xf32, #tpu.memory_space<hbm>> -> memref<10000x128xf32, #tpu.memory_space<hbm>>
    tpu.enqueue_indirect_dma source(%dma_start3A_56 : memref<10000x128xf32, #tpu.memory_space<hbm>>) target(%arg11 : memref<128x128xf32, #tpu.memory_space<vmem>>) offsets(%dma_start3A_53 : memref<128xi32, #tpu.memory_space<vmem>>) semaphore(%arg14 : memref<!tpu.dma_semaphore, #tpu.memory_space<semaphore_mem>>)
    %dma_wait3A = arith.constant 0 : i32
    %dma_wait3A_57 = arith.constant 0 : i32
    %dma_wait3A_58 = tpu.memref_slice %arg2[%dma_wait3A, %dma_wait3A_57] : memref<10000x128xf32, #tpu.memory_space<hbm>> -> memref<128x128xf32, #tpu.memory_space<hbm>>
    %dma_wait3A_59 = arith.constant 0 : i32
    %dma_wait3A_60 = arith.constant 0 : i32
    %dma_wait3A_61 = tpu.memref_slice %arg2[%dma_wait3A_59, %dma_wait3A_60] : memref<10000x128xf32, #tpu.memory_space<hbm>> -> memref<128x128xf32, #tpu.memory_space<hbm>>
    tpu.wait_dma2 semaphore(%arg13 : memref<!tpu.dma_semaphore, #tpu.memory_space<semaphore_mem>>) src(%dma_wait3A_61 : memref<128x128xf32, #tpu.memory_space<hbm>>) dst(%arg10 : memref<128x128xf32, #tpu.memory_space<vmem>>)
    %dma_start3A_62 = arith.constant 0 : i32
    %dma_start3A_63 = arith.constant 0 : i32
    %dma_start3A_64 = tpu.memref_slice %arg7[%dma_start3A_62, %dma_start3A_63] : memref<20x128xi32, #tpu.memory_space<vmem>> -> memref<1x128xi32, #tpu.memory_space<vmem>>
    %dma_start3A_65 = tpu.memref_squeeze %dma_start3A_64 : memref<1x128xi32, #tpu.memory_space<vmem>> -> memref<128xi32, #tpu.memory_space<vmem>>
    %dma_start3A_66 = arith.constant 0 : i32
    %dma_start3A_67 = arith.constant 0 : i32
    %dma_start3A_68 = tpu.memref_slice %arg12[%dma_start3A_66, %dma_start3A_67] : memref<10240x128xf32, #tpu.memory_space<vmem_shared>> -> memref<10240x128xf32, #tpu.memory_space<vmem_shared>>
    tpu.enqueue_indirect_dma source(%arg10 : memref<128x128xf32, #tpu.memory_space<vmem>>) target(%dma_start3A_68 : memref<10240x128xf32, #tpu.memory_space<vmem_shared>>) offsets(%dma_start3A_65 : memref<128xi32, #tpu.memory_space<vmem>>) semaphore(%arg16 : memref<!tpu.dma_semaphore, #tpu.memory_space<semaphore_mem>>) {add = true}
    %dma_wait3A_69 = arith.constant 0 : i32
    %dma_wait3A_70 = arith.constant 0 : i32
    %dma_wait3A_71 = tpu.memref_slice %arg2[%dma_wait3A_69, %dma_wait3A_70] : memref<10000x128xf32, #tpu.memory_space<hbm>> -> memref<128x128xf32, #tpu.memory_space<hbm>>
    %dma_wait3A_72 = arith.constant 0 : i32
    %dma_wait3A_73 = arith.constant 0 : i32
    %dma_wait3A_74 = tpu.memref_slice %arg2[%dma_wait3A_72, %dma_wait3A_73] : memref<10000x128xf32, #tpu.memory_space<hbm>> -> memref<128x128xf32, #tpu.memory_space<hbm>>
    tpu.wait_dma2 semaphore(%arg14 : memref<!tpu.dma_semaphore, #tpu.memory_space<semaphore_mem>>) src(%dma_wait3A_74 : memref<128x128xf32, #tpu.memory_space<hbm>>) dst(%arg11 : memref<128x128xf32, #tpu.memory_space<vmem>>)
    %dma_start3A_75 = arith.constant 1 : i32
    %dma_start3A_76 = arith.constant 0 : i32
    %dma_start3A_77 = tpu.memref_slice %arg7[%dma_start3A_75, %dma_start3A_76] : memref<20x128xi32, #tpu.memory_space<vmem>> -> memref<1x128xi32, #tpu.memory_space<vmem>>
    %dma_start3A_78 = tpu.memref_squeeze %dma_start3A_77 : memref<1x128xi32, #tpu.memory_space<vmem>> -> memref<128xi32, #tpu.memory_space<vmem>>
    %dma_start3A_79 = arith.constant 0 : i32
    %dma_start3A_80 = arith.constant 0 : i32
    %dma_start3A_81 = tpu.memref_slice %arg12[%dma_start3A_79, %dma_start3A_80] : memref<10240x128xf32, #tpu.memory_space<vmem_shared>> -> memref<10240x128xf32, #tpu.memory_space<vmem_shared>>
    tpu.enqueue_indirect_dma source(%arg11 : memref<128x128xf32, #tpu.memory_space<vmem>>) target(%dma_start3A_81 : memref<10240x128xf32, #tpu.memory_space<vmem_shared>>) offsets(%dma_start3A_78 : memref<128xi32, #tpu.memory_space<vmem>>) semaphore(%arg17 : memref<!tpu.dma_semaphore, #tpu.memory_space<semaphore_mem>>) {add = true}
    %scan3A_82 = arith.constant 0 : i32
    %scan3A_83 = arith.constant 9 : i32
    %scan3A_84 = arith.addi %scan3A_82, %scan3A_83 : i32
    %scan3A_85 = arith.constant 1 : i32
    scf.for %scan3A_441 = %scan3A_82 to %scan3A_84 step %scan3A_85  : i32 {
      %mul3A_442 = arith.constant 2 : i32
      %mul3A_443 = arith.muli %scan3A_441, %mul3A_442 : i32
      %add3A_444 = arith.constant 2 : i32
      %add3A_445 = arith.addi %add3A_444, %mul3A_443 : i32
      %dma_wait3A_446 = arith.constant 0 : i32
      %dma_wait3A_447 = arith.constant 0 : i32
      %dma_wait3A_448 = tpu.memref_slice %arg12[%dma_wait3A_446, %dma_wait3A_447] : memref<10240x128xf32, #tpu.memory_space<vmem_shared>> -> memref<128x128xf32, #tpu.memory_space<vmem_shared>>
      %dma_wait3A_449 = arith.constant 0 : i32
      %dma_wait3A_450 = arith.constant 0 : i32
      %dma_wait3A_451 = tpu.memref_slice %arg12[%dma_wait3A_449, %dma_wait3A_450] : memref<10240x128xf32, #tpu.memory_space<vmem_shared>> -> memref<128x128xf32, #tpu.memory_space<vmem_shared>>
      tpu.wait_dma2 semaphore(%arg16 : memref<!tpu.dma_semaphore, #tpu.memory_space<semaphore_mem>>) src(%arg10 : memref<128x128xf32, #tpu.memory_space<vmem>>) dst(%dma_wait3A_451 : memref<128x128xf32, #tpu.memory_space<vmem_shared>>)
      %dma_start3A_452 = arith.constant 0 : i32
      %dma_start3A_453 = tpu.memref_slice %arg6[%add3A_445, %dma_start3A_452] : memref<20x128xi32, #tpu.memory_space<vmem>> -> memref<1x128xi32, #tpu.memory_space<vmem>>
      %dma_start3A_454 = tpu.memref_squeeze %dma_start3A_453 : memref<1x128xi32, #tpu.memory_space<vmem>> -> memref<128xi32, #tpu.memory_space<vmem>>
      %dma_start3A_455 = arith.constant 0 : i32
      %dma_start3A_456 = arith.constant 0 : i32
      %dma_start3A_457 = tpu.memref_slice %arg2[%dma_start3A_455, %dma_start3A_456] : memref<10000x128xf32, #tpu.memory_space<hbm>> -> memref<10000x128xf32, #tpu.memory_space<hbm>>
      tpu.enqueue_indirect_dma source(%dma_start3A_457 : memref<10000x128xf32, #tpu.memory_space<hbm>>) target(%arg10 : memref<128x128xf32, #tpu.memory_space<vmem>>) offsets(%dma_start3A_454 : memref<128xi32, #tpu.memory_space<vmem>>) semaphore(%arg13 : memref<!tpu.dma_semaphore, #tpu.memory_space<semaphore_mem>>)
      %dma_wait3A_458 = arith.constant 0 : i32
      %dma_wait3A_459 = arith.constant 0 : i32
      %dma_wait3A_460 = tpu.memref_slice %arg12[%dma_wait3A_458, %dma_wait3A_459] : memref<10240x128xf32, #tpu.memory_space<vmem_shared>> -> memref<128x128xf32, #tpu.memory_space<vmem_shared>>
      %dma_wait3A_461 = arith.constant 0 : i32
      %dma_wait3A_462 = arith.constant 0 : i32
      %dma_wait3A_463 = tpu.memref_slice %arg12[%dma_wait3A_461, %dma_wait3A_462] : memref<10240x128xf32, #tpu.memory_space<vmem_shared>> -> memref<128x128xf32, #tpu.memory_space<vmem_shared>>
      tpu.wait_dma2 semaphore(%arg17 : memref<!tpu.dma_semaphore, #tpu.memory_space<semaphore_mem>>) src(%arg10 : memref<128x128xf32, #tpu.memory_space<vmem>>) dst(%dma_wait3A_463 : memref<128x128xf32, #tpu.memory_space<vmem_shared>>)
      %add3A_464 = arith.constant 1 : i32
      %add3A_465 = arith.addi %add3A_445, %add3A_464 : i32
      %dma_start3A_466 = arith.constant 0 : i32
      %dma_start3A_467 = tpu.memref_slice %arg6[%add3A_465, %dma_start3A_466] : memref<20x128xi32, #tpu.memory_space<vmem>> -> memref<1x128xi32, #tpu.memory_space<vmem>>
      %dma_start3A_468 = tpu.memref_squeeze %dma_start3A_467 : memref<1x128xi32, #tpu.memory_space<vmem>> -> memref<128xi32, #tpu.memory_space<vmem>>
      %dma_start3A_469 = arith.constant 0 : i32
      %dma_start3A_470 = arith.constant 0 : i32
      %dma_start3A_471 = tpu.memref_slice %arg2[%dma_start3A_469, %dma_start3A_470] : memref<10000x128xf32, #tpu.memory_space<hbm>> -> memref<10000x128xf32, #tpu.memory_space<hbm>>
      tpu.enqueue_indirect_dma source(%dma_start3A_471 : memref<10000x128xf32, #tpu.memory_space<hbm>>) target(%arg11 : memref<128x128xf32, #tpu.memory_space<vmem>>) offsets(%dma_start3A_468 : memref<128xi32, #tpu.memory_space<vmem>>) semaphore(%arg14 : memref<!tpu.dma_semaphore, #tpu.memory_space<semaphore_mem>>)
      %dma_wait3A_472 = arith.constant 0 : i32
      %dma_wait3A_473 = arith.constant 0 : i32
      %dma_wait3A_474 = tpu.memref_slice %arg2[%dma_wait3A_472, %dma_wait3A_473] : memref<10000x128xf32, #tpu.memory_space<hbm>> -> memref<128x128xf32, #tpu.memory_space<hbm>>
      %dma_wait3A_475 = arith.constant 0 : i32
      %dma_wait3A_476 = arith.constant 0 : i32
      %dma_wait3A_477 = tpu.memref_slice %arg2[%dma_wait3A_475, %dma_wait3A_476] : memref<10000x128xf32, #tpu.memory_space<hbm>> -> memref<128x128xf32, #tpu.memory_space<hbm>>
      tpu.wait_dma2 semaphore(%arg13 : memref<!tpu.dma_semaphore, #tpu.memory_space<semaphore_mem>>) src(%dma_wait3A_477 : memref<128x128xf32, #tpu.memory_space<hbm>>) dst(%arg10 : memref<128x128xf32, #tpu.memory_space<vmem>>)
      %dma_start3A_478 = arith.constant 0 : i32
      %dma_start3A_479 = tpu.memref_slice %arg7[%add3A_445, %dma_start3A_478] : memref<20x128xi32, #tpu.memory_space<vmem>> -> memref<1x128xi32, #tpu.memory_space<vmem>>
      %dma_start3A_480 = tpu.memref_squeeze %dma_start3A_479 : memref<1x128xi32, #tpu.memory_space<vmem>> -> memref<128xi32, #tpu.memory_space<vmem>>
      %dma_start3A_481 = arith.constant 0 : i32
      %dma_start3A_482 = arith.constant 0 : i32
      %dma_start3A_483 = tpu.memref_slice %arg12[%dma_start3A_481, %dma_start3A_482] : memref<10240x128xf32, #tpu.memory_space<vmem_shared>> -> memref<10240x128xf32, #tpu.memory_space<vmem_shared>>
      tpu.enqueue_indirect_dma source(%arg10 : memref<128x128xf32, #tpu.memory_space<vmem>>) target(%dma_start3A_483 : memref<10240x128xf32, #tpu.memory_space<vmem_shared>>) offsets(%dma_start3A_480 : memref<128xi32, #tpu.memory_space<vmem>>) semaphore(%arg16 : memref<!tpu.dma_semaphore, #tpu.memory_space<semaphore_mem>>) {add = true}
      %dma_wait3A_484 = arith.constant 0 : i32
      %dma_wait3A_485 = arith.constant 0 : i32
      %dma_wait3A_486 = tpu.memref_slice %arg2[%dma_wait3A_484, %dma_wait3A_485] : memref<10000x128xf32, #tpu.memory_space<hbm>> -> memref<128x128xf32, #tpu.memory_space<hbm>>
      %dma_wait3A_487 = arith.constant 0 : i32
      %dma_wait3A_488 = arith.constant 0 : i32
      %dma_wait3A_489 = tpu.memref_slice %arg2[%dma_wait3A_487, %dma_wait3A_488] : memref<10000x128xf32, #tpu.memory_space<hbm>> -> memref<128x128xf32, #tpu.memory_space<hbm>>
      tpu.wait_dma2 semaphore(%arg14 : memref<!tpu.dma_semaphore, #tpu.memory_space<semaphore_mem>>) src(%dma_wait3A_489 : memref<128x128xf32, #tpu.memory_space<hbm>>) dst(%arg11 : memref<128x128xf32, #tpu.memory_space<vmem>>)
      %add3A_490 = arith.constant 1 : i32
      %add3A_491 = arith.addi %add3A_445, %add3A_490 : i32
      %dma_start3A_492 = arith.constant 0 : i32
      %dma_start3A_493 = tpu.memref_slice %arg7[%add3A_491, %dma_start3A_492] : memref<20x128xi32, #tpu.memory_space<vmem>> -> memref<1x128xi32, #tpu.memory_space<vmem>>
      %dma_start3A_494 = tpu.memref_squeeze %dma_start3A_493 : memref<1x128xi32, #tpu.memory_space<vmem>> -> memref<128xi32, #tpu.memory_space<vmem>>
      %dma_start3A_495 = arith.constant 0 : i32
      %dma_start3A_496 = arith.constant 0 : i32
      %dma_start3A_497 = tpu.memref_slice %arg12[%dma_start3A_495, %dma_start3A_496] : memref<10240x128xf32, #tpu.memory_space<vmem_shared>> -> memref<10240x128xf32, #tpu.memory_space<vmem_shared>>
      tpu.enqueue_indirect_dma source(%arg11 : memref<128x128xf32, #tpu.memory_space<vmem>>) target(%dma_start3A_497 : memref<10240x128xf32, #tpu.memory_space<vmem_shared>>) offsets(%dma_start3A_494 : memref<128xi32, #tpu.memory_space<vmem>>) semaphore(%arg17 : memref<!tpu.dma_semaphore, #tpu.memory_space<semaphore_mem>>) {add = true}
    }
    %scan3A_86 = arith.constant 9 : i32
    %dma_wait3A_87 = arith.constant 0 : i32
    %dma_wait3A_88 = arith.constant 0 : i32
    %dma_wait3A_89 = tpu.memref_slice %arg12[%dma_wait3A_87, %dma_wait3A_88] : memref<10240x128xf32, #tpu.memory_space<vmem_shared>> -> memref<128x128xf32, #tpu.memory_space<vmem_shared>>
    %dma_wait3A_90 = arith.constant 0 : i32
    %dma_wait3A_91 = arith.constant 0 : i32
    %dma_wait3A_92 = tpu.memref_slice %arg12[%dma_wait3A_90, %dma_wait3A_91] : memref<10240x128xf32, #tpu.memory_space<vmem_shared>> -> memref<128x128xf32, #tpu.memory_space<vmem_shared>>
    tpu.wait_dma2 semaphore(%arg16 : memref<!tpu.dma_semaphore, #tpu.memory_space<semaphore_mem>>) src(%arg10 : memref<128x128xf32, #tpu.memory_space<vmem>>) dst(%dma_wait3A_92 : memref<128x128xf32, #tpu.memory_space<vmem_shared>>)
    %dma_wait3A_93 = arith.constant 0 : i32
    %dma_wait3A_94 = arith.constant 0 : i32
    %dma_wait3A_95 = tpu.memref_slice %arg12[%dma_wait3A_93, %dma_wait3A_94] : memref<10240x128xf32, #tpu.memory_space<vmem_shared>> -> memref<128x128xf32, #tpu.memory_space<vmem_shared>>
    %dma_wait3A_96 = arith.constant 0 : i32
    %dma_wait3A_97 = arith.constant 0 : i32
    %dma_wait3A_98 = tpu.memref_slice %arg12[%dma_wait3A_96, %dma_wait3A_97] : memref<10240x128xf32, #tpu.memory_space<vmem_shared>> -> memref<128x128xf32, #tpu.memory_space<vmem_shared>>
    tpu.wait_dma2 semaphore(%arg17 : memref<!tpu.dma_semaphore, #tpu.memory_space<semaphore_mem>>) src(%arg10 : memref<128x128xf32, #tpu.memory_space<vmem>>) dst(%dma_wait3A_98 : memref<128x128xf32, #tpu.memory_space<vmem_shared>>)
    %dma_wait3A_99 = arith.constant 1 : i32
    %dma_wait3A_100 = arith.constant 0 : i32
    %dma_wait3A_101 = arith.constant 0 : i32
    %dma_wait3A_102 = tpu.memref_slice %arg3[%add3A, %dma_wait3A_99, %dma_wait3A_100, %dma_wait3A_101] : memref<32x4x20x128xi32, #tpu.memory_space<hbm>> -> memref<1x1x20x128xi32, #tpu.memory_space<hbm>>
    %dma_wait3A_103 = tpu.memref_squeeze %dma_wait3A_102 : memref<1x1x20x128xi32, #tpu.memory_space<hbm>> -> memref<20x128xi32, #tpu.memory_space<hbm>>
    %dma_wait3A_104 = arith.constant 0 : i32
    %dma_wait3A_105 = arith.constant 0 : i32
    %dma_wait3A_106 = tpu.memref_slice %arg3[%add3A, %dma_wait3A_99, %dma_wait3A_104, %dma_wait3A_105] : memref<32x4x20x128xi32, #tpu.memory_space<hbm>> -> memref<1x1x20x128xi32, #tpu.memory_space<hbm>>
    %dma_wait3A_107 = tpu.memref_squeeze %dma_wait3A_106 : memref<1x1x20x128xi32, #tpu.memory_space<hbm>> -> memref<20x128xi32, #tpu.memory_space<hbm>>
    tpu.wait_dma2 semaphore(%arg15 : memref<!tpu.dma_semaphore, #tpu.memory_space<semaphore_mem>>) src(%dma_wait3A_107 : memref<20x128xi32, #tpu.memory_space<hbm>>) dst(%arg8 : memref<20x128xi32, #tpu.memory_space<vmem>>)
    %dma_wait3A_108 = arith.constant 1 : i32
    %dma_wait3A_109 = arith.constant 0 : i32
    %dma_wait3A_110 = arith.constant 0 : i32
    %dma_wait3A_111 = tpu.memref_slice %arg4[%add3A, %dma_wait3A_108, %dma_wait3A_109, %dma_wait3A_110] : memref<32x4x20x128xi32, #tpu.memory_space<hbm>> -> memref<1x1x20x128xi32, #tpu.memory_space<hbm>>
    %dma_wait3A_112 = tpu.memref_squeeze %dma_wait3A_111 : memref<1x1x20x128xi32, #tpu.memory_space<hbm>> -> memref<20x128xi32, #tpu.memory_space<hbm>>
    %dma_wait3A_113 = arith.constant 0 : i32
    %dma_wait3A_114 = arith.constant 0 : i32
    %dma_wait3A_115 = tpu.memref_slice %arg4[%add3A, %dma_wait3A_108, %dma_wait3A_113, %dma_wait3A_114] : memref<32x4x20x128xi32, #tpu.memory_space<hbm>> -> memref<1x1x20x128xi32, #tpu.memory_space<hbm>>
    %dma_wait3A_116 = tpu.memref_squeeze %dma_wait3A_115 : memref<1x1x20x128xi32, #tpu.memory_space<hbm>> -> memref<20x128xi32, #tpu.memory_space<hbm>>
    tpu.wait_dma2 semaphore(%arg15 : memref<!tpu.dma_semaphore, #tpu.memory_space<semaphore_mem>>) src(%dma_wait3A_116 : memref<20x128xi32, #tpu.memory_space<hbm>>) dst(%arg9 : memref<20x128xi32, #tpu.memory_space<vmem>>)
    %dma_start3A_117 = arith.constant 2 : i32
    %dma_start3A_118 = arith.constant 0 : i32
    %dma_start3A_119 = arith.constant 0 : i32
    %dma_start3A_120 = tpu.memref_slice %arg3[%add3A, %dma_start3A_117, %dma_start3A_118, %dma_start3A_119] : memref<32x4x20x128xi32, #tpu.memory_space<hbm>> -> memref<1x1x20x128xi32, #tpu.memory_space<hbm>>
    %dma_start3A_121 = tpu.memref_squeeze %dma_start3A_120 : memref<1x1x20x128xi32, #tpu.memory_space<hbm>> -> memref<20x128xi32, #tpu.memory_space<hbm>>
    %dma_start3A_122 = arith.constant 0 : i32
    %dma_start3A_123 = arith.constant 0 : i32
    %dma_start3A_124 = tpu.memref_slice %arg3[%add3A, %dma_start3A_117, %dma_start3A_122, %dma_start3A_123] : memref<32x4x20x128xi32, #tpu.memory_space<hbm>> -> memref<1x1x20x128xi32, #tpu.memory_space<hbm>>
    %dma_start3A_125 = tpu.memref_squeeze %dma_start3A_124 : memref<1x1x20x128xi32, #tpu.memory_space<hbm>> -> memref<20x128xi32, #tpu.memory_space<hbm>>
    tpu.enqueue_dma source(%dma_start3A_125 : memref<20x128xi32, #tpu.memory_space<hbm>>) target(%arg6 : memref<20x128xi32, #tpu.memory_space<vmem>>) target_semaphore(%arg15 : memref<!tpu.dma_semaphore, #tpu.memory_space<semaphore_mem>>)
    %dma_start3A_126 = arith.constant 2 : i32
    %dma_start3A_127 = arith.constant 0 : i32
    %dma_start3A_128 = arith.constant 0 : i32
    %dma_start3A_129 = tpu.memref_slice %arg4[%add3A, %dma_start3A_126, %dma_start3A_127, %dma_start3A_128] : memref<32x4x20x128xi32, #tpu.memory_space<hbm>> -> memref<1x1x20x128xi32, #tpu.memory_space<hbm>>
    %dma_start3A_130 = tpu.memref_squeeze %dma_start3A_129 : memref<1x1x20x128xi32, #tpu.memory_space<hbm>> -> memref<20x128xi32, #tpu.memory_space<hbm>>
    %dma_start3A_131 = arith.constant 0 : i32
    %dma_start3A_132 = arith.constant 0 : i32
    %dma_start3A_133 = tpu.memref_slice %arg4[%add3A, %dma_start3A_126, %dma_start3A_131, %dma_start3A_132] : memref<32x4x20x128xi32, #tpu.memory_space<hbm>> -> memref<1x1x20x128xi32, #tpu.memory_space<hbm>>
    %dma_start3A_134 = tpu.memref_squeeze %dma_start3A_133 : memref<1x1x20x128xi32, #tpu.memory_space<hbm>> -> memref<20x128xi32, #tpu.memory_space<hbm>>
    tpu.enqueue_dma source(%dma_start3A_134 : memref<20x128xi32, #tpu.memory_space<hbm>>) target(%arg7 : memref<20x128xi32, #tpu.memory_space<vmem>>) target_semaphore(%arg15 : memref<!tpu.dma_semaphore, #tpu.memory_space<semaphore_mem>>)
    %dma_start3A_135 = arith.constant 0 : i32
    %dma_start3A_136 = arith.constant 0 : i32
    %dma_start3A_137 = tpu.memref_slice %arg8[%dma_start3A_135, %dma_start3A_136] : memref<20x128xi32, #tpu.memory_space<vmem>> -> memref<1x128xi32, #tpu.memory_space<vmem>>
    %dma_start3A_138 = tpu.memref_squeeze %dma_start3A_137 : memref<1x128xi32, #tpu.memory_space<vmem>> -> memref<128xi32, #tpu.memory_space<vmem>>
    %dma_start3A_139 = arith.constant 0 : i32
    %dma_start3A_140 = arith.constant 0 : i32
    %dma_start3A_141 = tpu.memref_slice %arg2[%dma_start3A_139, %dma_start3A_140] : memref<10000x128xf32, #tpu.memory_space<hbm>> -> memref<10000x128xf32, #tpu.memory_space<hbm>>
    tpu.enqueue_indirect_dma source(%dma_start3A_141 : memref<10000x128xf32, #tpu.memory_space<hbm>>) target(%arg10 : memref<128x128xf32, #tpu.memory_space<vmem>>) offsets(%dma_start3A_138 : memref<128xi32, #tpu.memory_space<vmem>>) semaphore(%arg13 : memref<!tpu.dma_semaphore, #tpu.memory_space<semaphore_mem>>)
    %dma_start3A_142 = arith.constant 1 : i32
    %dma_start3A_143 = arith.constant 0 : i32
    %dma_start3A_144 = tpu.memref_slice %arg8[%dma_start3A_142, %dma_start3A_143] : memref<20x128xi32, #tpu.memory_space<vmem>> -> memref<1x128xi32, #tpu.memory_space<vmem>>
    %dma_start3A_145 = tpu.memref_squeeze %dma_start3A_144 : memref<1x128xi32, #tpu.memory_space<vmem>> -> memref<128xi32, #tpu.memory_space<vmem>>
    %dma_start3A_146 = arith.constant 0 : i32
    %dma_start3A_147 = arith.constant 0 : i32
    %dma_start3A_148 = tpu.memref_slice %arg2[%dma_start3A_146, %dma_start3A_147] : memref<10000x128xf32, #tpu.memory_space<hbm>> -> memref<10000x128xf32, #tpu.memory_space<hbm>>
    tpu.enqueue_indirect_dma source(%dma_start3A_148 : memref<10000x128xf32, #tpu.memory_space<hbm>>) target(%arg11 : memref<128x128xf32, #tpu.memory_space<vmem>>) offsets(%dma_start3A_145 : memref<128xi32, #tpu.memory_space<vmem>>) semaphore(%arg14 : memref<!tpu.dma_semaphore, #tpu.memory_space<semaphore_mem>>)
    %dma_wait3A_149 = arith.constant 0 : i32
    %dma_wait3A_150 = arith.constant 0 : i32
    %dma_wait3A_151 = tpu.memref_slice %arg2[%dma_wait3A_149, %dma_wait3A_150] : memref<10000x128xf32, #tpu.memory_space<hbm>> -> memref<128x128xf32, #tpu.memory_space<hbm>>
    %dma_wait3A_152 = arith.constant 0 : i32
    %dma_wait3A_153 = arith.constant 0 : i32
    %dma_wait3A_154 = tpu.memref_slice %arg2[%dma_wait3A_152, %dma_wait3A_153] : memref<10000x128xf32, #tpu.memory_space<hbm>> -> memref<128x128xf32, #tpu.memory_space<hbm>>
    tpu.wait_dma2 semaphore(%arg13 : memref<!tpu.dma_semaphore, #tpu.memory_space<semaphore_mem>>) src(%dma_wait3A_154 : memref<128x128xf32, #tpu.memory_space<hbm>>) dst(%arg10 : memref<128x128xf32, #tpu.memory_space<vmem>>)
    %dma_start3A_155 = arith.constant 0 : i32
    %dma_start3A_156 = arith.constant 0 : i32
    %dma_start3A_157 = tpu.memref_slice %arg9[%dma_start3A_155, %dma_start3A_156] : memref<20x128xi32, #tpu.memory_space<vmem>> -> memref<1x128xi32, #tpu.memory_space<vmem>>
    %dma_start3A_158 = tpu.memref_squeeze %dma_start3A_157 : memref<1x128xi32, #tpu.memory_space<vmem>> -> memref<128xi32, #tpu.memory_space<vmem>>
    %dma_start3A_159 = arith.constant 0 : i32
    %dma_start3A_160 = arith.constant 0 : i32
    %dma_start3A_161 = tpu.memref_slice %arg12[%dma_start3A_159, %dma_start3A_160] : memref<10240x128xf32, #tpu.memory_space<vmem_shared>> -> memref<10240x128xf32, #tpu.memory_space<vmem_shared>>
    tpu.enqueue_indirect_dma source(%arg10 : memref<128x128xf32, #tpu.memory_space<vmem>>) target(%dma_start3A_161 : memref<10240x128xf32, #tpu.memory_space<vmem_shared>>) offsets(%dma_start3A_158 : memref<128xi32, #tpu.memory_space<vmem>>) semaphore(%arg16 : memref<!tpu.dma_semaphore, #tpu.memory_space<semaphore_mem>>) {add = true}
    %dma_wait3A_162 = arith.constant 0 : i32
    %dma_wait3A_163 = arith.constant 0 : i32
    %dma_wait3A_164 = tpu.memref_slice %arg2[%dma_wait3A_162, %dma_wait3A_163] : memref<10000x128xf32, #tpu.memory_space<hbm>> -> memref<128x128xf32, #tpu.memory_space<hbm>>
    %dma_wait3A_165 = arith.constant 0 : i32
    %dma_wait3A_166 = arith.constant 0 : i32
    %dma_wait3A_167 = tpu.memref_slice %arg2[%dma_wait3A_165, %dma_wait3A_166] : memref<10000x128xf32, #tpu.memory_space<hbm>> -> memref<128x128xf32, #tpu.memory_space<hbm>>
    tpu.wait_dma2 semaphore(%arg14 : memref<!tpu.dma_semaphore, #tpu.memory_space<semaphore_mem>>) src(%dma_wait3A_167 : memref<128x128xf32, #tpu.memory_space<hbm>>) dst(%arg11 : memref<128x128xf32, #tpu.memory_space<vmem>>)
    %dma_start3A_168 = arith.constant 1 : i32
    %dma_start3A_169 = arith.constant 0 : i32
    %dma_start3A_170 = tpu.memref_slice %arg9[%dma_start3A_168, %dma_start3A_169] : memref<20x128xi32, #tpu.memory_space<vmem>> -> memref<1x128xi32, #tpu.memory_space<vmem>>
    %dma_start3A_171 = tpu.memref_squeeze %dma_start3A_170 : memref<1x128xi32, #tpu.memory_space<vmem>> -> memref<128xi32, #tpu.memory_space<vmem>>
    %dma_start3A_172 = arith.constant 0 : i32
    %dma_start3A_173 = arith.constant 0 : i32
    %dma_start3A_174 = tpu.memref_slice %arg12[%dma_start3A_172, %dma_start3A_173] : memref<10240x128xf32, #tpu.memory_space<vmem_shared>> -> memref<10240x128xf32, #tpu.memory_space<vmem_shared>>
    tpu.enqueue_indirect_dma source(%arg11 : memref<128x128xf32, #tpu.memory_space<vmem>>) target(%dma_start3A_174 : memref<10240x128xf32, #tpu.memory_space<vmem_shared>>) offsets(%dma_start3A_171 : memref<128xi32, #tpu.memory_space<vmem>>) semaphore(%arg17 : memref<!tpu.dma_semaphore, #tpu.memory_space<semaphore_mem>>) {add = true}
    %scan3A_175 = arith.constant 0 : i32
    %scan3A_176 = arith.constant 9 : i32
    %scan3A_177 = arith.addi %scan3A_175, %scan3A_176 : i32
    %scan3A_178 = arith.constant 1 : i32
    scf.for %scan3A_441 = %scan3A_175 to %scan3A_177 step %scan3A_178  : i32 {
      %mul3A_442 = arith.constant 2 : i32
      %mul3A_443 = arith.muli %scan3A_441, %mul3A_442 : i32
      %add3A_444 = arith.constant 2 : i32
      %add3A_445 = arith.addi %add3A_444, %mul3A_443 : i32
      %dma_wait3A_446 = arith.constant 0 : i32
      %dma_wait3A_447 = arith.constant 0 : i32
      %dma_wait3A_448 = tpu.memref_slice %arg12[%dma_wait3A_446, %dma_wait3A_447] : memref<10240x128xf32, #tpu.memory_space<vmem_shared>> -> memref<128x128xf32, #tpu.memory_space<vmem_shared>>
      %dma_wait3A_449 = arith.constant 0 : i32
      %dma_wait3A_450 = arith.constant 0 : i32
      %dma_wait3A_451 = tpu.memref_slice %arg12[%dma_wait3A_449, %dma_wait3A_450] : memref<10240x128xf32, #tpu.memory_space<vmem_shared>> -> memref<128x128xf32, #tpu.memory_space<vmem_shared>>
      tpu.wait_dma2 semaphore(%arg16 : memref<!tpu.dma_semaphore, #tpu.memory_space<semaphore_mem>>) src(%arg10 : memref<128x128xf32, #tpu.memory_space<vmem>>) dst(%dma_wait3A_451 : memref<128x128xf32, #tpu.memory_space<vmem_shared>>)
      %dma_start3A_452 = arith.constant 0 : i32
      %dma_start3A_453 = tpu.memref_slice %arg8[%add3A_445, %dma_start3A_452] : memref<20x128xi32, #tpu.memory_space<vmem>> -> memref<1x128xi32, #tpu.memory_space<vmem>>
      %dma_start3A_454 = tpu.memref_squeeze %dma_start3A_453 : memref<1x128xi32, #tpu.memory_space<vmem>> -> memref<128xi32, #tpu.memory_space<vmem>>
      %dma_start3A_455 = arith.constant 0 : i32
      %dma_start3A_456 = arith.constant 0 : i32
      %dma_start3A_457 = tpu.memref_slice %arg2[%dma_start3A_455, %dma_start3A_456] : memref<10000x128xf32, #tpu.memory_space<hbm>> -> memref<10000x128xf32, #tpu.memory_space<hbm>>
      tpu.enqueue_indirect_dma source(%dma_start3A_457 : memref<10000x128xf32, #tpu.memory_space<hbm>>) target(%arg10 : memref<128x128xf32, #tpu.memory_space<vmem>>) offsets(%dma_start3A_454 : memref<128xi32, #tpu.memory_space<vmem>>) semaphore(%arg13 : memref<!tpu.dma_semaphore, #tpu.memory_space<semaphore_mem>>)
      %dma_wait3A_458 = arith.constant 0 : i32
      %dma_wait3A_459 = arith.constant 0 : i32
      %dma_wait3A_460 = tpu.memref_slice %arg12[%dma_wait3A_458, %dma_wait3A_459] : memref<10240x128xf32, #tpu.memory_space<vmem_shared>> -> memref<128x128xf32, #tpu.memory_space<vmem_shared>>
      %dma_wait3A_461 = arith.constant 0 : i32
      %dma_wait3A_462 = arith.constant 0 : i32
      %dma_wait3A_463 = tpu.memref_slice %arg12[%dma_wait3A_461, %dma_wait3A_462] : memref<10240x128xf32, #tpu.memory_space<vmem_shared>> -> memref<128x128xf32, #tpu.memory_space<vmem_shared>>
      tpu.wait_dma2 semaphore(%arg17 : memref<!tpu.dma_semaphore, #tpu.memory_space<semaphore_mem>>) src(%arg10 : memref<128x128xf32, #tpu.memory_space<vmem>>) dst(%dma_wait3A_463 : memref<128x128xf32, #tpu.memory_space<vmem_shared>>)
      %add3A_464 = arith.constant 1 : i32
      %add3A_465 = arith.addi %add3A_445, %add3A_464 : i32
      %dma_start3A_466 = arith.constant 0 : i32
      %dma_start3A_467 = tpu.memref_slice %arg8[%add3A_465, %dma_start3A_466] : memref<20x128xi32, #tpu.memory_space<vmem>> -> memref<1x128xi32, #tpu.memory_space<vmem>>
      %dma_start3A_468 = tpu.memref_squeeze %dma_start3A_467 : memref<1x128xi32, #tpu.memory_space<vmem>> -> memref<128xi32, #tpu.memory_space<vmem>>
      %dma_start3A_469 = arith.constant 0 : i32
      %dma_start3A_470 = arith.constant 0 : i32
      %dma_start3A_471 = tpu.memref_slice %arg2[%dma_start3A_469, %dma_start3A_470] : memref<10000x128xf32, #tpu.memory_space<hbm>> -> memref<10000x128xf32, #tpu.memory_space<hbm>>
      tpu.enqueue_indirect_dma source(%dma_start3A_471 : memref<10000x128xf32, #tpu.memory_space<hbm>>) target(%arg11 : memref<128x128xf32, #tpu.memory_space<vmem>>) offsets(%dma_start3A_468 : memref<128xi32, #tpu.memory_space<vmem>>) semaphore(%arg14 : memref<!tpu.dma_semaphore, #tpu.memory_space<semaphore_mem>>)
      %dma_wait3A_472 = arith.constant 0 : i32
      %dma_wait3A_473 = arith.constant 0 : i32
      %dma_wait3A_474 = tpu.memref_slice %arg2[%dma_wait3A_472, %dma_wait3A_473] : memref<10000x128xf32, #tpu.memory_space<hbm>> -> memref<128x128xf32, #tpu.memory_space<hbm>>
      %dma_wait3A_475 = arith.constant 0 : i32
      %dma_wait3A_476 = arith.constant 0 : i32
      %dma_wait3A_477 = tpu.memref_slice %arg2[%dma_wait3A_475, %dma_wait3A_476] : memref<10000x128xf32, #tpu.memory_space<hbm>> -> memref<128x128xf32, #tpu.memory_space<hbm>>
      tpu.wait_dma2 semaphore(%arg13 : memref<!tpu.dma_semaphore, #tpu.memory_space<semaphore_mem>>) src(%dma_wait3A_477 : memref<128x128xf32, #tpu.memory_space<hbm>>) dst(%arg10 : memref<128x128xf32, #tpu.memory_space<vmem>>)
      %dma_start3A_478 = arith.constant 0 : i32
      %dma_start3A_479 = tpu.memref_slice %arg9[%add3A_445, %dma_start3A_478] : memref<20x128xi32, #tpu.memory_space<vmem>> -> memref<1x128xi32, #tpu.memory_space<vmem>>
      %dma_start3A_480 = tpu.memref_squeeze %dma_start3A_479 : memref<1x128xi32, #tpu.memory_space<vmem>> -> memref<128xi32, #tpu.memory_space<vmem>>
      %dma_start3A_481 = arith.constant 0 : i32
      %dma_start3A_482 = arith.constant 0 : i32
      %dma_start3A_483 = tpu.memref_slice %arg12[%dma_start3A_481, %dma_start3A_482] : memref<10240x128xf32, #tpu.memory_space<vmem_shared>> -> memref<10240x128xf32, #tpu.memory_space<vmem_shared>>
      tpu.enqueue_indirect_dma source(%arg10 : memref<128x128xf32, #tpu.memory_space<vmem>>) target(%dma_start3A_483 : memref<10240x128xf32, #tpu.memory_space<vmem_shared>>) offsets(%dma_start3A_480 : memref<128xi32, #tpu.memory_space<vmem>>) semaphore(%arg16 : memref<!tpu.dma_semaphore, #tpu.memory_space<semaphore_mem>>) {add = true}
      %dma_wait3A_484 = arith.constant 0 : i32
      %dma_wait3A_485 = arith.constant 0 : i32
      %dma_wait3A_486 = tpu.memref_slice %arg2[%dma_wait3A_484, %dma_wait3A_485] : memref<10000x128xf32, #tpu.memory_space<hbm>> -> memref<128x128xf32, #tpu.memory_space<hbm>>
      %dma_wait3A_487 = arith.constant 0 : i32
      %dma_wait3A_488 = arith.constant 0 : i32
      %dma_wait3A_489 = tpu.memref_slice %arg2[%dma_wait3A_487, %dma_wait3A_488] : memref<10000x128xf32, #tpu.memory_space<hbm>> -> memref<128x128xf32, #tpu.memory_space<hbm>>
      tpu.wait_dma2 semaphore(%arg14 : memref<!tpu.dma_semaphore, #tpu.memory_space<semaphore_mem>>) src(%dma_wait3A_489 : memref<128x128xf32, #tpu.memory_space<hbm>>) dst(%arg11 : memref<128x128xf32, #tpu.memory_space<vmem>>)
      %add3A_490 = arith.constant 1 : i32
      %add3A_491 = arith.addi %add3A_445, %add3A_490 : i32
      %dma_start3A_492 = arith.constant 0 : i32
      %dma_start3A_493 = tpu.memref_slice %arg9[%add3A_491, %dma_start3A_492] : memref<20x128xi32, #tpu.memory_space<vmem>> -> memref<1x128xi32, #tpu.memory_space<vmem>>
      %dma_start3A_494 = tpu.memref_squeeze %dma_start3A_493 : memref<1x128xi32, #tpu.memory_space<vmem>> -> memref<128xi32, #tpu.memory_space<vmem>>
      %dma_start3A_495 = arith.constant 0 : i32
      %dma_start3A_496 = arith.constant 0 : i32
      %dma_start3A_497 = tpu.memref_slice %arg12[%dma_start3A_495, %dma_start3A_496] : memref<10240x128xf32, #tpu.memory_space<vmem_shared>> -> memref<10240x128xf32, #tpu.memory_space<vmem_shared>>
      tpu.enqueue_indirect_dma source(%arg11 : memref<128x128xf32, #tpu.memory_space<vmem>>) target(%dma_start3A_497 : memref<10240x128xf32, #tpu.memory_space<vmem_shared>>) offsets(%dma_start3A_494 : memref<128xi32, #tpu.memory_space<vmem>>) semaphore(%arg17 : memref<!tpu.dma_semaphore, #tpu.memory_space<semaphore_mem>>) {add = true}
    }
    %scan3A_179 = arith.constant 9 : i32
    %dma_wait3A_180 = arith.constant 0 : i32
    %dma_wait3A_181 = arith.constant 0 : i32
    %dma_wait3A_182 = tpu.memref_slice %arg12[%dma_wait3A_180, %dma_wait3A_181] : memref<10240x128xf32, #tpu.memory_space<vmem_shared>> -> memref<128x128xf32, #tpu.memory_space<vmem_shared>>
    %dma_wait3A_183 = arith.constant 0 : i32
    %dma_wait3A_184 = arith.constant 0 : i32
    %dma_wait3A_185 = tpu.memref_slice %arg12[%dma_wait3A_183, %dma_wait3A_184] : memref<10240x128xf32, #tpu.memory_space<vmem_shared>> -> memref<128x128xf32, #tpu.memory_space<vmem_shared>>
    tpu.wait_dma2 semaphore(%arg16 : memref<!tpu.dma_semaphore, #tpu.memory_space<semaphore_mem>>) src(%arg10 : memref<128x128xf32, #tpu.memory_space<vmem>>) dst(%dma_wait3A_185 : memref<128x128xf32, #tpu.memory_space<vmem_shared>>)
    %dma_wait3A_186 = arith.constant 0 : i32
    %dma_wait3A_187 = arith.constant 0 : i32
    %dma_wait3A_188 = tpu.memref_slice %arg12[%dma_wait3A_186, %dma_wait3A_187] : memref<10240x128xf32, #tpu.memory_space<vmem_shared>> -> memref<128x128xf32, #tpu.memory_space<vmem_shared>>
    %dma_wait3A_189 = arith.constant 0 : i32
    %dma_wait3A_190 = arith.constant 0 : i32
    %dma_wait3A_191 = tpu.memref_slice %arg12[%dma_wait3A_189, %dma_wait3A_190] : memref<10240x128xf32, #tpu.memory_space<vmem_shared>> -> memref<128x128xf32, #tpu.memory_space<vmem_shared>>
    tpu.wait_dma2 semaphore(%arg17 : memref<!tpu.dma_semaphore, #tpu.memory_space<semaphore_mem>>) src(%arg10 : memref<128x128xf32, #tpu.memory_space<vmem>>) dst(%dma_wait3A_191 : memref<128x128xf32, #tpu.memory_space<vmem_shared>>)
    %dma_wait3A_192 = arith.constant 2 : i32
    %dma_wait3A_193 = arith.constant 0 : i32
    %dma_wait3A_194 = arith.constant 0 : i32
    %dma_wait3A_195 = tpu.memref_slice %arg3[%add3A, %dma_wait3A_192, %dma_wait3A_193, %dma_wait3A_194] : memref<32x4x20x128xi32, #tpu.memory_space<hbm>> -> memref<1x1x20x128xi32, #tpu.memory_space<hbm>>
    %dma_wait3A_196 = tpu.memref_squeeze %dma_wait3A_195 : memref<1x1x20x128xi32, #tpu.memory_space<hbm>> -> memref<20x128xi32, #tpu.memory_space<hbm>>
    %dma_wait3A_197 = arith.constant 0 : i32
    %dma_wait3A_198 = arith.constant 0 : i32
    %dma_wait3A_199 = tpu.memref_slice %arg3[%add3A, %dma_wait3A_192, %dma_wait3A_197, %dma_wait3A_198] : memref<32x4x20x128xi32, #tpu.memory_space<hbm>> -> memref<1x1x20x128xi32, #tpu.memory_space<hbm>>
    %dma_wait3A_200 = tpu.memref_squeeze %dma_wait3A_199 : memref<1x1x20x128xi32, #tpu.memory_space<hbm>> -> memref<20x128xi32, #tpu.memory_space<hbm>>
    tpu.wait_dma2 semaphore(%arg15 : memref<!tpu.dma_semaphore, #tpu.memory_space<semaphore_mem>>) src(%dma_wait3A_200 : memref<20x128xi32, #tpu.memory_space<hbm>>) dst(%arg6 : memref<20x128xi32, #tpu.memory_space<vmem>>)
    %dma_wait3A_201 = arith.constant 2 : i32
    %dma_wait3A_202 = arith.constant 0 : i32
    %dma_wait3A_203 = arith.constant 0 : i32
    %dma_wait3A_204 = tpu.memref_slice %arg4[%add3A, %dma_wait3A_201, %dma_wait3A_202, %dma_wait3A_203] : memref<32x4x20x128xi32, #tpu.memory_space<hbm>> -> memref<1x1x20x128xi32, #tpu.memory_space<hbm>>
    %dma_wait3A_205 = tpu.memref_squeeze %dma_wait3A_204 : memref<1x1x20x128xi32, #tpu.memory_space<hbm>> -> memref<20x128xi32, #tpu.memory_space<hbm>>
    %dma_wait3A_206 = arith.constant 0 : i32
    %dma_wait3A_207 = arith.constant 0 : i32
    %dma_wait3A_208 = tpu.memref_slice %arg4[%add3A, %dma_wait3A_201, %dma_wait3A_206, %dma_wait3A_207] : memref<32x4x20x128xi32, #tpu.memory_space<hbm>> -> memref<1x1x20x128xi32, #tpu.memory_space<hbm>>
    %dma_wait3A_209 = tpu.memref_squeeze %dma_wait3A_208 : memref<1x1x20x128xi32, #tpu.memory_space<hbm>> -> memref<20x128xi32, #tpu.memory_space<hbm>>
    tpu.wait_dma2 semaphore(%arg15 : memref<!tpu.dma_semaphore, #tpu.memory_space<semaphore_mem>>) src(%dma_wait3A_209 : memref<20x128xi32, #tpu.memory_space<hbm>>) dst(%arg7 : memref<20x128xi32, #tpu.memory_space<vmem>>)
    %dma_start3A_210 = arith.constant 3 : i32
    %dma_start3A_211 = arith.constant 0 : i32
    %dma_start3A_212 = arith.constant 0 : i32
    %dma_start3A_213 = tpu.memref_slice %arg3[%add3A, %dma_start3A_210, %dma_start3A_211, %dma_start3A_212] : memref<32x4x20x128xi32, #tpu.memory_space<hbm>> -> memref<1x1x20x128xi32, #tpu.memory_space<hbm>>
    %dma_start3A_214 = tpu.memref_squeeze %dma_start3A_213 : memref<1x1x20x128xi32, #tpu.memory_space<hbm>> -> memref<20x128xi32, #tpu.memory_space<hbm>>
    %dma_start3A_215 = arith.constant 0 : i32
    %dma_start3A_216 = arith.constant 0 : i32
    %dma_start3A_217 = tpu.memref_slice %arg3[%add3A, %dma_start3A_210, %dma_start3A_215, %dma_start3A_216] : memref<32x4x20x128xi32, #tpu.memory_space<hbm>> -> memref<1x1x20x128xi32, #tpu.memory_space<hbm>>
    %dma_start3A_218 = tpu.memref_squeeze %dma_start3A_217 : memref<1x1x20x128xi32, #tpu.memory_space<hbm>> -> memref<20x128xi32, #tpu.memory_space<hbm>>
    tpu.enqueue_dma source(%dma_start3A_218 : memref<20x128xi32, #tpu.memory_space<hbm>>) target(%arg8 : memref<20x128xi32, #tpu.memory_space<vmem>>) target_semaphore(%arg15 : memref<!tpu.dma_semaphore, #tpu.memory_space<semaphore_mem>>)
    %dma_start3A_219 = arith.constant 3 : i32
    %dma_start3A_220 = arith.constant 0 : i32
    %dma_start3A_221 = arith.constant 0 : i32
    %dma_start3A_222 = tpu.memref_slice %arg4[%add3A, %dma_start3A_219, %dma_start3A_220, %dma_start3A_221] : memref<32x4x20x128xi32, #tpu.memory_space<hbm>> -> memref<1x1x20x128xi32, #tpu.memory_space<hbm>>
    %dma_start3A_223 = tpu.memref_squeeze %dma_start3A_222 : memref<1x1x20x128xi32, #tpu.memory_space<hbm>> -> memref<20x128xi32, #tpu.memory_space<hbm>>
    %dma_start3A_224 = arith.constant 0 : i32
    %dma_start3A_225 = arith.constant 0 : i32
    %dma_start3A_226 = tpu.memref_slice %arg4[%add3A, %dma_start3A_219, %dma_start3A_224, %dma_start3A_225] : memref<32x4x20x128xi32, #tpu.memory_space<hbm>> -> memref<1x1x20x128xi32, #tpu.memory_space<hbm>>
    %dma_start3A_227 = tpu.memref_squeeze %dma_start3A_226 : memref<1x1x20x128xi32, #tpu.memory_space<hbm>> -> memref<20x128xi32, #tpu.memory_space<hbm>>
    tpu.enqueue_dma source(%dma_start3A_227 : memref<20x128xi32, #tpu.memory_space<hbm>>) target(%arg9 : memref<20x128xi32, #tpu.memory_space<vmem>>) target_semaphore(%arg15 : memref<!tpu.dma_semaphore, #tpu.memory_space<semaphore_mem>>)
    %dma_start3A_228 = arith.constant 0 : i32
    %dma_start3A_229 = arith.constant 0 : i32
    %dma_start3A_230 = tpu.memref_slice %arg6[%dma_start3A_228, %dma_start3A_229] : memref<20x128xi32, #tpu.memory_space<vmem>> -> memref<1x128xi32, #tpu.memory_space<vmem>>
    %dma_start3A_231 = tpu.memref_squeeze %dma_start3A_230 : memref<1x128xi32, #tpu.memory_space<vmem>> -> memref<128xi32, #tpu.memory_space<vmem>>
    %dma_start3A_232 = arith.constant 0 : i32
    %dma_start3A_233 = arith.constant 0 : i32
    %dma_start3A_234 = tpu.memref_slice %arg2[%dma_start3A_232, %dma_start3A_233] : memref<10000x128xf32, #tpu.memory_space<hbm>> -> memref<10000x128xf32, #tpu.memory_space<hbm>>
    tpu.enqueue_indirect_dma source(%dma_start3A_234 : memref<10000x128xf32, #tpu.memory_space<hbm>>) target(%arg10 : memref<128x128xf32, #tpu.memory_space<vmem>>) offsets(%dma_start3A_231 : memref<128xi32, #tpu.memory_space<vmem>>) semaphore(%arg13 : memref<!tpu.dma_semaphore, #tpu.memory_space<semaphore_mem>>)
    %dma_start3A_235 = arith.constant 1 : i32
    %dma_start3A_236 = arith.constant 0 : i32
    %dma_start3A_237 = tpu.memref_slice %arg6[%dma_start3A_235, %dma_start3A_236] : memref<20x128xi32, #tpu.memory_space<vmem>> -> memref<1x128xi32, #tpu.memory_space<vmem>>
    %dma_start3A_238 = tpu.memref_squeeze %dma_start3A_237 : memref<1x128xi32, #tpu.memory_space<vmem>> -> memref<128xi32, #tpu.memory_space<vmem>>
    %dma_start3A_239 = arith.constant 0 : i32
    %dma_start3A_240 = arith.constant 0 : i32
    %dma_start3A_241 = tpu.memref_slice %arg2[%dma_start3A_239, %dma_start3A_240] : memref<10000x128xf32, #tpu.memory_space<hbm>> -> memref<10000x128xf32, #tpu.memory_space<hbm>>
    tpu.enqueue_indirect_dma source(%dma_start3A_241 : memref<10000x128xf32, #tpu.memory_space<hbm>>) target(%arg11 : memref<128x128xf32, #tpu.memory_space<vmem>>) offsets(%dma_start3A_238 : memref<128xi32, #tpu.memory_space<vmem>>) semaphore(%arg14 : memref<!tpu.dma_semaphore, #tpu.memory_space<semaphore_mem>>)
    %dma_wait3A_242 = arith.constant 0 : i32
    %dma_wait3A_243 = arith.constant 0 : i32
    %dma_wait3A_244 = tpu.memref_slice %arg2[%dma_wait3A_242, %dma_wait3A_243] : memref<10000x128xf32, #tpu.memory_space<hbm>> -> memref<128x128xf32, #tpu.memory_space<hbm>>
    %dma_wait3A_245 = arith.constant 0 : i32
    %dma_wait3A_246 = arith.constant 0 : i32
    %dma_wait3A_247 = tpu.memref_slice %arg2[%dma_wait3A_245, %dma_wait3A_246] : memref<10000x128xf32, #tpu.memory_space<hbm>> -> memref<128x128xf32, #tpu.memory_space<hbm>>
    tpu.wait_dma2 semaphore(%arg13 : memref<!tpu.dma_semaphore, #tpu.memory_space<semaphore_mem>>) src(%dma_wait3A_247 : memref<128x128xf32, #tpu.memory_space<hbm>>) dst(%arg10 : memref<128x128xf32, #tpu.memory_space<vmem>>)
    %dma_start3A_248 = arith.constant 0 : i32
    %dma_start3A_249 = arith.constant 0 : i32
    %dma_start3A_250 = tpu.memref_slice %arg7[%dma_start3A_248, %dma_start3A_249] : memref<20x128xi32, #tpu.memory_space<vmem>> -> memref<1x128xi32, #tpu.memory_space<vmem>>
    %dma_start3A_251 = tpu.memref_squeeze %dma_start3A_250 : memref<1x128xi32, #tpu.memory_space<vmem>> -> memref<128xi32, #tpu.memory_space<vmem>>
    %dma_start3A_252 = arith.constant 0 : i32
    %dma_start3A_253 = arith.constant 0 : i32
    %dma_start3A_254 = tpu.memref_slice %arg12[%dma_start3A_252, %dma_start3A_253] : memref<10240x128xf32, #tpu.memory_space<vmem_shared>> -> memref<10240x128xf32, #tpu.memory_space<vmem_shared>>
    tpu.enqueue_indirect_dma source(%arg10 : memref<128x128xf32, #tpu.memory_space<vmem>>) target(%dma_start3A_254 : memref<10240x128xf32, #tpu.memory_space<vmem_shared>>) offsets(%dma_start3A_251 : memref<128xi32, #tpu.memory_space<vmem>>) semaphore(%arg16 : memref<!tpu.dma_semaphore, #tpu.memory_space<semaphore_mem>>) {add = true}
    %dma_wait3A_255 = arith.constant 0 : i32
    %dma_wait3A_256 = arith.constant 0 : i32
    %dma_wait3A_257 = tpu.memref_slice %arg2[%dma_wait3A_255, %dma_wait3A_256] : memref<10000x128xf32, #tpu.memory_space<hbm>> -> memref<128x128xf32, #tpu.memory_space<hbm>>
    %dma_wait3A_258 = arith.constant 0 : i32
    %dma_wait3A_259 = arith.constant 0 : i32
    %dma_wait3A_260 = tpu.memref_slice %arg2[%dma_wait3A_258, %dma_wait3A_259] : memref<10000x128xf32, #tpu.memory_space<hbm>> -> memref<128x128xf32, #tpu.memory_space<hbm>>
    tpu.wait_dma2 semaphore(%arg14 : memref<!tpu.dma_semaphore, #tpu.memory_space<semaphore_mem>>) src(%dma_wait3A_260 : memref<128x128xf32, #tpu.memory_space<hbm>>) dst(%arg11 : memref<128x128xf32, #tpu.memory_space<vmem>>)
    %dma_start3A_261 = arith.constant 1 : i32
    %dma_start3A_262 = arith.constant 0 : i32
    %dma_start3A_263 = tpu.memref_slice %arg7[%dma_start3A_261, %dma_start3A_262] : memref<20x128xi32, #tpu.memory_space<vmem>> -> memref<1x128xi32, #tpu.memory_space<vmem>>
    %dma_start3A_264 = tpu.memref_squeeze %dma_start3A_263 : memref<1x128xi32, #tpu.memory_space<vmem>> -> memref<128xi32, #tpu.memory_space<vmem>>
    %dma_start3A_265 = arith.constant 0 : i32
    %dma_start3A_266 = arith.constant 0 : i32
    %dma_start3A_267 = tpu.memref_slice %arg12[%dma_start3A_265, %dma_start3A_266] : memref<10240x128xf32, #tpu.memory_space<vmem_shared>> -> memref<10240x128xf32, #tpu.memory_space<vmem_shared>>
    tpu.enqueue_indirect_dma source(%arg11 : memref<128x128xf32, #tpu.memory_space<vmem>>) target(%dma_start3A_267 : memref<10240x128xf32, #tpu.memory_space<vmem_shared>>) offsets(%dma_start3A_264 : memref<128xi32, #tpu.memory_space<vmem>>) semaphore(%arg17 : memref<!tpu.dma_semaphore, #tpu.memory_space<semaphore_mem>>) {add = true}
    %scan3A_268 = arith.constant 0 : i32
    %scan3A_269 = arith.constant 9 : i32
    %scan3A_270 = arith.addi %scan3A_268, %scan3A_269 : i32
    %scan3A_271 = arith.constant 1 : i32
    scf.for %scan3A_441 = %scan3A_268 to %scan3A_270 step %scan3A_271  : i32 {
      %mul3A_442 = arith.constant 2 : i32
      %mul3A_443 = arith.muli %scan3A_441, %mul3A_442 : i32
      %add3A_444 = arith.constant 2 : i32
      %add3A_445 = arith.addi %add3A_444, %mul3A_443 : i32
      %dma_wait3A_446 = arith.constant 0 : i32
      %dma_wait3A_447 = arith.constant 0 : i32
      %dma_wait3A_448 = tpu.memref_slice %arg12[%dma_wait3A_446, %dma_wait3A_447] : memref<10240x128xf32, #tpu.memory_space<vmem_shared>> -> memref<128x128xf32, #tpu.memory_space<vmem_shared>>
      %dma_wait3A_449 = arith.constant 0 : i32
      %dma_wait3A_450 = arith.constant 0 : i32
      %dma_wait3A_451 = tpu.memref_slice %arg12[%dma_wait3A_449, %dma_wait3A_450] : memref<10240x128xf32, #tpu.memory_space<vmem_shared>> -> memref<128x128xf32, #tpu.memory_space<vmem_shared>>
      tpu.wait_dma2 semaphore(%arg16 : memref<!tpu.dma_semaphore, #tpu.memory_space<semaphore_mem>>) src(%arg10 : memref<128x128xf32, #tpu.memory_space<vmem>>) dst(%dma_wait3A_451 : memref<128x128xf32, #tpu.memory_space<vmem_shared>>)
      %dma_start3A_452 = arith.constant 0 : i32
      %dma_start3A_453 = tpu.memref_slice %arg6[%add3A_445, %dma_start3A_452] : memref<20x128xi32, #tpu.memory_space<vmem>> -> memref<1x128xi32, #tpu.memory_space<vmem>>
      %dma_start3A_454 = tpu.memref_squeeze %dma_start3A_453 : memref<1x128xi32, #tpu.memory_space<vmem>> -> memref<128xi32, #tpu.memory_space<vmem>>
      %dma_start3A_455 = arith.constant 0 : i32
      %dma_start3A_456 = arith.constant 0 : i32
      %dma_start3A_457 = tpu.memref_slice %arg2[%dma_start3A_455, %dma_start3A_456] : memref<10000x128xf32, #tpu.memory_space<hbm>> -> memref<10000x128xf32, #tpu.memory_space<hbm>>
      tpu.enqueue_indirect_dma source(%dma_start3A_457 : memref<10000x128xf32, #tpu.memory_space<hbm>>) target(%arg10 : memref<128x128xf32, #tpu.memory_space<vmem>>) offsets(%dma_start3A_454 : memref<128xi32, #tpu.memory_space<vmem>>) semaphore(%arg13 : memref<!tpu.dma_semaphore, #tpu.memory_space<semaphore_mem>>)
      %dma_wait3A_458 = arith.constant 0 : i32
      %dma_wait3A_459 = arith.constant 0 : i32
      %dma_wait3A_460 = tpu.memref_slice %arg12[%dma_wait3A_458, %dma_wait3A_459] : memref<10240x128xf32, #tpu.memory_space<vmem_shared>> -> memref<128x128xf32, #tpu.memory_space<vmem_shared>>
      %dma_wait3A_461 = arith.constant 0 : i32
      %dma_wait3A_462 = arith.constant 0 : i32
      %dma_wait3A_463 = tpu.memref_slice %arg12[%dma_wait3A_461, %dma_wait3A_462] : memref<10240x128xf32, #tpu.memory_space<vmem_shared>> -> memref<128x128xf32, #tpu.memory_space<vmem_shared>>
      tpu.wait_dma2 semaphore(%arg17 : memref<!tpu.dma_semaphore, #tpu.memory_space<semaphore_mem>>) src(%arg10 : memref<128x128xf32, #tpu.memory_space<vmem>>) dst(%dma_wait3A_463 : memref<128x128xf32, #tpu.memory_space<vmem_shared>>)
      %add3A_464 = arith.constant 1 : i32
      %add3A_465 = arith.addi %add3A_445, %add3A_464 : i32
      %dma_start3A_466 = arith.constant 0 : i32
      %dma_start3A_467 = tpu.memref_slice %arg6[%add3A_465, %dma_start3A_466] : memref<20x128xi32, #tpu.memory_space<vmem>> -> memref<1x128xi32, #tpu.memory_space<vmem>>
      %dma_start3A_468 = tpu.memref_squeeze %dma_start3A_467 : memref<1x128xi32, #tpu.memory_space<vmem>> -> memref<128xi32, #tpu.memory_space<vmem>>
      %dma_start3A_469 = arith.constant 0 : i32
      %dma_start3A_470 = arith.constant 0 : i32
      %dma_start3A_471 = tpu.memref_slice %arg2[%dma_start3A_469, %dma_start3A_470] : memref<10000x128xf32, #tpu.memory_space<hbm>> -> memref<10000x128xf32, #tpu.memory_space<hbm>>
      tpu.enqueue_indirect_dma source(%dma_start3A_471 : memref<10000x128xf32, #tpu.memory_space<hbm>>) target(%arg11 : memref<128x128xf32, #tpu.memory_space<vmem>>) offsets(%dma_start3A_468 : memref<128xi32, #tpu.memory_space<vmem>>) semaphore(%arg14 : memref<!tpu.dma_semaphore, #tpu.memory_space<semaphore_mem>>)
      %dma_wait3A_472 = arith.constant 0 : i32
      %dma_wait3A_473 = arith.constant 0 : i32
      %dma_wait3A_474 = tpu.memref_slice %arg2[%dma_wait3A_472, %dma_wait3A_473] : memref<10000x128xf32, #tpu.memory_space<hbm>> -> memref<128x128xf32, #tpu.memory_space<hbm>>
      %dma_wait3A_475 = arith.constant 0 : i32
      %dma_wait3A_476 = arith.constant 0 : i32
      %dma_wait3A_477 = tpu.memref_slice %arg2[%dma_wait3A_475, %dma_wait3A_476] : memref<10000x128xf32, #tpu.memory_space<hbm>> -> memref<128x128xf32, #tpu.memory_space<hbm>>
      tpu.wait_dma2 semaphore(%arg13 : memref<!tpu.dma_semaphore, #tpu.memory_space<semaphore_mem>>) src(%dma_wait3A_477 : memref<128x128xf32, #tpu.memory_space<hbm>>) dst(%arg10 : memref<128x128xf32, #tpu.memory_space<vmem>>)
      %dma_start3A_478 = arith.constant 0 : i32
      %dma_start3A_479 = tpu.memref_slice %arg7[%add3A_445, %dma_start3A_478] : memref<20x128xi32, #tpu.memory_space<vmem>> -> memref<1x128xi32, #tpu.memory_space<vmem>>
      %dma_start3A_480 = tpu.memref_squeeze %dma_start3A_479 : memref<1x128xi32, #tpu.memory_space<vmem>> -> memref<128xi32, #tpu.memory_space<vmem>>
      %dma_start3A_481 = arith.constant 0 : i32
      %dma_start3A_482 = arith.constant 0 : i32
      %dma_start3A_483 = tpu.memref_slice %arg12[%dma_start3A_481, %dma_start3A_482] : memref<10240x128xf32, #tpu.memory_space<vmem_shared>> -> memref<10240x128xf32, #tpu.memory_space<vmem_shared>>
      tpu.enqueue_indirect_dma source(%arg10 : memref<128x128xf32, #tpu.memory_space<vmem>>) target(%dma_start3A_483 : memref<10240x128xf32, #tpu.memory_space<vmem_shared>>) offsets(%dma_start3A_480 : memref<128xi32, #tpu.memory_space<vmem>>) semaphore(%arg16 : memref<!tpu.dma_semaphore, #tpu.memory_space<semaphore_mem>>) {add = true}
      %dma_wait3A_484 = arith.constant 0 : i32
      %dma_wait3A_485 = arith.constant 0 : i32
      %dma_wait3A_486 = tpu.memref_slice %arg2[%dma_wait3A_484, %dma_wait3A_485] : memref<10000x128xf32, #tpu.memory_space<hbm>> -> memref<128x128xf32, #tpu.memory_space<hbm>>
      %dma_wait3A_487 = arith.constant 0 : i32
      %dma_wait3A_488 = arith.constant 0 : i32
      %dma_wait3A_489 = tpu.memref_slice %arg2[%dma_wait3A_487, %dma_wait3A_488] : memref<10000x128xf32, #tpu.memory_space<hbm>> -> memref<128x128xf32, #tpu.memory_space<hbm>>
      tpu.wait_dma2 semaphore(%arg14 : memref<!tpu.dma_semaphore, #tpu.memory_space<semaphore_mem>>) src(%dma_wait3A_489 : memref<128x128xf32, #tpu.memory_space<hbm>>) dst(%arg11 : memref<128x128xf32, #tpu.memory_space<vmem>>)
      %add3A_490 = arith.constant 1 : i32
      %add3A_491 = arith.addi %add3A_445, %add3A_490 : i32
      %dma_start3A_492 = arith.constant 0 : i32
      %dma_start3A_493 = tpu.memref_slice %arg7[%add3A_491, %dma_start3A_492] : memref<20x128xi32, #tpu.memory_space<vmem>> -> memref<1x128xi32, #tpu.memory_space<vmem>>
      %dma_start3A_494 = tpu.memref_squeeze %dma_start3A_493 : memref<1x128xi32, #tpu.memory_space<vmem>> -> memref<128xi32, #tpu.memory_space<vmem>>
      %dma_start3A_495 = arith.constant 0 : i32
      %dma_start3A_496 = arith.constant 0 : i32
      %dma_start3A_497 = tpu.memref_slice %arg12[%dma_start3A_495, %dma_start3A_496] : memref<10240x128xf32, #tpu.memory_space<vmem_shared>> -> memref<10240x128xf32, #tpu.memory_space<vmem_shared>>
      tpu.enqueue_indirect_dma source(%arg11 : memref<128x128xf32, #tpu.memory_space<vmem>>) target(%dma_start3A_497 : memref<10240x128xf32, #tpu.memory_space<vmem_shared>>) offsets(%dma_start3A_494 : memref<128xi32, #tpu.memory_space<vmem>>) semaphore(%arg17 : memref<!tpu.dma_semaphore, #tpu.memory_space<semaphore_mem>>) {add = true}
    }
    %scan3A_272 = arith.constant 9 : i32
    %dma_wait3A_273 = arith.constant 0 : i32
    %dma_wait3A_274 = arith.constant 0 : i32
    %dma_wait3A_275 = tpu.memref_slice %arg12[%dma_wait3A_273, %dma_wait3A_274] : memref<10240x128xf32, #tpu.memory_space<vmem_shared>> -> memref<128x128xf32, #tpu.memory_space<vmem_shared>>
    %dma_wait3A_276 = arith.constant 0 : i32
    %dma_wait3A_277 = arith.constant 0 : i32
    %dma_wait3A_278 = tpu.memref_slice %arg12[%dma_wait3A_276, %dma_wait3A_277] : memref<10240x128xf32, #tpu.memory_space<vmem_shared>> -> memref<128x128xf32, #tpu.memory_space<vmem_shared>>
    tpu.wait_dma2 semaphore(%arg16 : memref<!tpu.dma_semaphore, #tpu.memory_space<semaphore_mem>>) src(%arg10 : memref<128x128xf32, #tpu.memory_space<vmem>>) dst(%dma_wait3A_278 : memref<128x128xf32, #tpu.memory_space<vmem_shared>>)
    %dma_wait3A_279 = arith.constant 0 : i32
    %dma_wait3A_280 = arith.constant 0 : i32
    %dma_wait3A_281 = tpu.memref_slice %arg12[%dma_wait3A_279, %dma_wait3A_280] : memref<10240x128xf32, #tpu.memory_space<vmem_shared>> -> memref<128x128xf32, #tpu.memory_space<vmem_shared>>
    %dma_wait3A_282 = arith.constant 0 : i32
    %dma_wait3A_283 = arith.constant 0 : i32
    %dma_wait3A_284 = tpu.memref_slice %arg12[%dma_wait3A_282, %dma_wait3A_283] : memref<10240x128xf32, #tpu.memory_space<vmem_shared>> -> memref<128x128xf32, #tpu.memory_space<vmem_shared>>
    tpu.wait_dma2 semaphore(%arg17 : memref<!tpu.dma_semaphore, #tpu.memory_space<semaphore_mem>>) src(%arg10 : memref<128x128xf32, #tpu.memory_space<vmem>>) dst(%dma_wait3A_284 : memref<128x128xf32, #tpu.memory_space<vmem_shared>>)
    %dma_wait3A_285 = arith.constant 3 : i32
    %dma_wait3A_286 = arith.constant 0 : i32
    %dma_wait3A_287 = arith.constant 0 : i32
    %dma_wait3A_288 = tpu.memref_slice %arg3[%add3A, %dma_wait3A_285, %dma_wait3A_286, %dma_wait3A_287] : memref<32x4x20x128xi32, #tpu.memory_space<hbm>> -> memref<1x1x20x128xi32, #tpu.memory_space<hbm>>
    %dma_wait3A_289 = tpu.memref_squeeze %dma_wait3A_288 : memref<1x1x20x128xi32, #tpu.memory_space<hbm>> -> memref<20x128xi32, #tpu.memory_space<hbm>>
    %dma_wait3A_290 = arith.constant 0 : i32
    %dma_wait3A_291 = arith.constant 0 : i32
    %dma_wait3A_292 = tpu.memref_slice %arg3[%add3A, %dma_wait3A_285, %dma_wait3A_290, %dma_wait3A_291] : memref<32x4x20x128xi32, #tpu.memory_space<hbm>> -> memref<1x1x20x128xi32, #tpu.memory_space<hbm>>
    %dma_wait3A_293 = tpu.memref_squeeze %dma_wait3A_292 : memref<1x1x20x128xi32, #tpu.memory_space<hbm>> -> memref<20x128xi32, #tpu.memory_space<hbm>>
    tpu.wait_dma2 semaphore(%arg15 : memref<!tpu.dma_semaphore, #tpu.memory_space<semaphore_mem>>) src(%dma_wait3A_293 : memref<20x128xi32, #tpu.memory_space<hbm>>) dst(%arg8 : memref<20x128xi32, #tpu.memory_space<vmem>>)
    %dma_wait3A_294 = arith.constant 3 : i32
    %dma_wait3A_295 = arith.constant 0 : i32
    %dma_wait3A_296 = arith.constant 0 : i32
    %dma_wait3A_297 = tpu.memref_slice %arg4[%add3A, %dma_wait3A_294, %dma_wait3A_295, %dma_wait3A_296] : memref<32x4x20x128xi32, #tpu.memory_space<hbm>> -> memref<1x1x20x128xi32, #tpu.memory_space<hbm>>
    %dma_wait3A_298 = tpu.memref_squeeze %dma_wait3A_297 : memref<1x1x20x128xi32, #tpu.memory_space<hbm>> -> memref<20x128xi32, #tpu.memory_space<hbm>>
    %dma_wait3A_299 = arith.constant 0 : i32
    %dma_wait3A_300 = arith.constant 0 : i32
    %dma_wait3A_301 = tpu.memref_slice %arg4[%add3A, %dma_wait3A_294, %dma_wait3A_299, %dma_wait3A_300] : memref<32x4x20x128xi32, #tpu.memory_space<hbm>> -> memref<1x1x20x128xi32, #tpu.memory_space<hbm>>
    %dma_wait3A_302 = tpu.memref_squeeze %dma_wait3A_301 : memref<1x1x20x128xi32, #tpu.memory_space<hbm>> -> memref<20x128xi32, #tpu.memory_space<hbm>>
    tpu.wait_dma2 semaphore(%arg15 : memref<!tpu.dma_semaphore, #tpu.memory_space<semaphore_mem>>) src(%dma_wait3A_302 : memref<20x128xi32, #tpu.memory_space<hbm>>) dst(%arg9 : memref<20x128xi32, #tpu.memory_space<vmem>>)
    %dma_start3A_303 = arith.constant 0 : i32
    %dma_start3A_304 = arith.constant 0 : i32
    %dma_start3A_305 = tpu.memref_slice %arg8[%dma_start3A_303, %dma_start3A_304] : memref<20x128xi32, #tpu.memory_space<vmem>> -> memref<1x128xi32, #tpu.memory_space<vmem>>
    %dma_start3A_306 = tpu.memref_squeeze %dma_start3A_305 : memref<1x128xi32, #tpu.memory_space<vmem>> -> memref<128xi32, #tpu.memory_space<vmem>>
    %dma_start3A_307 = arith.constant 0 : i32
    %dma_start3A_308 = arith.constant 0 : i32
    %dma_start3A_309 = tpu.memref_slice %arg2[%dma_start3A_307, %dma_start3A_308] : memref<10000x128xf32, #tpu.memory_space<hbm>> -> memref<10000x128xf32, #tpu.memory_space<hbm>>
    tpu.enqueue_indirect_dma source(%dma_start3A_309 : memref<10000x128xf32, #tpu.memory_space<hbm>>) target(%arg10 : memref<128x128xf32, #tpu.memory_space<vmem>>) offsets(%dma_start3A_306 : memref<128xi32, #tpu.memory_space<vmem>>) semaphore(%arg13 : memref<!tpu.dma_semaphore, #tpu.memory_space<semaphore_mem>>)
    %dma_start3A_310 = arith.constant 1 : i32
    %dma_start3A_311 = arith.constant 0 : i32
    %dma_start3A_312 = tpu.memref_slice %arg8[%dma_start3A_310, %dma_start3A_311] : memref<20x128xi32, #tpu.memory_space<vmem>> -> memref<1x128xi32, #tpu.memory_space<vmem>>
    %dma_start3A_313 = tpu.memref_squeeze %dma_start3A_312 : memref<1x128xi32, #tpu.memory_space<vmem>> -> memref<128xi32, #tpu.memory_space<vmem>>
    %dma_start3A_314 = arith.constant 0 : i32
    %dma_start3A_315 = arith.constant 0 : i32
    %dma_start3A_316 = tpu.memref_slice %arg2[%dma_start3A_314, %dma_start3A_315] : memref<10000x128xf32, #tpu.memory_space<hbm>> -> memref<10000x128xf32, #tpu.memory_space<hbm>>
    tpu.enqueue_indirect_dma source(%dma_start3A_316 : memref<10000x128xf32, #tpu.memory_space<hbm>>) target(%arg11 : memref<128x128xf32, #tpu.memory_space<vmem>>) offsets(%dma_start3A_313 : memref<128xi32, #tpu.memory_space<vmem>>) semaphore(%arg14 : memref<!tpu.dma_semaphore, #tpu.memory_space<semaphore_mem>>)
    %dma_wait3A_317 = arith.constant 0 : i32
    %dma_wait3A_318 = arith.constant 0 : i32
    %dma_wait3A_319 = tpu.memref_slice %arg2[%dma_wait3A_317, %dma_wait3A_318] : memref<10000x128xf32, #tpu.memory_space<hbm>> -> memref<128x128xf32, #tpu.memory_space<hbm>>
    %dma_wait3A_320 = arith.constant 0 : i32
    %dma_wait3A_321 = arith.constant 0 : i32
    %dma_wait3A_322 = tpu.memref_slice %arg2[%dma_wait3A_320, %dma_wait3A_321] : memref<10000x128xf32, #tpu.memory_space<hbm>> -> memref<128x128xf32, #tpu.memory_space<hbm>>
    tpu.wait_dma2 semaphore(%arg13 : memref<!tpu.dma_semaphore, #tpu.memory_space<semaphore_mem>>) src(%dma_wait3A_322 : memref<128x128xf32, #tpu.memory_space<hbm>>) dst(%arg10 : memref<128x128xf32, #tpu.memory_space<vmem>>)
    %dma_start3A_323 = arith.constant 0 : i32
    %dma_start3A_324 = arith.constant 0 : i32
    %dma_start3A_325 = tpu.memref_slice %arg9[%dma_start3A_323, %dma_start3A_324] : memref<20x128xi32, #tpu.memory_space<vmem>> -> memref<1x128xi32, #tpu.memory_space<vmem>>
    %dma_start3A_326 = tpu.memref_squeeze %dma_start3A_325 : memref<1x128xi32, #tpu.memory_space<vmem>> -> memref<128xi32, #tpu.memory_space<vmem>>
    %dma_start3A_327 = arith.constant 0 : i32
    %dma_start3A_328 = arith.constant 0 : i32
    %dma_start3A_329 = tpu.memref_slice %arg12[%dma_start3A_327, %dma_start3A_328] : memref<10240x128xf32, #tpu.memory_space<vmem_shared>> -> memref<10240x128xf32, #tpu.memory_space<vmem_shared>>
    tpu.enqueue_indirect_dma source(%arg10 : memref<128x128xf32, #tpu.memory_space<vmem>>) target(%dma_start3A_329 : memref<10240x128xf32, #tpu.memory_space<vmem_shared>>) offsets(%dma_start3A_326 : memref<128xi32, #tpu.memory_space<vmem>>) semaphore(%arg16 : memref<!tpu.dma_semaphore, #tpu.memory_space<semaphore_mem>>) {add = true}
    %dma_wait3A_330 = arith.constant 0 : i32
    %dma_wait3A_331 = arith.constant 0 : i32
    %dma_wait3A_332 = tpu.memref_slice %arg2[%dma_wait3A_330, %dma_wait3A_331] : memref<10000x128xf32, #tpu.memory_space<hbm>> -> memref<128x128xf32, #tpu.memory_space<hbm>>
    %dma_wait3A_333 = arith.constant 0 : i32
    %dma_wait3A_334 = arith.constant 0 : i32
    %dma_wait3A_335 = tpu.memref_slice %arg2[%dma_wait3A_333, %dma_wait3A_334] : memref<10000x128xf32, #tpu.memory_space<hbm>> -> memref<128x128xf32, #tpu.memory_space<hbm>>
    tpu.wait_dma2 semaphore(%arg14 : memref<!tpu.dma_semaphore, #tpu.memory_space<semaphore_mem>>) src(%dma_wait3A_335 : memref<128x128xf32, #tpu.memory_space<hbm>>) dst(%arg11 : memref<128x128xf32, #tpu.memory_space<vmem>>)
    %dma_start3A_336 = arith.constant 1 : i32
    %dma_start3A_337 = arith.constant 0 : i32
    %dma_start3A_338 = tpu.memref_slice %arg9[%dma_start3A_336, %dma_start3A_337] : memref<20x128xi32, #tpu.memory_space<vmem>> -> memref<1x128xi32, #tpu.memory_space<vmem>>
    %dma_start3A_339 = tpu.memref_squeeze %dma_start3A_338 : memref<1x128xi32, #tpu.memory_space<vmem>> -> memref<128xi32, #tpu.memory_space<vmem>>
    %dma_start3A_340 = arith.constant 0 : i32
    %dma_start3A_341 = arith.constant 0 : i32
    %dma_start3A_342 = tpu.memref_slice %arg12[%dma_start3A_340, %dma_start3A_341] : memref<10240x128xf32, #tpu.memory_space<vmem_shared>> -> memref<10240x128xf32, #tpu.memory_space<vmem_shared>>
    tpu.enqueue_indirect_dma source(%arg11 : memref<128x128xf32, #tpu.memory_space<vmem>>) target(%dma_start3A_342 : memref<10240x128xf32, #tpu.memory_space<vmem_shared>>) offsets(%dma_start3A_339 : memref<128xi32, #tpu.memory_space<vmem>>) semaphore(%arg17 : memref<!tpu.dma_semaphore, #tpu.memory_space<semaphore_mem>>) {add = true}
    %scan3A_343 = arith.constant 0 : i32
    %scan3A_344 = arith.constant 9 : i32
    %scan3A_345 = arith.addi %scan3A_343, %scan3A_344 : i32
    %scan3A_346 = arith.constant 1 : i32
    scf.for %scan3A_441 = %scan3A_343 to %scan3A_345 step %scan3A_346  : i32 {
      %mul3A_442 = arith.constant 2 : i32
      %mul3A_443 = arith.muli %scan3A_441, %mul3A_442 : i32
      %add3A_444 = arith.constant 2 : i32
      %add3A_445 = arith.addi %add3A_444, %mul3A_443 : i32
      %dma_wait3A_446 = arith.constant 0 : i32
      %dma_wait3A_447 = arith.constant 0 : i32
      %dma_wait3A_448 = tpu.memref_slice %arg12[%dma_wait3A_446, %dma_wait3A_447] : memref<10240x128xf32, #tpu.memory_space<vmem_shared>> -> memref<128x128xf32, #tpu.memory_space<vmem_shared>>
      %dma_wait3A_449 = arith.constant 0 : i32
      %dma_wait3A_450 = arith.constant 0 : i32
      %dma_wait3A_451 = tpu.memref_slice %arg12[%dma_wait3A_449, %dma_wait3A_450] : memref<10240x128xf32, #tpu.memory_space<vmem_shared>> -> memref<128x128xf32, #tpu.memory_space<vmem_shared>>
      tpu.wait_dma2 semaphore(%arg16 : memref<!tpu.dma_semaphore, #tpu.memory_space<semaphore_mem>>) src(%arg10 : memref<128x128xf32, #tpu.memory_space<vmem>>) dst(%dma_wait3A_451 : memref<128x128xf32, #tpu.memory_space<vmem_shared>>)
      %dma_start3A_452 = arith.constant 0 : i32
      %dma_start3A_453 = tpu.memref_slice %arg8[%add3A_445, %dma_start3A_452] : memref<20x128xi32, #tpu.memory_space<vmem>> -> memref<1x128xi32, #tpu.memory_space<vmem>>
      %dma_start3A_454 = tpu.memref_squeeze %dma_start3A_453 : memref<1x128xi32, #tpu.memory_space<vmem>> -> memref<128xi32, #tpu.memory_space<vmem>>
      %dma_start3A_455 = arith.constant 0 : i32
      %dma_start3A_456 = arith.constant 0 : i32
      %dma_start3A_457 = tpu.memref_slice %arg2[%dma_start3A_455, %dma_start3A_456] : memref<10000x128xf32, #tpu.memory_space<hbm>> -> memref<10000x128xf32, #tpu.memory_space<hbm>>
      tpu.enqueue_indirect_dma source(%dma_start3A_457 : memref<10000x128xf32, #tpu.memory_space<hbm>>) target(%arg10 : memref<128x128xf32, #tpu.memory_space<vmem>>) offsets(%dma_start3A_454 : memref<128xi32, #tpu.memory_space<vmem>>) semaphore(%arg13 : memref<!tpu.dma_semaphore, #tpu.memory_space<semaphore_mem>>)
      %dma_wait3A_458 = arith.constant 0 : i32
      %dma_wait3A_459 = arith.constant 0 : i32
      %dma_wait3A_460 = tpu.memref_slice %arg12[%dma_wait3A_458, %dma_wait3A_459] : memref<10240x128xf32, #tpu.memory_space<vmem_shared>> -> memref<128x128xf32, #tpu.memory_space<vmem_shared>>
      %dma_wait3A_461 = arith.constant 0 : i32
      %dma_wait3A_462 = arith.constant 0 : i32
      %dma_wait3A_463 = tpu.memref_slice %arg12[%dma_wait3A_461, %dma_wait3A_462] : memref<10240x128xf32, #tpu.memory_space<vmem_shared>> -> memref<128x128xf32, #tpu.memory_space<vmem_shared>>
      tpu.wait_dma2 semaphore(%arg17 : memref<!tpu.dma_semaphore, #tpu.memory_space<semaphore_mem>>) src(%arg10 : memref<128x128xf32, #tpu.memory_space<vmem>>) dst(%dma_wait3A_463 : memref<128x128xf32, #tpu.memory_space<vmem_shared>>)
      %add3A_464 = arith.constant 1 : i32
      %add3A_465 = arith.addi %add3A_445, %add3A_464 : i32
      %dma_start3A_466 = arith.constant 0 : i32
      %dma_start3A_467 = tpu.memref_slice %arg8[%add3A_465, %dma_start3A_466] : memref<20x128xi32, #tpu.memory_space<vmem>> -> memref<1x128xi32, #tpu.memory_space<vmem>>
      %dma_start3A_468 = tpu.memref_squeeze %dma_start3A_467 : memref<1x128xi32, #tpu.memory_space<vmem>> -> memref<128xi32, #tpu.memory_space<vmem>>
      %dma_start3A_469 = arith.constant 0 : i32
      %dma_start3A_470 = arith.constant 0 : i32
      %dma_start3A_471 = tpu.memref_slice %arg2[%dma_start3A_469, %dma_start3A_470] : memref<10000x128xf32, #tpu.memory_space<hbm>> -> memref<10000x128xf32, #tpu.memory_space<hbm>>
      tpu.enqueue_indirect_dma source(%dma_start3A_471 : memref<10000x128xf32, #tpu.memory_space<hbm>>) target(%arg11 : memref<128x128xf32, #tpu.memory_space<vmem>>) offsets(%dma_start3A_468 : memref<128xi32, #tpu.memory_space<vmem>>) semaphore(%arg14 : memref<!tpu.dma_semaphore, #tpu.memory_space<semaphore_mem>>)
      %dma_wait3A_472 = arith.constant 0 : i32
      %dma_wait3A_473 = arith.constant 0 : i32
      %dma_wait3A_474 = tpu.memref_slice %arg2[%dma_wait3A_472, %dma_wait3A_473] : memref<10000x128xf32, #tpu.memory_space<hbm>> -> memref<128x128xf32, #tpu.memory_space<hbm>>
      %dma_wait3A_475 = arith.constant 0 : i32
      %dma_wait3A_476 = arith.constant 0 : i32
      %dma_wait3A_477 = tpu.memref_slice %arg2[%dma_wait3A_475, %dma_wait3A_476] : memref<10000x128xf32, #tpu.memory_space<hbm>> -> memref<128x128xf32, #tpu.memory_space<hbm>>
      tpu.wait_dma2 semaphore(%arg13 : memref<!tpu.dma_semaphore, #tpu.memory_space<semaphore_mem>>) src(%dma_wait3A_477 : memref<128x128xf32, #tpu.memory_space<hbm>>) dst(%arg10 : memref<128x128xf32, #tpu.memory_space<vmem>>)
      %dma_start3A_478 = arith.constant 0 : i32
      %dma_start3A_479 = tpu.memref_slice %arg9[%add3A_445, %dma_start3A_478] : memref<20x128xi32, #tpu.memory_space<vmem>> -> memref<1x128xi32, #tpu.memory_space<vmem>>
      %dma_start3A_480 = tpu.memref_squeeze %dma_start3A_479 : memref<1x128xi32, #tpu.memory_space<vmem>> -> memref<128xi32, #tpu.memory_space<vmem>>
      %dma_start3A_481 = arith.constant 0 : i32
      %dma_start3A_482 = arith.constant 0 : i32
      %dma_start3A_483 = tpu.memref_slice %arg12[%dma_start3A_481, %dma_start3A_482] : memref<10240x128xf32, #tpu.memory_space<vmem_shared>> -> memref<10240x128xf32, #tpu.memory_space<vmem_shared>>
      tpu.enqueue_indirect_dma source(%arg10 : memref<128x128xf32, #tpu.memory_space<vmem>>) target(%dma_start3A_483 : memref<10240x128xf32, #tpu.memory_space<vmem_shared>>) offsets(%dma_start3A_480 : memref<128xi32, #tpu.memory_space<vmem>>) semaphore(%arg16 : memref<!tpu.dma_semaphore, #tpu.memory_space<semaphore_mem>>) {add = true}
      %dma_wait3A_484 = arith.constant 0 : i32
      %dma_wait3A_485 = arith.constant 0 : i32
      %dma_wait3A_486 = tpu.memref_slice %arg2[%dma_wait3A_484, %dma_wait3A_485] : memref<10000x128xf32, #tpu.memory_space<hbm>> -> memref<128x128xf32, #tpu.memory_space<hbm>>
      %dma_wait3A_487 = arith.constant 0 : i32
      %dma_wait3A_488 = arith.constant 0 : i32
      %dma_wait3A_489 = tpu.memref_slice %arg2[%dma_wait3A_487, %dma_wait3A_488] : memref<10000x128xf32, #tpu.memory_space<hbm>> -> memref<128x128xf32, #tpu.memory_space<hbm>>
      tpu.wait_dma2 semaphore(%arg14 : memref<!tpu.dma_semaphore, #tpu.memory_space<semaphore_mem>>) src(%dma_wait3A_489 : memref<128x128xf32, #tpu.memory_space<hbm>>) dst(%arg11 : memref<128x128xf32, #tpu.memory_space<vmem>>)
      %add3A_490 = arith.constant 1 : i32
      %add3A_491 = arith.addi %add3A_445, %add3A_490 : i32
      %dma_start3A_492 = arith.constant 0 : i32
      %dma_start3A_493 = tpu.memref_slice %arg9[%add3A_491, %dma_start3A_492] : memref<20x128xi32, #tpu.memory_space<vmem>> -> memref<1x128xi32, #tpu.memory_space<vmem>>
      %dma_start3A_494 = tpu.memref_squeeze %dma_start3A_493 : memref<1x128xi32, #tpu.memory_space<vmem>> -> memref<128xi32, #tpu.memory_space<vmem>>
      %dma_start3A_495 = arith.constant 0 : i32
      %dma_start3A_496 = arith.constant 0 : i32
      %dma_start3A_497 = tpu.memref_slice %arg12[%dma_start3A_495, %dma_start3A_496] : memref<10240x128xf32, #tpu.memory_space<vmem_shared>> -> memref<10240x128xf32, #tpu.memory_space<vmem_shared>>
      tpu.enqueue_indirect_dma source(%arg11 : memref<128x128xf32, #tpu.memory_space<vmem>>) target(%dma_start3A_497 : memref<10240x128xf32, #tpu.memory_space<vmem_shared>>) offsets(%dma_start3A_494 : memref<128xi32, #tpu.memory_space<vmem>>) semaphore(%arg17 : memref<!tpu.dma_semaphore, #tpu.memory_space<semaphore_mem>>) {add = true}
    }
    %scan3A_347 = arith.constant 9 : i32
    %dma_wait3A_348 = arith.constant 0 : i32
    %dma_wait3A_349 = arith.constant 0 : i32
    %dma_wait3A_350 = tpu.memref_slice %arg12[%dma_wait3A_348, %dma_wait3A_349] : memref<10240x128xf32, #tpu.memory_space<vmem_shared>> -> memref<128x128xf32, #tpu.memory_space<vmem_shared>>
    %dma_wait3A_351 = arith.constant 0 : i32
    %dma_wait3A_352 = arith.constant 0 : i32
    %dma_wait3A_353 = tpu.memref_slice %arg12[%dma_wait3A_351, %dma_wait3A_352] : memref<10240x128xf32, #tpu.memory_space<vmem_shared>> -> memref<128x128xf32, #tpu.memory_space<vmem_shared>>
    tpu.wait_dma2 semaphore(%arg16 : memref<!tpu.dma_semaphore, #tpu.memory_space<semaphore_mem>>) src(%arg10 : memref<128x128xf32, #tpu.memory_space<vmem>>) dst(%dma_wait3A_353 : memref<128x128xf32, #tpu.memory_space<vmem_shared>>)
    %dma_wait3A_354 = arith.constant 0 : i32
    %dma_wait3A_355 = arith.constant 0 : i32
    %dma_wait3A_356 = tpu.memref_slice %arg12[%dma_wait3A_354, %dma_wait3A_355] : memref<10240x128xf32, #tpu.memory_space<vmem_shared>> -> memref<128x128xf32, #tpu.memory_space<vmem_shared>>
    %dma_wait3A_357 = arith.constant 0 : i32
    %dma_wait3A_358 = arith.constant 0 : i32
    %dma_wait3A_359 = tpu.memref_slice %arg12[%dma_wait3A_357, %dma_wait3A_358] : memref<10240x128xf32, #tpu.memory_space<vmem_shared>> -> memref<128x128xf32, #tpu.memory_space<vmem_shared>>
    tpu.wait_dma2 semaphore(%arg17 : memref<!tpu.dma_semaphore, #tpu.memory_space<semaphore_mem>>) src(%arg10 : memref<128x128xf32, #tpu.memory_space<vmem>>) dst(%dma_wait3A_359 : memref<128x128xf32, #tpu.memory_space<vmem_shared>>)
    %barrier3A_360 = arith.constant 0 : index
    tpu.barrier barrier_id(%barrier3A_360)
    %mul3A_361 = arith.constant 640 : i32
    %mul3A_362 = arith.muli %arg1, %mul3A_361 : i32
    %add3A_363 = arith.constant 0 : i32
    %add3A_364 = arith.addi %mul3A_362, %add3A_363 : i32
    "tpu.region"() ({
      %run_scoped3A_441 = tpu.sem_alloc : memref<!tpu.dma_semaphore, #tpu.memory_space<semaphore_mem>>
      %dma_start3A_442 = arith.constant 0 : i32
      %dma_start3A_443 = tpu.memref_slice %arg12[%add3A_364, %dma_start3A_442] : memref<10240x128xf32, #tpu.memory_space<vmem_shared>> -> memref<128x128xf32, #tpu.memory_space<vmem_shared>>
      %dma_start3A_444 = arith.constant 0 : i32
      %dma_start3A_445 = tpu.memref_slice %arg12[%add3A_364, %dma_start3A_444] : memref<10240x128xf32, #tpu.memory_space<vmem_shared>> -> memref<128x128xf32, #tpu.memory_space<vmem_shared>>
      tpu.enqueue_dma source(%dma_start3A_445 : memref<128x128xf32, #tpu.memory_space<vmem_shared>>) target(%arg10 : memref<128x128xf32, #tpu.memory_space<vmem>>) target_semaphore(%run_scoped3A_441 : memref<!tpu.dma_semaphore, #tpu.memory_space<semaphore_mem>>)
      %dma_wait3A_446 = arith.constant 0 : i32
      %dma_wait3A_447 = tpu.memref_slice %arg12[%add3A_364, %dma_wait3A_446] : memref<10240x128xf32, #tpu.memory_space<vmem_shared>> -> memref<128x128xf32, #tpu.memory_space<vmem_shared>>
      %dma_wait3A_448 = arith.constant 0 : i32
      %dma_wait3A_449 = tpu.memref_slice %arg12[%add3A_364, %dma_wait3A_448] : memref<10240x128xf32, #tpu.memory_space<vmem_shared>> -> memref<128x128xf32, #tpu.memory_space<vmem_shared>>
      tpu.wait_dma2 semaphore(%run_scoped3A_441 : memref<!tpu.dma_semaphore, #tpu.memory_space<semaphore_mem>>) src(%dma_wait3A_449 : memref<128x128xf32, #tpu.memory_space<vmem_shared>>) dst(%arg10 : memref<128x128xf32, #tpu.memory_space<vmem>>)
      tpu.yield
    }) : () -> ()
    %dma_start3A_365 = arith.constant 0 : i32
    %dma_start3A_366 = tpu.memref_slice %arg5[%arg0, %add3A_364, %dma_start3A_365] : memref<2x10240x128xf32, #tpu.memory_space<hbm>> -> memref<1x128x128xf32, #tpu.memory_space<hbm>>
    %dma_start3A_367 = tpu.memref_squeeze %dma_start3A_366 : memref<1x128x128xf32, #tpu.memory_space<hbm>> -> memref<128x128xf32, #tpu.memory_space<hbm>>
    %dma_start3A_368 = arith.constant 0 : i32
    %dma_start3A_369 = tpu.memref_slice %arg5[%arg0, %add3A_364, %dma_start3A_368] : memref<2x10240x128xf32, #tpu.memory_space<hbm>> -> memref<1x128x128xf32, #tpu.memory_space<hbm>>
    %dma_start3A_370 = tpu.memref_squeeze %dma_start3A_369 : memref<1x128x128xf32, #tpu.memory_space<hbm>> -> memref<128x128xf32, #tpu.memory_space<hbm>>
    tpu.enqueue_dma source(%arg10 : memref<128x128xf32, #tpu.memory_space<vmem>>) target(%dma_start3A_370 : memref<128x128xf32, #tpu.memory_space<hbm>>) target_semaphore(%arg13 : memref<!tpu.dma_semaphore, #tpu.memory_space<semaphore_mem>>)
    %mul3A_371 = arith.constant 640 : i32
    %mul3A_372 = arith.muli %arg1, %mul3A_371 : i32
    %add3A_373 = arith.constant 128 : i32
    %add3A_374 = arith.addi %mul3A_372, %add3A_373 : i32
    "tpu.region"() ({
      %run_scoped3A_441 = tpu.sem_alloc : memref<!tpu.dma_semaphore, #tpu.memory_space<semaphore_mem>>
      %dma_start3A_442 = arith.constant 0 : i32
      %dma_start3A_443 = tpu.memref_slice %arg12[%add3A_374, %dma_start3A_442] : memref<10240x128xf32, #tpu.memory_space<vmem_shared>> -> memref<128x128xf32, #tpu.memory_space<vmem_shared>>
      %dma_start3A_444 = arith.constant 0 : i32
      %dma_start3A_445 = tpu.memref_slice %arg12[%add3A_374, %dma_start3A_444] : memref<10240x128xf32, #tpu.memory_space<vmem_shared>> -> memref<128x128xf32, #tpu.memory_space<vmem_shared>>
      tpu.enqueue_dma source(%dma_start3A_445 : memref<128x128xf32, #tpu.memory_space<vmem_shared>>) target(%arg11 : memref<128x128xf32, #tpu.memory_space<vmem>>) target_semaphore(%run_scoped3A_441 : memref<!tpu.dma_semaphore, #tpu.memory_space<semaphore_mem>>)
      %dma_wait3A_446 = arith.constant 0 : i32
      %dma_wait3A_447 = tpu.memref_slice %arg12[%add3A_374, %dma_wait3A_446] : memref<10240x128xf32, #tpu.memory_space<vmem_shared>> -> memref<128x128xf32, #tpu.memory_space<vmem_shared>>
      %dma_wait3A_448 = arith.constant 0 : i32
      %dma_wait3A_449 = tpu.memref_slice %arg12[%add3A_374, %dma_wait3A_448] : memref<10240x128xf32, #tpu.memory_space<vmem_shared>> -> memref<128x128xf32, #tpu.memory_space<vmem_shared>>
      tpu.wait_dma2 semaphore(%run_scoped3A_441 : memref<!tpu.dma_semaphore, #tpu.memory_space<semaphore_mem>>) src(%dma_wait3A_449 : memref<128x128xf32, #tpu.memory_space<vmem_shared>>) dst(%arg11 : memref<128x128xf32, #tpu.memory_space<vmem>>)
      tpu.yield
    }) : () -> ()
    %dma_start3A_375 = arith.constant 0 : i32
    %dma_start3A_376 = tpu.memref_slice %arg5[%arg0, %add3A_374, %dma_start3A_375] : memref<2x10240x128xf32, #tpu.memory_space<hbm>> -> memref<1x128x128xf32, #tpu.memory_space<hbm>>
    %dma_start3A_377 = tpu.memref_squeeze %dma_start3A_376 : memref<1x128x128xf32, #tpu.memory_space<hbm>> -> memref<128x128xf32, #tpu.memory_space<hbm>>
    %dma_start3A_378 = arith.constant 0 : i32
    %dma_start3A_379 = tpu.memref_slice %arg5[%arg0, %add3A_374, %dma_start3A_378] : memref<2x10240x128xf32, #tpu.memory_space<hbm>> -> memref<1x128x128xf32, #tpu.memory_space<hbm>>
    %dma_start3A_380 = tpu.memref_squeeze %dma_start3A_379 : memref<1x128x128xf32, #tpu.memory_space<hbm>> -> memref<128x128xf32, #tpu.memory_space<hbm>>
    tpu.enqueue_dma source(%arg11 : memref<128x128xf32, #tpu.memory_space<vmem>>) target(%dma_start3A_380 : memref<128x128xf32, #tpu.memory_space<hbm>>) target_semaphore(%arg14 : memref<!tpu.dma_semaphore, #tpu.memory_space<semaphore_mem>>)
    %dma_wait3A_381 = arith.constant 0 : i32
    %dma_wait3A_382 = tpu.memref_slice %arg5[%arg0, %add3A_364, %dma_wait3A_381] : memref<2x10240x128xf32, #tpu.memory_space<hbm>> -> memref<1x128x128xf32, #tpu.memory_space<hbm>>
    %dma_wait3A_383 = tpu.memref_squeeze %dma_wait3A_382 : memref<1x128x128xf32, #tpu.memory_space<hbm>> -> memref<128x128xf32, #tpu.memory_space<hbm>>
    %dma_wait3A_384 = arith.constant 0 : i32
    %dma_wait3A_385 = tpu.memref_slice %arg5[%arg0, %add3A_364, %dma_wait3A_384] : memref<2x10240x128xf32, #tpu.memory_space<hbm>> -> memref<1x128x128xf32, #tpu.memory_space<hbm>>
    %dma_wait3A_386 = tpu.memref_squeeze %dma_wait3A_385 : memref<1x128x128xf32, #tpu.memory_space<hbm>> -> memref<128x128xf32, #tpu.memory_space<hbm>>
    tpu.wait_dma2 semaphore(%arg13 : memref<!tpu.dma_semaphore, #tpu.memory_space<semaphore_mem>>) src(%arg10 : memref<128x128xf32, #tpu.memory_space<vmem>>) dst(%dma_wait3A_386 : memref<128x128xf32, #tpu.memory_space<hbm>>)
    %mul3A_387 = arith.constant 640 : i32
    %mul3A_388 = arith.muli %arg1, %mul3A_387 : i32
    %add3A_389 = arith.constant 256 : i32
    %add3A_390 = arith.addi %mul3A_388, %add3A_389 : i32
    "tpu.region"() ({
      %run_scoped3A_441 = tpu.sem_alloc : memref<!tpu.dma_semaphore, #tpu.memory_space<semaphore_mem>>
      %dma_start3A_442 = arith.constant 0 : i32
      %dma_start3A_443 = tpu.memref_slice %arg12[%add3A_390, %dma_start3A_442] : memref<10240x128xf32, #tpu.memory_space<vmem_shared>> -> memref<128x128xf32, #tpu.memory_space<vmem_shared>>
      %dma_start3A_444 = arith.constant 0 : i32
      %dma_start3A_445 = tpu.memref_slice %arg12[%add3A_390, %dma_start3A_444] : memref<10240x128xf32, #tpu.memory_space<vmem_shared>> -> memref<128x128xf32, #tpu.memory_space<vmem_shared>>
      tpu.enqueue_dma source(%dma_start3A_445 : memref<128x128xf32, #tpu.memory_space<vmem_shared>>) target(%arg10 : memref<128x128xf32, #tpu.memory_space<vmem>>) target_semaphore(%run_scoped3A_441 : memref<!tpu.dma_semaphore, #tpu.memory_space<semaphore_mem>>)
      %dma_wait3A_446 = arith.constant 0 : i32
      %dma_wait3A_447 = tpu.memref_slice %arg12[%add3A_390, %dma_wait3A_446] : memref<10240x128xf32, #tpu.memory_space<vmem_shared>> -> memref<128x128xf32, #tpu.memory_space<vmem_shared>>
      %dma_wait3A_448 = arith.constant 0 : i32
      %dma_wait3A_449 = tpu.memref_slice %arg12[%add3A_390, %dma_wait3A_448] : memref<10240x128xf32, #tpu.memory_space<vmem_shared>> -> memref<128x128xf32, #tpu.memory_space<vmem_shared>>
      tpu.wait_dma2 semaphore(%run_scoped3A_441 : memref<!tpu.dma_semaphore, #tpu.memory_space<semaphore_mem>>) src(%dma_wait3A_449 : memref<128x128xf32, #tpu.memory_space<vmem_shared>>) dst(%arg10 : memref<128x128xf32, #tpu.memory_space<vmem>>)
      tpu.yield
    }) : () -> ()
    %dma_start3A_391 = arith.constant 0 : i32
    %dma_start3A_392 = tpu.memref_slice %arg5[%arg0, %add3A_390, %dma_start3A_391] : memref<2x10240x128xf32, #tpu.memory_space<hbm>> -> memref<1x128x128xf32, #tpu.memory_space<hbm>>
    %dma_start3A_393 = tpu.memref_squeeze %dma_start3A_392 : memref<1x128x128xf32, #tpu.memory_space<hbm>> -> memref<128x128xf32, #tpu.memory_space<hbm>>
    %dma_start3A_394 = arith.constant 0 : i32
    %dma_start3A_395 = tpu.memref_slice %arg5[%arg0, %add3A_390, %dma_start3A_394] : memref<2x10240x128xf32, #tpu.memory_space<hbm>> -> memref<1x128x128xf32, #tpu.memory_space<hbm>>
    %dma_start3A_396 = tpu.memref_squeeze %dma_start3A_395 : memref<1x128x128xf32, #tpu.memory_space<hbm>> -> memref<128x128xf32, #tpu.memory_space<hbm>>
    tpu.enqueue_dma source(%arg10 : memref<128x128xf32, #tpu.memory_space<vmem>>) target(%dma_start3A_396 : memref<128x128xf32, #tpu.memory_space<hbm>>) target_semaphore(%arg13 : memref<!tpu.dma_semaphore, #tpu.memory_space<semaphore_mem>>)
    %dma_wait3A_397 = arith.constant 0 : i32
    %dma_wait3A_398 = tpu.memref_slice %arg5[%arg0, %add3A_374, %dma_wait3A_397] : memref<2x10240x128xf32, #tpu.memory_space<hbm>> -> memref<1x128x128xf32, #tpu.memory_space<hbm>>
    %dma_wait3A_399 = tpu.memref_squeeze %dma_wait3A_398 : memref<1x128x128xf32, #tpu.memory_space<hbm>> -> memref<128x128xf32, #tpu.memory_space<hbm>>
    %dma_wait3A_400 = arith.constant 0 : i32
    %dma_wait3A_401 = tpu.memref_slice %arg5[%arg0, %add3A_374, %dma_wait3A_400] : memref<2x10240x128xf32, #tpu.memory_space<hbm>> -> memref<1x128x128xf32, #tpu.memory_space<hbm>>
    %dma_wait3A_402 = tpu.memref_squeeze %dma_wait3A_401 : memref<1x128x128xf32, #tpu.memory_space<hbm>> -> memref<128x128xf32, #tpu.memory_space<hbm>>
    tpu.wait_dma2 semaphore(%arg14 : memref<!tpu.dma_semaphore, #tpu.memory_space<semaphore_mem>>) src(%arg11 : memref<128x128xf32, #tpu.memory_space<vmem>>) dst(%dma_wait3A_402 : memref<128x128xf32, #tpu.memory_space<hbm>>)
    %mul3A_403 = arith.constant 640 : i32
    %mul3A_404 = arith.muli %arg1, %mul3A_403 : i32
    %add3A_405 = arith.constant 384 : i32
    %add3A_406 = arith.addi %mul3A_404, %add3A_405 : i32
    "tpu.region"() ({
      %run_scoped3A_441 = tpu.sem_alloc : memref<!tpu.dma_semaphore, #tpu.memory_space<semaphore_mem>>
      %dma_start3A_442 = arith.constant 0 : i32
      %dma_start3A_443 = tpu.memref_slice %arg12[%add3A_406, %dma_start3A_442] : memref<10240x128xf32, #tpu.memory_space<vmem_shared>> -> memref<128x128xf32, #tpu.memory_space<vmem_shared>>
      %dma_start3A_444 = arith.constant 0 : i32
      %dma_start3A_445 = tpu.memref_slice %arg12[%add3A_406, %dma_start3A_444] : memref<10240x128xf32, #tpu.memory_space<vmem_shared>> -> memref<128x128xf32, #tpu.memory_space<vmem_shared>>
      tpu.enqueue_dma source(%dma_start3A_445 : memref<128x128xf32, #tpu.memory_space<vmem_shared>>) target(%arg11 : memref<128x128xf32, #tpu.memory_space<vmem>>) target_semaphore(%run_scoped3A_441 : memref<!tpu.dma_semaphore, #tpu.memory_space<semaphore_mem>>)
      %dma_wait3A_446 = arith.constant 0 : i32
      %dma_wait3A_447 = tpu.memref_slice %arg12[%add3A_406, %dma_wait3A_446] : memref<10240x128xf32, #tpu.memory_space<vmem_shared>> -> memref<128x128xf32, #tpu.memory_space<vmem_shared>>
      %dma_wait3A_448 = arith.constant 0 : i32
      %dma_wait3A_449 = tpu.memref_slice %arg12[%add3A_406, %dma_wait3A_448] : memref<10240x128xf32, #tpu.memory_space<vmem_shared>> -> memref<128x128xf32, #tpu.memory_space<vmem_shared>>
      tpu.wait_dma2 semaphore(%run_scoped3A_441 : memref<!tpu.dma_semaphore, #tpu.memory_space<semaphore_mem>>) src(%dma_wait3A_449 : memref<128x128xf32, #tpu.memory_space<vmem_shared>>) dst(%arg11 : memref<128x128xf32, #tpu.memory_space<vmem>>)
      tpu.yield
    }) : () -> ()
    %dma_start3A_407 = arith.constant 0 : i32
    %dma_start3A_408 = tpu.memref_slice %arg5[%arg0, %add3A_406, %dma_start3A_407] : memref<2x10240x128xf32, #tpu.memory_space<hbm>> -> memref<1x128x128xf32, #tpu.memory_space<hbm>>
    %dma_start3A_409 = tpu.memref_squeeze %dma_start3A_408 : memref<1x128x128xf32, #tpu.memory_space<hbm>> -> memref<128x128xf32, #tpu.memory_space<hbm>>
    %dma_start3A_410 = arith.constant 0 : i32
    %dma_start3A_411 = tpu.memref_slice %arg5[%arg0, %add3A_406, %dma_start3A_410] : memref<2x10240x128xf32, #tpu.memory_space<hbm>> -> memref<1x128x128xf32, #tpu.memory_space<hbm>>
    %dma_start3A_412 = tpu.memref_squeeze %dma_start3A_411 : memref<1x128x128xf32, #tpu.memory_space<hbm>> -> memref<128x128xf32, #tpu.memory_space<hbm>>
    tpu.enqueue_dma source(%arg11 : memref<128x128xf32, #tpu.memory_space<vmem>>) target(%dma_start3A_412 : memref<128x128xf32, #tpu.memory_space<hbm>>) target_semaphore(%arg14 : memref<!tpu.dma_semaphore, #tpu.memory_space<semaphore_mem>>)
    %dma_wait3A_413 = arith.constant 0 : i32
    %dma_wait3A_414 = tpu.memref_slice %arg5[%arg0, %add3A_390, %dma_wait3A_413] : memref<2x10240x128xf32, #tpu.memory_space<hbm>> -> memref<1x128x128xf32, #tpu.memory_space<hbm>>
    %dma_wait3A_415 = tpu.memref_squeeze %dma_wait3A_414 : memref<1x128x128xf32, #tpu.memory_space<hbm>> -> memref<128x128xf32, #tpu.memory_space<hbm>>
    %dma_wait3A_416 = arith.constant 0 : i32
    %dma_wait3A_417 = tpu.memref_slice %arg5[%arg0, %add3A_390, %dma_wait3A_416] : memref<2x10240x128xf32, #tpu.memory_space<hbm>> -> memref<1x128x128xf32, #tpu.memory_space<hbm>>
    %dma_wait3A_418 = tpu.memref_squeeze %dma_wait3A_417 : memref<1x128x128xf32, #tpu.memory_space<hbm>> -> memref<128x128xf32, #tpu.memory_space<hbm>>
    tpu.wait_dma2 semaphore(%arg13 : memref<!tpu.dma_semaphore, #tpu.memory_space<semaphore_mem>>) src(%arg10 : memref<128x128xf32, #tpu.memory_space<vmem>>) dst(%dma_wait3A_418 : memref<128x128xf32, #tpu.memory_space<hbm>>)
    %mul3A_419 = arith.constant 640 : i32
    %mul3A_420 = arith.muli %arg1, %mul3A_419 : i32
    %add3A_421 = arith.constant 512 : i32
    %add3A_422 = arith.addi %mul3A_420, %add3A_421 : i32
    "tpu.region"() ({
      %run_scoped3A_441 = tpu.sem_alloc : memref<!tpu.dma_semaphore, #tpu.memory_space<semaphore_mem>>
      %dma_start3A_442 = arith.constant 0 : i32
      %dma_start3A_443 = tpu.memref_slice %arg12[%add3A_422, %dma_start3A_442] : memref<10240x128xf32, #tpu.memory_space<vmem_shared>> -> memref<128x128xf32, #tpu.memory_space<vmem_shared>>
      %dma_start3A_444 = arith.constant 0 : i32
      %dma_start3A_445 = tpu.memref_slice %arg12[%add3A_422, %dma_start3A_444] : memref<10240x128xf32, #tpu.memory_space<vmem_shared>> -> memref<128x128xf32, #tpu.memory_space<vmem_shared>>
      tpu.enqueue_dma source(%dma_start3A_445 : memref<128x128xf32, #tpu.memory_space<vmem_shared>>) target(%arg10 : memref<128x128xf32, #tpu.memory_space<vmem>>) target_semaphore(%run_scoped3A_441 : memref<!tpu.dma_semaphore, #tpu.memory_space<semaphore_mem>>)
      %dma_wait3A_446 = arith.constant 0 : i32
      %dma_wait3A_447 = tpu.memref_slice %arg12[%add3A_422, %dma_wait3A_446] : memref<10240x128xf32, #tpu.memory_space<vmem_shared>> -> memref<128x128xf32, #tpu.memory_space<vmem_shared>>
      %dma_wait3A_448 = arith.constant 0 : i32
      %dma_wait3A_449 = tpu.memref_slice %arg12[%add3A_422, %dma_wait3A_448] : memref<10240x128xf32, #tpu.memory_space<vmem_shared>> -> memref<128x128xf32, #tpu.memory_space<vmem_shared>>
      tpu.wait_dma2 semaphore(%run_scoped3A_441 : memref<!tpu.dma_semaphore, #tpu.memory_space<semaphore_mem>>) src(%dma_wait3A_449 : memref<128x128xf32, #tpu.memory_space<vmem_shared>>) dst(%arg10 : memref<128x128xf32, #tpu.memory_space<vmem>>)
      tpu.yield
    }) : () -> ()
    %dma_start3A_423 = arith.constant 0 : i32
    %dma_start3A_424 = tpu.memref_slice %arg5[%arg0, %add3A_422, %dma_start3A_423] : memref<2x10240x128xf32, #tpu.memory_space<hbm>> -> memref<1x128x128xf32, #tpu.memory_space<hbm>>
    %dma_start3A_425 = tpu.memref_squeeze %dma_start3A_424 : memref<1x128x128xf32, #tpu.memory_space<hbm>> -> memref<128x128xf32, #tpu.memory_space<hbm>>
    %dma_start3A_426 = arith.constant 0 : i32
    %dma_start3A_427 = tpu.memref_slice %arg5[%arg0, %add3A_422, %dma_start3A_426] : memref<2x10240x128xf32, #tpu.memory_space<hbm>> -> memref<1x128x128xf32, #tpu.memory_space<hbm>>
    %dma_start3A_428 = tpu.memref_squeeze %dma_start3A_427 : memref<1x128x128xf32, #tpu.memory_space<hbm>> -> memref<128x128xf32, #tpu.memory_space<hbm>>
    tpu.enqueue_dma source(%arg10 : memref<128x128xf32, #tpu.memory_space<vmem>>) target(%dma_start3A_428 : memref<128x128xf32, #tpu.memory_space<hbm>>) target_semaphore(%arg13 : memref<!tpu.dma_semaphore, #tpu.memory_space<semaphore_mem>>)
    %dma_wait3A_429 = arith.constant 0 : i32
    %dma_wait3A_430 = tpu.memref_slice %arg5[%arg0, %add3A_422, %dma_wait3A_429] : memref<2x10240x128xf32, #tpu.memory_space<hbm>> -> memref<1x128x128xf32, #tpu.memory_space<hbm>>
    %dma_wait3A_431 = tpu.memref_squeeze %dma_wait3A_430 : memref<1x128x128xf32, #tpu.memory_space<hbm>> -> memref<128x128xf32, #tpu.memory_space<hbm>>
    %dma_wait3A_432 = arith.constant 0 : i32
    %dma_wait3A_433 = tpu.memref_slice %arg5[%arg0, %add3A_422, %dma_wait3A_432] : memref<2x10240x128xf32, #tpu.memory_space<hbm>> -> memref<1x128x128xf32, #tpu.memory_space<hbm>>
    %dma_wait3A_434 = tpu.memref_squeeze %dma_wait3A_433 : memref<1x128x128xf32, #tpu.memory_space<hbm>> -> memref<128x128xf32, #tpu.memory_space<hbm>>
    tpu.wait_dma2 semaphore(%arg13 : memref<!tpu.dma_semaphore, #tpu.memory_space<semaphore_mem>>) src(%arg10 : memref<128x128xf32, #tpu.memory_space<vmem>>) dst(%dma_wait3A_434 : memref<128x128xf32, #tpu.memory_space<hbm>>)
    %dma_wait3A_435 = arith.constant 0 : i32
    %dma_wait3A_436 = tpu.memref_slice %arg5[%arg0, %add3A_406, %dma_wait3A_435] : memref<2x10240x128xf32, #tpu.memory_space<hbm>> -> memref<1x128x128xf32, #tpu.memory_space<hbm>>
    %dma_wait3A_437 = tpu.memref_squeeze %dma_wait3A_436 : memref<1x128x128xf32, #tpu.memory_space<hbm>> -> memref<128x128xf32, #tpu.memory_space<hbm>>
    %dma_wait3A_438 = arith.constant 0 : i32
    %dma_wait3A_439 = tpu.memref_slice %arg5[%arg0, %add3A_406, %dma_wait3A_438] : memref<2x10240x128xf32, #tpu.memory_space<hbm>> -> memref<1x128x128xf32, #tpu.memory_space<hbm>>
    %dma_wait3A_440 = tpu.memref_squeeze %dma_wait3A_439 : memref<1x128x128xf32, #tpu.memory_space<hbm>> -> memref<128x128xf32, #tpu.memory_space<hbm>>
    tpu.wait_dma2 semaphore(%arg14 : memref<!tpu.dma_semaphore, #tpu.memory_space<semaphore_mem>>) src(%arg11 : memref<128x128xf32, #tpu.memory_space<vmem>>) dst(%dma_wait3A_440 : memref<128x128xf32, #tpu.memory_space<hbm>>)
    return
  }
}

#map = affine_map<(d0, d1) -> (0, 0)>
#map1 = affine_map<(d0, d1) -> (0, 0, 0, 0)>
#map2 = affine_map<(d0, d1) -> (0, 0, 0)>
module attributes {stable_mosaic.version = 14 : i64} {
  func.func @_spmm_kernel(%arg0: i32, %arg1: i32, %arg2: memref<10000x128xf32, #tpu.memory_space<hbm>>, %arg3: memref<32x4x20x128xi32, #tpu.memory_space<hbm>>, %arg4: memref<32x4x20x128xi32, #tpu.memory_space<hbm>>, %arg5: memref<2x10240x128xf32, #tpu.memory_space<hbm>>, %arg6: memref<20x128xi32, #tpu.memory_space<vmem>>, %arg7: memref<20x128xi32, #tpu.memory_space<vmem>>, %arg8: memref<20x128xi32, #tpu.memory_space<vmem>>, %arg9: memref<20x128xi32, #tpu.memory_space<vmem>>, %arg10: memref<128x128xf32, #tpu.memory_space<vmem>>, %arg11: memref<128x128xf32, #tpu.memory_space<vmem>>, %arg12: memref<10240x128xf32, #tpu.memory_space<vmem_shared>>, %arg13: memref<!tpu.dma_semaphore, #tpu.memory_space<semaphore_mem>>, %arg14: memref<!tpu.dma_semaphore, #tpu.memory_space<semaphore_mem>>, %arg15: memref<!tpu.dma_semaphore, #tpu.memory_space<semaphore_mem>>, %arg16: memref<!tpu.dma_semaphore, #tpu.memory_space<semaphore_mem>>, %arg17: memref<!tpu.dma_semaphore, #tpu.memory_space<semaphore_mem>>) attributes {dimension_semantics = [#tpu.dimension_semantics<core_parallel>, #tpu.dimension_semantics<subcore_parallel>], iteration_bounds = array<i64: 2, 16>, scalar_prefetch = 0 : i64, scratch_operands = 12 : i64, tpu.core_type = #tpu.core_type<sc_vector_subcore>, window_params = [{transform_indices = #map}, {transform_indices = #map1}, {transform_indices = #map1}, {transform_indices = #map2}]} {
    %mul3A = arith.constant 2 : i32
    %mul3A_0 = arith.muli %arg1, %mul3A : i32
    %add3A = arith.addi %mul3A_0, %arg0 : i32
    %scan3A = arith.constant 0 : i32
    %scan3A_1 = arith.constant 128 : i32
    %scan3A_2 = arith.addi %scan3A, %scan3A_1 : i32
    %scan3A_3 = arith.constant 1 : i32
    scf.for %scan3A_441 = %scan3A to %scan3A_2 step %scan3A_3  : i32 {
      %mul3A_442 = arith.constant 1 : i32
      %mul3A_443 = arith.muli %scan3A_441, %mul3A_442 : i32
      %add3A_444 = arith.constant 0 : i32
      %add3A_445 = arith.addi %add3A_444, %mul3A_443 : i32
      %broadcast_in_dim3A = arith.constant 0.000000e+00 : f32
      %broadcast_in_dim3A_446 = vector.broadcast %broadcast_in_dim3A : f32 to vector<16xf32>
      %swap3A = arith.index_cast %add3A_445 : i32 to index
      %swap3A_447 = arith.constant 0 : index
      %swap3A_448 = tpu.vector_load %arg10[%swap3A, %swap3A_447] {strides = array<i32>} : memref<128x128xf32, #tpu.memory_space<vmem>>, vector<1x16xf32>,
      %swap3A_449 = vector.shape_cast %swap3A_448 : vector<1x16xf32> to vector<16xf32>
      %swap3A_450 = vector.shape_cast %broadcast_in_dim3A_446 : vector<16xf32> to vector<1x16xf32>
      tpu.vector_store %arg10[%swap3A, %swap3A_447], %swap3A_450 {strides = array<i32>} : memref<128x128xf32, #tpu.memory_space<vmem>>, vector<1x16xf32>,
      %broadcast_in_dim3A_451 = arith.constant 0.000000e+00 : f32
      %broadcast_in_dim3A_452 = vector.broadcast %broadcast_in_dim3A_451 : f32 to vector<16xf32>
      %swap3A_453 = arith.index_cast %add3A_445 : i32 to index
      %swap3A_454 = arith.constant 16 : index
      %swap3A_455 = tpu.vector_load %arg10[%swap3A_453, %swap3A_454] {strides = array<i32>} : memref<128x128xf32, #tpu.memory_space<vmem>>, vector<1x16xf32>,
      %swap3A_456 = vector.shape_cast %swap3A_455 : vector<1x16xf32> to vector<16xf32>
      %swap3A_457 = vector.shape_cast %broadcast_in_dim3A_452 : vector<16xf32> to vector<1x16xf32>
      tpu.vector_store %arg10[%swap3A_453, %swap3A_454], %swap3A_457 {strides = array<i32>} : memref<128x128xf32, #tpu.memory_space<vmem>>, vector<1x16xf32>,
      %broadcast_in_dim3A_458 = arith.constant 0.000000e+00 : f32
      %broadcast_in_dim3A_459 = vector.broadcast %broadcast_in_dim3A_458 : f32 to vector<16xf32>
      %swap3A_460 = arith.index_cast %add3A_445 : i32 to index
      %swap3A_461 = arith.constant 32 : index
      %swap3A_462 = tpu.vector_load %arg10[%swap3A_460, %swap3A_461] {strides = array<i32>} : memref<128x128xf32, #tpu.memory_space<vmem>>, vector<1x16xf32>,
      %swap3A_463 = vector.shape_cast %swap3A_462 : vector<1x16xf32> to vector<16xf32>
      %swap3A_464 = vector.shape_cast %broadcast_in_dim3A_459 : vector<16xf32> to vector<1x16xf32>
      tpu.vector_store %arg10[%swap3A_460, %swap3A_461], %swap3A_464 {strides = array<i32>} : memref<128x128xf32, #tpu.memory_space<vmem>>, vector<1x16xf32>,
      %broadcast_in_dim3A_465 = arith.constant 0.000000e+00 : f32
      %broadcast_in_dim3A_466 = vector.broadcast %broadcast_in_dim3A_465 : f32 to vector<16xf32>
      %swap3A_467 = arith.index_cast %add3A_445 : i32 to index
      %swap3A_468 = arith.constant 48 : index
      %swap3A_469 = tpu.vector_load %arg10[%swap3A_467, %swap3A_468] {strides = array<i32>} : memref<128x128xf32, #tpu.memory_space<vmem>>, vector<1x16xf32>,
      %swap3A_470 = vector.shape_cast %swap3A_469 : vector<1x16xf32> to vector<16xf32>
      %swap3A_471 = vector.shape_cast %broadcast_in_dim3A_466 : vector<16xf32> to vector<1x16xf32>
      tpu.vector_store %arg10[%swap3A_467, %swap3A_468], %swap3A_471 {strides = array<i32>} : memref<128x128xf32, #tpu.memory_space<vmem>>, vector<1x16xf32>,
      %broadcast_in_dim3A_472 = arith.constant 0.000000e+00 : f32
      %broadcast_in_dim3A_473 = vector.broadcast %broadcast_in_dim3A_472 : f32 to vector<16xf32>
      %swap3A_474 = arith.index_cast %add3A_445 : i32 to index
      %swap3A_475 = arith.constant 64 : index
      %swap3A_476 = tpu.vector_load %arg10[%swap3A_474, %swap3A_475] {strides = array<i32>} : memref<128x128xf32, #tpu.memory_space<vmem>>, vector<1x16xf32>,
      %swap3A_477 = vector.shape_cast %swap3A_476 : vector<1x16xf32> to vector<16xf32>
      %swap3A_478 = vector.shape_cast %broadcast_in_dim3A_473 : vector<16xf32> to vector<1x16xf32>
      tpu.vector_store %arg10[%swap3A_474, %swap3A_475], %swap3A_478 {strides = array<i32>} : memref<128x128xf32, #tpu.memory_space<vmem>>, vector<1x16xf32>,
      %broadcast_in_dim3A_479 = arith.constant 0.000000e+00 : f32
      %broadcast_in_dim3A_480 = vector.broadcast %broadcast_in_dim3A_479 : f32 to vector<16xf32>
      %swap3A_481 = arith.index_cast %add3A_445 : i32 to index
      %swap3A_482 = arith.constant 80 : index
      %swap3A_483 = tpu.vector_load %arg10[%swap3A_481, %swap3A_482] {strides = array<i32>} : memref<128x128xf32, #tpu.memory_space<vmem>>, vector<1x16xf32>,
      %swap3A_484 = vector.shape_cast %swap3A_483 : vector<1x16xf32> to vector<16xf32>
      %swap3A_485 = vector.shape_cast %broadcast_in_dim3A_480 : vector<16xf32> to vector<1x16xf32>
      tpu.vector_store %arg10[%swap3A_481, %swap3A_482], %swap3A_485 {strides = array<i32>} : memref<128x128xf32, #tpu.memory_space<vmem>>, vector<1x16xf32>,
      %broadcast_in_dim3A_486 = arith.constant 0.000000e+00 : f32
      %broadcast_in_dim3A_487 = vector.broadcast %broadcast_in_dim3A_486 : f32 to vector<16xf32>
      %swap3A_488 = arith.index_cast %add3A_445 : i32 to index
      %swap3A_489 = arith.constant 96 : index
      %swap3A_490 = tpu.vector_load %arg10[%swap3A_488, %swap3A_489] {strides = array<i32>} : memref<128x128xf32, #tpu.memory_space<vmem>>, vector<1x16xf32>,
      %swap3A_491 = vector.shape_cast %swap3A_490 : vector<1x16xf32> to vector<16xf32>
      %swap3A_492 = vector.shape_cast %broadcast_in_dim3A_487 : vector<16xf32> to vector<1x16xf32>
      tpu.vector_store %arg10[%swap3A_488, %swap3A_489], %swap3A_492 {strides = array<i32>} : memref<128x128xf32, #tpu.memory_space<vmem>>, vector<1x16xf32>,
      %broadcast_in_dim3A_493 = arith.constant 0.000000e+00 : f32
      %broadcast_in_dim3A_494 = vector.broadcast %broadcast_in_dim3A_493 : f32 to vector<16xf32>
      %swap3A_495 = arith.index_cast %add3A_445 : i32 to index
      %swap3A_496 = arith.constant 112 : index
      %swap3A_497 = tpu.vector_load %arg10[%swap3A_495, %swap3A_496] {strides = array<i32>} : memref<128x128xf32, #tpu.memory_space<vmem>>, vector<1x16xf32>,
      %swap3A_498 = vector.shape_cast %swap3A_497 : vector<1x16xf32> to vector<16xf32>
      %swap3A_499 = vector.shape_cast %broadcast_in_dim3A_494 : vector<16xf32> to vector<1x16xf32>
      tpu.vector_store %arg10[%swap3A_495, %swap3A_496], %swap3A_499 {strides = array<i32>} : memref<128x128xf32, #tpu.memory_space<vmem>>, vector<1x16xf32>,
    }
    %scan3A_4 = arith.constant 128 : i32
    %mul3A_5 = arith.constant 640 : i32
    %mul3A_6 = arith.muli %arg1, %mul3A_5 : i32
    %add3A_7 = arith.constant 0 : i32
    %add3A_8 = arith.addi %mul3A_6, %add3A_7 : i32
    "tpu.region"() ({
      %run_scoped3A_441 = tpu.sem_alloc : memref<!tpu.dma_semaphore, #tpu.memory_space<semaphore_mem>>
      %dma_start3A_442 = arith.constant 0 : i32
      %dma_start3A_443 = tpu.memref_slice %arg12[%add3A_8, %dma_start3A_442] : memref<10240x128xf32, #tpu.memory_space<vmem_shared>> -> memref<128x128xf32, #tpu.memory_space<vmem_shared>>
      %dma_start3A_444 = arith.constant 0 : i32
      %dma_start3A_445 = tpu.memref_slice %arg12[%add3A_8, %dma_start3A_444] : memref<10240x128xf32, #tpu.memory_space<vmem_shared>> -> memref<128x128xf32, #tpu.memory_space<vmem_shared>>
      tpu.enqueue_dma source(%arg10 : memref<128x128xf32, #tpu.memory_space<vmem>>) target(%dma_start3A_445 : memref<128x128xf32, #tpu.memory_space<vmem_shared>>) target_semaphore(%run_scoped3A_441 : memref<!tpu.dma_semaphore, #tpu.memory_space<semaphore_mem>>)
      %dma_wait3A_446 = arith.constant 0 : i32
      %dma_wait3A_447 = tpu.memref_slice %arg12[%add3A_8, %dma_wait3A_446] : memref<10240x128xf32, #tpu.memory_space<vmem_shared>> -> memref<128x128xf32, #tpu.memory_space<vmem_shared>>
      %dma_wait3A_448 = arith.constant 0 : i32
      %dma_wait3A_449 = tpu.memref_slice %arg12[%add3A_8, %dma_wait3A_448] : memref<10240x128xf32, #tpu.memory_space<vmem_shared>> -> memref<128x128xf32, #tpu.memory_space<vmem_shared>>
      tpu.wait_dma2 semaphore(%run_scoped3A_441 : memref<!tpu.dma_semaphore, #tpu.memory_space<semaphore_mem>>) src(%arg10 : memref<128x128xf32, #tpu.memory_space<vmem>>) dst(%dma_wait3A_449 : memref<128x128xf32, #tpu.memory_space<vmem_shared>>)
      tpu.yield
    }) : () -> ()
    %mul3A_9 = arith.constant 640 : i32
    %mul3A_10 = arith.muli %arg1, %mul3A_9 : i32
    %add3A_11 = arith.constant 128 : i32
    %add3A_12 = arith.addi %mul3A_10, %add3A_11 : i32
    "tpu.region"() ({
      %run_scoped3A_441 = tpu.sem_alloc : memref<!tpu.dma_semaphore, #tpu.memory_space<semaphore_mem>>
      %dma_start3A_442 = arith.constant 0 : i32
      %dma_start3A_443 = tpu.memref_slice %arg12[%add3A_12, %dma_start3A_442] : memref<10240x128xf32, #tpu.memory_space<vmem_shared>> -> memref<128x128xf32, #tpu.memory_space<vmem_shared>>
      %dma_start3A_444 = arith.constant 0 : i32
      %dma_start3A_445 = tpu.memref_slice %arg12[%add3A_12, %dma_start3A_444] : memref<10240x128xf32, #tpu.memory_space<vmem_shared>> -> memref<128x128xf32, #tpu.memory_space<vmem_shared>>
      tpu.enqueue_dma source(%arg10 : memref<128x128xf32, #tpu.memory_space<vmem>>) target(%dma_start3A_445 : memref<128x128xf32, #tpu.memory_space<vmem_shared>>) target_semaphore(%run_scoped3A_441 : memref<!tpu.dma_semaphore, #tpu.memory_space<semaphore_mem>>)
      %dma_wait3A_446 = arith.constant 0 : i32
      %dma_wait3A_447 = tpu.memref_slice %arg12[%add3A_12, %dma_wait3A_446] : memref<10240x128xf32, #tpu.memory_space<vmem_shared>> -> memref<128x128xf32, #tpu.memory_space<vmem_shared>>
      %dma_wait3A_448 = arith.constant 0 : i32
      %dma_wait3A_449 = tpu.memref_slice %arg12[%add3A_12, %dma_wait3A_448] : memref<10240x128xf32, #tpu.memory_space<vmem_shared>> -> memref<128x128xf32, #tpu.memory_space<vmem_shared>>
      tpu.wait_dma2 semaphore(%run_scoped3A_441 : memref<!tpu.dma_semaphore, #tpu.memory_space<semaphore_mem>>) src(%arg10 : memref<128x128xf32, #tpu.memory_space<vmem>>) dst(%dma_wait3A_449 : memref<128x128xf32, #tpu.memory_space<vmem_shared>>)
      tpu.yield
    }) : () -> ()
    %mul3A_13 = arith.constant 640 : i32
    %mul3A_14 = arith.muli %arg1, %mul3A_13 : i32
    %add3A_15 = arith.constant 256 : i32
    %add3A_16 = arith.addi %mul3A_14, %add3A_15 : i32
    "tpu.region"() ({
      %run_scoped3A_441 = tpu.sem_alloc : memref<!tpu.dma_semaphore, #tpu.memory_space<semaphore_mem>>
      %dma_start3A_442 = arith.constant 0 : i32
      %dma_start3A_443 = tpu.memref_slice %arg12[%add3A_16, %dma_start3A_442] : memref<10240x128xf32, #tpu.memory_space<vmem_shared>> -> memref<128x128xf32, #tpu.memory_space<vmem_shared>>
      %dma_start3A_444 = arith.constant 0 : i32
      %dma_start3A_445 = tpu.memref_slice %arg12[%add3A_16, %dma_start3A_444] : memref<10240x128xf32, #tpu.memory_space<vmem_shared>> -> memref<128x128xf32, #tpu.memory_space<vmem_shared>>
      tpu.enqueue_dma source(%arg10 : memref<128x128xf32, #tpu.memory_space<vmem>>) target(%dma_start3A_445 : memref<128x128xf32, #tpu.memory_space<vmem_shared>>) target_semaphore(%run_scoped3A_441 : memref<!tpu.dma_semaphore, #tpu.memory_space<semaphore_mem>>)
      %dma_wait3A_446 = arith.constant 0 : i32
      %dma_wait3A_447 = tpu.memref_slice %arg12[%add3A_16, %dma_wait3A_446] : memref<10240x128xf32, #tpu.memory_space<vmem_shared>> -> memref<128x128xf32, #tpu.memory_space<vmem_shared>>
      %dma_wait3A_448 = arith.constant 0 : i32
      %dma_wait3A_449 = tpu.memref_slice %arg12[%add3A_16, %dma_wait3A_448] : memref<10240x128xf32, #tpu.memory_space<vmem_shared>> -> memref<128x128xf32, #tpu.memory_space<vmem_shared>>
      tpu.wait_dma2 semaphore(%run_scoped3A_441 : memref<!tpu.dma_semaphore, #tpu.memory_space<semaphore_mem>>) src(%arg10 : memref<128x128xf32, #tpu.memory_space<vmem>>) dst(%dma_wait3A_449 : memref<128x128xf32, #tpu.memory_space<vmem_shared>>)
      tpu.yield
    }) : () -> ()
    %mul3A_17 = arith.constant 640 : i32
    %mul3A_18 = arith.muli %arg1, %mul3A_17 : i32
    %add3A_19 = arith.constant 384 : i32
    %add3A_20 = arith.addi %mul3A_18, %add3A_19 : i32
    "tpu.region"() ({
      %run_scoped3A_441 = tpu.sem_alloc : memref<!tpu.dma_semaphore, #tpu.memory_space<semaphore_mem>>
      %dma_start3A_442 = arith.constant 0 : i32
      %dma_start3A_443 = tpu.memref_slice %arg12[%add3A_20, %dma_start3A_442] : memref<10240x128xf32, #tpu.memory_space<vmem_shared>> -> memref<128x128xf32, #tpu.memory_space<vmem_shared>>
      %dma_start3A_444 = arith.constant 0 : i32
      %dma_start3A_445 = tpu.memref_slice %arg12[%add3A_20, %dma_start3A_444] : memref<10240x128xf32, #tpu.memory_space<vmem_shared>> -> memref<128x128xf32, #tpu.memory_space<vmem_shared>>
      tpu.enqueue_dma source(%arg10 : memref<128x128xf32, #tpu.memory_space<vmem>>) target(%dma_start3A_445 : memref<128x128xf32, #tpu.memory_space<vmem_shared>>) target_semaphore(%run_scoped3A_441 : memref<!tpu.dma_semaphore, #tpu.memory_space<semaphore_mem>>)
      %dma_wait3A_446 = arith.constant 0 : i32
      %dma_wait3A_447 = tpu.memref_slice %arg12[%add3A_20, %dma_wait3A_446] : memref<10240x128xf32, #tpu.memory_space<vmem_shared>> -> memref<128x128xf32, #tpu.memory_space<vmem_shared>>
      %dma_wait3A_448 = arith.constant 0 : i32
      %dma_wait3A_449 = tpu.memref_slice %arg12[%add3A_20, %dma_wait3A_448] : memref<10240x128xf32, #tpu.memory_space<vmem_shared>> -> memref<128x128xf32, #tpu.memory_space<vmem_shared>>
      tpu.wait_dma2 semaphore(%run_scoped3A_441 : memref<!tpu.dma_semaphore, #tpu.memory_space<semaphore_mem>>) src(%arg10 : memref<128x128xf32, #tpu.memory_space<vmem>>) dst(%dma_wait3A_449 : memref<128x128xf32, #tpu.memory_space<vmem_shared>>)
      tpu.yield
    }) : () -> ()
    %mul3A_21 = arith.constant 640 : i32
    %mul3A_22 = arith.muli %arg1, %mul3A_21 : i32
    %add3A_23 = arith.constant 512 : i32
    %add3A_24 = arith.addi %mul3A_22, %add3A_23 : i32
    "tpu.region"() ({
      %run_scoped3A_441 = tpu.sem_alloc : memref<!tpu.dma_semaphore, #tpu.memory_space<semaphore_mem>>
      %dma_start3A_442 = arith.constant 0 : i32
      %dma_start3A_443 = tpu.memref_slice %arg12[%add3A_24, %dma_start3A_442] : memref<10240x128xf32, #tpu.memory_space<vmem_shared>> -> memref<128x128xf32, #tpu.memory_space<vmem_shared>>
      %dma_start3A_444 = arith.constant 0 : i32
      %dma_start3A_445 = tpu.memref_slice %arg12[%add3A_24, %dma_start3A_444] : memref<10240x128xf32, #tpu.memory_space<vmem_shared>> -> memref<128x128xf32, #tpu.memory_space<vmem_shared>>
      tpu.enqueue_dma source(%arg10 : memref<128x128xf32, #tpu.memory_space<vmem>>) target(%dma_start3A_445 : memref<128x128xf32, #tpu.memory_space<vmem_shared>>) target_semaphore(%run_scoped3A_441 : memref<!tpu.dma_semaphore, #tpu.memory_space<semaphore_mem>>)
      %dma_wait3A_446 = arith.constant 0 : i32
      %dma_wait3A_447 = tpu.memref_slice %arg12[%add3A_24, %dma_wait3A_446] : memref<10240x128xf32, #tpu.memory_space<vmem_shared>> -> memref<128x128xf32, #tpu.memory_space<vmem_shared>>
      %dma_wait3A_448 = arith.constant 0 : i32
      %dma_wait3A_449 = tpu.memref_slice %arg12[%add3A_24, %dma_wait3A_448] : memref<10240x128xf32, #tpu.memory_space<vmem_shared>> -> memref<128x128xf32, #tpu.memory_space<vmem_shared>>
      tpu.wait_dma2 semaphore(%run_scoped3A_441 : memref<!tpu.dma_semaphore, #tpu.memory_space<semaphore_mem>>) src(%arg10 : memref<128x128xf32, #tpu.memory_space<vmem>>) dst(%dma_wait3A_449 : memref<128x128xf32, #tpu.memory_space<vmem_shared>>)
      tpu.yield
    }) : () -> ()
    %barrier3A = arith.constant 0 : index
    tpu.barrier barrier_id(%barrier3A)
    %run_scoped3A = arith.constant 0 : i32
    "tpu.region"() ({
      %run_scoped3A_441 = tpu.sem_alloc : memref<!tpu.dma_semaphore, #tpu.memory_space<semaphore_mem>>
      %dma_start3A_442 = arith.constant 0 : i32
      %dma_start3A_443 = arith.constant 0 : i32
      %dma_start3A_444 = tpu.memref_slice %arg3[%add3A, %run_scoped3A, %dma_start3A_442, %dma_start3A_443] : memref<32x4x20x128xi32, #tpu.memory_space<hbm>> -> memref<1x1x20x128xi32, #tpu.memory_space<hbm>>
      %dma_start3A_445 = tpu.memref_squeeze %dma_start3A_444 : memref<1x1x20x128xi32, #tpu.memory_space<hbm>> -> memref<20x128xi32, #tpu.memory_space<hbm>>
      %dma_start3A_446 = arith.constant 0 : i32
      %dma_start3A_447 = arith.constant 0 : i32
      %dma_start3A_448 = tpu.memref_slice %arg3[%add3A, %run_scoped3A, %dma_start3A_446, %dma_start3A_447] : memref<32x4x20x128xi32, #tpu.memory_space<hbm>> -> memref<1x1x20x128xi32, #tpu.memory_space<hbm>>
      %dma_start3A_449 = tpu.memref_squeeze %dma_start3A_448 : memref<1x1x20x128xi32, #tpu.memory_space<hbm>> -> memref<20x128xi32, #tpu.memory_space<hbm>>
      tpu.enqueue_dma source(%dma_start3A_449 : memref<20x128xi32, #tpu.memory_space<hbm>>) target(%arg6 : memref<20x128xi32, #tpu.memory_space<vmem>>) target_semaphore(%run_scoped3A_441 : memref<!tpu.dma_semaphore, #tpu.memory_space<semaphore_mem>>)
      %dma_wait3A_450 = arith.constant 0 : i32
      %dma_wait3A_451 = arith.constant 0 : i32
      %dma_wait3A_452 = tpu.memref_slice %arg3[%add3A, %run_scoped3A, %dma_wait3A_450, %dma_wait3A_451] : memref<32x4x20x128xi32, #tpu.memory_space<hbm>> -> memref<1x1x20x128xi32, #tpu.memory_space<hbm>>
      %dma_wait3A_453 = tpu.memref_squeeze %dma_wait3A_452 : memref<1x1x20x128xi32, #tpu.memory_space<hbm>> -> memref<20x128xi32, #tpu.memory_space<hbm>>
      %dma_wait3A_454 = arith.constant 0 : i32
      %dma_wait3A_455 = arith.constant 0 : i32
      %dma_wait3A_456 = tpu.memref_slice %arg3[%add3A, %run_scoped3A, %dma_wait3A_454, %dma_wait3A_455] : memref<32x4x20x128xi32, #tpu.memory_space<hbm>> -> memref<1x1x20x128xi32, #tpu.memory_space<hbm>>
      %dma_wait3A_457 = tpu.memref_squeeze %dma_wait3A_456 : memref<1x1x20x128xi32, #tpu.memory_space<hbm>> -> memref<20x128xi32, #tpu.memory_space<hbm>>
      tpu.wait_dma2 semaphore(%run_scoped3A_441 : memref<!tpu.dma_semaphore, #tpu.memory_space<semaphore_mem>>) src(%dma_wait3A_457 : memref<20x128xi32, #tpu.memory_space<hbm>>) dst(%arg6 : memref<20x128xi32, #tpu.memory_space<vmem>>)
      tpu.yield
    }) : () -> ()
    %run_scoped3A_25 = arith.constant 0 : i32
    "tpu.region"() ({
      %run_scoped3A_441 = tpu.sem_alloc : memref<!tpu.dma_semaphore, #tpu.memory_space<semaphore_mem>>
      %dma_start3A_442 = arith.constant 0 : i32
      %dma_start3A_443 = arith.constant 0 : i32
      %dma_start3A_444 = tpu.memref_slice %arg4[%add3A, %run_scoped3A_25, %dma_start3A_442, %dma_start3A_443] : memref<32x4x20x128xi32, #tpu.memory_space<hbm>> -> memref<1x1x20x128xi32, #tpu.memory_space<hbm>>
      %dma_start3A_445 = tpu.memref_squeeze %dma_start3A_444 : memref<1x1x20x128xi32, #tpu.memory_space<hbm>> -> memref<20x128xi32, #tpu.memory_space<hbm>>
      %dma_start3A_446 = arith.constant 0 : i32
      %dma_start3A_447 = arith.constant 0 : i32
      %dma_start3A_448 = tpu.memref_slice %arg4[%add3A, %run_scoped3A_25, %dma_start3A_446, %dma_start3A_447] : memref<32x4x20x128xi32, #tpu.memory_space<hbm>> -> memref<1x1x20x128xi32, #tpu.memory_space<hbm>>
      %dma_start3A_449 = tpu.memref_squeeze %dma_start3A_448 : memref<1x1x20x128xi32, #tpu.memory_space<hbm>> -> memref<20x128xi32, #tpu.memory_space<hbm>>
      tpu.enqueue_dma source(%dma_start3A_449 : memref<20x128xi32, #tpu.memory_space<hbm>>) target(%arg7 : memref<20x128xi32, #tpu.memory_space<vmem>>) target_semaphore(%run_scoped3A_441 : memref<!tpu.dma_semaphore, #tpu.memory_space<semaphore_mem>>)
      %dma_wait3A_450 = arith.constant 0 : i32
      %dma_wait3A_451 = arith.constant 0 : i32
      %dma_wait3A_452 = tpu.memref_slice %arg4[%add3A, %run_scoped3A_25, %dma_wait3A_450, %dma_wait3A_451] : memref<32x4x20x128xi32, #tpu.memory_space<hbm>> -> memref<1x1x20x128xi32, #tpu.memory_space<hbm>>
      %dma_wait3A_453 = tpu.memref_squeeze %dma_wait3A_452 : memref<1x1x20x128xi32, #tpu.memory_space<hbm>> -> memref<20x128xi32, #tpu.memory_space<hbm>>
      %dma_wait3A_454 = arith.constant 0 : i32
      %dma_wait3A_455 = arith.constant 0 : i32
      %dma_wait3A_456 = tpu.memref_slice %arg4[%add3A, %run_scoped3A_25, %dma_wait3A_454, %dma_wait3A_455] : memref<32x4x20x128xi32, #tpu.memory_space<hbm>> -> memref<1x1x20x128xi32, #tpu.memory_space<hbm>>
      %dma_wait3A_457 = tpu.memref_squeeze %dma_wait3A_456 : memref<1x1x20x128xi32, #tpu.memory_space<hbm>> -> memref<20x128xi32, #tpu.memory_space<hbm>>
      tpu.wait_dma2 semaphore(%run_scoped3A_441 : memref<!tpu.dma_semaphore, #tpu.memory_space<semaphore_mem>>) src(%dma_wait3A_457 : memref<20x128xi32, #tpu.memory_space<hbm>>) dst(%arg7 : memref<20x128xi32, #tpu.memory_space<vmem>>)
      tpu.yield
    }) : () -> ()
    %dma_start3A = arith.constant 1 : i32
    %dma_start3A_26 = arith.constant 0 : i32
    %dma_start3A_27 = arith.constant 0 : i32
    %dma_start3A_28 = tpu.memref_slice %arg3[%add3A, %dma_start3A, %dma_start3A_26, %dma_start3A_27] : memref<32x4x20x128xi32, #tpu.memory_space<hbm>> -> memref<1x1x20x128xi32, #tpu.memory_space<hbm>>
    %dma_start3A_29 = tpu.memref_squeeze %dma_start3A_28 : memref<1x1x20x128xi32, #tpu.memory_space<hbm>> -> memref<20x128xi32, #tpu.memory_space<hbm>>
    %dma_start3A_30 = arith.constant 0 : i32
    %dma_start3A_31 = arith.constant 0 : i32
    %dma_start3A_32 = tpu.memref_slice %arg3[%add3A, %dma_start3A, %dma_start3A_30, %dma_start3A_31] : memref<32x4x20x128xi32, #tpu.memory_space<hbm>> -> memref<1x1x20x128xi32, #tpu.memory_space<hbm>>
    %dma_start3A_33 = tpu.memref_squeeze %dma_start3A_32 : memref<1x1x20x128xi32, #tpu.memory_space<hbm>> -> memref<20x128xi32, #tpu.memory_space<hbm>>
    tpu.enqueue_dma source(%dma_start3A_33 : memref<20x128xi32, #tpu.memory_space<hbm>>) target(%arg8 : memref<20x128xi32, #tpu.memory_space<vmem>>) target_semaphore(%arg15 : memref<!tpu.dma_semaphore, #tpu.memory_space<semaphore_mem>>)
    %dma_start3A_34 = arith.constant 1 : i32
    %dma_start3A_35 = arith.constant 0 : i32
    %dma_start3A_36 = arith.constant 0 : i32
    %dma_start3A_37 = tpu.memref_slice %arg4[%add3A, %dma_start3A_34, %dma_start3A_35, %dma_start3A_36] : memref<32x4x20x128xi32, #tpu.memory_space<hbm>> -> memref<1x1x20x128xi32, #tpu.memory_space<hbm>>
    %dma_start3A_38 = tpu.memref_squeeze %dma_start3A_37 : memref<1x1x20x128xi32, #tpu.memory_space<hbm>> -> memref<20x128xi32, #tpu.memory_space<hbm>>
    %dma_start3A_39 = arith.constant 0 : i32
    %dma_start3A_40 = arith.constant 0 : i32
    %dma_start3A_41 = tpu.memref_slice %arg4[%add3A, %dma_start3A_34, %dma_start3A_39, %dma_start3A_40] : memref<32x4x20x128xi32, #tpu.memory_space<hbm>> -> memref<1x1x20x128xi32, #tpu.memory_space<hbm>>
    %dma_start3A_42 = tpu.memref_squeeze %dma_start3A_41 : memref<1x1x20x128xi32, #tpu.memory_space<hbm>> -> memref<20x128xi32, #tpu.memory_space<hbm>>
    tpu.enqueue_dma source(%dma_start3A_42 : memref<20x128xi32, #tpu.memory_space<hbm>>) target(%arg9 : memref<20x128xi32, #tpu.memory_space<vmem>>) target_semaphore(%arg15 : memref<!tpu.dma_semaphore, #tpu.memory_space<semaphore_mem>>)
    %dma_start3A_43 = arith.constant 0 : i32
    %dma_start3A_44 = arith.constant 0 : i32
    %dma_start3A_45 = tpu.memref_slice %arg6[%dma_start3A_43, %dma_start3A_44] : memref<20x128xi32, #tpu.memory_space<vmem>> -> memref<1x128xi32, #tpu.memory_space<vmem>>
    %dma_start3A_46 = tpu.memref_squeeze %dma_start3A_45 : memref<1x128xi32, #tpu.memory_space<vmem>> -> memref<128xi32, #tpu.memory_space<vmem>>
    %dma_start3A_47 = arith.constant 0 : i32
    %dma_start3A_48 = arith.constant 0 : i32
    %dma_start3A_49 = tpu.memref_slice %arg2[%dma_start3A_47, %dma_start3A_48] : memref<10000x128xf32, #tpu.memory_space<hbm>> -> memref<10000x128xf32, #tpu.memory_space<hbm>>
    tpu.enqueue_indirect_dma source(%dma_start3A_49 : memref<10000x128xf32, #tpu.memory_space<hbm>>) target(%arg10 : memref<128x128xf32, #tpu.memory_space<vmem>>) offsets(%dma_start3A_46 : memref<128xi32, #tpu.memory_space<vmem>>) semaphore(%arg13 : memref<!tpu.dma_semaphore, #tpu.memory_space<semaphore_mem>>)
    %dma_start3A_50 = arith.constant 1 : i32
    %dma_start3A_51 = arith.constant 0 : i32
    %dma_start3A_52 = tpu.memref_slice %arg6[%dma_start3A_50, %dma_start3A_51] : memref<20x128xi32, #tpu.memory_space<vmem>> -> memref<1x128xi32, #tpu.memory_space<vmem>>
    %dma_start3A_53 = tpu.memref_squeeze %dma_start3A_52 : memref<1x128xi32, #tpu.memory_space<vmem>> -> memref<128xi32, #tpu.memory_space<vmem>>
    %dma_start3A_54 = arith.constant 0 : i32
    %dma_start3A_55 = arith.constant 0 : i32
    %dma_start3A_56 = tpu.memref_slice %arg2[%dma_start3A_54, %dma_start3A_55] : memref<10000x128xf32, #tpu.memory_space<hbm>> -> memref<10000x128xf32, #tpu.memory_space<hbm>>
    tpu.enqueue_indirect_dma source(%dma_start3A_56 : memref<10000x128xf32, #tpu.memory_space<hbm>>) target(%arg11 : memref<128x128xf32, #tpu.memory_space<vmem>>) offsets(%dma_start3A_53 : memref<128xi32, #tpu.memory_space<vmem>>) semaphore(%arg14 : memref<!tpu.dma_semaphore, #tpu.memory_space<semaphore_mem>>)
    %dma_wait3A = arith.constant 0 : i32
    %dma_wait3A_57 = arith.constant 0 : i32
    %dma_wait3A_58 = tpu.memref_slice %arg2[%dma_wait3A, %dma_wait3A_57] : memref<10000x128xf32, #tpu.memory_space<hbm>> -> memref<128x128xf32, #tpu.memory_space<hbm>>
    %dma_wait3A_59 = arith.constant 0 : i32
    %dma_wait3A_60 = arith.constant 0 : i32
    %dma_wait3A_61 = tpu.memref_slice %arg2[%dma_wait3A_59, %dma_wait3A_60] : memref<10000x128xf32, #tpu.memory_space<hbm>> -> memref<128x128xf32, #tpu.memory_space<hbm>>
    tpu.wait_dma2 semaphore(%arg13 : memref<!tpu.dma_semaphore, #tpu.memory_space<semaphore_mem>>) src(%dma_wait3A_61 : memref<128x128xf32, #tpu.memory_space<hbm>>) dst(%arg10 : memref<128x128xf32, #tpu.memory_space<vmem>>)
    %dma_start3A_62 = arith.constant 0 : i32
    %dma_start3A_63 = arith.constant 0 : i32
    %dma_start3A_64 = tpu.memref_slice %arg7[%dma_start3A_62, %dma_start3A_63] : memref<20x128xi32, #tpu.memory_space<vmem>> -> memref<1x128xi32, #tpu.memory_space<vmem>>
    %dma_start3A_65 = tpu.memref_squeeze %dma_start3A_64 : memref<1x128xi32, #tpu.memory_space<vmem>> -> memref<128xi32, #tpu.memory_space<vmem>>
    %dma_start3A_66 = arith.constant 0 : i32
    %dma_start3A_67 = arith.constant 0 : i32
    %dma_start3A_68 = tpu.memref_slice %arg12[%dma_start3A_66, %dma_start3A_67] : memref<10240x128xf32, #tpu.memory_space<vmem_shared>> -> memref<10240x128xf32, #tpu.memory_space<vmem_shared>>
    tpu.enqueue_indirect_dma source(%arg10 : memref<128x128xf32, #tpu.memory_space<vmem>>) target(%dma_start3A_68 : memref<10240x128xf32, #tpu.memory_space<vmem_shared>>) offsets(%dma_start3A_65 : memref<128xi32, #tpu.memory_space<vmem>>) semaphore(%arg16 : memref<!tpu.dma_semaphore, #tpu.memory_space<semaphore_mem>>) {add = true}
    %dma_wait3A_69 = arith.constant 0 : i32
    %dma_wait3A_70 = arith.constant 0 : i32
    %dma_wait3A_71 = tpu.memref_slice %arg2[%dma_wait3A_69, %dma_wait3A_70] : memref<10000x128xf32, #tpu.memory_space<hbm>> -> memref<128x128xf32, #tpu.memory_space<hbm>>
    %dma_wait3A_72 = arith.constant 0 : i32
    %dma_wait3A_73 = arith.constant 0 : i32
    %dma_wait3A_74 = tpu.memref_slice %arg2[%dma_wait3A_72, %dma_wait3A_73] : memref<10000x128xf32, #tpu.memory_space<hbm>> -> memref<128x128xf32, #tpu.memory_space<hbm>>
    tpu.wait_dma2 semaphore(%arg14 : memref<!tpu.dma_semaphore, #tpu.memory_space<semaphore_mem>>) src(%dma_wait3A_74 : memref<128x128xf32, #tpu.memory_space<hbm>>) dst(%arg11 : memref<128x128xf32, #tpu.memory_space<vmem>>)
    %dma_start3A_75 = arith.constant 1 : i32
    %dma_start3A_76 = arith.constant 0 : i32
    %dma_start3A_77 = tpu.memref_slice %arg7[%dma_start3A_75, %dma_start3A_76] : memref<20x128xi32, #tpu.memory_space<vmem>> -> memref<1x128xi32, #tpu.memory_space<vmem>>
    %dma_start3A_78 = tpu.memref_squeeze %dma_start3A_77 : memref<1x128xi32, #tpu.memory_space<vmem>> -> memref<128xi32, #tpu.memory_space<vmem>>
    %dma_start3A_79 = arith.constant 0 : i32
    %dma_start3A_80 = arith.constant 0 : i32
    %dma_start3A_81 = tpu.memref_slice %arg12[%dma_start3A_79, %dma_start3A_80] : memref<10240x128xf32, #tpu.memory_space<vmem_shared>> -> memref<10240x128xf32, #tpu.memory_space<vmem_shared>>
    tpu.enqueue_indirect_dma source(%arg11 : memref<128x128xf32, #tpu.memory_space<vmem>>) target(%dma_start3A_81 : memref<10240x128xf32, #tpu.memory_space<vmem_shared>>) offsets(%dma_start3A_78 : memref<128xi32, #tpu.memory_space<vmem>>) semaphore(%arg17 : memref<!tpu.dma_semaphore, #tpu.memory_space<semaphore_mem>>) {add = true}
    %scan3A_82 = arith.constant 0 : i32
    %scan3A_83 = arith.constant 9 : i32
    %scan3A_84 = arith.addi %scan3A_82, %scan3A_83 : i32
    %scan3A_85 = arith.constant 1 : i32
    scf.for %scan3A_441 = %scan3A_82 to %scan3A_84 step %scan3A_85  : i32 {
      %mul3A_442 = arith.constant 2 : i32
      %mul3A_443 = arith.muli %scan3A_441, %mul3A_442 : i32
      %add3A_444 = arith.constant 2 : i32
      %add3A_445 = arith.addi %add3A_444, %mul3A_443 : i32
      %dma_wait3A_446 = arith.constant 0 : i32
      %dma_wait3A_447 = arith.constant 0 : i32
      %dma_wait3A_448 = tpu.memref_slice %arg12[%dma_wait3A_446, %dma_wait3A_447] : memref<10240x128xf32, #tpu.memory_space<vmem_shared>> -> memref<128x128xf32, #tpu.memory_space<vmem_shared>>
      %dma_wait3A_449 = arith.constant 0 : i32
      %dma_wait3A_450 = arith.constant 0 : i32
      %dma_wait3A_451 = tpu.memref_slice %arg12[%dma_wait3A_449, %dma_wait3A_450] : memref<10240x128xf32, #tpu.memory_space<vmem_shared>> -> memref<128x128xf32, #tpu.memory_space<vmem_shared>>
      tpu.wait_dma2 semaphore(%arg16 : memref<!tpu.dma_semaphore, #tpu.memory_space<semaphore_mem>>) src(%arg10 : memref<128x128xf32, #tpu.memory_space<vmem>>) dst(%dma_wait3A_451 : memref<128x128xf32, #tpu.memory_space<vmem_shared>>)
      %dma_start3A_452 = arith.constant 0 : i32
      %dma_start3A_453 = tpu.memref_slice %arg6[%add3A_445, %dma_start3A_452] : memref<20x128xi32, #tpu.memory_space<vmem>> -> memref<1x128xi32, #tpu.memory_space<vmem>>
      %dma_start3A_454 = tpu.memref_squeeze %dma_start3A_453 : memref<1x128xi32, #tpu.memory_space<vmem>> -> memref<128xi32, #tpu.memory_space<vmem>>
      %dma_start3A_455 = arith.constant 0 : i32
      %dma_start3A_456 = arith.constant 0 : i32
      %dma_start3A_457 = tpu.memref_slice %arg2[%dma_start3A_455, %dma_start3A_456] : memref<10000x128xf32, #tpu.memory_space<hbm>> -> memref<10000x128xf32, #tpu.memory_space<hbm>>
      tpu.enqueue_indirect_dma source(%dma_start3A_457 : memref<10000x128xf32, #tpu.memory_space<hbm>>) target(%arg10 : memref<128x128xf32, #tpu.memory_space<vmem>>) offsets(%dma_start3A_454 : memref<128xi32, #tpu.memory_space<vmem>>) semaphore(%arg13 : memref<!tpu.dma_semaphore, #tpu.memory_space<semaphore_mem>>)
      %dma_wait3A_458 = arith.constant 0 : i32
      %dma_wait3A_459 = arith.constant 0 : i32
      %dma_wait3A_460 = tpu.memref_slice %arg12[%dma_wait3A_458, %dma_wait3A_459] : memref<10240x128xf32, #tpu.memory_space<vmem_shared>> -> memref<128x128xf32, #tpu.memory_space<vmem_shared>>
      %dma_wait3A_461 = arith.constant 0 : i32
      %dma_wait3A_462 = arith.constant 0 : i32
      %dma_wait3A_463 = tpu.memref_slice %arg12[%dma_wait3A_461, %dma_wait3A_462] : memref<10240x128xf32, #tpu.memory_space<vmem_shared>> -> memref<128x128xf32, #tpu.memory_space<vmem_shared>>
      tpu.wait_dma2 semaphore(%arg17 : memref<!tpu.dma_semaphore, #tpu.memory_space<semaphore_mem>>) src(%arg10 : memref<128x128xf32, #tpu.memory_space<vmem>>) dst(%dma_wait3A_463 : memref<128x128xf32, #tpu.memory_space<vmem_shared>>)
      %add3A_464 = arith.constant 1 : i32
      %add3A_465 = arith.addi %add3A_445, %add3A_464 : i32
      %dma_start3A_466 = arith.constant 0 : i32
      %dma_start3A_467 = tpu.memref_slice %arg6[%add3A_465, %dma_start3A_466] : memref<20x128xi32, #tpu.memory_space<vmem>> -> memref<1x128xi32, #tpu.memory_space<vmem>>
      %dma_start3A_468 = tpu.memref_squeeze %dma_start3A_467 : memref<1x128xi32, #tpu.memory_space<vmem>> -> memref<128xi32, #tpu.memory_space<vmem>>
      %dma_start3A_469 = arith.constant 0 : i32
      %dma_start3A_470 = arith.constant 0 : i32
      %dma_start3A_471 = tpu.memref_slice %arg2[%dma_start3A_469, %dma_start3A_470] : memref<10000x128xf32, #tpu.memory_space<hbm>> -> memref<10000x128xf32, #tpu.memory_space<hbm>>
      tpu.enqueue_indirect_dma source(%dma_start3A_471 : memref<10000x128xf32, #tpu.memory_space<hbm>>) target(%arg11 : memref<128x128xf32, #tpu.memory_space<vmem>>) offsets(%dma_start3A_468 : memref<128xi32, #tpu.memory_space<vmem>>) semaphore(%arg14 : memref<!tpu.dma_semaphore, #tpu.memory_space<semaphore_mem>>)
      %dma_wait3A_472 = arith.constant 0 : i32
      %dma_wait3A_473 = arith.constant 0 : i32
      %dma_wait3A_474 = tpu.memref_slice %arg2[%dma_wait3A_472, %dma_wait3A_473] : memref<10000x128xf32, #tpu.memory_space<hbm>> -> memref<128x128xf32, #tpu.memory_space<hbm>>
      %dma_wait3A_475 = arith.constant 0 : i32
      %dma_wait3A_476 = arith.constant 0 : i32
      %dma_wait3A_477 = tpu.memref_slice %arg2[%dma_wait3A_475, %dma_wait3A_476] : memref<10000x128xf32, #tpu.memory_space<hbm>> -> memref<128x128xf32, #tpu.memory_space<hbm>>
      tpu.wait_dma2 semaphore(%arg13 : memref<!tpu.dma_semaphore, #tpu.memory_space<semaphore_mem>>) src(%dma_wait3A_477 : memref<128x128xf32, #tpu.memory_space<hbm>>) dst(%arg10 : memref<128x128xf32, #tpu.memory_space<vmem>>)
      %dma_start3A_478 = arith.constant 0 : i32
      %dma_start3A_479 = tpu.memref_slice %arg7[%add3A_445, %dma_start3A_478] : memref<20x128xi32, #tpu.memory_space<vmem>> -> memref<1x128xi32, #tpu.memory_space<vmem>>
      %dma_start3A_480 = tpu.memref_squeeze %dma_start3A_479 : memref<1x128xi32, #tpu.memory_space<vmem>> -> memref<128xi32, #tpu.memory_space<vmem>>
      %dma_start3A_481 = arith.constant 0 : i32
      %dma_start3A_482 = arith.constant 0 : i32
      %dma_start3A_483 = tpu.memref_slice %arg12[%dma_start3A_481, %dma_start3A_482] : memref<10240x128xf32, #tpu.memory_space<vmem_shared>> -> memref<10240x128xf32, #tpu.memory_space<vmem_shared>>
      tpu.enqueue_indirect_dma source(%arg10 : memref<128x128xf32, #tpu.memory_space<vmem>>) target(%dma_start3A_483 : memref<10240x128xf32, #tpu.memory_space<vmem_shared>>) offsets(%dma_start3A_480 : memref<128xi32, #tpu.memory_space<vmem>>) semaphore(%arg16 : memref<!tpu.dma_semaphore, #tpu.memory_space<semaphore_mem>>) {add = true}
      %dma_wait3A_484 = arith.constant 0 : i32
      %dma_wait3A_485 = arith.constant 0 : i32
      %dma_wait3A_486 = tpu.memref_slice %arg2[%dma_wait3A_484, %dma_wait3A_485] : memref<10000x128xf32, #tpu.memory_space<hbm>> -> memref<128x128xf32, #tpu.memory_space<hbm>>
      %dma_wait3A_487 = arith.constant 0 : i32
      %dma_wait3A_488 = arith.constant 0 : i32
      %dma_wait3A_489 = tpu.memref_slice %arg2[%dma_wait3A_487, %dma_wait3A_488] : memref<10000x128xf32, #tpu.memory_space<hbm>> -> memref<128x128xf32, #tpu.memory_space<hbm>>
      tpu.wait_dma2 semaphore(%arg14 : memref<!tpu.dma_semaphore, #tpu.memory_space<semaphore_mem>>) src(%dma_wait3A_489 : memref<128x128xf32, #tpu.memory_space<hbm>>) dst(%arg11 : memref<128x128xf32, #tpu.memory_space<vmem>>)
      %add3A_490 = arith.constant 1 : i32
      %add3A_491 = arith.addi %add3A_445, %add3A_490 : i32
      %dma_start3A_492 = arith.constant 0 : i32
      %dma_start3A_493 = tpu.memref_slice %arg7[%add3A_491, %dma_start3A_492] : memref<20x128xi32, #tpu.memory_space<vmem>> -> memref<1x128xi32, #tpu.memory_space<vmem>>
      %dma_start3A_494 = tpu.memref_squeeze %dma_start3A_493 : memref<1x128xi32, #tpu.memory_space<vmem>> -> memref<128xi32, #tpu.memory_space<vmem>>
      %dma_start3A_495 = arith.constant 0 : i32
      %dma_start3A_496 = arith.constant 0 : i32
      %dma_start3A_497 = tpu.memref_slice %arg12[%dma_start3A_495, %dma_start3A_496] : memref<10240x128xf32, #tpu.memory_space<vmem_shared>> -> memref<10240x128xf32, #tpu.memory_space<vmem_shared>>
      tpu.enqueue_indirect_dma source(%arg11 : memref<128x128xf32, #tpu.memory_space<vmem>>) target(%dma_start3A_497 : memref<10240x128xf32, #tpu.memory_space<vmem_shared>>) offsets(%dma_start3A_494 : memref<128xi32, #tpu.memory_space<vmem>>) semaphore(%arg17 : memref<!tpu.dma_semaphore, #tpu.memory_space<semaphore_mem>>) {add = true}
    }
    %scan3A_86 = arith.constant 9 : i32
    %dma_wait3A_87 = arith.constant 0 : i32
    %dma_wait3A_88 = arith.constant 0 : i32
    %dma_wait3A_89 = tpu.memref_slice %arg12[%dma_wait3A_87, %dma_wait3A_88] : memref<10240x128xf32, #tpu.memory_space<vmem_shared>> -> memref<128x128xf32, #tpu.memory_space<vmem_shared>>
    %dma_wait3A_90 = arith.constant 0 : i32
    %dma_wait3A_91 = arith.constant 0 : i32
    %dma_wait3A_92 = tpu.memref_slice %arg12[%dma_wait3A_90, %dma_wait3A_91] : memref<10240x128xf32, #tpu.memory_space<vmem_shared>> -> memref<128x128xf32, #tpu.memory_space<vmem_shared>>
    tpu.wait_dma2 semaphore(%arg16 : memref<!tpu.dma_semaphore, #tpu.memory_space<semaphore_mem>>) src(%arg10 : memref<128x128xf32, #tpu.memory_space<vmem>>) dst(%dma_wait3A_92 : memref<128x128xf32, #tpu.memory_space<vmem_shared>>)
    %dma_wait3A_93 = arith.constant 0 : i32
    %dma_wait3A_94 = arith.constant 0 : i32
    %dma_wait3A_95 = tpu.memref_slice %arg12[%dma_wait3A_93, %dma_wait3A_94] : memref<10240x128xf32, #tpu.memory_space<vmem_shared>> -> memref<128x128xf32, #tpu.memory_space<vmem_shared>>
    %dma_wait3A_96 = arith.constant 0 : i32
    %dma_wait3A_97 = arith.constant 0 : i32
    %dma_wait3A_98 = tpu.memref_slice %arg12[%dma_wait3A_96, %dma_wait3A_97] : memref<10240x128xf32, #tpu.memory_space<vmem_shared>> -> memref<128x128xf32, #tpu.memory_space<vmem_shared>>
    tpu.wait_dma2 semaphore(%arg17 : memref<!tpu.dma_semaphore, #tpu.memory_space<semaphore_mem>>) src(%arg10 : memref<128x128xf32, #tpu.memory_space<vmem>>) dst(%dma_wait3A_98 : memref<128x128xf32, #tpu.memory_space<vmem_shared>>)
    %dma_wait3A_99 = arith.constant 1 : i32
    %dma_wait3A_100 = arith.constant 0 : i32
    %dma_wait3A_101 = arith.constant 0 : i32
    %dma_wait3A_102 = tpu.memref_slice %arg3[%add3A, %dma_wait3A_99, %dma_wait3A_100, %dma_wait3A_101] : memref<32x4x20x128xi32, #tpu.memory_space<hbm>> -> memref<1x1x20x128xi32, #tpu.memory_space<hbm>>
    %dma_wait3A_103 = tpu.memref_squeeze %dma_wait3A_102 : memref<1x1x20x128xi32, #tpu.memory_space<hbm>> -> memref<20x128xi32, #tpu.memory_space<hbm>>
    %dma_wait3A_104 = arith.constant 0 : i32
    %dma_wait3A_105 = arith.constant 0 : i32
    %dma_wait3A_106 = tpu.memref_slice %arg3[%add3A, %dma_wait3A_99, %dma_wait3A_104, %dma_wait3A_105] : memref<32x4x20x128xi32, #tpu.memory_space<hbm>> -> memref<1x1x20x128xi32, #tpu.memory_space<hbm>>
    %dma_wait3A_107 = tpu.memref_squeeze %dma_wait3A_106 : memref<1x1x20x128xi32, #tpu.memory_space<hbm>> -> memref<20x128xi32, #tpu.memory_space<hbm>>
    tpu.wait_dma2 semaphore(%arg15 : memref<!tpu.dma_semaphore, #tpu.memory_space<semaphore_mem>>) src(%dma_wait3A_107 : memref<20x128xi32, #tpu.memory_space<hbm>>) dst(%arg8 : memref<20x128xi32, #tpu.memory_space<vmem>>)
    %dma_wait3A_108 = arith.constant 1 : i32
    %dma_wait3A_109 = arith.constant 0 : i32
    %dma_wait3A_110 = arith.constant 0 : i32
    %dma_wait3A_111 = tpu.memref_slice %arg4[%add3A, %dma_wait3A_108, %dma_wait3A_109, %dma_wait3A_110] : memref<32x4x20x128xi32, #tpu.memory_space<hbm>> -> memref<1x1x20x128xi32, #tpu.memory_space<hbm>>
    %dma_wait3A_112 = tpu.memref_squeeze %dma_wait3A_111 : memref<1x1x20x128xi32, #tpu.memory_space<hbm>> -> memref<20x128xi32, #tpu.memory_space<hbm>>
    %dma_wait3A_113 = arith.constant 0 : i32
    %dma_wait3A_114 = arith.constant 0 : i32
    %dma_wait3A_115 = tpu.memref_slice %arg4[%add3A, %dma_wait3A_108, %dma_wait3A_113, %dma_wait3A_114] : memref<32x4x20x128xi32, #tpu.memory_space<hbm>> -> memref<1x1x20x128xi32, #tpu.memory_space<hbm>>
    %dma_wait3A_116 = tpu.memref_squeeze %dma_wait3A_115 : memref<1x1x20x128xi32, #tpu.memory_space<hbm>> -> memref<20x128xi32, #tpu.memory_space<hbm>>
    tpu.wait_dma2 semaphore(%arg15 : memref<!tpu.dma_semaphore, #tpu.memory_space<semaphore_mem>>) src(%dma_wait3A_116 : memref<20x128xi32, #tpu.memory_space<hbm>>) dst(%arg9 : memref<20x128xi32, #tpu.memory_space<vmem>>)
    %dma_start3A_117 = arith.constant 2 : i32
    %dma_start3A_118 = arith.constant 0 : i32
    %dma_start3A_119 = arith.constant 0 : i32
    %dma_start3A_120 = tpu.memref_slice %arg3[%add3A, %dma_start3A_117, %dma_start3A_118, %dma_start3A_119] : memref<32x4x20x128xi32, #tpu.memory_space<hbm>> -> memref<1x1x20x128xi32, #tpu.memory_space<hbm>>
    %dma_start3A_121 = tpu.memref_squeeze %dma_start3A_120 : memref<1x1x20x128xi32, #tpu.memory_space<hbm>> -> memref<20x128xi32, #tpu.memory_space<hbm>>
    %dma_start3A_122 = arith.constant 0 : i32
    %dma_start3A_123 = arith.constant 0 : i32
    %dma_start3A_124 = tpu.memref_slice %arg3[%add3A, %dma_start3A_117, %dma_start3A_122, %dma_start3A_123] : memref<32x4x20x128xi32, #tpu.memory_space<hbm>> -> memref<1x1x20x128xi32, #tpu.memory_space<hbm>>
    %dma_start3A_125 = tpu.memref_squeeze %dma_start3A_124 : memref<1x1x20x128xi32, #tpu.memory_space<hbm>> -> memref<20x128xi32, #tpu.memory_space<hbm>>
    tpu.enqueue_dma source(%dma_start3A_125 : memref<20x128xi32, #tpu.memory_space<hbm>>) target(%arg6 : memref<20x128xi32, #tpu.memory_space<vmem>>) target_semaphore(%arg15 : memref<!tpu.dma_semaphore, #tpu.memory_space<semaphore_mem>>)
    %dma_start3A_126 = arith.constant 2 : i32
    %dma_start3A_127 = arith.constant 0 : i32
    %dma_start3A_128 = arith.constant 0 : i32
    %dma_start3A_129 = tpu.memref_slice %arg4[%add3A, %dma_start3A_126, %dma_start3A_127, %dma_start3A_128] : memref<32x4x20x128xi32, #tpu.memory_space<hbm>> -> memref<1x1x20x128xi32, #tpu.memory_space<hbm>>
    %dma_start3A_130 = tpu.memref_squeeze %dma_start3A_129 : memref<1x1x20x128xi32, #tpu.memory_space<hbm>> -> memref<20x128xi32, #tpu.memory_space<hbm>>
    %dma_start3A_131 = arith.constant 0 : i32
    %dma_start3A_132 = arith.constant 0 : i32
    %dma_start3A_133 = tpu.memref_slice %arg4[%add3A, %dma_start3A_126, %dma_start3A_131, %dma_start3A_132] : memref<32x4x20x128xi32, #tpu.memory_space<hbm>> -> memref<1x1x20x128xi32, #tpu.memory_space<hbm>>
    %dma_start3A_134 = tpu.memref_squeeze %dma_start3A_133 : memref<1x1x20x128xi32, #tpu.memory_space<hbm>> -> memref<20x128xi32, #tpu.memory_space<hbm>>
    tpu.enqueue_dma source(%dma_start3A_134 : memref<20x128xi32, #tpu.memory_space<hbm>>) target(%arg7 : memref<20x128xi32, #tpu.memory_space<vmem>>) target_semaphore(%arg15 : memref<!tpu.dma_semaphore, #tpu.memory_space<semaphore_mem>>)
    %dma_start3A_135 = arith.constant 0 : i32
    %dma_start3A_136 = arith.constant 0 : i32
    %dma_start3A_137 = tpu.memref_slice %arg8[%dma_start3A_135, %dma_start3A_136] : memref<20x128xi32, #tpu.memory_space<vmem>> -> memref<1x128xi32, #tpu.memory_space<vmem>>
    %dma_start3A_138 = tpu.memref_squeeze %dma_start3A_137 : memref<1x128xi32, #tpu.memory_space<vmem>> -> memref<128xi32, #tpu.memory_space<vmem>>
    %dma_start3A_139 = arith.constant 0 : i32
    %dma_start3A_140 = arith.constant 0 : i32
    %dma_start3A_141 = tpu.memref_slice %arg2[%dma_start3A_139, %dma_start3A_140] : memref<10000x128xf32, #tpu.memory_space<hbm>> -> memref<10000x128xf32, #tpu.memory_space<hbm>>
    tpu.enqueue_indirect_dma source(%dma_start3A_141 : memref<10000x128xf32, #tpu.memory_space<hbm>>) target(%arg10 : memref<128x128xf32, #tpu.memory_space<vmem>>) offsets(%dma_start3A_138 : memref<128xi32, #tpu.memory_space<vmem>>) semaphore(%arg13 : memref<!tpu.dma_semaphore, #tpu.memory_space<semaphore_mem>>)
    %dma_start3A_142 = arith.constant 1 : i32
    %dma_start3A_143 = arith.constant 0 : i32
    %dma_start3A_144 = tpu.memref_slice %arg8[%dma_start3A_142, %dma_start3A_143] : memref<20x128xi32, #tpu.memory_space<vmem>> -> memref<1x128xi32, #tpu.memory_space<vmem>>
    %dma_start3A_145 = tpu.memref_squeeze %dma_start3A_144 : memref<1x128xi32, #tpu.memory_space<vmem>> -> memref<128xi32, #tpu.memory_space<vmem>>
    %dma_start3A_146 = arith.constant 0 : i32
    %dma_start3A_147 = arith.constant 0 : i32
    %dma_start3A_148 = tpu.memref_slice %arg2[%dma_start3A_146, %dma_start3A_147] : memref<10000x128xf32, #tpu.memory_space<hbm>> -> memref<10000x128xf32, #tpu.memory_space<hbm>>
    tpu.enqueue_indirect_dma source(%dma_start3A_148 : memref<10000x128xf32, #tpu.memory_space<hbm>>) target(%arg11 : memref<128x128xf32, #tpu.memory_space<vmem>>) offsets(%dma_start3A_145 : memref<128xi32, #tpu.memory_space<vmem>>) semaphore(%arg14 : memref<!tpu.dma_semaphore, #tpu.memory_space<semaphore_mem>>)
    %dma_wait3A_149 = arith.constant 0 : i32
    %dma_wait3A_150 = arith.constant 0 : i32
    %dma_wait3A_151 = tpu.memref_slice %arg2[%dma_wait3A_149, %dma_wait3A_150] : memref<10000x128xf32, #tpu.memory_space<hbm>> -> memref<128x128xf32, #tpu.memory_space<hbm>>
    %dma_wait3A_152 = arith.constant 0 : i32
    %dma_wait3A_153 = arith.constant 0 : i32
    %dma_wait3A_154 = tpu.memref_slice %arg2[%dma_wait3A_152, %dma_wait3A_153] : memref<10000x128xf32, #tpu.memory_space<hbm>> -> memref<128x128xf32, #tpu.memory_space<hbm>>
    tpu.wait_dma2 semaphore(%arg13 : memref<!tpu.dma_semaphore, #tpu.memory_space<semaphore_mem>>) src(%dma_wait3A_154 : memref<128x128xf32, #tpu.memory_space<hbm>>) dst(%arg10 : memref<128x128xf32, #tpu.memory_space<vmem>>)
    %dma_start3A_155 = arith.constant 0 : i32
    %dma_start3A_156 = arith.constant 0 : i32
    %dma_start3A_157 = tpu.memref_slice %arg9[%dma_start3A_155, %dma_start3A_156] : memref<20x128xi32, #tpu.memory_space<vmem>> -> memref<1x128xi32, #tpu.memory_space<vmem>>
    %dma_start3A_158 = tpu.memref_squeeze %dma_start3A_157 : memref<1x128xi32, #tpu.memory_space<vmem>> -> memref<128xi32, #tpu.memory_space<vmem>>
    %dma_start3A_159 = arith.constant 0 : i32
    %dma_start3A_160 = arith.constant 0 : i32
    %dma_start3A_161 = tpu.memref_slice %arg12[%dma_start3A_159, %dma_start3A_160] : memref<10240x128xf32, #tpu.memory_space<vmem_shared>> -> memref<10240x128xf32, #tpu.memory_space<vmem_shared>>
    tpu.enqueue_indirect_dma source(%arg10 : memref<128x128xf32, #tpu.memory_space<vmem>>) target(%dma_start3A_161 : memref<10240x128xf32, #tpu.memory_space<vmem_shared>>) offsets(%dma_start3A_158 : memref<128xi32, #tpu.memory_space<vmem>>) semaphore(%arg16 : memref<!tpu.dma_semaphore, #tpu.memory_space<semaphore_mem>>) {add = true}
    %dma_wait3A_162 = arith.constant 0 : i32
    %dma_wait3A_163 = arith.constant 0 : i32
    %dma_wait3A_164 = tpu.memref_slice %arg2[%dma_wait3A_162, %dma_wait3A_163] : memref<10000x128xf32, #tpu.memory_space<hbm>> -> memref<128x128xf32, #tpu.memory_space<hbm>>
    %dma_wait3A_165 = arith.constant 0 : i32
    %dma_wait3A_166 = arith.constant 0 : i32
    %dma_wait3A_167 = tpu.memref_slice %arg2[%dma_wait3A_165, %dma_wait3A_166] : memref<10000x128xf32, #tpu.memory_space<hbm>> -> memref<128x128xf32, #tpu.memory_space<hbm>>
    tpu.wait_dma2 semaphore(%arg14 : memref<!tpu.dma_semaphore, #tpu.memory_space<semaphore_mem>>) src(%dma_wait3A_167 : memref<128x128xf32, #tpu.memory_space<hbm>>) dst(%arg11 : memref<128x128xf32, #tpu.memory_space<vmem>>)
    %dma_start3A_168 = arith.constant 1 : i32
    %dma_start3A_169 = arith.constant 0 : i32
    %dma_start3A_170 = tpu.memref_slice %arg9[%dma_start3A_168, %dma_start3A_169] : memref<20x128xi32, #tpu.memory_space<vmem>> -> memref<1x128xi32, #tpu.memory_space<vmem>>
    %dma_start3A_171 = tpu.memref_squeeze %dma_start3A_170 : memref<1x128xi32, #tpu.memory_space<vmem>> -> memref<128xi32, #tpu.memory_space<vmem>>
    %dma_start3A_172 = arith.constant 0 : i32
    %dma_start3A_173 = arith.constant 0 : i32
    %dma_start3A_174 = tpu.memref_slice %arg12[%dma_start3A_172, %dma_start3A_173] : memref<10240x128xf32, #tpu.memory_space<vmem_shared>> -> memref<10240x128xf32, #tpu.memory_space<vmem_shared>>
    tpu.enqueue_indirect_dma source(%arg11 : memref<128x128xf32, #tpu.memory_space<vmem>>) target(%dma_start3A_174 : memref<10240x128xf32, #tpu.memory_space<vmem_shared>>) offsets(%dma_start3A_171 : memref<128xi32, #tpu.memory_space<vmem>>) semaphore(%arg17 : memref<!tpu.dma_semaphore, #tpu.memory_space<semaphore_mem>>) {add = true}
    %scan3A_175 = arith.constant 0 : i32
    %scan3A_176 = arith.constant 9 : i32
    %scan3A_177 = arith.addi %scan3A_175, %scan3A_176 : i32
    %scan3A_178 = arith.constant 1 : i32
    scf.for %scan3A_441 = %scan3A_175 to %scan3A_177 step %scan3A_178  : i32 {
      %mul3A_442 = arith.constant 2 : i32
      %mul3A_443 = arith.muli %scan3A_441, %mul3A_442 : i32
      %add3A_444 = arith.constant 2 : i32
      %add3A_445 = arith.addi %add3A_444, %mul3A_443 : i32
      %dma_wait3A_446 = arith.constant 0 : i32
      %dma_wait3A_447 = arith.constant 0 : i32
      %dma_wait3A_448 = tpu.memref_slice %arg12[%dma_wait3A_446, %dma_wait3A_447] : memref<10240x128xf32, #tpu.memory_space<vmem_shared>> -> memref<128x128xf32, #tpu.memory_space<vmem_shared>>
      %dma_wait3A_449 = arith.constant 0 : i32
      %dma_wait3A_450 = arith.constant 0 : i32
      %dma_wait3A_451 = tpu.memref_slice %arg12[%dma_wait3A_449, %dma_wait3A_450] : memref<10240x128xf32, #tpu.memory_space<vmem_shared>> -> memref<128x128xf32, #tpu.memory_space<vmem_shared>>
      tpu.wait_dma2 semaphore(%arg16 : memref<!tpu.dma_semaphore, #tpu.memory_space<semaphore_mem>>) src(%arg10 : memref<128x128xf32, #tpu.memory_space<vmem>>) dst(%dma_wait3A_451 : memref<128x128xf32, #tpu.memory_space<vmem_shared>>)
      %dma_start3A_452 = arith.constant 0 : i32
      %dma_start3A_453 = tpu.memref_slice %arg8[%add3A_445, %dma_start3A_452] : memref<20x128xi32, #tpu.memory_space<vmem>> -> memref<1x128xi32, #tpu.memory_space<vmem>>
      %dma_start3A_454 = tpu.memref_squeeze %dma_start3A_453 : memref<1x128xi32, #tpu.memory_space<vmem>> -> memref<128xi32, #tpu.memory_space<vmem>>
      %dma_start3A_455 = arith.constant 0 : i32
      %dma_start3A_456 = arith.constant 0 : i32
      %dma_start3A_457 = tpu.memref_slice %arg2[%dma_start3A_455, %dma_start3A_456] : memref<10000x128xf32, #tpu.memory_space<hbm>> -> memref<10000x128xf32, #tpu.memory_space<hbm>>
      tpu.enqueue_indirect_dma source(%dma_start3A_457 : memref<10000x128xf32, #tpu.memory_space<hbm>>) target(%arg10 : memref<128x128xf32, #tpu.memory_space<vmem>>) offsets(%dma_start3A_454 : memref<128xi32, #tpu.memory_space<vmem>>) semaphore(%arg13 : memref<!tpu.dma_semaphore, #tpu.memory_space<semaphore_mem>>)
      %dma_wait3A_458 = arith.constant 0 : i32
      %dma_wait3A_459 = arith.constant 0 : i32
      %dma_wait3A_460 = tpu.memref_slice %arg12[%dma_wait3A_458, %dma_wait3A_459] : memref<10240x128xf32, #tpu.memory_space<vmem_shared>> -> memref<128x128xf32, #tpu.memory_space<vmem_shared>>
      %dma_wait3A_461 = arith.constant 0 : i32
      %dma_wait3A_462 = arith.constant 0 : i32
      %dma_wait3A_463 = tpu.memref_slice %arg12[%dma_wait3A_461, %dma_wait3A_462] : memref<10240x128xf32, #tpu.memory_space<vmem_shared>> -> memref<128x128xf32, #tpu.memory_space<vmem_shared>>
      tpu.wait_dma2 semaphore(%arg17 : memref<!tpu.dma_semaphore, #tpu.memory_space<semaphore_mem>>) src(%arg10 : memref<128x128xf32, #tpu.memory_space<vmem>>) dst(%dma_wait3A_463 : memref<128x128xf32, #tpu.memory_space<vmem_shared>>)
      %add3A_464 = arith.constant 1 : i32
      %add3A_465 = arith.addi %add3A_445, %add3A_464 : i32
      %dma_start3A_466 = arith.constant 0 : i32
      %dma_start3A_467 = tpu.memref_slice %arg8[%add3A_465, %dma_start3A_466] : memref<20x128xi32, #tpu.memory_space<vmem>> -> memref<1x128xi32, #tpu.memory_space<vmem>>
      %dma_start3A_468 = tpu.memref_squeeze %dma_start3A_467 : memref<1x128xi32, #tpu.memory_space<vmem>> -> memref<128xi32, #tpu.memory_space<vmem>>
      %dma_start3A_469 = arith.constant 0 : i32
      %dma_start3A_470 = arith.constant 0 : i32
      %dma_start3A_471 = tpu.memref_slice %arg2[%dma_start3A_469, %dma_start3A_470] : memref<10000x128xf32, #tpu.memory_space<hbm>> -> memref<10000x128xf32, #tpu.memory_space<hbm>>
      tpu.enqueue_indirect_dma source(%dma_start3A_471 : memref<10000x128xf32, #tpu.memory_space<hbm>>) target(%arg11 : memref<128x128xf32, #tpu.memory_space<vmem>>) offsets(%dma_start3A_468 : memref<128xi32, #tpu.memory_space<vmem>>) semaphore(%arg14 : memref<!tpu.dma_semaphore, #tpu.memory_space<semaphore_mem>>)
      %dma_wait3A_472 = arith.constant 0 : i32
      %dma_wait3A_473 = arith.constant 0 : i32
      %dma_wait3A_474 = tpu.memref_slice %arg2[%dma_wait3A_472, %dma_wait3A_473] : memref<10000x128xf32, #tpu.memory_space<hbm>> -> memref<128x128xf32, #tpu.memory_space<hbm>>
      %dma_wait3A_475 = arith.constant 0 : i32
      %dma_wait3A_476 = arith.constant 0 : i32
      %dma_wait3A_477 = tpu.memref_slice %arg2[%dma_wait3A_475, %dma_wait3A_476] : memref<10000x128xf32, #tpu.memory_space<hbm>> -> memref<128x128xf32, #tpu.memory_space<hbm>>
      tpu.wait_dma2 semaphore(%arg13 : memref<!tpu.dma_semaphore, #tpu.memory_space<semaphore_mem>>) src(%dma_wait3A_477 : memref<128x128xf32, #tpu.memory_space<hbm>>) dst(%arg10 : memref<128x128xf32, #tpu.memory_space<vmem>>)
      %dma_start3A_478 = arith.constant 0 : i32
      %dma_start3A_479 = tpu.memref_slice %arg9[%add3A_445, %dma_start3A_478] : memref<20x128xi32, #tpu.memory_space<vmem>> -> memref<1x128xi32, #tpu.memory_space<vmem>>
      %dma_start3A_480 = tpu.memref_squeeze %dma_start3A_479 : memref<1x128xi32, #tpu.memory_space<vmem>> -> memref<128xi32, #tpu.memory_space<vmem>>
      %dma_start3A_481 = arith.constant 0 : i32
      %dma_start3A_482 = arith.constant 0 : i32
      %dma_start3A_483 = tpu.memref_slice %arg12[%dma_start3A_481, %dma_start3A_482] : memref<10240x128xf32, #tpu.memory_space<vmem_shared>> -> memref<10240x128xf32, #tpu.memory_space<vmem_shared>>
      tpu.enqueue_indirect_dma source(%arg10 : memref<128x128xf32, #tpu.memory_space<vmem>>) target(%dma_start3A_483 : memref<10240x128xf32, #tpu.memory_space<vmem_shared>>) offsets(%dma_start3A_480 : memref<128xi32, #tpu.memory_space<vmem>>) semaphore(%arg16 : memref<!tpu.dma_semaphore, #tpu.memory_space<semaphore_mem>>) {add = true}
      %dma_wait3A_484 = arith.constant 0 : i32
      %dma_wait3A_485 = arith.constant 0 : i32
      %dma_wait3A_486 = tpu.memref_slice %arg2[%dma_wait3A_484, %dma_wait3A_485] : memref<10000x128xf32, #tpu.memory_space<hbm>> -> memref<128x128xf32, #tpu.memory_space<hbm>>
      %dma_wait3A_487 = arith.constant 0 : i32
      %dma_wait3A_488 = arith.constant 0 : i32
      %dma_wait3A_489 = tpu.memref_slice %arg2[%dma_wait3A_487, %dma_wait3A_488] : memref<10000x128xf32, #tpu.memory_space<hbm>> -> memref<128x128xf32, #tpu.memory_space<hbm>>
      tpu.wait_dma2 semaphore(%arg14 : memref<!tpu.dma_semaphore, #tpu.memory_space<semaphore_mem>>) src(%dma_wait3A_489 : memref<128x128xf32, #tpu.memory_space<hbm>>) dst(%arg11 : memref<128x128xf32, #tpu.memory_space<vmem>>)
      %add3A_490 = arith.constant 1 : i32
      %add3A_491 = arith.addi %add3A_445, %add3A_490 : i32
      %dma_start3A_492 = arith.constant 0 : i32
      %dma_start3A_493 = tpu.memref_slice %arg9[%add3A_491, %dma_start3A_492] : memref<20x128xi32, #tpu.memory_space<vmem>> -> memref<1x128xi32, #tpu.memory_space<vmem>>
      %dma_start3A_494 = tpu.memref_squeeze %dma_start3A_493 : memref<1x128xi32, #tpu.memory_space<vmem>> -> memref<128xi32, #tpu.memory_space<vmem>>
      %dma_start3A_495 = arith.constant 0 : i32
      %dma_start3A_496 = arith.constant 0 : i32
      %dma_start3A_497 = tpu.memref_slice %arg12[%dma_start3A_495, %dma_start3A_496] : memref<10240x128xf32, #tpu.memory_space<vmem_shared>> -> memref<10240x128xf32, #tpu.memory_space<vmem_shared>>
      tpu.enqueue_indirect_dma source(%arg11 : memref<128x128xf32, #tpu.memory_space<vmem>>) target(%dma_start3A_497 : memref<10240x128xf32, #tpu.memory_space<vmem_shared>>) offsets(%dma_start3A_494 : memref<128xi32, #tpu.memory_space<vmem>>) semaphore(%arg17 : memref<!tpu.dma_semaphore, #tpu.memory_space<semaphore_mem>>) {add = true}
    }
    %scan3A_179 = arith.constant 9 : i32
    %dma_wait3A_180 = arith.constant 0 : i32
    %dma_wait3A_181 = arith.constant 0 : i32
    %dma_wait3A_182 = tpu.memref_slice %arg12[%dma_wait3A_180, %dma_wait3A_181] : memref<10240x128xf32, #tpu.memory_space<vmem_shared>> -> memref<128x128xf32, #tpu.memory_space<vmem_shared>>
    %dma_wait3A_183 = arith.constant 0 : i32
    %dma_wait3A_184 = arith.constant 0 : i32
    %dma_wait3A_185 = tpu.memref_slice %arg12[%dma_wait3A_183, %dma_wait3A_184] : memref<10240x128xf32, #tpu.memory_space<vmem_shared>> -> memref<128x128xf32, #tpu.memory_space<vmem_shared>>
    tpu.wait_dma2 semaphore(%arg16 : memref<!tpu.dma_semaphore, #tpu.memory_space<semaphore_mem>>) src(%arg10 : memref<128x128xf32, #tpu.memory_space<vmem>>) dst(%dma_wait3A_185 : memref<128x128xf32, #tpu.memory_space<vmem_shared>>)
    %dma_wait3A_186 = arith.constant 0 : i32
    %dma_wait3A_187 = arith.constant 0 : i32
    %dma_wait3A_188 = tpu.memref_slice %arg12[%dma_wait3A_186, %dma_wait3A_187] : memref<10240x128xf32, #tpu.memory_space<vmem_shared>> -> memref<128x128xf32, #tpu.memory_space<vmem_shared>>
    %dma_wait3A_189 = arith.constant 0 : i32
    %dma_wait3A_190 = arith.constant 0 : i32
    %dma_wait3A_191 = tpu.memref_slice %arg12[%dma_wait3A_189, %dma_wait3A_190] : memref<10240x128xf32, #tpu.memory_space<vmem_shared>> -> memref<128x128xf32, #tpu.memory_space<vmem_shared>>
    tpu.wait_dma2 semaphore(%arg17 : memref<!tpu.dma_semaphore, #tpu.memory_space<semaphore_mem>>) src(%arg10 : memref<128x128xf32, #tpu.memory_space<vmem>>) dst(%dma_wait3A_191 : memref<128x128xf32, #tpu.memory_space<vmem_shared>>)
    %dma_wait3A_192 = arith.constant 2 : i32
    %dma_wait3A_193 = arith.constant 0 : i32
    %dma_wait3A_194 = arith.constant 0 : i32
    %dma_wait3A_195 = tpu.memref_slice %arg3[%add3A, %dma_wait3A_192, %dma_wait3A_193, %dma_wait3A_194] : memref<32x4x20x128xi32, #tpu.memory_space<hbm>> -> memref<1x1x20x128xi32, #tpu.memory_space<hbm>>
    %dma_wait3A_196 = tpu.memref_squeeze %dma_wait3A_195 : memref<1x1x20x128xi32, #tpu.memory_space<hbm>> -> memref<20x128xi32, #tpu.memory_space<hbm>>
    %dma_wait3A_197 = arith.constant 0 : i32
    %dma_wait3A_198 = arith.constant 0 : i32
    %dma_wait3A_199 = tpu.memref_slice %arg3[%add3A, %dma_wait3A_192, %dma_wait3A_197, %dma_wait3A_198] : memref<32x4x20x128xi32, #tpu.memory_space<hbm>> -> memref<1x1x20x128xi32, #tpu.memory_space<hbm>>
    %dma_wait3A_200 = tpu.memref_squeeze %dma_wait3A_199 : memref<1x1x20x128xi32, #tpu.memory_space<hbm>> -> memref<20x128xi32, #tpu.memory_space<hbm>>
    tpu.wait_dma2 semaphore(%arg15 : memref<!tpu.dma_semaphore, #tpu.memory_space<semaphore_mem>>) src(%dma_wait3A_200 : memref<20x128xi32, #tpu.memory_space<hbm>>) dst(%arg6 : memref<20x128xi32, #tpu.memory_space<vmem>>)
    %dma_wait3A_201 = arith.constant 2 : i32
    %dma_wait3A_202 = arith.constant 0 : i32
    %dma_wait3A_203 = arith.constant 0 : i32
    %dma_wait3A_204 = tpu.memref_slice %arg4[%add3A, %dma_wait3A_201, %dma_wait3A_202, %dma_wait3A_203] : memref<32x4x20x128xi32, #tpu.memory_space<hbm>> -> memref<1x1x20x128xi32, #tpu.memory_space<hbm>>
    %dma_wait3A_205 = tpu.memref_squeeze %dma_wait3A_204 : memref<1x1x20x128xi32, #tpu.memory_space<hbm>> -> memref<20x128xi32, #tpu.memory_space<hbm>>
    %dma_wait3A_206 = arith.constant 0 : i32
    %dma_wait3A_207 = arith.constant 0 : i32
    %dma_wait3A_208 = tpu.memref_slice %arg4[%add3A, %dma_wait3A_201, %dma_wait3A_206, %dma_wait3A_207] : memref<32x4x20x128xi32, #tpu.memory_space<hbm>> -> memref<1x1x20x128xi32, #tpu.memory_space<hbm>>
    %dma_wait3A_209 = tpu.memref_squeeze %dma_wait3A_208 : memref<1x1x20x128xi32, #tpu.memory_space<hbm>> -> memref<20x128xi32, #tpu.memory_space<hbm>>
    tpu.wait_dma2 semaphore(%arg15 : memref<!tpu.dma_semaphore, #tpu.memory_space<semaphore_mem>>) src(%dma_wait3A_209 : memref<20x128xi32, #tpu.memory_space<hbm>>) dst(%arg7 : memref<20x128xi32, #tpu.memory_space<vmem>>)
    %dma_start3A_210 = arith.constant 3 : i32
    %dma_start3A_211 = arith.constant 0 : i32
    %dma_start3A_212 = arith.constant 0 : i32
    %dma_start3A_213 = tpu.memref_slice %arg3[%add3A, %dma_start3A_210, %dma_start3A_211, %dma_start3A_212] : memref<32x4x20x128xi32, #tpu.memory_space<hbm>> -> memref<1x1x20x128xi32, #tpu.memory_space<hbm>>
    %dma_start3A_214 = tpu.memref_squeeze %dma_start3A_213 : memref<1x1x20x128xi32, #tpu.memory_space<hbm>> -> memref<20x128xi32, #tpu.memory_space<hbm>>
    %dma_start3A_215 = arith.constant 0 : i32
    %dma_start3A_216 = arith.constant 0 : i32
    %dma_start3A_217 = tpu.memref_slice %arg3[%add3A, %dma_start3A_210, %dma_start3A_215, %dma_start3A_216] : memref<32x4x20x128xi32, #tpu.memory_space<hbm>> -> memref<1x1x20x128xi32, #tpu.memory_space<hbm>>
    %dma_start3A_218 = tpu.memref_squeeze %dma_start3A_217 : memref<1x1x20x128xi32, #tpu.memory_space<hbm>> -> memref<20x128xi32, #tpu.memory_space<hbm>>
    tpu.enqueue_dma source(%dma_start3A_218 : memref<20x128xi32, #tpu.memory_space<hbm>>) target(%arg8 : memref<20x128xi32, #tpu.memory_space<vmem>>) target_semaphore(%arg15 : memref<!tpu.dma_semaphore, #tpu.memory_space<semaphore_mem>>)
    %dma_start3A_219 = arith.constant 3 : i32
    %dma_start3A_220 = arith.constant 0 : i32
    %dma_start3A_221 = arith.constant 0 : i32
    %dma_start3A_222 = tpu.memref_slice %arg4[%add3A, %dma_start3A_219, %dma_start3A_220, %dma_start3A_221] : memref<32x4x20x128xi32, #tpu.memory_space<hbm>> -> memref<1x1x20x128xi32, #tpu.memory_space<hbm>>
    %dma_start3A_223 = tpu.memref_squeeze %dma_start3A_222 : memref<1x1x20x128xi32, #tpu.memory_space<hbm>> -> memref<20x128xi32, #tpu.memory_space<hbm>>
    %dma_start3A_224 = arith.constant 0 : i32
    %dma_start3A_225 = arith.constant 0 : i32
    %dma_start3A_226 = tpu.memref_slice %arg4[%add3A, %dma_start3A_219, %dma_start3A_224, %dma_start3A_225] : memref<32x4x20x128xi32, #tpu.memory_space<hbm>> -> memref<1x1x20x128xi32, #tpu.memory_space<hbm>>
    %dma_start3A_227 = tpu.memref_squeeze %dma_start3A_226 : memref<1x1x20x128xi32, #tpu.memory_space<hbm>> -> memref<20x128xi32, #tpu.memory_space<hbm>>
    tpu.enqueue_dma source(%dma_start3A_227 : memref<20x128xi32, #tpu.memory_space<hbm>>) target(%arg9 : memref<20x128xi32, #tpu.memory_space<vmem>>) target_semaphore(%arg15 : memref<!tpu.dma_semaphore, #tpu.memory_space<semaphore_mem>>)
    %dma_start3A_228 = arith.constant 0 : i32
    %dma_start3A_229 = arith.constant 0 : i32
    %dma_start3A_230 = tpu.memref_slice %arg6[%dma_start3A_228, %dma_start3A_229] : memref<20x128xi32, #tpu.memory_space<vmem>> -> memref<1x128xi32, #tpu.memory_space<vmem>>
    %dma_start3A_231 = tpu.memref_squeeze %dma_start3A_230 : memref<1x128xi32, #tpu.memory_space<vmem>> -> memref<128xi32, #tpu.memory_space<vmem>>
    %dma_start3A_232 = arith.constant 0 : i32
    %dma_start3A_233 = arith.constant 0 : i32
    %dma_start3A_234 = tpu.memref_slice %arg2[%dma_start3A_232, %dma_start3A_233] : memref<10000x128xf32, #tpu.memory_space<hbm>> -> memref<10000x128xf32, #tpu.memory_space<hbm>>
    tpu.enqueue_indirect_dma source(%dma_start3A_234 : memref<10000x128xf32, #tpu.memory_space<hbm>>) target(%arg10 : memref<128x128xf32, #tpu.memory_space<vmem>>) offsets(%dma_start3A_231 : memref<128xi32, #tpu.memory_space<vmem>>) semaphore(%arg13 : memref<!tpu.dma_semaphore, #tpu.memory_space<semaphore_mem>>)
    %dma_start3A_235 = arith.constant 1 : i32
    %dma_start3A_236 = arith.constant 0 : i32
    %dma_start3A_237 = tpu.memref_slice %arg6[%dma_start3A_235, %dma_start3A_236] : memref<20x128xi32, #tpu.memory_space<vmem>> -> memref<1x128xi32, #tpu.memory_space<vmem>>
    %dma_start3A_238 = tpu.memref_squeeze %dma_start3A_237 : memref<1x128xi32, #tpu.memory_space<vmem>> -> memref<128xi32, #tpu.memory_space<vmem>>
    %dma_start3A_239 = arith.constant 0 : i32
    %dma_start3A_240 = arith.constant 0 : i32
    %dma_start3A_241 = tpu.memref_slice %arg2[%dma_start3A_239, %dma_start3A_240] : memref<10000x128xf32, #tpu.memory_space<hbm>> -> memref<10000x128xf32, #tpu.memory_space<hbm>>
    tpu.enqueue_indirect_dma source(%dma_start3A_241 : memref<10000x128xf32, #tpu.memory_space<hbm>>) target(%arg11 : memref<128x128xf32, #tpu.memory_space<vmem>>) offsets(%dma_start3A_238 : memref<128xi32, #tpu.memory_space<vmem>>) semaphore(%arg14 : memref<!tpu.dma_semaphore, #tpu.memory_space<semaphore_mem>>)
    %dma_wait3A_242 = arith.constant 0 : i32
    %dma_wait3A_243 = arith.constant 0 : i32
    %dma_wait3A_244 = tpu.memref_slice %arg2[%dma_wait3A_242, %dma_wait3A_243] : memref<10000x128xf32, #tpu.memory_space<hbm>> -> memref<128x128xf32, #tpu.memory_space<hbm>>
    %dma_wait3A_245 = arith.constant 0 : i32
    %dma_wait3A_246 = arith.constant 0 : i32
    %dma_wait3A_247 = tpu.memref_slice %arg2[%dma_wait3A_245, %dma_wait3A_246] : memref<10000x128xf32, #tpu.memory_space<hbm>> -> memref<128x128xf32, #tpu.memory_space<hbm>>
    tpu.wait_dma2 semaphore(%arg13 : memref<!tpu.dma_semaphore, #tpu.memory_space<semaphore_mem>>) src(%dma_wait3A_247 : memref<128x128xf32, #tpu.memory_space<hbm>>) dst(%arg10 : memref<128x128xf32, #tpu.memory_space<vmem>>)
    %dma_start3A_248 = arith.constant 0 : i32
    %dma_start3A_249 = arith.constant 0 : i32
    %dma_start3A_250 = tpu.memref_slice %arg7[%dma_start3A_248, %dma_start3A_249] : memref<20x128xi32, #tpu.memory_space<vmem>> -> memref<1x128xi32, #tpu.memory_space<vmem>>
    %dma_start3A_251 = tpu.memref_squeeze %dma_start3A_250 : memref<1x128xi32, #tpu.memory_space<vmem>> -> memref<128xi32, #tpu.memory_space<vmem>>
    %dma_start3A_252 = arith.constant 0 : i32
    %dma_start3A_253 = arith.constant 0 : i32
    %dma_start3A_254 = tpu.memref_slice %arg12[%dma_start3A_252, %dma_start3A_253] : memref<10240x128xf32, #tpu.memory_space<vmem_shared>> -> memref<10240x128xf32, #tpu.memory_space<vmem_shared>>
    tpu.enqueue_indirect_dma source(%arg10 : memref<128x128xf32, #tpu.memory_space<vmem>>) target(%dma_start3A_254 : memref<10240x128xf32, #tpu.memory_space<vmem_shared>>) offsets(%dma_start3A_251 : memref<128xi32, #tpu.memory_space<vmem>>) semaphore(%arg16 : memref<!tpu.dma_semaphore, #tpu.memory_space<semaphore_mem>>) {add = true}
    %dma_wait3A_255 = arith.constant 0 : i32
    %dma_wait3A_256 = arith.constant 0 : i32
    %dma_wait3A_257 = tpu.memref_slice %arg2[%dma_wait3A_255, %dma_wait3A_256] : memref<10000x128xf32, #tpu.memory_space<hbm>> -> memref<128x128xf32, #tpu.memory_space<hbm>>
    %dma_wait3A_258 = arith.constant 0 : i32
    %dma_wait3A_259 = arith.constant 0 : i32
    %dma_wait3A_260 = tpu.memref_slice %arg2[%dma_wait3A_258, %dma_wait3A_259] : memref<10000x128xf32, #tpu.memory_space<hbm>> -> memref<128x128xf32, #tpu.memory_space<hbm>>
    tpu.wait_dma2 semaphore(%arg14 : memref<!tpu.dma_semaphore, #tpu.memory_space<semaphore_mem>>) src(%dma_wait3A_260 : memref<128x128xf32, #tpu.memory_space<hbm>>) dst(%arg11 : memref<128x128xf32, #tpu.memory_space<vmem>>)
    %dma_start3A_261 = arith.constant 1 : i32
    %dma_start3A_262 = arith.constant 0 : i32
    %dma_start3A_263 = tpu.memref_slice %arg7[%dma_start3A_261, %dma_start3A_262] : memref<20x128xi32, #tpu.memory_space<vmem>> -> memref<1x128xi32, #tpu.memory_space<vmem>>
    %dma_start3A_264 = tpu.memref_squeeze %dma_start3A_263 : memref<1x128xi32, #tpu.memory_space<vmem>> -> memref<128xi32, #tpu.memory_space<vmem>>
    %dma_start3A_265 = arith.constant 0 : i32
    %dma_start3A_266 = arith.constant 0 : i32
    %dma_start3A_267 = tpu.memref_slice %arg12[%dma_start3A_265, %dma_start3A_266] : memref<10240x128xf32, #tpu.memory_space<vmem_shared>> -> memref<10240x128xf32, #tpu.memory_space<vmem_shared>>
    tpu.enqueue_indirect_dma source(%arg11 : memref<128x128xf32, #tpu.memory_space<vmem>>) target(%dma_start3A_267 : memref<10240x128xf32, #tpu.memory_space<vmem_shared>>) offsets(%dma_start3A_264 : memref<128xi32, #tpu.memory_space<vmem>>) semaphore(%arg17 : memref<!tpu.dma_semaphore, #tpu.memory_space<semaphore_mem>>) {add = true}
    %scan3A_268 = arith.constant 0 : i32
    %scan3A_269 = arith.constant 9 : i32
    %scan3A_270 = arith.addi %scan3A_268, %scan3A_269 : i32
    %scan3A_271 = arith.constant 1 : i32
    scf.for %scan3A_441 = %scan3A_268 to %scan3A_270 step %scan3A_271  : i32 {
      %mul3A_442 = arith.constant 2 : i32
      %mul3A_443 = arith.muli %scan3A_441, %mul3A_442 : i32
      %add3A_444 = arith.constant 2 : i32
      %add3A_445 = arith.addi %add3A_444, %mul3A_443 : i32
      %dma_wait3A_446 = arith.constant 0 : i32
      %dma_wait3A_447 = arith.constant 0 : i32
      %dma_wait3A_448 = tpu.memref_slice %arg12[%dma_wait3A_446, %dma_wait3A_447] : memref<10240x128xf32, #tpu.memory_space<vmem_shared>> -> memref<128x128xf32, #tpu.memory_space<vmem_shared>>
      %dma_wait3A_449 = arith.constant 0 : i32
      %dma_wait3A_450 = arith.constant 0 : i32
      %dma_wait3A_451 = tpu.memref_slice %arg12[%dma_wait3A_449, %dma_wait3A_450] : memref<10240x128xf32, #tpu.memory_space<vmem_shared>> -> memref<128x128xf32, #tpu.memory_space<vmem_shared>>
      tpu.wait_dma2 semaphore(%arg16 : memref<!tpu.dma_semaphore, #tpu.memory_space<semaphore_mem>>) src(%arg10 : memref<128x128xf32, #tpu.memory_space<vmem>>) dst(%dma_wait3A_451 : memref<128x128xf32, #tpu.memory_space<vmem_shared>>)
      %dma_start3A_452 = arith.constant 0 : i32
      %dma_start3A_453 = tpu.memref_slice %arg6[%add3A_445, %dma_start3A_452] : memref<20x128xi32, #tpu.memory_space<vmem>> -> memref<1x128xi32, #tpu.memory_space<vmem>>
      %dma_start3A_454 = tpu.memref_squeeze %dma_start3A_453 : memref<1x128xi32, #tpu.memory_space<vmem>> -> memref<128xi32, #tpu.memory_space<vmem>>
      %dma_start3A_455 = arith.constant 0 : i32
      %dma_start3A_456 = arith.constant 0 : i32
      %dma_start3A_457 = tpu.memref_slice %arg2[%dma_start3A_455, %dma_start3A_456] : memref<10000x128xf32, #tpu.memory_space<hbm>> -> memref<10000x128xf32, #tpu.memory_space<hbm>>
      tpu.enqueue_indirect_dma source(%dma_start3A_457 : memref<10000x128xf32, #tpu.memory_space<hbm>>) target(%arg10 : memref<128x128xf32, #tpu.memory_space<vmem>>) offsets(%dma_start3A_454 : memref<128xi32, #tpu.memory_space<vmem>>) semaphore(%arg13 : memref<!tpu.dma_semaphore, #tpu.memory_space<semaphore_mem>>)
      %dma_wait3A_458 = arith.constant 0 : i32
      %dma_wait3A_459 = arith.constant 0 : i32
      %dma_wait3A_460 = tpu.memref_slice %arg12[%dma_wait3A_458, %dma_wait3A_459] : memref<10240x128xf32, #tpu.memory_space<vmem_shared>> -> memref<128x128xf32, #tpu.memory_space<vmem_shared>>
      %dma_wait3A_461 = arith.constant 0 : i32
      %dma_wait3A_462 = arith.constant 0 : i32
      %dma_wait3A_463 = tpu.memref_slice %arg12[%dma_wait3A_461, %dma_wait3A_462] : memref<10240x128xf32, #tpu.memory_space<vmem_shared>> -> memref<128x128xf32, #tpu.memory_space<vmem_shared>>
      tpu.wait_dma2 semaphore(%arg17 : memref<!tpu.dma_semaphore, #tpu.memory_space<semaphore_mem>>) src(%arg10 : memref<128x128xf32, #tpu.memory_space<vmem>>) dst(%dma_wait3A_463 : memref<128x128xf32, #tpu.memory_space<vmem_shared>>)
      %add3A_464 = arith.constant 1 : i32
      %add3A_465 = arith.addi %add3A_445, %add3A_464 : i32
      %dma_start3A_466 = arith.constant 0 : i32
      %dma_start3A_467 = tpu.memref_slice %arg6[%add3A_465, %dma_start3A_466] : memref<20x128xi32, #tpu.memory_space<vmem>> -> memref<1x128xi32, #tpu.memory_space<vmem>>
      %dma_start3A_468 = tpu.memref_squeeze %dma_start3A_467 : memref<1x128xi32, #tpu.memory_space<vmem>> -> memref<128xi32, #tpu.memory_space<vmem>>
      %dma_start3A_469 = arith.constant 0 : i32
      %dma_start3A_470 = arith.constant 0 : i32
      %dma_start3A_471 = tpu.memref_slice %arg2[%dma_start3A_469, %dma_start3A_470] : memref<10000x128xf32, #tpu.memory_space<hbm>> -> memref<10000x128xf32, #tpu.memory_space<hbm>>
      tpu.enqueue_indirect_dma source(%dma_start3A_471 : memref<10000x128xf32, #tpu.memory_space<hbm>>) target(%arg11 : memref<128x128xf32, #tpu.memory_space<vmem>>) offsets(%dma_start3A_468 : memref<128xi32, #tpu.memory_space<vmem>>) semaphore(%arg14 : memref<!tpu.dma_semaphore, #tpu.memory_space<semaphore_mem>>)
      %dma_wait3A_472 = arith.constant 0 : i32
      %dma_wait3A_473 = arith.constant 0 : i32
      %dma_wait3A_474 = tpu.memref_slice %arg2[%dma_wait3A_472, %dma_wait3A_473] : memref<10000x128xf32, #tpu.memory_space<hbm>> -> memref<128x128xf32, #tpu.memory_space<hbm>>
      %dma_wait3A_475 = arith.constant 0 : i32
      %dma_wait3A_476 = arith.constant 0 : i32
      %dma_wait3A_477 = tpu.memref_slice %arg2[%dma_wait3A_475, %dma_wait3A_476] : memref<10000x128xf32, #tpu.memory_space<hbm>> -> memref<128x128xf32, #tpu.memory_space<hbm>>
      tpu.wait_dma2 semaphore(%arg13 : memref<!tpu.dma_semaphore, #tpu.memory_space<semaphore_mem>>) src(%dma_wait3A_477 : memref<128x128xf32, #tpu.memory_space<hbm>>) dst(%arg10 : memref<128x128xf32, #tpu.memory_space<vmem>>)
      %dma_start3A_478 = arith.constant 0 : i32
      %dma_start3A_479 = tpu.memref_slice %arg7[%add3A_445, %dma_start3A_478] : memref<20x128xi32, #tpu.memory_space<vmem>> -> memref<1x128xi32, #tpu.memory_space<vmem>>
      %dma_start3A_480 = tpu.memref_squeeze %dma_start3A_479 : memref<1x128xi32, #tpu.memory_space<vmem>> -> memref<128xi32, #tpu.memory_space<vmem>>
      %dma_start3A_481 = arith.constant 0 : i32
      %dma_start3A_482 = arith.constant 0 : i32
      %dma_start3A_483 = tpu.memref_slice %arg12[%dma_start3A_481, %dma_start3A_482] : memref<10240x128xf32, #tpu.memory_space<vmem_shared>> -> memref<10240x128xf32, #tpu.memory_space<vmem_shared>>
      tpu.enqueue_indirect_dma source(%arg10 : memref<128x128xf32, #tpu.memory_space<vmem>>) target(%dma_start3A_483 : memref<10240x128xf32, #tpu.memory_space<vmem_shared>>) offsets(%dma_start3A_480 : memref<128xi32, #tpu.memory_space<vmem>>) semaphore(%arg16 : memref<!tpu.dma_semaphore, #tpu.memory_space<semaphore_mem>>) {add = true}
      %dma_wait3A_484 = arith.constant 0 : i32
      %dma_wait3A_485 = arith.constant 0 : i32
      %dma_wait3A_486 = tpu.memref_slice %arg2[%dma_wait3A_484, %dma_wait3A_485] : memref<10000x128xf32, #tpu.memory_space<hbm>> -> memref<128x128xf32, #tpu.memory_space<hbm>>
      %dma_wait3A_487 = arith.constant 0 : i32
      %dma_wait3A_488 = arith.constant 0 : i32
      %dma_wait3A_489 = tpu.memref_slice %arg2[%dma_wait3A_487, %dma_wait3A_488] : memref<10000x128xf32, #tpu.memory_space<hbm>> -> memref<128x128xf32, #tpu.memory_space<hbm>>
      tpu.wait_dma2 semaphore(%arg14 : memref<!tpu.dma_semaphore, #tpu.memory_space<semaphore_mem>>) src(%dma_wait3A_489 : memref<128x128xf32, #tpu.memory_space<hbm>>) dst(%arg11 : memref<128x128xf32, #tpu.memory_space<vmem>>)
      %add3A_490 = arith.constant 1 : i32
      %add3A_491 = arith.addi %add3A_445, %add3A_490 : i32
      %dma_start3A_492 = arith.constant 0 : i32
      %dma_start3A_493 = tpu.memref_slice %arg7[%add3A_491, %dma_start3A_492] : memref<20x128xi32, #tpu.memory_space<vmem>> -> memref<1x128xi32, #tpu.memory_space<vmem>>
      %dma_start3A_494 = tpu.memref_squeeze %dma_start3A_493 : memref<1x128xi32, #tpu.memory_space<vmem>> -> memref<128xi32, #tpu.memory_space<vmem>>
      %dma_start3A_495 = arith.constant 0 : i32
      %dma_start3A_496 = arith.constant 0 : i32
      %dma_start3A_497 = tpu.memref_slice %arg12[%dma_start3A_495, %dma_start3A_496] : memref<10240x128xf32, #tpu.memory_space<vmem_shared>> -> memref<10240x128xf32, #tpu.memory_space<vmem_shared>>
      tpu.enqueue_indirect_dma source(%arg11 : memref<128x128xf32, #tpu.memory_space<vmem>>) target(%dma_start3A_497 : memref<10240x128xf32, #tpu.memory_space<vmem_shared>>) offsets(%dma_start3A_494 : memref<128xi32, #tpu.memory_space<vmem>>) semaphore(%arg17 : memref<!tpu.dma_semaphore, #tpu.memory_space<semaphore_mem>>) {add = true}
    }
    %scan3A_272 = arith.constant 9 : i32
    %dma_wait3A_273 = arith.constant 0 : i32
    %dma_wait3A_274 = arith.constant 0 : i32
    %dma_wait3A_275 = tpu.memref_slice %arg12[%dma_wait3A_273, %dma_wait3A_274] : memref<10240x128xf32, #tpu.memory_space<vmem_shared>> -> memref<128x128xf32, #tpu.memory_space<vmem_shared>>
    %dma_wait3A_276 = arith.constant 0 : i32
    %dma_wait3A_277 = arith.constant 0 : i32
    %dma_wait3A_278 = tpu.memref_slice %arg12[%dma_wait3A_276, %dma_wait3A_277] : memref<10240x128xf32, #tpu.memory_space<vmem_shared>> -> memref<128x128xf32, #tpu.memory_space<vmem_shared>>
    tpu.wait_dma2 semaphore(%arg16 : memref<!tpu.dma_semaphore, #tpu.memory_space<semaphore_mem>>) src(%arg10 : memref<128x128xf32, #tpu.memory_space<vmem>>) dst(%dma_wait3A_278 : memref<128x128xf32, #tpu.memory_space<vmem_shared>>)
    %dma_wait3A_279 = arith.constant 0 : i32
    %dma_wait3A_280 = arith.constant 0 : i32
    %dma_wait3A_281 = tpu.memref_slice %arg12[%dma_wait3A_279, %dma_wait3A_280] : memref<10240x128xf32, #tpu.memory_space<vmem_shared>> -> memref<128x128xf32, #tpu.memory_space<vmem_shared>>
    %dma_wait3A_282 = arith.constant 0 : i32
    %dma_wait3A_283 = arith.constant 0 : i32
    %dma_wait3A_284 = tpu.memref_slice %arg12[%dma_wait3A_282, %dma_wait3A_283] : memref<10240x128xf32, #tpu.memory_space<vmem_shared>> -> memref<128x128xf32, #tpu.memory_space<vmem_shared>>
    tpu.wait_dma2 semaphore(%arg17 : memref<!tpu.dma_semaphore, #tpu.memory_space<semaphore_mem>>) src(%arg10 : memref<128x128xf32, #tpu.memory_space<vmem>>) dst(%dma_wait3A_284 : memref<128x128xf32, #tpu.memory_space<vmem_shared>>)
    %dma_wait3A_285 = arith.constant 3 : i32
    %dma_wait3A_286 = arith.constant 0 : i32
    %dma_wait3A_287 = arith.constant 0 : i32
    %dma_wait3A_288 = tpu.memref_slice %arg3[%add3A, %dma_wait3A_285, %dma_wait3A_286, %dma_wait3A_287] : memref<32x4x20x128xi32, #tpu.memory_space<hbm>> -> memref<1x1x20x128xi32, #tpu.memory_space<hbm>>
    %dma_wait3A_289 = tpu.memref_squeeze %dma_wait3A_288 : memref<1x1x20x128xi32, #tpu.memory_space<hbm>> -> memref<20x128xi32, #tpu.memory_space<hbm>>
    %dma_wait3A_290 = arith.constant 0 : i32
    %dma_wait3A_291 = arith.constant 0 : i32
    %dma_wait3A_292 = tpu.memref_slice %arg3[%add3A, %dma_wait3A_285, %dma_wait3A_290, %dma_wait3A_291] : memref<32x4x20x128xi32, #tpu.memory_space<hbm>> -> memref<1x1x20x128xi32, #tpu.memory_space<hbm>>
    %dma_wait3A_293 = tpu.memref_squeeze %dma_wait3A_292 : memref<1x1x20x128xi32, #tpu.memory_space<hbm>> -> memref<20x128xi32, #tpu.memory_space<hbm>>
    tpu.wait_dma2 semaphore(%arg15 : memref<!tpu.dma_semaphore, #tpu.memory_space<semaphore_mem>>) src(%dma_wait3A_293 : memref<20x128xi32, #tpu.memory_space<hbm>>) dst(%arg8 : memref<20x128xi32, #tpu.memory_space<vmem>>)
    %dma_wait3A_294 = arith.constant 3 : i32
    %dma_wait3A_295 = arith.constant 0 : i32
    %dma_wait3A_296 = arith.constant 0 : i32
    %dma_wait3A_297 = tpu.memref_slice %arg4[%add3A, %dma_wait3A_294, %dma_wait3A_295, %dma_wait3A_296] : memref<32x4x20x128xi32, #tpu.memory_space<hbm>> -> memref<1x1x20x128xi32, #tpu.memory_space<hbm>>
    %dma_wait3A_298 = tpu.memref_squeeze %dma_wait3A_297 : memref<1x1x20x128xi32, #tpu.memory_space<hbm>> -> memref<20x128xi32, #tpu.memory_space<hbm>>
    %dma_wait3A_299 = arith.constant 0 : i32
    %dma_wait3A_300 = arith.constant 0 : i32
    %dma_wait3A_301 = tpu.memref_slice %arg4[%add3A, %dma_wait3A_294, %dma_wait3A_299, %dma_wait3A_300] : memref<32x4x20x128xi32, #tpu.memory_space<hbm>> -> memref<1x1x20x128xi32, #tpu.memory_space<hbm>>
    %dma_wait3A_302 = tpu.memref_squeeze %dma_wait3A_301 : memref<1x1x20x128xi32, #tpu.memory_space<hbm>> -> memref<20x128xi32, #tpu.memory_space<hbm>>
    tpu.wait_dma2 semaphore(%arg15 : memref<!tpu.dma_semaphore, #tpu.memory_space<semaphore_mem>>) src(%dma_wait3A_302 : memref<20x128xi32, #tpu.memory_space<hbm>>) dst(%arg9 : memref<20x128xi32, #tpu.memory_space<vmem>>)
    %dma_start3A_303 = arith.constant 0 : i32
    %dma_start3A_304 = arith.constant 0 : i32
    %dma_start3A_305 = tpu.memref_slice %arg8[%dma_start3A_303, %dma_start3A_304] : memref<20x128xi32, #tpu.memory_space<vmem>> -> memref<1x128xi32, #tpu.memory_space<vmem>>
    %dma_start3A_306 = tpu.memref_squeeze %dma_start3A_305 : memref<1x128xi32, #tpu.memory_space<vmem>> -> memref<128xi32, #tpu.memory_space<vmem>>
    %dma_start3A_307 = arith.constant 0 : i32
    %dma_start3A_308 = arith.constant 0 : i32
    %dma_start3A_309 = tpu.memref_slice %arg2[%dma_start3A_307, %dma_start3A_308] : memref<10000x128xf32, #tpu.memory_space<hbm>> -> memref<10000x128xf32, #tpu.memory_space<hbm>>
    tpu.enqueue_indirect_dma source(%dma_start3A_309 : memref<10000x128xf32, #tpu.memory_space<hbm>>) target(%arg10 : memref<128x128xf32, #tpu.memory_space<vmem>>) offsets(%dma_start3A_306 : memref<128xi32, #tpu.memory_space<vmem>>) semaphore(%arg13 : memref<!tpu.dma_semaphore, #tpu.memory_space<semaphore_mem>>)
    %dma_start3A_310 = arith.constant 1 : i32
    %dma_start3A_311 = arith.constant 0 : i32
    %dma_start3A_312 = tpu.memref_slice %arg8[%dma_start3A_310, %dma_start3A_311] : memref<20x128xi32, #tpu.memory_space<vmem>> -> memref<1x128xi32, #tpu.memory_space<vmem>>
    %dma_start3A_313 = tpu.memref_squeeze %dma_start3A_312 : memref<1x128xi32, #tpu.memory_space<vmem>> -> memref<128xi32, #tpu.memory_space<vmem>>
    %dma_start3A_314 = arith.constant 0 : i32
    %dma_start3A_315 = arith.constant 0 : i32
    %dma_start3A_316 = tpu.memref_slice %arg2[%dma_start3A_314, %dma_start3A_315] : memref<10000x128xf32, #tpu.memory_space<hbm>> -> memref<10000x128xf32, #tpu.memory_space<hbm>>
    tpu.enqueue_indirect_dma source(%dma_start3A_316 : memref<10000x128xf32, #tpu.memory_space<hbm>>) target(%arg11 : memref<128x128xf32, #tpu.memory_space<vmem>>) offsets(%dma_start3A_313 : memref<128xi32, #tpu.memory_space<vmem>>) semaphore(%arg14 : memref<!tpu.dma_semaphore, #tpu.memory_space<semaphore_mem>>)
    %dma_wait3A_317 = arith.constant 0 : i32
    %dma_wait3A_318 = arith.constant 0 : i32
    %dma_wait3A_319 = tpu.memref_slice %arg2[%dma_wait3A_317, %dma_wait3A_318] : memref<10000x128xf32, #tpu.memory_space<hbm>> -> memref<128x128xf32, #tpu.memory_space<hbm>>
    %dma_wait3A_320 = arith.constant 0 : i32
    %dma_wait3A_321 = arith.constant 0 : i32
    %dma_wait3A_322 = tpu.memref_slice %arg2[%dma_wait3A_320, %dma_wait3A_321] : memref<10000x128xf32, #tpu.memory_space<hbm>> -> memref<128x128xf32, #tpu.memory_space<hbm>>
    tpu.wait_dma2 semaphore(%arg13 : memref<!tpu.dma_semaphore, #tpu.memory_space<semaphore_mem>>) src(%dma_wait3A_322 : memref<128x128xf32, #tpu.memory_space<hbm>>) dst(%arg10 : memref<128x128xf32, #tpu.memory_space<vmem>>)
    %dma_start3A_323 = arith.constant 0 : i32
    %dma_start3A_324 = arith.constant 0 : i32
    %dma_start3A_325 = tpu.memref_slice %arg9[%dma_start3A_323, %dma_start3A_324] : memref<20x128xi32, #tpu.memory_space<vmem>> -> memref<1x128xi32, #tpu.memory_space<vmem>>
    %dma_start3A_326 = tpu.memref_squeeze %dma_start3A_325 : memref<1x128xi32, #tpu.memory_space<vmem>> -> memref<128xi32, #tpu.memory_space<vmem>>
    %dma_start3A_327 = arith.constant 0 : i32
    %dma_start3A_328 = arith.constant 0 : i32
    %dma_start3A_329 = tpu.memref_slice %arg12[%dma_start3A_327, %dma_start3A_328] : memref<10240x128xf32, #tpu.memory_space<vmem_shared>> -> memref<10240x128xf32, #tpu.memory_space<vmem_shared>>
    tpu.enqueue_indirect_dma source(%arg10 : memref<128x128xf32, #tpu.memory_space<vmem>>) target(%dma_start3A_329 : memref<10240x128xf32, #tpu.memory_space<vmem_shared>>) offsets(%dma_start3A_326 : memref<128xi32, #tpu.memory_space<vmem>>) semaphore(%arg16 : memref<!tpu.dma_semaphore, #tpu.memory_space<semaphore_mem>>) {add = true}
    %dma_wait3A_330 = arith.constant 0 : i32
    %dma_wait3A_331 = arith.constant 0 : i32
    %dma_wait3A_332 = tpu.memref_slice %arg2[%dma_wait3A_330, %dma_wait3A_331] : memref<10000x128xf32, #tpu.memory_space<hbm>> -> memref<128x128xf32, #tpu.memory_space<hbm>>
    %dma_wait3A_333 = arith.constant 0 : i32
    %dma_wait3A_334 = arith.constant 0 : i32
    %dma_wait3A_335 = tpu.memref_slice %arg2[%dma_wait3A_333, %dma_wait3A_334] : memref<10000x128xf32, #tpu.memory_space<hbm>> -> memref<128x128xf32, #tpu.memory_space<hbm>>
    tpu.wait_dma2 semaphore(%arg14 : memref<!tpu.dma_semaphore, #tpu.memory_space<semaphore_mem>>) src(%dma_wait3A_335 : memref<128x128xf32, #tpu.memory_space<hbm>>) dst(%arg11 : memref<128x128xf32, #tpu.memory_space<vmem>>)
    %dma_start3A_336 = arith.constant 1 : i32
    %dma_start3A_337 = arith.constant 0 : i32
    %dma_start3A_338 = tpu.memref_slice %arg9[%dma_start3A_336, %dma_start3A_337] : memref<20x128xi32, #tpu.memory_space<vmem>> -> memref<1x128xi32, #tpu.memory_space<vmem>>
    %dma_start3A_339 = tpu.memref_squeeze %dma_start3A_338 : memref<1x128xi32, #tpu.memory_space<vmem>> -> memref<128xi32, #tpu.memory_space<vmem>>
    %dma_start3A_340 = arith.constant 0 : i32
    %dma_start3A_341 = arith.constant 0 : i32
    %dma_start3A_342 = tpu.memref_slice %arg12[%dma_start3A_340, %dma_start3A_341] : memref<10240x128xf32, #tpu.memory_space<vmem_shared>> -> memref<10240x128xf32, #tpu.memory_space<vmem_shared>>
    tpu.enqueue_indirect_dma source(%arg11 : memref<128x128xf32, #tpu.memory_space<vmem>>) target(%dma_start3A_342 : memref<10240x128xf32, #tpu.memory_space<vmem_shared>>) offsets(%dma_start3A_339 : memref<128xi32, #tpu.memory_space<vmem>>) semaphore(%arg17 : memref<!tpu.dma_semaphore, #tpu.memory_space<semaphore_mem>>) {add = true}
    %scan3A_343 = arith.constant 0 : i32
    %scan3A_344 = arith.constant 9 : i32
    %scan3A_345 = arith.addi %scan3A_343, %scan3A_344 : i32
    %scan3A_346 = arith.constant 1 : i32
    scf.for %scan3A_441 = %scan3A_343 to %scan3A_345 step %scan3A_346  : i32 {
      %mul3A_442 = arith.constant 2 : i32
      %mul3A_443 = arith.muli %scan3A_441, %mul3A_442 : i32
      %add3A_444 = arith.constant 2 : i32
      %add3A_445 = arith.addi %add3A_444, %mul3A_443 : i32
      %dma_wait3A_446 = arith.constant 0 : i32
      %dma_wait3A_447 = arith.constant 0 : i32
      %dma_wait3A_448 = tpu.memref_slice %arg12[%dma_wait3A_446, %dma_wait3A_447] : memref<10240x128xf32, #tpu.memory_space<vmem_shared>> -> memref<128x128xf32, #tpu.memory_space<vmem_shared>>
      %dma_wait3A_449 = arith.constant 0 : i32
      %dma_wait3A_450 = arith.constant 0 : i32
      %dma_wait3A_451 = tpu.memref_slice %arg12[%dma_wait3A_449, %dma_wait3A_450] : memref<10240x128xf32, #tpu.memory_space<vmem_shared>> -> memref<128x128xf32, #tpu.memory_space<vmem_shared>>
      tpu.wait_dma2 semaphore(%arg16 : memref<!tpu.dma_semaphore, #tpu.memory_space<semaphore_mem>>) src(%arg10 : memref<128x128xf32, #tpu.memory_space<vmem>>) dst(%dma_wait3A_451 : memref<128x128xf32, #tpu.memory_space<vmem_shared>>)
      %dma_start3A_452 = arith.constant 0 : i32
      %dma_start3A_453 = tpu.memref_slice %arg8[%add3A_445, %dma_start3A_452] : memref<20x128xi32, #tpu.memory_space<vmem>> -> memref<1x128xi32, #tpu.memory_space<vmem>>
      %dma_start3A_454 = tpu.memref_squeeze %dma_start3A_453 : memref<1x128xi32, #tpu.memory_space<vmem>> -> memref<128xi32, #tpu.memory_space<vmem>>
      %dma_start3A_455 = arith.constant 0 : i32
      %dma_start3A_456 = arith.constant 0 : i32
      %dma_start3A_457 = tpu.memref_slice %arg2[%dma_start3A_455, %dma_start3A_456] : memref<10000x128xf32, #tpu.memory_space<hbm>> -> memref<10000x128xf32, #tpu.memory_space<hbm>>
      tpu.enqueue_indirect_dma source(%dma_start3A_457 : memref<10000x128xf32, #tpu.memory_space<hbm>>) target(%arg10 : memref<128x128xf32, #tpu.memory_space<vmem>>) offsets(%dma_start3A_454 : memref<128xi32, #tpu.memory_space<vmem>>) semaphore(%arg13 : memref<!tpu.dma_semaphore, #tpu.memory_space<semaphore_mem>>)
      %dma_wait3A_458 = arith.constant 0 : i32
      %dma_wait3A_459 = arith.constant 0 : i32
      %dma_wait3A_460 = tpu.memref_slice %arg12[%dma_wait3A_458, %dma_wait3A_459] : memref<10240x128xf32, #tpu.memory_space<vmem_shared>> -> memref<128x128xf32, #tpu.memory_space<vmem_shared>>
      %dma_wait3A_461 = arith.constant 0 : i32
      %dma_wait3A_462 = arith.constant 0 : i32
      %dma_wait3A_463 = tpu.memref_slice %arg12[%dma_wait3A_461, %dma_wait3A_462] : memref<10240x128xf32, #tpu.memory_space<vmem_shared>> -> memref<128x128xf32, #tpu.memory_space<vmem_shared>>
      tpu.wait_dma2 semaphore(%arg17 : memref<!tpu.dma_semaphore, #tpu.memory_space<semaphore_mem>>) src(%arg10 : memref<128x128xf32, #tpu.memory_space<vmem>>) dst(%dma_wait3A_463 : memref<128x128xf32, #tpu.memory_space<vmem_shared>>)
      %add3A_464 = arith.constant 1 : i32
      %add3A_465 = arith.addi %add3A_445, %add3A_464 : i32
      %dma_start3A_466 = arith.constant 0 : i32
      %dma_start3A_467 = tpu.memref_slice %arg8[%add3A_465, %dma_start3A_466] : memref<20x128xi32, #tpu.memory_space<vmem>> -> memref<1x128xi32, #tpu.memory_space<vmem>>
      %dma_start3A_468 = tpu.memref_squeeze %dma_start3A_467 : memref<1x128xi32, #tpu.memory_space<vmem>> -> memref<128xi32, #tpu.memory_space<vmem>>
      %dma_start3A_469 = arith.constant 0 : i32
      %dma_start3A_470 = arith.constant 0 : i32
      %dma_start3A_471 = tpu.memref_slice %arg2[%dma_start3A_469, %dma_start3A_470] : memref<10000x128xf32, #tpu.memory_space<hbm>> -> memref<10000x128xf32, #tpu.memory_space<hbm>>
      tpu.enqueue_indirect_dma source(%dma_start3A_471 : memref<10000x128xf32, #tpu.memory_space<hbm>>) target(%arg11 : memref<128x128xf32, #tpu.memory_space<vmem>>) offsets(%dma_start3A_468 : memref<128xi32, #tpu.memory_space<vmem>>) semaphore(%arg14 : memref<!tpu.dma_semaphore, #tpu.memory_space<semaphore_mem>>)
      %dma_wait3A_472 = arith.constant 0 : i32
      %dma_wait3A_473 = arith.constant 0 : i32
      %dma_wait3A_474 = tpu.memref_slice %arg2[%dma_wait3A_472, %dma_wait3A_473] : memref<10000x128xf32, #tpu.memory_space<hbm>> -> memref<128x128xf32, #tpu.memory_space<hbm>>
      %dma_wait3A_475 = arith.constant 0 : i32
      %dma_wait3A_476 = arith.constant 0 : i32
      %dma_wait3A_477 = tpu.memref_slice %arg2[%dma_wait3A_475, %dma_wait3A_476] : memref<10000x128xf32, #tpu.memory_space<hbm>> -> memref<128x128xf32, #tpu.memory_space<hbm>>
      tpu.wait_dma2 semaphore(%arg13 : memref<!tpu.dma_semaphore, #tpu.memory_space<semaphore_mem>>) src(%dma_wait3A_477 : memref<128x128xf32, #tpu.memory_space<hbm>>) dst(%arg10 : memref<128x128xf32, #tpu.memory_space<vmem>>)
      %dma_start3A_478 = arith.constant 0 : i32
      %dma_start3A_479 = tpu.memref_slice %arg9[%add3A_445, %dma_start3A_478] : memref<20x128xi32, #tpu.memory_space<vmem>> -> memref<1x128xi32, #tpu.memory_space<vmem>>
      %dma_start3A_480 = tpu.memref_squeeze %dma_start3A_479 : memref<1x128xi32, #tpu.memory_space<vmem>> -> memref<128xi32, #tpu.memory_space<vmem>>
      %dma_start3A_481 = arith.constant 0 : i32
      %dma_start3A_482 = arith.constant 0 : i32
      %dma_start3A_483 = tpu.memref_slice %arg12[%dma_start3A_481, %dma_start3A_482] : memref<10240x128xf32, #tpu.memory_space<vmem_shared>> -> memref<10240x128xf32, #tpu.memory_space<vmem_shared>>
      tpu.enqueue_indirect_dma source(%arg10 : memref<128x128xf32, #tpu.memory_space<vmem>>) target(%dma_start3A_483 : memref<10240x128xf32, #tpu.memory_space<vmem_shared>>) offsets(%dma_start3A_480 : memref<128xi32, #tpu.memory_space<vmem>>) semaphore(%arg16 : memref<!tpu.dma_semaphore, #tpu.memory_space<semaphore_mem>>) {add = true}
      %dma_wait3A_484 = arith.constant 0 : i32
      %dma_wait3A_485 = arith.constant 0 : i32
      %dma_wait3A_486 = tpu.memref_slice %arg2[%dma_wait3A_484, %dma_wait3A_485] : memref<10000x128xf32, #tpu.memory_space<hbm>> -> memref<128x128xf32, #tpu.memory_space<hbm>>
      %dma_wait3A_487 = arith.constant 0 : i32
      %dma_wait3A_488 = arith.constant 0 : i32
      %dma_wait3A_489 = tpu.memref_slice %arg2[%dma_wait3A_487, %dma_wait3A_488] : memref<10000x128xf32, #tpu.memory_space<hbm>> -> memref<128x128xf32, #tpu.memory_space<hbm>>
      tpu.wait_dma2 semaphore(%arg14 : memref<!tpu.dma_semaphore, #tpu.memory_space<semaphore_mem>>) src(%dma_wait3A_489 : memref<128x128xf32, #tpu.memory_space<hbm>>) dst(%arg11 : memref<128x128xf32, #tpu.memory_space<vmem>>)
      %add3A_490 = arith.constant 1 : i32
      %add3A_491 = arith.addi %add3A_445, %add3A_490 : i32
      %dma_start3A_492 = arith.constant 0 : i32
      %dma_start3A_493 = tpu.memref_slice %arg9[%add3A_491, %dma_start3A_492] : memref<20x128xi32, #tpu.memory_space<vmem>> -> memref<1x128xi32, #tpu.memory_space<vmem>>
      %dma_start3A_494 = tpu.memref_squeeze %dma_start3A_493 : memref<1x128xi32, #tpu.memory_space<vmem>> -> memref<128xi32, #tpu.memory_space<vmem>>
      %dma_start3A_495 = arith.constant 0 : i32
      %dma_start3A_496 = arith.constant 0 : i32
      %dma_start3A_497 = tpu.memref_slice %arg12[%dma_start3A_495, %dma_start3A_496] : memref<10240x128xf32, #tpu.memory_space<vmem_shared>> -> memref<10240x128xf32, #tpu.memory_space<vmem_shared>>
      tpu.enqueue_indirect_dma source(%arg11 : memref<128x128xf32, #tpu.memory_space<vmem>>) target(%dma_start3A_497 : memref<10240x128xf32, #tpu.memory_space<vmem_shared>>) offsets(%dma_start3A_494 : memref<128xi32, #tpu.memory_space<vmem>>) semaphore(%arg17 : memref<!tpu.dma_semaphore, #tpu.memory_space<semaphore_mem>>) {add = true}
    }
    %scan3A_347 = arith.constant 9 : i32
    %dma_wait3A_348 = arith.constant 0 : i32
    %dma_wait3A_349 = arith.constant 0 : i32
    %dma_wait3A_350 = tpu.memref_slice %arg12[%dma_wait3A_348, %dma_wait3A_349] : memref<10240x128xf32, #tpu.memory_space<vmem_shared>> -> memref<128x128xf32, #tpu.memory_space<vmem_shared>>
    %dma_wait3A_351 = arith.constant 0 : i32
    %dma_wait3A_352 = arith.constant 0 : i32
    %dma_wait3A_353 = tpu.memref_slice %arg12[%dma_wait3A_351, %dma_wait3A_352] : memref<10240x128xf32, #tpu.memory_space<vmem_shared>> -> memref<128x128xf32, #tpu.memory_space<vmem_shared>>
    tpu.wait_dma2 semaphore(%arg16 : memref<!tpu.dma_semaphore, #tpu.memory_space<semaphore_mem>>) src(%arg10 : memref<128x128xf32, #tpu.memory_space<vmem>>) dst(%dma_wait3A_353 : memref<128x128xf32, #tpu.memory_space<vmem_shared>>)
    %dma_wait3A_354 = arith.constant 0 : i32
    %dma_wait3A_355 = arith.constant 0 : i32
    %dma_wait3A_356 = tpu.memref_slice %arg12[%dma_wait3A_354, %dma_wait3A_355] : memref<10240x128xf32, #tpu.memory_space<vmem_shared>> -> memref<128x128xf32, #tpu.memory_space<vmem_shared>>
    %dma_wait3A_357 = arith.constant 0 : i32
    %dma_wait3A_358 = arith.constant 0 : i32
    %dma_wait3A_359 = tpu.memref_slice %arg12[%dma_wait3A_357, %dma_wait3A_358] : memref<10240x128xf32, #tpu.memory_space<vmem_shared>> -> memref<128x128xf32, #tpu.memory_space<vmem_shared>>
    tpu.wait_dma2 semaphore(%arg17 : memref<!tpu.dma_semaphore, #tpu.memory_space<semaphore_mem>>) src(%arg10 : memref<128x128xf32, #tpu.memory_space<vmem>>) dst(%dma_wait3A_359 : memref<128x128xf32, #tpu.memory_space<vmem_shared>>)
    %barrier3A_360 = arith.constant 0 : index
    tpu.barrier barrier_id(%barrier3A_360)
    %mul3A_361 = arith.constant 640 : i32
    %mul3A_362 = arith.muli %arg1, %mul3A_361 : i32
    %add3A_363 = arith.constant 0 : i32
    %add3A_364 = arith.addi %mul3A_362, %add3A_363 : i32
    "tpu.region"() ({
      %run_scoped3A_441 = tpu.sem_alloc : memref<!tpu.dma_semaphore, #tpu.memory_space<semaphore_mem>>
      %dma_start3A_442 = arith.constant 0 : i32
      %dma_start3A_443 = tpu.memref_slice %arg12[%add3A_364, %dma_start3A_442] : memref<10240x128xf32, #tpu.memory_space<vmem_shared>> -> memref<128x128xf32, #tpu.memory_space<vmem_shared>>
      %dma_start3A_444 = arith.constant 0 : i32
      %dma_start3A_445 = tpu.memref_slice %arg12[%add3A_364, %dma_start3A_444] : memref<10240x128xf32, #tpu.memory_space<vmem_shared>> -> memref<128x128xf32, #tpu.memory_space<vmem_shared>>
      tpu.enqueue_dma source(%dma_start3A_445 : memref<128x128xf32, #tpu.memory_space<vmem_shared>>) target(%arg10 : memref<128x128xf32, #tpu.memory_space<vmem>>) target_semaphore(%run_scoped3A_441 : memref<!tpu.dma_semaphore, #tpu.memory_space<semaphore_mem>>)
      %dma_wait3A_446 = arith.constant 0 : i32
      %dma_wait3A_447 = tpu.memref_slice %arg12[%add3A_364, %dma_wait3A_446] : memref<10240x128xf32, #tpu.memory_space<vmem_shared>> -> memref<128x128xf32, #tpu.memory_space<vmem_shared>>
      %dma_wait3A_448 = arith.constant 0 : i32
      %dma_wait3A_449 = tpu.memref_slice %arg12[%add3A_364, %dma_wait3A_448] : memref<10240x128xf32, #tpu.memory_space<vmem_shared>> -> memref<128x128xf32, #tpu.memory_space<vmem_shared>>
      tpu.wait_dma2 semaphore(%run_scoped3A_441 : memref<!tpu.dma_semaphore, #tpu.memory_space<semaphore_mem>>) src(%dma_wait3A_449 : memref<128x128xf32, #tpu.memory_space<vmem_shared>>) dst(%arg10 : memref<128x128xf32, #tpu.memory_space<vmem>>)
      tpu.yield
    }) : () -> ()
    %dma_start3A_365 = arith.constant 0 : i32
    %dma_start3A_366 = tpu.memref_slice %arg5[%arg0, %add3A_364, %dma_start3A_365] : memref<2x10240x128xf32, #tpu.memory_space<hbm>> -> memref<1x128x128xf32, #tpu.memory_space<hbm>>
    %dma_start3A_367 = tpu.memref_squeeze %dma_start3A_366 : memref<1x128x128xf32, #tpu.memory_space<hbm>> -> memref<128x128xf32, #tpu.memory_space<hbm>>
    %dma_start3A_368 = arith.constant 0 : i32
    %dma_start3A_369 = tpu.memref_slice %arg5[%arg0, %add3A_364, %dma_start3A_368] : memref<2x10240x128xf32, #tpu.memory_space<hbm>> -> memref<1x128x128xf32, #tpu.memory_space<hbm>>
    %dma_start3A_370 = tpu.memref_squeeze %dma_start3A_369 : memref<1x128x128xf32, #tpu.memory_space<hbm>> -> memref<128x128xf32, #tpu.memory_space<hbm>>
    tpu.enqueue_dma source(%arg10 : memref<128x128xf32, #tpu.memory_space<vmem>>) target(%dma_start3A_370 : memref<128x128xf32, #tpu.memory_space<hbm>>) target_semaphore(%arg13 : memref<!tpu.dma_semaphore, #tpu.memory_space<semaphore_mem>>)
    %mul3A_371 = arith.constant 640 : i32
    %mul3A_372 = arith.muli %arg1, %mul3A_371 : i32
    %add3A_373 = arith.constant 128 : i32
    %add3A_374 = arith.addi %mul3A_372, %add3A_373 : i32
    "tpu.region"() ({
      %run_scoped3A_441 = tpu.sem_alloc : memref<!tpu.dma_semaphore, #tpu.memory_space<semaphore_mem>>
      %dma_start3A_442 = arith.constant 0 : i32
      %dma_start3A_443 = tpu.memref_slice %arg12[%add3A_374, %dma_start3A_442] : memref<10240x128xf32, #tpu.memory_space<vmem_shared>> -> memref<128x128xf32, #tpu.memory_space<vmem_shared>>
      %dma_start3A_444 = arith.constant 0 : i32
      %dma_start3A_445 = tpu.memref_slice %arg12[%add3A_374, %dma_start3A_444] : memref<10240x128xf32, #tpu.memory_space<vmem_shared>> -> memref<128x128xf32, #tpu.memory_space<vmem_shared>>
      tpu.enqueue_dma source(%dma_start3A_445 : memref<128x128xf32, #tpu.memory_space<vmem_shared>>) target(%arg11 : memref<128x128xf32, #tpu.memory_space<vmem>>) target_semaphore(%run_scoped3A_441 : memref<!tpu.dma_semaphore, #tpu.memory_space<semaphore_mem>>)
      %dma_wait3A_446 = arith.constant 0 : i32
      %dma_wait3A_447 = tpu.memref_slice %arg12[%add3A_374, %dma_wait3A_446] : memref<10240x128xf32, #tpu.memory_space<vmem_shared>> -> memref<128x128xf32, #tpu.memory_space<vmem_shared>>
      %dma_wait3A_448 = arith.constant 0 : i32
      %dma_wait3A_449 = tpu.memref_slice %arg12[%add3A_374, %dma_wait3A_448] : memref<10240x128xf32, #tpu.memory_space<vmem_shared>> -> memref<128x128xf32, #tpu.memory_space<vmem_shared>>
      tpu.wait_dma2 semaphore(%run_scoped3A_441 : memref<!tpu.dma_semaphore, #tpu.memory_space<semaphore_mem>>) src(%dma_wait3A_449 : memref<128x128xf32, #tpu.memory_space<vmem_shared>>) dst(%arg11 : memref<128x128xf32, #tpu.memory_space<vmem>>)
      tpu.yield
    }) : () -> ()
    %dma_start3A_375 = arith.constant 0 : i32
    %dma_start3A_376 = tpu.memref_slice %arg5[%arg0, %add3A_374, %dma_start3A_375] : memref<2x10240x128xf32, #tpu.memory_space<hbm>> -> memref<1x128x128xf32, #tpu.memory_space<hbm>>
    %dma_start3A_377 = tpu.memref_squeeze %dma_start3A_376 : memref<1x128x128xf32, #tpu.memory_space<hbm>> -> memref<128x128xf32, #tpu.memory_space<hbm>>
    %dma_start3A_378 = arith.constant 0 : i32
    %dma_start3A_379 = tpu.memref_slice %arg5[%arg0, %add3A_374, %dma_start3A_378] : memref<2x10240x128xf32, #tpu.memory_space<hbm>> -> memref<1x128x128xf32, #tpu.memory_space<hbm>>
    %dma_start3A_380 = tpu.memref_squeeze %dma_start3A_379 : memref<1x128x128xf32, #tpu.memory_space<hbm>> -> memref<128x128xf32, #tpu.memory_space<hbm>>
    tpu.enqueue_dma source(%arg11 : memref<128x128xf32, #tpu.memory_space<vmem>>) target(%dma_start3A_380 : memref<128x128xf32, #tpu.memory_space<hbm>>) target_semaphore(%arg14 : memref<!tpu.dma_semaphore, #tpu.memory_space<semaphore_mem>>)
    %dma_wait3A_381 = arith.constant 0 : i32
    %dma_wait3A_382 = tpu.memref_slice %arg5[%arg0, %add3A_364, %dma_wait3A_381] : memref<2x10240x128xf32, #tpu.memory_space<hbm>> -> memref<1x128x128xf32, #tpu.memory_space<hbm>>
    %dma_wait3A_383 = tpu.memref_squeeze %dma_wait3A_382 : memref<1x128x128xf32, #tpu.memory_space<hbm>> -> memref<128x128xf32, #tpu.memory_space<hbm>>
    %dma_wait3A_384 = arith.constant 0 : i32
    %dma_wait3A_385 = tpu.memref_slice %arg5[%arg0, %add3A_364, %dma_wait3A_384] : memref<2x10240x128xf32, #tpu.memory_space<hbm>> -> memref<1x128x128xf32, #tpu.memory_space<hbm>>
    %dma_wait3A_386 = tpu.memref_squeeze %dma_wait3A_385 : memref<1x128x128xf32, #tpu.memory_space<hbm>> -> memref<128x128xf32, #tpu.memory_space<hbm>>
    tpu.wait_dma2 semaphore(%arg13 : memref<!tpu.dma_semaphore, #tpu.memory_space<semaphore_mem>>) src(%arg10 : memref<128x128xf32, #tpu.memory_space<vmem>>) dst(%dma_wait3A_386 : memref<128x128xf32, #tpu.memory_space<hbm>>)
    %mul3A_387 = arith.constant 640 : i32
    %mul3A_388 = arith.muli %arg1, %mul3A_387 : i32
    %add3A_389 = arith.constant 256 : i32
    %add3A_390 = arith.addi %mul3A_388, %add3A_389 : i32
    "tpu.region"() ({
      %run_scoped3A_441 = tpu.sem_alloc : memref<!tpu.dma_semaphore, #tpu.memory_space<semaphore_mem>>
      %dma_start3A_442 = arith.constant 0 : i32
      %dma_start3A_443 = tpu.memref_slice %arg12[%add3A_390, %dma_start3A_442] : memref<10240x128xf32, #tpu.memory_space<vmem_shared>> -> memref<128x128xf32, #tpu.memory_space<vmem_shared>>
      %dma_start3A_444 = arith.constant 0 : i32
      %dma_start3A_445 = tpu.memref_slice %arg12[%add3A_390, %dma_start3A_444] : memref<10240x128xf32, #tpu.memory_space<vmem_shared>> -> memref<128x128xf32, #tpu.memory_space<vmem_shared>>
      tpu.enqueue_dma source(%dma_start3A_445 : memref<128x128xf32, #tpu.memory_space<vmem_shared>>) target(%arg10 : memref<128x128xf32, #tpu.memory_space<vmem>>) target_semaphore(%run_scoped3A_441 : memref<!tpu.dma_semaphore, #tpu.memory_space<semaphore_mem>>)
      %dma_wait3A_446 = arith.constant 0 : i32
      %dma_wait3A_447 = tpu.memref_slice %arg12[%add3A_390, %dma_wait3A_446] : memref<10240x128xf32, #tpu.memory_space<vmem_shared>> -> memref<128x128xf32, #tpu.memory_space<vmem_shared>>
      %dma_wait3A_448 = arith.constant 0 : i32
      %dma_wait3A_449 = tpu.memref_slice %arg12[%add3A_390, %dma_wait3A_448] : memref<10240x128xf32, #tpu.memory_space<vmem_shared>> -> memref<128x128xf32, #tpu.memory_space<vmem_shared>>
      tpu.wait_dma2 semaphore(%run_scoped3A_441 : memref<!tpu.dma_semaphore, #tpu.memory_space<semaphore_mem>>) src(%dma_wait3A_449 : memref<128x128xf32, #tpu.memory_space<vmem_shared>>) dst(%arg10 : memref<128x128xf32, #tpu.memory_space<vmem>>)
      tpu.yield
    }) : () -> ()
    %dma_start3A_391 = arith.constant 0 : i32
    %dma_start3A_392 = tpu.memref_slice %arg5[%arg0, %add3A_390, %dma_start3A_391] : memref<2x10240x128xf32, #tpu.memory_space<hbm>> -> memref<1x128x128xf32, #tpu.memory_space<hbm>>
    %dma_start3A_393 = tpu.memref_squeeze %dma_start3A_392 : memref<1x128x128xf32, #tpu.memory_space<hbm>> -> memref<128x128xf32, #tpu.memory_space<hbm>>
    %dma_start3A_394 = arith.constant 0 : i32
    %dma_start3A_395 = tpu.memref_slice %arg5[%arg0, %add3A_390, %dma_start3A_394] : memref<2x10240x128xf32, #tpu.memory_space<hbm>> -> memref<1x128x128xf32, #tpu.memory_space<hbm>>
    %dma_start3A_396 = tpu.memref_squeeze %dma_start3A_395 : memref<1x128x128xf32, #tpu.memory_space<hbm>> -> memref<128x128xf32, #tpu.memory_space<hbm>>
    tpu.enqueue_dma source(%arg10 : memref<128x128xf32, #tpu.memory_space<vmem>>) target(%dma_start3A_396 : memref<128x128xf32, #tpu.memory_space<hbm>>) target_semaphore(%arg13 : memref<!tpu.dma_semaphore, #tpu.memory_space<semaphore_mem>>)
    %dma_wait3A_397 = arith.constant 0 : i32
    %dma_wait3A_398 = tpu.memref_slice %arg5[%arg0, %add3A_374, %dma_wait3A_397] : memref<2x10240x128xf32, #tpu.memory_space<hbm>> -> memref<1x128x128xf32, #tpu.memory_space<hbm>>
    %dma_wait3A_399 = tpu.memref_squeeze %dma_wait3A_398 : memref<1x128x128xf32, #tpu.memory_space<hbm>> -> memref<128x128xf32, #tpu.memory_space<hbm>>
    %dma_wait3A_400 = arith.constant 0 : i32
    %dma_wait3A_401 = tpu.memref_slice %arg5[%arg0, %add3A_374, %dma_wait3A_400] : memref<2x10240x128xf32, #tpu.memory_space<hbm>> -> memref<1x128x128xf32, #tpu.memory_space<hbm>>
    %dma_wait3A_402 = tpu.memref_squeeze %dma_wait3A_401 : memref<1x128x128xf32, #tpu.memory_space<hbm>> -> memref<128x128xf32, #tpu.memory_space<hbm>>
    tpu.wait_dma2 semaphore(%arg14 : memref<!tpu.dma_semaphore, #tpu.memory_space<semaphore_mem>>) src(%arg11 : memref<128x128xf32, #tpu.memory_space<vmem>>) dst(%dma_wait3A_402 : memref<128x128xf32, #tpu.memory_space<hbm>>)
    %mul3A_403 = arith.constant 640 : i32
    %mul3A_404 = arith.muli %arg1, %mul3A_403 : i32
    %add3A_405 = arith.constant 384 : i32
    %add3A_406 = arith.addi %mul3A_404, %add3A_405 : i32
    "tpu.region"() ({
      %run_scoped3A_441 = tpu.sem_alloc : memref<!tpu.dma_semaphore, #tpu.memory_space<semaphore_mem>>
      %dma_start3A_442 = arith.constant 0 : i32
      %dma_start3A_443 = tpu.memref_slice %arg12[%add3A_406, %dma_start3A_442] : memref<10240x128xf32, #tpu.memory_space<vmem_shared>> -> memref<128x128xf32, #tpu.memory_space<vmem_shared>>
      %dma_start3A_444 = arith.constant 0 : i32
      %dma_start3A_445 = tpu.memref_slice %arg12[%add3A_406, %dma_start3A_444] : memref<10240x128xf32, #tpu.memory_space<vmem_shared>> -> memref<128x128xf32, #tpu.memory_space<vmem_shared>>
      tpu.enqueue_dma source(%dma_start3A_445 : memref<128x128xf32, #tpu.memory_space<vmem_shared>>) target(%arg11 : memref<128x128xf32, #tpu.memory_space<vmem>>) target_semaphore(%run_scoped3A_441 : memref<!tpu.dma_semaphore, #tpu.memory_space<semaphore_mem>>)
      %dma_wait3A_446 = arith.constant 0 : i32
      %dma_wait3A_447 = tpu.memref_slice %arg12[%add3A_406, %dma_wait3A_446] : memref<10240x128xf32, #tpu.memory_space<vmem_shared>> -> memref<128x128xf32, #tpu.memory_space<vmem_shared>>
      %dma_wait3A_448 = arith.constant 0 : i32
      %dma_wait3A_449 = tpu.memref_slice %arg12[%add3A_406, %dma_wait3A_448] : memref<10240x128xf32, #tpu.memory_space<vmem_shared>> -> memref<128x128xf32, #tpu.memory_space<vmem_shared>>
      tpu.wait_dma2 semaphore(%run_scoped3A_441 : memref<!tpu.dma_semaphore, #tpu.memory_space<semaphore_mem>>) src(%dma_wait3A_449 : memref<128x128xf32, #tpu.memory_space<vmem_shared>>) dst(%arg11 : memref<128x128xf32, #tpu.memory_space<vmem>>)
      tpu.yield
    }) : () -> ()
    %dma_start3A_407 = arith.constant 0 : i32
    %dma_start3A_408 = tpu.memref_slice %arg5[%arg0, %add3A_406, %dma_start3A_407] : memref<2x10240x128xf32, #tpu.memory_space<hbm>> -> memref<1x128x128xf32, #tpu.memory_space<hbm>>
    %dma_start3A_409 = tpu.memref_squeeze %dma_start3A_408 : memref<1x128x128xf32, #tpu.memory_space<hbm>> -> memref<128x128xf32, #tpu.memory_space<hbm>>
    %dma_start3A_410 = arith.constant 0 : i32
    %dma_start3A_411 = tpu.memref_slice %arg5[%arg0, %add3A_406, %dma_start3A_410] : memref<2x10240x128xf32, #tpu.memory_space<hbm>> -> memref<1x128x128xf32, #tpu.memory_space<hbm>>
    %dma_start3A_412 = tpu.memref_squeeze %dma_start3A_411 : memref<1x128x128xf32, #tpu.memory_space<hbm>> -> memref<128x128xf32, #tpu.memory_space<hbm>>
    tpu.enqueue_dma source(%arg11 : memref<128x128xf32, #tpu.memory_space<vmem>>) target(%dma_start3A_412 : memref<128x128xf32, #tpu.memory_space<hbm>>) target_semaphore(%arg14 : memref<!tpu.dma_semaphore, #tpu.memory_space<semaphore_mem>>)
    %dma_wait3A_413 = arith.constant 0 : i32
    %dma_wait3A_414 = tpu.memref_slice %arg5[%arg0, %add3A_390, %dma_wait3A_413] : memref<2x10240x128xf32, #tpu.memory_space<hbm>> -> memref<1x128x128xf32, #tpu.memory_space<hbm>>
    %dma_wait3A_415 = tpu.memref_squeeze %dma_wait3A_414 : memref<1x128x128xf32, #tpu.memory_space<hbm>> -> memref<128x128xf32, #tpu.memory_space<hbm>>
    %dma_wait3A_416 = arith.constant 0 : i32
    %dma_wait3A_417 = tpu.memref_slice %arg5[%arg0, %add3A_390, %dma_wait3A_416] : memref<2x10240x128xf32, #tpu.memory_space<hbm>> -> memref<1x128x128xf32, #tpu.memory_space<hbm>>
    %dma_wait3A_418 = tpu.memref_squeeze %dma_wait3A_417 : memref<1x128x128xf32, #tpu.memory_space<hbm>> -> memref<128x128xf32, #tpu.memory_space<hbm>>
    tpu.wait_dma2 semaphore(%arg13 : memref<!tpu.dma_semaphore, #tpu.memory_space<semaphore_mem>>) src(%arg10 : memref<128x128xf32, #tpu.memory_space<vmem>>) dst(%dma_wait3A_418 : memref<128x128xf32, #tpu.memory_space<hbm>>)
    %mul3A_419 = arith.constant 640 : i32
    %mul3A_420 = arith.muli %arg1, %mul3A_419 : i32
    %add3A_421 = arith.constant 512 : i32
    %add3A_422 = arith.addi %mul3A_420, %add3A_421 : i32
    "tpu.region"() ({
      %run_scoped3A_441 = tpu.sem_alloc : memref<!tpu.dma_semaphore, #tpu.memory_space<semaphore_mem>>
      %dma_start3A_442 = arith.constant 0 : i32
      %dma_start3A_443 = tpu.memref_slice %arg12[%add3A_422, %dma_start3A_442] : memref<10240x128xf32, #tpu.memory_space<vmem_shared>> -> memref<128x128xf32, #tpu.memory_space<vmem_shared>>
      %dma_start3A_444 = arith.constant 0 : i32
      %dma_start3A_445 = tpu.memref_slice %arg12[%add3A_422, %dma_start3A_444] : memref<10240x128xf32, #tpu.memory_space<vmem_shared>> -> memref<128x128xf32, #tpu.memory_space<vmem_shared>>
      tpu.enqueue_dma source(%dma_start3A_445 : memref<128x128xf32, #tpu.memory_space<vmem_shared>>) target(%arg10 : memref<128x128xf32, #tpu.memory_space<vmem>>) target_semaphore(%run_scoped3A_441 : memref<!tpu.dma_semaphore, #tpu.memory_space<semaphore_mem>>)
      %dma_wait3A_446 = arith.constant 0 : i32
      %dma_wait3A_447 = tpu.memref_slice %arg12[%add3A_422, %dma_wait3A_446] : memref<10240x128xf32, #tpu.memory_space<vmem_shared>> -> memref<128x128xf32, #tpu.memory_space<vmem_shared>>
      %dma_wait3A_448 = arith.constant 0 : i32
      %dma_wait3A_449 = tpu.memref_slice %arg12[%add3A_422, %dma_wait3A_448] : memref<10240x128xf32, #tpu.memory_space<vmem_shared>> -> memref<128x128xf32, #tpu.memory_space<vmem_shared>>
      tpu.wait_dma2 semaphore(%run_scoped3A_441 : memref<!tpu.dma_semaphore, #tpu.memory_space<semaphore_mem>>) src(%dma_wait3A_449 : memref<128x128xf32, #tpu.memory_space<vmem_shared>>) dst(%arg10 : memref<128x128xf32, #tpu.memory_space<vmem>>)
      tpu.yield
    }) : () -> ()
    %dma_start3A_423 = arith.constant 0 : i32
    %dma_start3A_424 = tpu.memref_slice %arg5[%arg0, %add3A_422, %dma_start3A_423] : memref<2x10240x128xf32, #tpu.memory_space<hbm>> -> memref<1x128x128xf32, #tpu.memory_space<hbm>>
    %dma_start3A_425 = tpu.memref_squeeze %dma_start3A_424 : memref<1x128x128xf32, #tpu.memory_space<hbm>> -> memref<128x128xf32, #tpu.memory_space<hbm>>
    %dma_start3A_426 = arith.constant 0 : i32
    %dma_start3A_427 = tpu.memref_slice %arg5[%arg0, %add3A_422, %dma_start3A_426] : memref<2x10240x128xf32, #tpu.memory_space<hbm>> -> memref<1x128x128xf32, #tpu.memory_space<hbm>>
    %dma_start3A_428 = tpu.memref_squeeze %dma_start3A_427 : memref<1x128x128xf32, #tpu.memory_space<hbm>> -> memref<128x128xf32, #tpu.memory_space<hbm>>
    tpu.enqueue_dma source(%arg10 : memref<128x128xf32, #tpu.memory_space<vmem>>) target(%dma_start3A_428 : memref<128x128xf32, #tpu.memory_space<hbm>>) target_semaphore(%arg13 : memref<!tpu.dma_semaphore, #tpu.memory_space<semaphore_mem>>)
    %dma_wait3A_429 = arith.constant 0 : i32
    %dma_wait3A_430 = tpu.memref_slice %arg5[%arg0, %add3A_422, %dma_wait3A_429] : memref<2x10240x128xf32, #tpu.memory_space<hbm>> -> memref<1x128x128xf32, #tpu.memory_space<hbm>>
    %dma_wait3A_431 = tpu.memref_squeeze %dma_wait3A_430 : memref<1x128x128xf32, #tpu.memory_space<hbm>> -> memref<128x128xf32, #tpu.memory_space<hbm>>
    %dma_wait3A_432 = arith.constant 0 : i32
    %dma_wait3A_433 = tpu.memref_slice %arg5[%arg0, %add3A_422, %dma_wait3A_432] : memref<2x10240x128xf32, #tpu.memory_space<hbm>> -> memref<1x128x128xf32, #tpu.memory_space<hbm>>
    %dma_wait3A_434 = tpu.memref_squeeze %dma_wait3A_433 : memref<1x128x128xf32, #tpu.memory_space<hbm>> -> memref<128x128xf32, #tpu.memory_space<hbm>>
    tpu.wait_dma2 semaphore(%arg13 : memref<!tpu.dma_semaphore, #tpu.memory_space<semaphore_mem>>) src(%arg10 : memref<128x128xf32, #tpu.memory_space<vmem>>) dst(%dma_wait3A_434 : memref<128x128xf32, #tpu.memory_space<hbm>>)
    %dma_wait3A_435 = arith.constant 0 : i32
    %dma_wait3A_436 = tpu.memref_slice %arg5[%arg0, %add3A_406, %dma_wait3A_435] : memref<2x10240x128xf32, #tpu.memory_space<hbm>> -> memref<1x128x128xf32, #tpu.memory_space<hbm>>
    %dma_wait3A_437 = tpu.memref_squeeze %dma_wait3A_436 : memref<1x128x128xf32, #tpu.memory_space<hbm>> -> memref<128x128xf32, #tpu.memory_space<hbm>>
    %dma_wait3A_438 = arith.constant 0 : i32
    %dma_wait3A_439 = tpu.memref_slice %arg5[%arg0, %add3A_406, %dma_wait3A_438] : memref<2x10240x128xf32, #tpu.memory_space<hbm>> -> memref<1x128x128xf32, #tpu.memory_space<hbm>>
    %dma_wait3A_440 = tpu.memref_squeeze %dma_wait3A_439 : memref<1x128x128xf32, #tpu.memory_space<hbm>> -> memref<128x128xf32, #tpu.memory_space<hbm>>
    tpu.wait_dma2 semaphore(%arg14 : memref<!tpu.dma_semaphore, #tpu.memory_space<semaphore_mem>>) src(%arg11 : memref<128x128xf32, #tpu.memory_space<vmem>>) dst(%dma_wait3A_440 : memref<128x128xf32, #tpu.memory_space<hbm>>)
    return
  }
}

module attributes {stable_mosaic.version = 14 : i64} {
  func.func @_scale_body(%arg0: memref<10000x128xf32, #tpu.memory_space<vmem>>, %arg1: memref<10000x2xf32, #tpu.memory_space<vmem>>, %arg2: memref<10000x128xf32, #tpu.memory_space<vmem>>, %arg3: memref<10000x1xf32, #tpu.memory_space<vmem>>) attributes {dimension_semantics = [], scalar_prefetch = 0 : i64, scratch_operands = 0 : i64, tpu.core_type = #tpu.core_type<tc>} {
    %get3A = arith.constant 0 : index
    %get3A_0 = arith.constant 0 : index
    %get3A_1 = vector.load %arg1[%get3A, %get3A_0] : memref<10000x2xf32, #tpu.memory_space<vmem>>, vector<10000x1xf32>
    %get3A_2 = arith.constant 0 : index
    %get3A_3 = arith.constant 1 : index
    %get3A_4 = vector.load %arg1[%get3A_2, %get3A_3] : memref<10000x2xf32, #tpu.memory_space<vmem>>, vector<10000x1xf32>
    %add3A = arith.addf %get3A_1, %get3A_4 : vector<10000x1xf32>
    %add3A_5 = arith.constant 1.000000e+00 : f32
    %add3A_6 = vector.broadcast %add3A_5 : f32 to vector<10000x1xf32>
    %add3A_7 = arith.addf %add3A, %add3A_6 : vector<10000x1xf32>
    %rsqrt3A = math.rsqrt %add3A_7 : vector<10000x1xf32>
    %swap3A = arith.constant 0 : index
    %swap3A_8 = arith.constant 0 : index
    %swap3A_9 = vector.load %arg3[%swap3A, %swap3A_8] : memref<10000x1xf32, #tpu.memory_space<vmem>>, vector<10000x1xf32>
    tpu.vector_store %arg3[%swap3A, %swap3A_8], %rsqrt3A {strides = array<i32>} : memref<10000x1xf32, #tpu.memory_space<vmem>>, vector<10000x1xf32>,
    %get3A_10 = arith.constant 0 : index
    %get3A_11 = arith.constant 0 : index
    %get3A_12 = vector.load %arg0[%get3A_10, %get3A_11] : memref<10000x128xf32, #tpu.memory_space<vmem>>, vector<10000x128xf32>
    %mul3A = vector.broadcast %rsqrt3A : vector<10000x1xf32> to vector<10000x128xf32>
    %mul3A_13 = arith.mulf %get3A_12, %mul3A : vector<10000x128xf32>
    %swap3A_14 = arith.constant 0 : index
    %swap3A_15 = arith.constant 0 : index
    %swap3A_16 = vector.load %arg2[%swap3A_14, %swap3A_15] : memref<10000x128xf32, #tpu.memory_space<vmem>>, vector<10000x128xf32>
    tpu.vector_store %arg2[%swap3A_14, %swap3A_15], %mul3A_13 {strides = array<i32>} : memref<10000x128xf32, #tpu.memory_space<vmem>>, vector<10000x128xf32>,
    return
  }
}

module attributes {stable_mosaic.version = 14 : i64} {
  func.func @_dense_body(%arg0: memref<2x10240x128xf32, #tpu.memory_space<vmem>>, %arg1: memref<10000x128xf32, #tpu.memory_space<vmem>>, %arg2: memref<10000x1xf32, #tpu.memory_space<vmem>>, %arg3: memref<128x256xf32, #tpu.memory_space<vmem>>, %arg4: memref<256xf32, #tpu.memory_space<vmem>>, %arg5: memref<256x128xf32, #tpu.memory_space<vmem>>, %arg6: memref<10000x128xf32, #tpu.memory_space<vmem>>) attributes {dimension_semantics = [], scalar_prefetch = 0 : i64, scratch_operands = 0 : i64, tpu.core_type = #tpu.core_type<tc>} {
    %get3A = arith.constant 0 : index
    %get3A_0 = arith.constant 0 : index
    %get3A_1 = vector.load %arg2[%get3A, %get3A_0] : memref<10000x1xf32, #tpu.memory_space<vmem>>, vector<10000x1xf32>
    %get3A_2 = arith.constant 0 : index
    %get3A_3 = arith.constant 0 : index
    %get3A_4 = arith.constant 0 : index
    %get3A_5 = vector.load %arg0[%get3A_2, %get3A_3, %get3A_4] : memref<2x10240x128xf32, #tpu.memory_space<vmem>>, vector<1x10000x128xf32>
    %get3A_6 = vector.shape_cast %get3A_5 : vector<1x10000x128xf32> to vector<10000x128xf32>
    %get3A_7 = arith.constant 1 : index
    %get3A_8 = arith.constant 0 : index
    %get3A_9 = arith.constant 0 : index
    %get3A_10 = vector.load %arg0[%get3A_7, %get3A_8, %get3A_9] : memref<2x10240x128xf32, #tpu.memory_space<vmem>>, vector<1x10000x128xf32>
    %get3A_11 = vector.shape_cast %get3A_10 : vector<1x10000x128xf32> to vector<10000x128xf32>
    %add3A = arith.addf %get3A_6, %get3A_11 : vector<10000x128xf32>
    %get3A_12 = arith.constant 0 : index
    %get3A_13 = arith.constant 0 : index
    %get3A_14 = vector.load %arg1[%get3A_12, %get3A_13] : memref<10000x128xf32, #tpu.memory_space<vmem>>, vector<10000x128xf32>
    %add3A_15 = arith.addf %add3A, %get3A_14 : vector<10000x128xf32>
    %mul3A = vector.broadcast %get3A_1 : vector<10000x1xf32> to vector<10000x128xf32>
    %mul3A_16 = arith.mulf %add3A_15, %mul3A : vector<10000x128xf32>
    %get3A_17 = arith.constant 0 : index
    %get3A_18 = arith.constant 0 : index
    %get3A_19 = vector.load %arg3[%get3A_17, %get3A_18] : memref<128x256xf32, #tpu.memory_space<vmem>>, vector<128x256xf32>
    %dot_general3A = arith.constant dense<0.000000e+00> : vector<10000x256xf32>
    %dot_general3A_20 = tpu.matmul %mul3A_16, %get3A_19, %dot_general3A {dimension_numbers = #tpu.dot_dimension_numbers<[1], [0], [0], [1], [0, 0, 1, 1], [], []>, transpose_lhs_hint = false} : vector<10000x128xf32>, vector<128x256xf32>, vector<10000x256xf32> -> vector<10000x256xf32>
    %get3A_21 = arith.constant 0 : index
    %get3A_22 = vector.load %arg4[%get3A_21] : memref<256xf32, #tpu.memory_space<vmem>>, vector<256xf32>
    %reshape3A = vector.shape_cast %get3A_22 : vector<256xf32> to vector<1x256xf32>
    %add3A_23 = vector.broadcast %reshape3A : vector<1x256xf32> to vector<10000x256xf32>
    %add3A_24 = arith.addf %dot_general3A_20, %add3A_23 : vector<10000x256xf32>
    %max3A = arith.constant 0.000000e+00 : f32
    %max3A_25 = vector.broadcast %max3A : f32 to vector<10000x256xf32>
    %max3A_26 = arith.maximumf %add3A_24, %max3A_25 : vector<10000x256xf32>
    %get3A_27 = arith.constant 0 : index
    %get3A_28 = arith.constant 0 : index
    %get3A_29 = vector.load %arg5[%get3A_27, %get3A_28] : memref<256x128xf32, #tpu.memory_space<vmem>>, vector<256x128xf32>
    %dot_general3A_30 = arith.constant dense<0.000000e+00> : vector<10000x128xf32>
    %dot_general3A_31 = tpu.matmul %max3A_26, %get3A_29, %dot_general3A_30 {dimension_numbers = #tpu.dot_dimension_numbers<[1], [0], [0], [1], [0, 0, 1, 1], [], []>, transpose_lhs_hint = false} : vector<10000x256xf32>, vector<256x128xf32>, vector<10000x128xf32> -> vector<10000x128xf32>
    %mul3A_32 = vector.broadcast %get3A_1 : vector<10000x1xf32> to vector<10000x128xf32>
    %mul3A_33 = arith.mulf %dot_general3A_31, %mul3A_32 : vector<10000x128xf32>
    %swap3A = arith.constant 0 : index
    %swap3A_34 = arith.constant 0 : index
    %swap3A_35 = vector.load %arg6[%swap3A, %swap3A_34] : memref<10000x128xf32, #tpu.memory_space<vmem>>, vector<10000x128xf32>
    tpu.vector_store %arg6[%swap3A, %swap3A_34], %mul3A_33 {strides = array<i32>} : memref<10000x128xf32, #tpu.memory_space<vmem>>, vector<10000x128xf32>,
    return
  }
}

module attributes {stable_mosaic.version = 14 : i64} {
  func.func @_softmax_body(%arg0: memref<2x10240x128xf32, #tpu.memory_space<vmem>>, %arg1: memref<10000x128xf32, #tpu.memory_space<vmem>>, %arg2: memref<10000x1xf32, #tpu.memory_space<vmem>>, %arg3: memref<128xf32, #tpu.memory_space<vmem>>, %arg4: memref<10000x128xf32, #tpu.memory_space<vmem>>) attributes {dimension_semantics = [], scalar_prefetch = 0 : i64, scratch_operands = 0 : i64, tpu.core_type = #tpu.core_type<tc>} {
    %get3A = arith.constant 0 : index
    %get3A_0 = arith.constant 0 : index
    %get3A_1 = arith.constant 0 : index
    %get3A_2 = vector.load %arg0[%get3A, %get3A_0, %get3A_1] : memref<2x10240x128xf32, #tpu.memory_space<vmem>>, vector<1x10000x128xf32>
    %get3A_3 = vector.shape_cast %get3A_2 : vector<1x10000x128xf32> to vector<10000x128xf32>
    %get3A_4 = arith.constant 1 : index
    %get3A_5 = arith.constant 0 : index
    %get3A_6 = arith.constant 0 : index
    %get3A_7 = vector.load %arg0[%get3A_4, %get3A_5, %get3A_6] : memref<2x10240x128xf32, #tpu.memory_space<vmem>>, vector<1x10000x128xf32>
    %get3A_8 = vector.shape_cast %get3A_7 : vector<1x10000x128xf32> to vector<10000x128xf32>
    %add3A = arith.addf %get3A_3, %get3A_8 : vector<10000x128xf32>
    %get3A_9 = arith.constant 0 : index
    %get3A_10 = arith.constant 0 : index
    %get3A_11 = vector.load %arg1[%get3A_9, %get3A_10] : memref<10000x128xf32, #tpu.memory_space<vmem>>, vector<10000x128xf32>
    %add3A_12 = arith.addf %add3A, %get3A_11 : vector<10000x128xf32>
    %get3A_13 = arith.constant 0 : index
    %get3A_14 = arith.constant 0 : index
    %get3A_15 = vector.load %arg2[%get3A_13, %get3A_14] : memref<10000x1xf32, #tpu.memory_space<vmem>>, vector<10000x1xf32>
    %mul3A = vector.broadcast %get3A_15 : vector<10000x1xf32> to vector<10000x128xf32>
    %mul3A_16 = arith.mulf %add3A_12, %mul3A : vector<10000x128xf32>
    %get3A_17 = arith.constant 0 : index
    %get3A_18 = vector.load %arg3[%get3A_17] : memref<128xf32, #tpu.memory_space<vmem>>, vector<128xf32>
    %reshape3A = vector.shape_cast %get3A_18 : vector<128xf32> to vector<1x128xf32>
    %add3A_19 = vector.broadcast %reshape3A : vector<1x128xf32> to vector<10000x128xf32>
    %add3A_20 = arith.addf %mul3A_16, %add3A_19 : vector<10000x128xf32>
    %reduce_max3A = arith.constant dense<0xFF800000> : vector<10000xf32>
    %reduce_max3A_21 = vector.multi_reduction <maximumf>, %add3A_20, %reduce_max3A [1] : vector<10000x128xf32> to vector<10000xf32>
    %broadcast_in_dim3A = vector.shape_cast %reduce_max3A_21 : vector<10000xf32> to vector<10000x1xf32>
    %sub3A = vector.broadcast %broadcast_in_dim3A : vector<10000x1xf32> to vector<10000x128xf32>
    %sub3A_22 = arith.subf %add3A_20, %sub3A : vector<10000x128xf32>
    %exp3A = math.exp %sub3A_22 : vector<10000x128xf32>
    %reduce_sum3A = arith.constant dense<0.000000e+00> : vector<10000xf32>
    %reduce_sum3A_23 = vector.multi_reduction <add>, %exp3A, %reduce_sum3A [1] : vector<10000x128xf32> to vector<10000xf32>
    %broadcast_in_dim3A_24 = vector.shape_cast %reduce_sum3A_23 : vector<10000xf32> to vector<10000x1xf32>
    %div3A = vector.broadcast %broadcast_in_dim3A_24 : vector<10000x1xf32> to vector<10000x128xf32>
    %div3A_25 = arith.divf %exp3A, %div3A : vector<10000x128xf32>
    %swap3A = arith.constant 0 : index
    %swap3A_26 = arith.constant 0 : index
    %swap3A_27 = vector.load %arg4[%swap3A, %swap3A_26] : memref<10000x128xf32, #tpu.memory_space<vmem>>, vector<10000x128xf32>
    tpu.vector_store %arg4[%swap3A, %swap3A_26], %div3A_25 {strides = array<i32>} : memref<10000x128xf32, #tpu.memory_space<vmem>>, vector<10000x128xf32>,
    return
  }
}

</mosaic_0001>

<sc_bundles>
// kernel: kernel.11.cloned.1.call-start
scs
__scs_entry_jumppad:
0x0: {  	(pc) =	sbr.rel $0x88, $3  }
0x1: {  	(tag) =	ssettag $0x0;
	lr =	simm.s32 $0x1  }
0x2: {  	[smem:$0x3F9B] =	sst lr;
	_ =	strace $0xD0000000  }
0x3: {  	_ = 	snop  }
0x4: {  	_ = 	snop  }
0x5: {  	_ = 	snop  }
0x6: {  	_ = 	snop  }
0x7: {  	_ = 	snop  }
__scs_overlays_trampoline_lowered:
0x8: {  	[smem:$0x3FAA] =	sst s0  }
0x9: {  	[smem:$0x3FAB] =	sst s1  }
0xa: {  	[smem:$0x3FAC] =	sst s2  }
0xb: {  	[smem:$0x3FAD] =	sst s3  }
0xc: {  	[smem:$0x3FAE] =	sst s4  }
0xd: {  	[smem:$0x3FAF] =	sst s5  }
0xe: {  	[smem:$0x3FB0] =	sst s6  }
0xf: {  	[smem:$0x3FB1] =	sst s7  }
0x10: {  	[smem:$0x3FB2] =	sst s8  }
0x11: {  	[smem:$0x3FB3] =	sst s9;
	s0 =	simm.s32 @!p0 $0x0  }
0x12: {  	s1 =	sld [smem:$0x3F99];
	s0 =	simm.s32 @p0 $0x1  }
0x13: {  	[smem:$0x3FB4] =	sst s0;
	s0 =	simm.s32 @!p1 $0x0  }
0x14: {  	s2 =	sld [smem:$0x3F98];
	s0 =	simm.s32 @p1 $0x1  }
0x15: {  	[smem:$0x3FB5] =	sst s0;
	s0 =	simm.s32 @!p2 $0x0  }
0x16: {  	s3 =	sld [smem:$0x3FDB];
	s0 =	simm.s32 @p2 $0x1  }
0x17: {  	s4 =	simm.s32 $0x1BF5;
	[smem:$0x3FB7] =	sst s0  }
0x18: {  	s0 =	sld [smem:$0x3F9A];
	_ =	swait.ge [sflag:s4], $0x0  }
0x19: {  	s7 =	sld [smem:$0x3F9B]  }
0x1a: {  	s8 =	sadd.s32 $0xFFFFE003, lr  }
0x1b: {  	s9 =	sadd.s32 $0xFFFFFEF7, lr;
	s5 =	simm.s32 $0xFFFFFFFF;
	p2 =	slt.u32 s8, $0xFFFFF086  }
0x1c: {  	p1 =	slt.u32 s9, $0xF7A;
	s5 =	simm.s32 @!p2 $0x0  }
0x1d: {  	s5 =	simm.s32 @p1 $0x1;
	p0 =	seq.s32 s7, s2  }
0x1e: {  	s7 =	smul.u32 @!p0 $0xF7A, s2;
	p2 =	seq.s32 @!p0 s5, $0x0  }
0x1f: {  	s9 =	smul.u32 $0xF7A, s1;
	s8 =	simm.s32 @!p0 $0x1BF5;
	p2 =	por !p2, p0  }
0x20: {  	[sflag:s8] =	ssyncset.s32 @!p0 $0xFFFFF086;
	s6 =	sadd.s32 @!p0 s3, s7;
	s7 =	simm.s32 @!p0 $0x108  }
0x21: {  	s3 =	sadd.s32 s3, s9;
	s6 =	sadd.s32 @!p0 $0x88, s6;
	s7 =	simm.s32 @p2 $0x1082  }
0x22: {  	[simem:s7], [sflag:s8] =	dma.local @!p0 [hbm:s6], $0xF7A  }
0x23: {  	s9 =	sor.u32 $0xD0000000, s2;
	s6 =	simm.s32 $0x108;
	_ =	swait.ge @!p0 [sflag:s8], $0x0  }
0x24: {  	s3 =	sadd.s32 $0x88, s3;
	s6 =	simm.s32 @!p1 $0x1082;
	[sflag:s4] =	ssyncset.s32 $0xFFFFF086  }
0x25: {  	[simem:s6], [sflag:s4] =	dma.local [hbm:s3], $0xF7A  }
0x26: {  	[smem:$0x3F9B] =	sst s1;
	(tag) =	ssettag s2;
	_ =	strace s9  }
0x27: {  	s1 =	sld [smem:$0x3FAB]  }
0x28: {  	s2 =	sld [smem:$0x3FAC]  }
0x29: {  	s4 =	sld [smem:$0x3FAE]  }
0x2a: {  	p0 =	seq.s32 s5, $0x0;
	s5 =	sld [smem:$0x3FAF]  }
0x2b: {  	s6 =	sld [smem:$0x3FB0]  }
0x2c: {  	s7 =	sld [smem:$0x3FB1]  }
0x2d: {  	s3 =	simm.s32 $0x108;
	s8 =	sld [smem:$0x3FB2]  }
0x2e: {  	s3 =	simm.s32 @!p0 $0x1082;
	s9 =	sld [smem:$0x3FB3]  }
0x2f: {  	lr =	sadd.s32 s0, s3;
	s0 =	sld [smem:$0x3FAA]  }
0x30: {  	s3 =	sld [smem:$0x3FAD]  }
0x31: {  	[smem:$0x3FB6] =	sst s10  }
0x32: {  	s10 =	sld [smem:$0x3FB4];
	_ =	sdelay $0x3  }
0x33: {  	p0 =	seq.s32 s10, $0x1;
	s10 =	sld [smem:$0x3FB6];
	_ =	sdelay $0x3  }
0x34: {  	[smem:$0x3FB6] =	sst s10  }
0x35: {  	s10 =	sld [smem:$0x3FB5];
	_ =	sdelay $0x3  }
0x36: {  	p1 =	seq.s32 s10, $0x1;
	s10 =	sld [smem:$0x3FB6];
	_ =	sdelay $0x3  }
0x37: {  	[smem:$0x3FB6] =	sst s10  }
0x38: {  	s10 =	sld [smem:$0x3FB7]  }
0x39: {  	_ = 	snop;
	(pc) =	sbr.ind lr, $3  }
0x3a: {  	_ = 	snop  }
0x3b: {  	_ = 	snop  }
0x3c: {  	p2 =	seq.s32 s10, $0x1;
	s10 =	sld [smem:$0x3FB6]  }
0x3d: {  	_ =	shalt  }
0x3e: {  	_ =	shalt  }
0x3f: {  	_ =	shalt  }
0x40: {  	_ =	shalt  }
0x41: {  	_ =	shalt  }
0x42: {  	_ =	shalt  }
0x43: {  	_ =	shalt  }
0x44: {  	_ =	shalt  }
0x45: {  	_ =	shalt  }
0x46: {  	_ =	shalt  }
0x47: {  	_ =	shalt  }
0x48: {  	_ =	shalt  }
0x49: {  	_ =	shalt  }
0x4a: {  	_ =	shalt  }
0x4b: {  	_ =	shalt  }
0x4c: {  	_ =	shalt  }
0x4d: {  	_ =	shalt  }
0x4e: {  	_ =	shalt  }
0x4f: {  	_ =	shalt  }
0x50: {  	_ =	shalt  }
0x51: {  	_ =	shalt  }
0x52: {  	_ =	shalt  }
0x53: {  	_ =	shalt  }
0x54: {  	_ =	shalt  }
0x55: {  	_ =	shalt  }
0x56: {  	_ =	shalt  }
0x57: {  	_ =	shalt  }
0x58: {  	_ =	shalt  }
0x59: {  	_ =	shalt  }
0x5a: {  	_ =	shalt  }
0x5b: {  	_ =	shalt  }
0x5c: {  	_ =	shalt  }
0x5d: {  	_ =	shalt  }
0x5e: {  	_ =	shalt  }
0x5f: {  	_ =	shalt  }
0x60: {  	_ =	shalt  }
0x61: {  	_ =	shalt  }
0x62: {  	_ =	shalt  }
0x63: {  	_ =	shalt  }
0x64: {  	_ =	shalt  }
0x65: {  	_ =	shalt  }
0x66: {  	_ =	shalt  }
0x67: {  	_ =	shalt  }
0x68: {  	_ =	shalt  }
0x69: {  	_ =	shalt  }
0x6a: {  	_ =	shalt  }
0x6b: {  	_ =	shalt  }
0x6c: {  	_ =	shalt  }
0x6d: {  	_ =	shalt  }
0x6e: {  	_ =	shalt  }
0x6f: {  	_ =	shalt  }
0x70: {  	_ =	shalt  }
0x71: {  	_ =	shalt  }
0x72: {  	_ =	shalt  }
0x73: {  	_ =	shalt  }
0x74: {  	_ =	shalt  }
0x75: {  	_ =	shalt  }
0x76: {  	_ =	shalt  }
0x77: {  	_ =	shalt  }
0x78: {  	_ =	shalt  }
0x79: {  	_ =	shalt  }
0x7a: {  	_ =	shalt  }
0x7b: {  	_ =	shalt  }
0x7c: {  	_ =	shalt  }
0x7d: {  	_ =	shalt  }
0x7e: {  	_ =	shalt  }
0x7f: {  	_ =	shalt  }
0x80: {  	_ =	shalt  }
0x81: {  	_ =	shalt  }
0x82: {  	_ =	shalt  }
0x83: {  	_ =	shalt  }
0x84: {  	_ =	shalt  }
0x85: {  	_ =	shalt  }
0x86: {  	_ =	shalt  }
0x87: {  	_ =	shalt  }
.Lfunc_end0:
.L_simem_size_0:
called_computation.1_lowered:
.L_overlay_start_0:
0x88: {  	s2 =	sld [smem:$0x3FD9]  }
0x89: {  	s3 =	sld [smem:$0x3FFE];
	_ =	sdelay $0x1  }
0x8a: {  	s1 =	srdreg.scid  }
0x8b: {  	s0 =	sand.u32 $0x1, s1  }
0x8c: {  	s17 =	sshll.u32 s0, $0xA;
	s2 =	sadd.s32 s3, s2  }
0x8d: {  	s2 =	sadd.s32 s2, s17  }
0x8e: {  	[smem:$0x3FC2] =	sst s2  }
0x8f: {  	_ = 	snop  }
0x90: {  	s2 =	sld [smem:$0x3FD0];
	(tm) =	ssettm $0x1  }
0x91: {  	s18 =	sld [smem:$0x3FFB];
	_ =	sdelay $0x3  }
0x92: {  	_ =	strace s18  }
0x93: {  	s3 =	sld [smem:$0x3FFC];
	_ =	sdelay $0x3  }
0x94: {  	_ =	strace s3  }
0x95: {  	s3 =	sld [smem:$0x3FFD];
	_ =	sdelay $0x3  }
0x96: {  	_ =	strace s3  }
0x97: {  	_ =	strace $0x8FFFFFFF  }
0x98: {  	s19 =	sld [smem:$0x3FDB];
	_ =	sdelay $0x1  }
0x99: {  	s4 =	simm.s32 $_scs_section_size  }
0x9a: {  	s5 =	simm.s32 $_size__tile_overlayer_lowered;
	s6 =	simm.s32 $_tile_overlayer_lowered  }
0x9b: {  	s22 =	simm.s32 $0x1BFF;
	s21 =	sshll.u32 s6, $0x1;
	s3 =	sadd.s32 s4, s19  }
0x9c: {  	s7 =	simm.s32 $0x0;
	s20 =	sshll.u32 s5, $0x1;
	s5 =	sadd.s32 s21, s3  }
0x9d: {  	[timem:s7], [sflag:s22] =	dma.local [hbm:s5], s20  }
0x9e: {  	_ =	swait.ge [sflag:s22], s20  }
0x9f: {  	s4 =	ssub.s32 $0x0, s20;
	[sflag:s22] =	ssyncset.done $0x0  }
0xa0: {  	[sflag:s22] =	ssyncadd.s32 s4;
	_ =	sdelay $0x1  }
0xa1: {  	s23 =	simm.s32 $0x1B8B  }
0xa2: {  	_ =	swait.ge [sflag:s23], $0x1  }
0xa3: {  	[sflag:s23] =	ssyncset.done $0x0  }
0xa4: {  	s25 =	simm.s32 $0x1B8E;
	s24 =	sld [smem:$0x3FFE];
	[sflag:s23] =	ssyncadd.s32 $0xFFFFFFFF  }
0xa5: {  	s26 =	simm.s32 $execute0_lowered;
	[smem:$0x3FD2] =	sst s25  }
0xa6: {  	s5 =	sshll.u32 s26, $0x1;
	_ =	strace $0x80000049;
	[dreg:$0x1] =	wrdreg $0xFFFFFFFF  }
0xa7: {  	s28 =	simm.s32 $_size_execute0_lowered;
	s3 =	sadd.s32 s3, s5;
	[dreg:$0x0] =	wrdreg $0x0  }
0xa8: {  	s5 =	sshll.u32 s28, $0x1;
	[dreg:$0x2] =	wrdreg s3  }
0xa9: {  	[dreg:$0x3] =	wrdreg s5  }
0xaa: {  	[dreg:$0x4] =	wrdreg $0xC0  }
0xab: {  	_ =	task [dreg:s7], $0x5FFFF  }
0xac: {  	[dreg:$0x1] =	wrdreg $0xFFFFFFFF  }
0xad: {  	[dreg:$0x0] =	wrdreg $0x60  }
0xae: {  	[dreg:$0x2] =	wrdreg s2  }
0xaf: {  	[dreg:$0x3] =	wrdreg s24  }
0xb0: {  	[dreg:$0x4] =	wrdreg $0xB0000  }
0xb1: {  	[dreg:$0x5] =	wrdreg $0x9  }
0xb2: {  	_ =	task.clear_ibuf [dreg:s7], $0x6FFFF;
	_ =	strace $0x90000049  }
0xb3: {  	s29 =	simm.s32 $0x9;
	_ =	strace $0x8000004B  }
0xb4: {  	_ =	swait.ge [sflag:s29], $0x1  }
0xb5: {  	[sflag:s29] =	ssyncadd.s32 $0xFFFFFFFF  }
0xb6: {  	_ =	strace $0x9000004B  }
0xb7: {  	_ =	sfence  }
0xb8: {  	s30 =	sld [smem:$0x0];
	_ =	sdelay $0x2  }
0xb9: {  	s31 =	sshll.u32 s1, $0xD;
	s1 =	sshrl.u32 s1, $0x2  }
0xba: {  	s3 =	sand.u32 $0x4000, s31;
	s1 =	sadd.s32 s1, s30  }
0xbb: {  	s0 =	sor.u32 s3, s0;
	s1 =	sshll.u32 s1, $0x11  }
0xbc: {  	s0 =	sor.u32 s1, s0  }
0xbd: {  	s0 =	sadd.s32 $0x8F2B, s0  }
0xbe: {  	[sflag:s0] =	ssyncadd.remote.s32 $0x1  }
0xbf: {  	_ =	sfence.sel $0xFFFF  }
0xc0: {  	[dreg:$0x0] =	wrdreg $0xFFFFFFFF;
	(pc) =	sbr.abs _section_cstart, $3  }
0xc1: {  	[dreg:$0x1] =	wrdreg $0xFFFFFFFF  }
0xc2: {  	_ =	task.clear_ibuf [dreg:s7], $0x2FFFF;
	_ =	strace $0x9FFFFFFF  }
0xc3: {  	(tm) =	ssettm $0x7FFFFFFF  }
tec
execute0_lowered:
.L_overlay_start_1:
0x0: {  	(tag) =	ssettag $0x1  }
0x1: {  	s1 =	rddreg [dreg:$0x0]  }
0x2: {  	s0 =	rddreg [dreg:$0x1]  }
0x3: {  	s2 =	rddreg [dreg:$0x2];
	s4 =	simm.s32 $0x0  }
0x4: {  	s3 =	srdreg.scid;
	s11 =	stileid.u32;
	s30 =	simm.s32 $0x80  }
0x5: {  	s31 =	simm.s32 $0x7000;
	s28 =	simm.s32 $0xC00;
	s29 =	simm.s32 $0x1800  }
0x6: {  	[smem:$0x7FF] =	sst s4;
	s3 =	sand.u32 $0x1, s3;
	s9 =	sadd.s32 $0xE800, s0  }
0x7: {  	s6 =	smul.u32 $0x50000, s11;
	s10 =	sadd.s32 $0x2800, s0;
	s0 =	sadd.s32 $0x1A800, s0  }
0x8: {  	s8 =	sshll.u32 s11, $0x1;
	s11 =	smul.u32 $0x14000, s11;
	_ =	strace $0x8000004A  }
0x9: {  	s5 =	ssub.s32 $0x2, s3;
	s21 =	sor.u32 s3, s8;
	s3 =	smul.u32 $0x140000, s3  }
0xa: {  	s7 =	sshrl.u32 s5, $0x1;
	s6 =	sshrl.u32 s6, $0x2;
	s13 =	sadd.s32 $0x4000, s11  }
0xb: {  	s14 =	sadd.s32 $0x8000, s11;
	s15 =	smul.u32 $0x3000, s21;
	s22 =	sadd.s32 s6, s2  }
0xc: {  	s16 =	sadd.s32 $0xC000, s11;
	s23 =	sadd.s32 s13, s2;
	[dreg:$0x12] =	wrdreg s22  }
0xd: {  	s18 =	sadd.s32 $0x10000, s11;
	s24 =	sadd.s32 s14, s2;
	[dreg:$0x13] =	wrdreg s23  }
0xe: {  	s12 =	ssub.s32 s5, s7;
	s25 =	sadd.s32 s16, s2;
	[dreg:$0x14] =	wrdreg s24  }
0xf: {  	s20 =	sadd.s32 s3, s13;
	s21 =	sadd.s32 s18, s2;
	[dreg:$0x15] =	wrdreg s25  }
0x10: {  	s13 =	simm.s32 $0x2480;
	s15 =	sshrl.u32 s15, $0x3;
	[dreg:$0x16] =	wrdreg s21  }
0x11: {  	s22 =	sshrl.u32 s20, $0x3;
	s23 =	sadd.s32 s3, s14;
	s24 =	sadd.s32 s3, s16  }
0x12: {  	s14 =	simm.s32 $0x1900;
	s16 =	simm.s32 $0x2500;
	s17 =	sadd.s32 s9, s15  }
0x13: {  	s26 =	sadd.s32 s10, s15;
	s5 =	sor.u32 $0x180, s15;
	[dreg:$0x4] =	wrdreg s17  }
0x14: {  	s21 =	simm.s32 $0x2600;
	[dreg:$0x5] =	wrdreg s26;
	s19 =	sadd.s32 s9, s5  }
0x15: {  	s6 =	sadd.s32 $0x300, s15;
	s17 =	sadd.s32 s10, s5;
	[dreg:$0x6] =	wrdreg s19  }
0x16: {  	s15 =	sadd.s32 $0x480, s15;
	s7 =	sadd.s32 s9, s6;
	[dreg:$0x7] =	wrdreg s17  }
0x17: {  	s8 =	sadd.s32 s10, s6;
	s9 =	sadd.s32 s9, s15;
	[dreg:$0x8] =	wrdreg s7  }
0x18: {  	s10 =	sadd.s32 s10, s15;
	s26 =	smax.u32 s12, $0x1;
	[dreg:$0x9] =	wrdreg s8  }
0x19: {  	s12 =	simm.s32 $0x5;
	s15 =	simm.s32 $0x1980;
	[dreg:$0xa] =	wrdreg s9  }
0x1a: {  	s19 =	sadd.s32 s11, s3;
	[dreg:$0xb] =	wrdreg s10;
	s10 =	sshrl.u32 s24, $0x3  }
0x1b: {  	s3 =	sadd.s32 s3, s18;
	[dreg:$0x11] =	wrdreg s26;
	s24 =	simm.s32 $0x3000  }
0x1c: {  	s11 =	simm.s32 $0x1880;
	s17 =	simm.s32 $0x2580;
	s18 =	simm.s32 $0x1A00  }
0x1d: {  	s26 =	simm.s32 $0x1B00;
	s9 =	sshrl.u32 s19, $0x3;
	s25 =	sadd.s32 s0, s10  }
0x1e: {  	s3 =	sshrl.u32 s3, $0x3;
	s9 =	sadd.s32 s0, s9;
	[dreg:$0xf] =	wrdreg s25  }
0x1f: {  	s10 =	simm.s32 $0x4;
	[dreg:$0xc] =	wrdreg s9;
	s9 =	sadd.s32 s0, s22  }
0x20: {  	s19 =	simm.s32 $0x0;
	[dreg:$0xd] =	wrdreg s9;
	s9 =	sshrl.u32 s23, $0x3  }
0x21: {  	s25 =	simm.s32 $0x6;
	s22 =	simm.s32 $0x2680;
	s9 =	sadd.s32 s0, s9  }
0x22: {  	s23 =	simm.s32 $0x3;
	s0 =	sadd.s32 s0, s3;
	[dreg:$0xe] =	wrdreg s9  }
0x23: {  	v0 =	vimm.f32 $0.0e+00;
	s3 =	simm.s32 $0x2;
	[dreg:$0x10] =	wrdreg s0;
	s0 =	simm.s32 $0x1  }
.LBB2_1:
0x24: {  	s20 =	simm.s32 $0x0;
	s9 =	simm.s32 $0x200  }
.LBB2_2:
0x25: {  	p0 =	sne.s32 s9, $0xFE00;
	[tilespmem:s20+$0x3070] =	vst v0  }
0x26: {  	[tilespmem:s20+$0x3000] =	vst v0  }
0x27: {  	[tilespmem:s20+$0x3010] =	vst v0  }
.Ltmp0:
0x28: {  	[tilespmem:s20+$0x3020] =	vst v0;
	(pc) =	sbr.rel @p0 .LBB2_2-.Ltmp0, $4  }
0x29: {  	[tilespmem:s20+$0x3030] =	vst v0  }
0x2a: {  	[tilespmem:s20+$0x3040] =	vst v0  }
0x2b: {  	[tilespmem:s20+$0x3050] =	vst v0  }
0x2c: {  	[tilespmem:s20+$0x3060] =	vst v0;
	s20 =	sshra.s32 s9, $0x2;
	s9 =	sadd.s32 $0x200, s9  }
0x2d: {  	[tilespmem:s20+$0x3070] =	vst v0  }
0x2e: {  	[tilespmem:s20+$0x3000] =	vst v0  }
0x2f: {  	[tilespmem:s20+$0x3010] =	vst v0  }
0x30: {  	[tilespmem:s20+$0x3020] =	vst v0  }
0x31: {  	[tilespmem:s20+$0x3030] =	vst v0  }
0x32: {  	[tilespmem:s20+$0x3040] =	vst v0  }
0x33: {  	[tilespmem:s20+$0x3050] =	vst v0  }
0x34: {  	[tilespmem:s20+$0x3060] =	vst v0;
	s6 =	rddreg [dreg:$0x12]  }
0x35: {  	[spmem:s6] =	stream.linear.scatter [tilespmem:s24], [sflag:$0x6], $0x4000, $0x38;
	[tilespmem:$0x1F000] =	vst v63  }
0x36: {  	_ =	swait.ge [sflag:s25], $0x4000  }
0x37: {  	[sflag:s25] =	ssyncset.done $0x0  }
0x38: {  	s7 =	rddreg [dreg:$0x13];
	[sflag:s25] =	ssyncadd.s32 $0xFFFFC000  }
0x39: {  	[spmem:s7] =	stream.linear.scatter [tilespmem:s24], [sflag:$0x6], $0x4000, $0x38;
	[tilespmem:$0x1F000] =	vst v63  }
0x3a: {  	_ =	swait.ge [sflag:s25], $0x4000  }
0x3b: {  	[sflag:s25] =	ssyncset.done $0x0  }
0x3c: {  	s8 =	rddreg [dreg:$0x14];
	[sflag:s25] =	ssyncadd.s32 $0xFFFFC000  }
0x3d: {  	[spmem:s8] =	stream.linear.scatter [tilespmem:s24], [sflag:$0x6], $0x4000, $0x38;
	[tilespmem:$0x1F000] =	vst v63  }
0x3e: {  	_ =	swait.ge [sflag:s25], $0x4000  }
0x3f: {  	[sflag:s25] =	ssyncset.done $0x0  }
0x40: {  	s5 =	rddreg [dreg:$0x15];
	[sflag:s25] =	ssyncadd.s32 $0xFFFFC000  }
0x41: {  	[spmem:s5] =	stream.linear.scatter [tilespmem:s24], [sflag:$0x6], $0x4000, $0x38;
	[tilespmem:$0x1F000] =	vst v63  }
0x42: {  	_ =	swait.ge [sflag:s25], $0x4000  }
0x43: {  	[sflag:s25] =	ssyncset.done $0x0  }
0x44: {  	s9 =	rddreg [dreg:$0x16];
	[sflag:s25] =	ssyncadd.s32 $0xFFFFC000  }
0x45: {  	[spmem:s9] =	stream.linear.scatter [tilespmem:s24], [sflag:$0x6], $0x4000, $0x38;
	[tilespmem:$0x1F000] =	vst v63  }
0x46: {  	_ =	swait.ge [sflag:s25], $0x4000  }
0x47: {  	[sflag:s25] =	ssyncset.done $0x0  }
0x48: {  	[sflag:s25] =	ssyncadd.s32 $0xFFFFC000  }
0x49: {  	[bflag:$0x0] =	sbarrier.arrive $0xFFFF  }
0x4a: {  	s9 =	rddreg [dreg:$0x4]  }
0x4b: {  	[tilespmem:s4], [sflag:$0x6] =	stream.linear.gather [hbm4b:s9+s4], $0xA00, $0x38;
	[tilespmem:$0x1F000] =	vst v63  }
0x4c: {  	_ =	swait.ge [sflag:s25], $0xA00  }
0x4d: {  	[sflag:s25] =	ssyncset.done $0x0  }
0x4e: {  	s20 =	rddreg [dreg:$0x5];
	[sflag:s25] =	ssyncadd.s32 $0xFFFFF600  }
0x4f: {  	[tilespmem:s28], [sflag:$0x6] =	stream.linear.gather [hbm4b:s20+s4], $0xA00, $0x38;
	[tilespmem:$0x1F000] =	vst v63  }
0x50: {  	_ =	swait.ge [sflag:s25], $0xA00  }
0x51: {  	[sflag:s25] =	ssyncset.done $0x0  }
0x52: {  	s5 =	rddreg [dreg:$0x6];
	[sflag:s25] =	ssyncadd.s32 $0xFFFFF600  }
0x53: {  	[tilespmem:s29], [sflag:$0x3] =	stream.linear.gather [hbm4b:s5+s4], $0xA00, $0x38;
	[tilespmem:$0x1F000] =	vst v63  }
0x54: {  	s20 =	rddreg [dreg:$0x7];
	s5 =	simm.s32 $0x2400  }
0x55: {  	[tilespmem:s5], [sflag:$0x3] =	stream.linear.gather [hbm4b:s20+s4], $0xA00, $0x38;
	[tilespmem:$0x1F000] =	vst v63  }
0x56: {  	_ = 	snop  }
0x57: {  	[tilespmem:s24], [sflag:$0x1] =	stream.indirect.gather [hbm4b:s1+s30], $0x80, s4, s30, $0xb8;
	[tilespmem:$0x1F000] =	vst v63  }
0x58: {  	_ = 	snop  }
0x59: {  	[tilespmem:s31], [sflag:$0x2] =	stream.indirect.gather [hbm4b:s1+s30], $0x80, s30, s30, $0xb8;
	[tilespmem:$0x1F000] =	vst v63  }
0x5a: {  	_ =	swait.ge [sflag:s0], $0x4000  }
0x5b: {  	[sflag:s0] =	ssyncset.done $0x0  }
0x5c: {  	[sflag:s0] =	ssyncadd.s32 $0xFFFFC000  }
0x5d: {  	[spmem:s2] =	stream.indirect.scatter.add.f32 [tilespmem:s24], [sflag:$0x4], $0x80, s28, s30, $0xb8;
	[tilespmem:$0x1F000] =	vst v63  }
0x5e: {  	_ =	swait.ge [sflag:s3], $0x4000  }
0x5f: {  	[sflag:s3] =	ssyncset.done $0x0  }
0x60: {  	s20 =	simm.s32 $0xC80;
	[sflag:s3] =	ssyncadd.s32 $0xFFFFC000  }
0x61: {  	[spmem:s2] =	stream.indirect.scatter.add.f32 [tilespmem:s31], [sflag:$0x5], $0x80, s20, s30, $0xb8;
	[tilespmem:$0x1F000] =	vst v63  }
0x62: {  	_ =	swait.ge [sflag:s10], $0x4000  }
0x63: {  	[sflag:s10] =	ssyncset.done $0x0  }
0x64: {  	s20 =	simm.s32 $0x100;
	[sflag:s10] =	ssyncadd.s32 $0xFFFFC000  }
0x65: {  	[tilespmem:s24], [sflag:$0x1] =	stream.indirect.gather [hbm4b:s1+s30], $0x80, s20, s30, $0xb8;
	[tilespmem:$0x1F000] =	vst v63  }
0x66: {  	_ =	swait.ge [sflag:s12], $0x4000  }
0x67: {  	[sflag:s12] =	ssyncset.done $0x0  }
0x68: {  	s20 =	simm.s32 $0x180;
	[sflag:s12] =	ssyncadd.s32 $0xFFFFC000  }
0x69: {  	[tilespmem:s31], [sflag:$0x2] =	stream.indirect.gather [hbm4b:s1+s30], $0x80, s20, s30, $0xb8;
	[tilespmem:$0x1F000] =	vst v63  }
0x6a: {  	_ =	swait.ge [sflag:s0], $0x4000  }
0x6b: {  	[sflag:s0] =	ssyncset.done $0x0  }
0x6c: {  	s20 =	simm.s32 $0xD00;
	[sflag:s0] =	ssyncadd.s32 $0xFFFFC000  }
0x6d: {  	[spmem:s2] =	stream.indirect.scatter.add.f32 [tilespmem:s24], [sflag:$0x4], $0x80, s20, s30, $0xb8;
	[tilespmem:$0x1F000] =	vst v63  }
0x6e: {  	_ =	swait.ge [sflag:s3], $0x4000  }
0x6f: {  	[sflag:s3] =	ssyncset.done $0x0  }
0x70: {  	s20 =	simm.s32 $0xD80;
	[sflag:s3] =	ssyncadd.s32 $0xFFFFC000  }
0x71: {  	[spmem:s2] =	stream.indirect.scatter.add.f32 [tilespmem:s31], [sflag:$0x5], $0x80, s20, s30, $0xb8;
	[tilespmem:$0x1F000] =	vst v63  }
0x72: {  	_ =	swait.ge [sflag:s10], $0x4000  }
0x73: {  	[sflag:s10] =	ssyncset.done $0x0  }
0x74: {  	s20 =	simm.s32 $0x200;
	[sflag:s10] =	ssyncadd.s32 $0xFFFFC000  }
0x75: {  	[tilespmem:s24], [sflag:$0x1] =	stream.indirect.gather [hbm4b:s1+s30], $0x80, s20, s30, $0xb8;
	[tilespmem:$0x1F000] =	vst v63  }
0x76: {  	_ =	swait.ge [sflag:s12], $0x4000  }
0x77: {  	[sflag:s12] =	ssyncset.done $0x0  }
0x78: {  	s20 =	simm.s32 $0x280;
	[sflag:s12] =	ssyncadd.s32 $0xFFFFC000  }
0x79: {  	[tilespmem:s31], [sflag:$0x2] =	stream.indirect.gather [hbm4b:s1+s30], $0x80, s20, s30, $0xb8;
	[tilespmem:$0x1F000] =	vst v63  }
0x7a: {  	_ =	swait.ge [sflag:s0], $0x4000  }
0x7b: {  	[sflag:s0] =	ssyncset.done $0x0  }
0x7c: {  	s20 =	simm.s32 $0xE00;
	[sflag:s0] =	ssyncadd.s32 $0xFFFFC000  }
0x7d: {  	[spmem:s2] =	stream.indirect.scatter.add.f32 [tilespmem:s24], [sflag:$0x4], $0x80, s20, s30, $0xb8;
	[tilespmem:$0x1F000] =	vst v63  }
0x7e: {  	_ =	swait.ge [sflag:s3], $0x4000  }
0x7f: {  	[sflag:s3] =	ssyncset.done $0x0  }
0x80: {  	s20 =	simm.s32 $0xE80;
	[sflag:s3] =	ssyncadd.s32 $0xFFFFC000  }
0x81: {  	[spmem:s2] =	stream.indirect.scatter.add.f32 [tilespmem:s31], [sflag:$0x5], $0x80, s20, s30, $0xb8;
	[tilespmem:$0x1F000] =	vst v63  }
0x82: {  	_ =	swait.ge [sflag:s10], $0x4000  }
0x83: {  	[sflag:s10] =	ssyncset.done $0x0  }
0x84: {  	s20 =	simm.s32 $0x300;
	[sflag:s10] =	ssyncadd.s32 $0xFFFFC000  }
0x85: {  	[tilespmem:s24], [sflag:$0x1] =	stream.indirect.gather [hbm4b:s1+s30], $0x80, s20, s30, $0xb8;
	[tilespmem:$0x1F000] =	vst v63  }
0x86: {  	_ =	swait.ge [sflag:s12], $0x4000  }
0x87: {  	[sflag:s12] =	ssyncset.done $0x0  }
0x88: {  	s20 =	simm.s32 $0x380;
	[sflag:s12] =	ssyncadd.s32 $0xFFFFC000  }
0x89: {  	[tilespmem:s31], [sflag:$0x2] =	stream.indirect.gather [hbm4b:s1+s30], $0x80, s20, s30, $0xb8;
	[tilespmem:$0x1F000] =	vst v63  }
0x8a: {  	_ =	swait.ge [sflag:s0], $0x4000  }
0x8b: {  	[sflag:s0] =	ssyncset.done $0x0  }
0x8c: {  	s20 =	simm.s32 $0xF00;
	[sflag:s0] =	ssyncadd.s32 $0xFFFFC000  }
0x8d: {  	[spmem:s2] =	stream.indirect.scatter.add.f32 [tilespmem:s24], [sflag:$0x4], $0x80, s20, s30, $0xb8;
	[tilespmem:$0x1F000] =	vst v63  }
0x8e: {  	_ =	swait.ge [sflag:s3], $0x4000  }
0x8f: {  	[sflag:s3] =	ssyncset.done $0x0  }
0x90: {  	s20 =	simm.s32 $0xF80;
	[sflag:s3] =	ssyncadd.s32 $0xFFFFC000  }
0x91: {  	[spmem:s2] =	stream.indirect.scatter.add.f32 [tilespmem:s31], [sflag:$0x5], $0x80, s20, s30, $0xb8;
	[tilespmem:$0x1F000] =	vst v63  }
0x92: {  	_ =	swait.ge [sflag:s10], $0x4000  }
0x93: {  	[sflag:s10] =	ssyncset.done $0x0  }
0x94: {  	s20 =	simm.s32 $0x400;
	[sflag:s10] =	ssyncadd.s32 $0xFFFFC000  }
0x95: {  	[tilespmem:s24], [sflag:$0x1] =	stream.indirect.gather [hbm4b:s1+s30], $0x80, s20, s30, $0xb8;
	[tilespmem:$0x1F000] =	vst v63  }
0x96: {  	_ =	swait.ge [sflag:s12], $0x4000  }
0x97: {  	[sflag:s12] =	ssyncset.done $0x0  }
0x98: {  	s20 =	simm.s32 $0x480;
	[sflag:s12] =	ssyncadd.s32 $0xFFFFC000  }
0x99: {  	[tilespmem:s31], [sflag:$0x2] =	stream.indirect.gather [hbm4b:s1+s30], $0x80, s20, s30, $0xb8;
	[tilespmem:$0x1F000] =	vst v63  }
0x9a: {  	_ =	swait.ge [sflag:s0], $0x4000  }
0x9b: {  	[sflag:s0] =	ssyncset.done $0x0  }
0x9c: {  	s20 =	simm.s32 $0x1000;
	[sflag:s0] =	ssyncadd.s32 $0xFFFFC000  }
0x9d: {  	[spmem:s2] =	stream.indirect.scatter.add.f32 [tilespmem:s24], [sflag:$0x4], $0x80, s20, s30, $0xb8;
	[tilespmem:$0x1F000] =	vst v63  }
0x9e: {  	_ =	swait.ge [sflag:s3], $0x4000  }
0x9f: {  	[sflag:s3] =	ssyncset.done $0x0  }
0xa0: {  	s20 =	simm.s32 $0x1080;
	[sflag:s3] =	ssyncadd.s32 $0xFFFFC000  }
0xa1: {  	[spmem:s2] =	stream.indirect.scatter.add.f32 [tilespmem:s31], [sflag:$0x5], $0x80, s20, s30, $0xb8;
	[tilespmem:$0x1F000] =	vst v63  }
0xa2: {  	_ =	swait.ge [sflag:s10], $0x4000  }
0xa3: {  	[sflag:s10] =	ssyncset.done $0x0  }
0xa4: {  	s20 =	simm.s32 $0x500;
	[sflag:s10] =	ssyncadd.s32 $0xFFFFC000  }
0xa5: {  	[tilespmem:s24], [sflag:$0x1] =	stream.indirect.gather [hbm4b:s1+s30], $0x80, s20, s30, $0xb8;
	[tilespmem:$0x1F000] =	vst v63  }
0xa6: {  	_ =	swait.ge [sflag:s12], $0x4000  }
0xa7: {  	[sflag:s12] =	ssyncset.done $0x0  }
0xa8: {  	s20 =	simm.s32 $0x580;
	[sflag:s12] =	ssyncadd.s32 $0xFFFFC000  }
0xa9: {  	[tilespmem:s31], [sflag:$0x2] =	stream.indirect.gather [hbm4b:s1+s30], $0x80, s20, s30, $0xb8;
	[tilespmem:$0x1F000] =	vst v63  }
0xaa: {  	_ =	swait.ge [sflag:s0], $0x4000  }
0xab: {  	[sflag:s0] =	ssyncset.done $0x0  }
0xac: {  	s20 =	simm.s32 $0x1100;
	[sflag:s0] =	ssyncadd.s32 $0xFFFFC000  }
0xad: {  	[spmem:s2] =	stream.indirect.scatter.add.f32 [tilespmem:s24], [sflag:$0x4], $0x80, s20, s30, $0xb8;
	[tilespmem:$0x1F000] =	vst v63  }
0xae: {  	_ =	swait.ge [sflag:s3], $0x4000  }
0xaf: {  	[sflag:s3] =	ssyncset.done $0x0  }
0xb0: {  	s20 =	simm.s32 $0x1180;
	[sflag:s3] =	ssyncadd.s32 $0xFFFFC000  }
0xb1: {  	[spmem:s2] =	stream.indirect.scatter.add.f32 [tilespmem:s31], [sflag:$0x5], $0x80, s20, s30, $0xb8;
	[tilespmem:$0x1F000] =	vst v63  }
0xb2: {  	_ =	swait.ge [sflag:s10], $0x4000  }
0xb3: {  	[sflag:s10] =	ssyncset.done $0x0  }
0xb4: {  	s20 =	simm.s32 $0x600;
	[sflag:s10] =	ssyncadd.s32 $0xFFFFC000  }
0xb5: {  	[tilespmem:s24], [sflag:$0x1] =	stream.indirect.gather [hbm4b:s1+s30], $0x80, s20, s30, $0xb8;
	[tilespmem:$0x1F000] =	vst v63  }
0xb6: {  	_ =	swait.ge [sflag:s12], $0x4000  }
0xb7: {  	[sflag:s12] =	ssyncset.done $0x0  }
0xb8: {  	s20 =	simm.s32 $0x680;
	[sflag:s12] =	ssyncadd.s32 $0xFFFFC000  }
0xb9: {  	[tilespmem:s31], [sflag:$0x2] =	stream.indirect.gather [hbm4b:s1+s30], $0x80, s20, s30, $0xb8;
	[tilespmem:$0x1F000] =	vst v63  }
0xba: {  	_ =	swait.ge [sflag:s0], $0x4000  }
0xbb: {  	[sflag:s0] =	ssyncset.done $0x0  }
0xbc: {  	s20 =	simm.s32 $0x1200;
	[sflag:s0] =	ssyncadd.s32 $0xFFFFC000  }
0xbd: {  	[spmem:s2] =	stream.indirect.scatter.add.f32 [tilespmem:s24], [sflag:$0x4], $0x80, s20, s30, $0xb8;
	[tilespmem:$0x1F000] =	vst v63  }
0xbe: {  	_ =	swait.ge [sflag:s3], $0x4000  }
0xbf: {  	[sflag:s3] =	ssyncset.done $0x0  }
0xc0: {  	s20 =	simm.s32 $0x1280;
	[sflag:s3] =	ssyncadd.s32 $0xFFFFC000  }
0xc1: {  	[spmem:s2] =	stream.indirect.scatter.add.f32 [tilespmem:s31], [sflag:$0x5], $0x80, s20, s30, $0xb8;
	[tilespmem:$0x1F000] =	vst v63  }
0xc2: {  	_ =	swait.ge [sflag:s10], $0x4000  }
0xc3: {  	[sflag:s10] =	ssyncset.done $0x0  }
0xc4: {  	s20 =	simm.s32 $0x700;
	[sflag:s10] =	ssyncadd.s32 $0xFFFFC000  }
0xc5: {  	[tilespmem:s24], [sflag:$0x1] =	stream.indirect.gather [hbm4b:s1+s30], $0x80, s20, s30, $0xb8;
	[tilespmem:$0x1F000] =	vst v63  }
0xc6: {  	_ =	swait.ge [sflag:s12], $0x4000  }
0xc7: {  	[sflag:s12] =	ssyncset.done $0x0  }
0xc8: {  	s20 =	simm.s32 $0x780;
	[sflag:s12] =	ssyncadd.s32 $0xFFFFC000  }
0xc9: {  	[tilespmem:s31], [sflag:$0x2] =	stream.indirect.gather [hbm4b:s1+s30], $0x80, s20, s30, $0xb8;
	[tilespmem:$0x1F000] =	vst v63  }
0xca: {  	_ =	swait.ge [sflag:s0], $0x4000  }
0xcb: {  	[sflag:s0] =	ssyncset.done $0x0  }
0xcc: {  	s20 =	simm.s32 $0x1300;
	[sflag:s0] =	ssyncadd.s32 $0xFFFFC000  }
0xcd: {  	[spmem:s2] =	stream.indirect.scatter.add.f32 [tilespmem:s24], [sflag:$0x4], $0x80, s20, s30, $0xb8;
	[tilespmem:$0x1F000] =	vst v63  }
0xce: {  	_ =	swait.ge [sflag:s3], $0x4000  }
0xcf: {  	[sflag:s3] =	ssyncset.done $0x0  }
0xd0: {  	s20 =	simm.s32 $0x1380;
	[sflag:s3] =	ssyncadd.s32 $0xFFFFC000  }
0xd1: {  	[spmem:s2] =	stream.indirect.scatter.add.f32 [tilespmem:s31], [sflag:$0x5], $0x80, s20, s30, $0xb8;
	[tilespmem:$0x1F000] =	vst v63  }
0xd2: {  	_ =	swait.ge [sflag:s10], $0x4000  }
0xd3: {  	[sflag:s10] =	ssyncset.done $0x0  }
0xd4: {  	s20 =	simm.s32 $0x800;
	[sflag:s10] =	ssyncadd.s32 $0xFFFFC000  }
0xd5: {  	[tilespmem:s24], [sflag:$0x1] =	stream.indirect.gather [hbm4b:s1+s30], $0x80, s20, s30, $0xb8;
	[tilespmem:$0x1F000] =	vst v63  }
0xd6: {  	_ =	swait.ge [sflag:s12], $0x4000  }
0xd7: {  	[sflag:s12] =	ssyncset.done $0x0  }
0xd8: {  	s20 =	simm.s32 $0x880;
	[sflag:s12] =	ssyncadd.s32 $0xFFFFC000  }
0xd9: {  	[tilespmem:s31], [sflag:$0x2] =	stream.indirect.gather [hbm4b:s1+s30], $0x80, s20, s30, $0xb8;
	[tilespmem:$0x1F000] =	vst v63  }
0xda: {  	_ =	swait.ge [sflag:s0], $0x4000  }
0xdb: {  	[sflag:s0] =	ssyncset.done $0x0  }
0xdc: {  	s20 =	simm.s32 $0x1400;
	[sflag:s0] =	ssyncadd.s32 $0xFFFFC000  }
0xdd: {  	[spmem:s2] =	stream.indirect.scatter.add.f32 [tilespmem:s24], [sflag:$0x4], $0x80, s20, s30, $0xb8;
	[tilespmem:$0x1F000] =	vst v63  }
0xde: {  	_ =	swait.ge [sflag:s3], $0x4000  }
0xdf: {  	[sflag:s3] =	ssyncset.done $0x0  }
0xe0: {  	s20 =	simm.s32 $0x1480;
	[sflag:s3] =	ssyncadd.s32 $0xFFFFC000  }
0xe1: {  	[spmem:s2] =	stream.indirect.scatter.add.f32 [tilespmem:s31], [sflag:$0x5], $0x80, s20, s30, $0xb8;
	[tilespmem:$0x1F000] =	vst v63  }
0xe2: {  	_ =	swait.ge [sflag:s10], $0x4000  }
0xe3: {  	[sflag:s10] =	ssyncset.done $0x0  }
0xe4: {  	s20 =	simm.s32 $0x900;
	[sflag:s10] =	ssyncadd.s32 $0xFFFFC000  }
0xe5: {  	[tilespmem:s24], [sflag:$0x1] =	stream.indirect.gather [hbm4b:s1+s30], $0x80, s20, s30, $0xb8;
	[tilespmem:$0x1F000] =	vst v63  }
0xe6: {  	_ =	swait.ge [sflag:s12], $0x4000  }
0xe7: {  	[sflag:s12] =	ssyncset.done $0x0  }
0xe8: {  	s20 =	simm.s32 $0x980;
	[sflag:s12] =	ssyncadd.s32 $0xFFFFC000  }
0xe9: {  	[tilespmem:s31], [sflag:$0x2] =	stream.indirect.gather [hbm4b:s1+s30], $0x80, s20, s30, $0xb8;
	[tilespmem:$0x1F000] =	vst v63  }
0xea: {  	_ =	swait.ge [sflag:s0], $0x4000  }
0xeb: {  	[sflag:s0] =	ssyncset.done $0x0  }
0xec: {  	s20 =	simm.s32 $0x1500;
	[sflag:s0] =	ssyncadd.s32 $0xFFFFC000  }
0xed: {  	[spmem:s2] =	stream.indirect.scatter.add.f32 [tilespmem:s24], [sflag:$0x4], $0x80, s20, s30, $0xb8;
	[tilespmem:$0x1F000] =	vst v63  }
0xee: {  	_ =	swait.ge [sflag:s3], $0x4000  }
0xef: {  	[sflag:s3] =	ssyncset.done $0x0  }
0xf0: {  	s20 =	simm.s32 $0x1580;
	[sflag:s3] =	ssyncadd.s32 $0xFFFFC000  }
0xf1: {  	[spmem:s2] =	stream.indirect.scatter.add.f32 [tilespmem:s31], [sflag:$0x5], $0x80, s20, s30, $0xb8;
	[tilespmem:$0x1F000] =	vst v63  }
0xf2: {  	_ =	swait.ge [sflag:s10], $0x4000  }
0xf3: {  	[sflag:s10] =	ssyncset.done $0x0  }
0xf4: {  	[sflag:s10] =	ssyncadd.s32 $0xFFFFC000  }
0xf5: {  	_ =	swait.ge [sflag:s12], $0x4000  }
0xf6: {  	[sflag:s12] =	ssyncset.done $0x0  }
0xf7: {  	[sflag:s12] =	ssyncadd.s32 $0xFFFFC000  }
0xf8: {  	_ =	swait.ge [sflag:s23], $0xA00  }
0xf9: {  	[sflag:s23] =	ssyncset.done $0x0  }
0xfa: {  	[sflag:s23] =	ssyncadd.s32 $0xFFFFF600  }
0xfb: {  	_ =	swait.ge [sflag:s23], $0xA00  }
0xfc: {  	[sflag:s23] =	ssyncset.done $0x0  }
0xfd: {  	s20 =	rddreg [dreg:$0x8];
	[sflag:s23] =	ssyncadd.s32 $0xFFFFF600  }
0xfe: {  	[tilespmem:s4], [sflag:$0x3] =	stream.linear.gather [hbm4b:s20+s4], $0xA00, $0x38;
	[tilespmem:$0x1F000] =	vst v63  }
0xff: {  	s20 =	rddreg [dreg:$0x9]  }
0x100: {  	[tilespmem:s28], [sflag:$0x3] =	stream.linear.gather [hbm4b:s20+s4], $0xA00, $0x38;
	[tilespmem:$0x1F000] =	vst v63  }
0x101: {  	_ = 	snop  }
0x102: {  	[tilespmem:s24], [sflag:$0x1] =	stream.indirect.gather [hbm4b:s1+s30], $0x80, s29, s30, $0xb8;
	[tilespmem:$0x1F000] =	vst v63  }
0x103: {  	_ = 	snop  }
0x104: {  	[tilespmem:s31], [sflag:$0x2] =	stream.indirect.gather [hbm4b:s1+s30], $0x80, s11, s30, $0xb8;
	[tilespmem:$0x1F000] =	vst v63  }
0x105: {  	_ =	swait.ge [sflag:s0], $0x4000  }
0x106: {  	[sflag:s0] =	ssyncset.done $0x0  }
0x107: {  	[sflag:s0] =	ssyncadd.s32 $0xFFFFC000  }
0x108: {  	[spmem:s2] =	stream.indirect.scatter.add.f32 [tilespmem:s24], [sflag:$0x4], $0x80, s5, s30, $0xb8;
	[tilespmem:$0x1F000] =	vst v63  }
0x109: {  	_ =	swait.ge [sflag:s3], $0x4000  }
0x10a: {  	[sflag:s3] =	ssyncset.done $0x0  }
0x10b: {  	[sflag:s3] =	ssyncadd.s32 $0xFFFFC000  }
0x10c: {  	[spmem:s2] =	stream.indirect.scatter.add.f32 [tilespmem:s31], [sflag:$0x5], $0x80, s13, s30, $0xb8;
	[tilespmem:$0x1F000] =	vst v63  }
0x10d: {  	_ =	swait.ge [sflag:s10], $0x4000  }
0x10e: {  	[sflag:s10] =	ssyncset.done $0x0  }
0x10f: {  	[sflag:s10] =	ssyncadd.s32 $0xFFFFC000  }
0x110: {  	[tilespmem:s24], [sflag:$0x1] =	stream.indirect.gather [hbm4b:s1+s30], $0x80, s14, s30, $0xb8;
	[tilespmem:$0x1F000] =	vst v63  }
0x111: {  	_ =	swait.ge [sflag:s12], $0x4000  }
0x112: {  	[sflag:s12] =	ssyncset.done $0x0  }
0x113: {  	[sflag:s12] =	ssyncadd.s32 $0xFFFFC000  }
0x114: {  	[tilespmem:s31], [sflag:$0x2] =	stream.indirect.gather [hbm4b:s1+s30], $0x80, s15, s30, $0xb8;
	[tilespmem:$0x1F000] =	vst v63  }
0x115: {  	_ =	swait.ge [sflag:s0], $0x4000  }
0x116: {  	[sflag:s0] =	ssyncset.done $0x0  }
0x117: {  	[sflag:s0] =	ssyncadd.s32 $0xFFFFC000  }
0x118: {  	[spmem:s2] =	stream.indirect.scatter.add.f32 [tilespmem:s24], [sflag:$0x4], $0x80, s16, s30, $0xb8;
	[tilespmem:$0x1F000] =	vst v63  }
0x119: {  	_ =	swait.ge [sflag:s3], $0x4000  }
0x11a: {  	[sflag:s3] =	ssyncset.done $0x0  }
0x11b: {  	[sflag:s3] =	ssyncadd.s32 $0xFFFFC000  }
0x11c: {  	[spmem:s2] =	stream.indirect.scatter.add.f32 [tilespmem:s31], [sflag:$0x5], $0x80, s17, s30, $0xb8;
	[tilespmem:$0x1F000] =	vst v63  }
0x11d: {  	_ =	swait.ge [sflag:s10], $0x4000  }
0x11e: {  	[sflag:s10] =	ssyncset.done $0x0  }
0x11f: {  	[sflag:s10] =	ssyncadd.s32 $0xFFFFC000  }
0x120: {  	[tilespmem:s24], [sflag:$0x1] =	stream.indirect.gather [hbm4b:s1+s30], $0x80, s18, s30, $0xb8;
	[tilespmem:$0x1F000] =	vst v63  }
0x121: {  	_ =	swait.ge [sflag:s12], $0x4000  }
0x122: {  	[sflag:s12] =	ssyncset.done $0x0  }
0x123: {  	s20 =	simm.s32 $0x1A80;
	[sflag:s12] =	ssyncadd.s32 $0xFFFFC000  }
0x124: {  	[tilespmem:s31], [sflag:$0x2] =	stream.indirect.gather [hbm4b:s1+s30], $0x80, s20, s30, $0xb8;
	[tilespmem:$0x1F000] =	vst v63  }
0x125: {  	_ =	swait.ge [sflag:s0], $0x4000  }
0x126: {  	[sflag:s0] =	ssyncset.done $0x0  }
0x127: {  	[sflag:s0] =	ssyncadd.s32 $0xFFFFC000  }
0x128: {  	[spmem:s2] =	stream.indirect.scatter.add.f32 [tilespmem:s24], [sflag:$0x4], $0x80, s21, s30, $0xb8;
	[tilespmem:$0x1F000] =	vst v63  }
0x129: {  	_ =	swait.ge [sflag:s3], $0x4000  }
0x12a: {  	[sflag:s3] =	ssyncset.done $0x0  }
0x12b: {  	[sflag:s3] =	ssyncadd.s32 $0xFFFFC000  }
0x12c: {  	[spmem:s2] =	stream.indirect.scatter.add.f32 [tilespmem:s31], [sflag:$0x5], $0x80, s22, s30, $0xb8;
	[tilespmem:$0x1F000] =	vst v63  }
0x12d: {  	_ =	swait.ge [sflag:s10], $0x4000  }
0x12e: {  	[sflag:s10] =	ssyncset.done $0x0  }
0x12f: {  	[sflag:s10] =	ssyncadd.s32 $0xFFFFC000  }
0x130: {  	[tilespmem:s24], [sflag:$0x1] =	stream.indirect.gather [hbm4b:s1+s30], $0x80, s26, s30, $0xb8;
	[tilespmem:$0x1F000] =	vst v63  }
0x131: {  	_ =	swait.ge [sflag:s12], $0x4000  }
0x132: {  	[sflag:s12] =	ssyncset.done $0x0  }
0x133: {  	s9 =	simm.s32 $0x1B80;
	[sflag:s12] =	ssyncadd.s32 $0xFFFFC000  }
0x134: {  	[tilespmem:s31], [sflag:$0x2] =	stream.indirect.gather [hbm4b:s1+s30], $0x80, s9, s30, $0xb8;
	[tilespmem:$0x1F000] =	vst v63  }
0x135: {  	_ =	swait.ge [sflag:s0], $0x4000  }
0x136: {  	[sflag:s0] =	ssyncset.done $0x0  }
0x137: {  	s9 =	simm.s32 $0x2700;
	[sflag:s0] =	ssyncadd.s32 $0xFFFFC000  }
0x138: {  	[spmem:s2] =	stream.indirect.scatter.add.f32 [tilespmem:s24], [sflag:$0x4], $0x80, s9, s30, $0xb8;
	[tilespmem:$0x1F000] =	vst v63  }
0x139: {  	_ =	swait.ge [sflag:s3], $0x4000  }
0x13a: {  	[sflag:s3] =	ssyncset.done $0x0  }
0x13b: {  	s9 =	simm.s32 $0x2780;
	[sflag:s3] =	ssyncadd.s32 $0xFFFFC000  }
0x13c: {  	[spmem:s2] =	stream.indirect.scatter.add.f32 [tilespmem:s31], [sflag:$0x5], $0x80, s9, s30, $0xb8;
	[tilespmem:$0x1F000] =	vst v63  }
0x13d: {  	_ =	swait.ge [sflag:s10], $0x4000  }
0x13e: {  	[sflag:s10] =	ssyncset.done $0x0  }
0x13f: {  	s9 =	simm.s32 $0x1C00;
	[sflag:s10] =	ssyncadd.s32 $0xFFFFC000  }
0x140: {  	[tilespmem:s24], [sflag:$0x1] =	stream.indirect.gather [hbm4b:s1+s30], $0x80, s9, s30, $0xb8;
	[tilespmem:$0x1F000] =	vst v63  }
0x141: {  	_ =	swait.ge [sflag:s12], $0x4000  }
0x142: {  	[sflag:s12] =	ssyncset.done $0x0  }
0x143: {  	s9 =	simm.s32 $0x1C80;
	[sflag:s12] =	ssyncadd.s32 $0xFFFFC000  }
0x144: {  	[tilespmem:s31], [sflag:$0x2] =	stream.indirect.gather [hbm4b:s1+s30], $0x80, s9, s30, $0xb8;
	[tilespmem:$0x1F000] =	vst v63  }
0x145: {  	_ =	swait.ge [sflag:s0], $0x4000  }
0x146: {  	[sflag:s0] =	ssyncset.done $0x0  }
0x147: {  	s9 =	simm.s32 $0x2800;
	[sflag:s0] =	ssyncadd.s32 $0xFFFFC000  }
0x148: {  	[spmem:s2] =	stream.indirect.scatter.add.f32 [tilespmem:s24], [sflag:$0x4], $0x80, s9, s30, $0xb8;
	[tilespmem:$0x1F000] =	vst v63  }
0x149: {  	_ =	swait.ge [sflag:s3], $0x4000  }
0x14a: {  	[sflag:s3] =	ssyncset.done $0x0  }
0x14b: {  	s9 =	simm.s32 $0x2880;
	[sflag:s3] =	ssyncadd.s32 $0xFFFFC000  }
0x14c: {  	[spmem:s2] =	stream.indirect.scatter.add.f32 [tilespmem:s31], [sflag:$0x5], $0x80, s9, s30, $0xb8;
	[tilespmem:$0x1F000] =	vst v63  }
0x14d: {  	_ =	swait.ge [sflag:s10], $0x4000  }
0x14e: {  	[sflag:s10] =	ssyncset.done $0x0  }
0x14f: {  	s9 =	simm.s32 $0x1D00;
	[sflag:s10] =	ssyncadd.s32 $0xFFFFC000  }
0x150: {  	[tilespmem:s24], [sflag:$0x1] =	stream.indirect.gather [hbm4b:s1+s30], $0x80, s9, s30, $0xb8;
	[tilespmem:$0x1F000] =	vst v63  }
0x151: {  	_ =	swait.ge [sflag:s12], $0x4000  }
0x152: {  	[sflag:s12] =	ssyncset.done $0x0  }
0x153: {  	s9 =	simm.s32 $0x1D80;
	[sflag:s12] =	ssyncadd.s32 $0xFFFFC000  }
0x154: {  	[tilespmem:s31], [sflag:$0x2] =	stream.indirect.gather [hbm4b:s1+s30], $0x80, s9, s30, $0xb8;
	[tilespmem:$0x1F000] =	vst v63  }
0x155: {  	_ =	swait.ge [sflag:s0], $0x4000  }
0x156: {  	[sflag:s0] =	ssyncset.done $0x0  }
0x157: {  	s9 =	simm.s32 $0x2900;
	[sflag:s0] =	ssyncadd.s32 $0xFFFFC000  }
0x158: {  	[spmem:s2] =	stream.indirect.scatter.add.f32 [tilespmem:s24], [sflag:$0x4], $0x80, s9, s30, $0xb8;
	[tilespmem:$0x1F000] =	vst v63  }
0x159: {  	_ =	swait.ge [sflag:s3], $0x4000  }
0x15a: {  	[sflag:s3] =	ssyncset.done $0x0  }
0x15b: {  	s9 =	simm.s32 $0x2980;
	[sflag:s3] =	ssyncadd.s32 $0xFFFFC000  }
0x15c: {  	[spmem:s2] =	stream.indirect.scatter.add.f32 [tilespmem:s31], [sflag:$0x5], $0x80, s9, s30, $0xb8;
	[tilespmem:$0x1F000] =	vst v63  }
0x15d: {  	_ =	swait.ge [sflag:s10], $0x4000  }
0x15e: {  	[sflag:s10] =	ssyncset.done $0x0  }
0x15f: {  	s9 =	simm.s32 $0x1E00;
	[sflag:s10] =	ssyncadd.s32 $0xFFFFC000  }
0x160: {  	[tilespmem:s24], [sflag:$0x1] =	stream.indirect.gather [hbm4b:s1+s30], $0x80, s9, s30, $0xb8;
	[tilespmem:$0x1F000] =	vst v63  }
0x161: {  	_ =	swait.ge [sflag:s12], $0x4000  }
0x162: {  	[sflag:s12] =	ssyncset.done $0x0  }
0x163: {  	s9 =	simm.s32 $0x1E80;
	[sflag:s12] =	ssyncadd.s32 $0xFFFFC000  }
0x164: {  	[tilespmem:s31], [sflag:$0x2] =	stream.indirect.gather [hbm4b:s1+s30], $0x80, s9, s30, $0xb8;
	[tilespmem:$0x1F000] =	vst v63  }
0x165: {  	_ =	swait.ge [sflag:s0], $0x4000  }
0x166: {  	[sflag:s0] =	ssyncset.done $0x0  }
0x167: {  	s9 =	simm.s32 $0x2A00;
	[sflag:s0] =	ssyncadd.s32 $0xFFFFC000  }
0x168: {  	[spmem:s2] =	stream.indirect.scatter.add.f32 [tilespmem:s24], [sflag:$0x4], $0x80, s9, s30, $0xb8;
	[tilespmem:$0x1F000] =	vst v63  }
0x169: {  	_ =	swait.ge [sflag:s3], $0x4000  }
0x16a: {  	[sflag:s3] =	ssyncset.done $0x0  }
0x16b: {  	s9 =	simm.s32 $0x2A80;
	[sflag:s3] =	ssyncadd.s32 $0xFFFFC000  }
0x16c: {  	[spmem:s2] =	stream.indirect.scatter.add.f32 [tilespmem:s31], [sflag:$0x5], $0x80, s9, s30, $0xb8;
	[tilespmem:$0x1F000] =	vst v63  }
0x16d: {  	_ =	swait.ge [sflag:s10], $0x4000  }
0x16e: {  	[sflag:s10] =	ssyncset.done $0x0  }
0x16f: {  	s9 =	simm.s32 $0x1F00;
	[sflag:s10] =	ssyncadd.s32 $0xFFFFC000  }
0x170: {  	[tilespmem:s24], [sflag:$0x1] =	stream.indirect.gather [hbm4b:s1+s30], $0x80, s9, s30, $0xb8;
	[tilespmem:$0x1F000] =	vst v63  }
0x171: {  	_ =	swait.ge [sflag:s12], $0x4000  }
0x172: {  	[sflag:s12] =	ssyncset.done $0x0  }
0x173: {  	s9 =	simm.s32 $0x1F80;
	[sflag:s12] =	ssyncadd.s32 $0xFFFFC000  }
0x174: {  	[tilespmem:s31], [sflag:$0x2] =	stream.indirect.gather [hbm4b:s1+s30], $0x80, s9, s30, $0xb8;
	[tilespmem:$0x1F000] =	vst v63  }
0x175: {  	_ =	swait.ge [sflag:s0], $0x4000  }
0x176: {  	[sflag:s0] =	ssyncset.done $0x0  }
0x177: {  	s9 =	simm.s32 $0x2B00;
	[sflag:s0] =	ssyncadd.s32 $0xFFFFC000  }
0x178: {  	[spmem:s2] =	stream.indirect.scatter.add.f32 [tilespmem:s24], [sflag:$0x4], $0x80, s9, s30, $0xb8;
	[tilespmem:$0x1F000] =	vst v63  }
0x179: {  	_ =	swait.ge [sflag:s3], $0x4000  }
0x17a: {  	[sflag:s3] =	ssyncset.done $0x0  }
0x17b: {  	s9 =	simm.s32 $0x2B80;
	[sflag:s3] =	ssyncadd.s32 $0xFFFFC000  }
0x17c: {  	[spmem:s2] =	stream.indirect.scatter.add.f32 [tilespmem:s31], [sflag:$0x5], $0x80, s9, s30, $0xb8;
	[tilespmem:$0x1F000] =	vst v63  }
0x17d: {  	_ =	swait.ge [sflag:s10], $0x4000  }
0x17e: {  	[sflag:s10] =	ssyncset.done $0x0  }
0x17f: {  	s9 =	simm.s32 $0x2000;
	[sflag:s10] =	ssyncadd.s32 $0xFFFFC000  }
0x180: {  	[tilespmem:s24], [sflag:$0x1] =	stream.indirect.gather [hbm4b:s1+s30], $0x80, s9, s30, $0xb8;
	[tilespmem:$0x1F000] =	vst v63  }
0x181: {  	_ =	swait.ge [sflag:s12], $0x4000  }
0x182: {  	[sflag:s12] =	ssyncset.done $0x0  }
0x183: {  	s9 =	simm.s32 $0x2080;
	[sflag:s12] =	ssyncadd.s32 $0xFFFFC000  }
0x184: {  	[tilespmem:s31], [sflag:$0x2] =	stream.indirect.gather [hbm4b:s1+s30], $0x80, s9, s30, $0xb8;
	[tilespmem:$0x1F000] =	vst v63  }
0x185: {  	_ =	swait.ge [sflag:s0], $0x4000  }
0x186: {  	[sflag:s0] =	ssyncset.done $0x0  }
0x187: {  	s9 =	simm.s32 $0x2C00;
	[sflag:s0] =	ssyncadd.s32 $0xFFFFC000  }
0x188: {  	[spmem:s2] =	stream.indirect.scatter.add.f32 [tilespmem:s24], [sflag:$0x4], $0x80, s9, s30, $0xb8;
	[tilespmem:$0x1F000] =	vst v63  }
0x189: {  	_ =	swait.ge [sflag:s3], $0x4000  }
0x18a: {  	[sflag:s3] =	ssyncset.done $0x0  }
0x18b: {  	s9 =	simm.s32 $0x2C80;
	[sflag:s3] =	ssyncadd.s32 $0xFFFFC000  }
0x18c: {  	[spmem:s2] =	stream.indirect.scatter.add.f32 [tilespmem:s31], [sflag:$0x5], $0x80, s9, s30, $0xb8;
	[tilespmem:$0x1F000] =	vst v63  }
0x18d: {  	_ =	swait.ge [sflag:s10], $0x4000  }
0x18e: {  	[sflag:s10] =	ssyncset.done $0x0  }
0x18f: {  	s9 =	simm.s32 $0x2100;
	[sflag:s10] =	ssyncadd.s32 $0xFFFFC000  }
0x190: {  	[tilespmem:s24], [sflag:$0x1] =	stream.indirect.gather [hbm4b:s1+s30], $0x80, s9, s30, $0xb8;
	[tilespmem:$0x1F000] =	vst v63  }
0x191: {  	_ =	swait.ge [sflag:s12], $0x4000  }
0x192: {  	[sflag:s12] =	ssyncset.done $0x0  }
0x193: {  	s9 =	simm.s32 $0x2180;
	[sflag:s12] =	ssyncadd.s32 $0xFFFFC000  }
0x194: {  	[tilespmem:s31], [sflag:$0x2] =	stream.indirect.gather [hbm4b:s1+s30], $0x80, s9, s30, $0xb8;
	[tilespmem:$0x1F000] =	vst v63  }
0x195: {  	_ =	swait.ge [sflag:s0], $0x4000  }
0x196: {  	[sflag:s0] =	ssyncset.done $0x0  }
0x197: {  	s9 =	simm.s32 $0x2D00;
	[sflag:s0] =	ssyncadd.s32 $0xFFFFC000  }
0x198: {  	[spmem:s2] =	stream.indirect.scatter.add.f32 [tilespmem:s24], [sflag:$0x4], $0x80, s9, s30, $0xb8;
	[tilespmem:$0x1F000] =	vst v63  }
0x199: {  	_ =	swait.ge [sflag:s3], $0x4000  }
0x19a: {  	[sflag:s3] =	ssyncset.done $0x0  }
0x19b: {  	s9 =	simm.s32 $0x2D80;
	[sflag:s3] =	ssyncadd.s32 $0xFFFFC000  }
0x19c: {  	[spmem:s2] =	stream.indirect.scatter.add.f32 [tilespmem:s31], [sflag:$0x5], $0x80, s9, s30, $0xb8;
	[tilespmem:$0x1F000] =	vst v63  }
0x19d: {  	_ =	swait.ge [sflag:s10], $0x4000  }
0x19e: {  	[sflag:s10] =	ssyncset.done $0x0  }
0x19f: {  	[sflag:s10] =	ssyncadd.s32 $0xFFFFC000  }
0x1a0: {  	_ =	swait.ge [sflag:s12], $0x4000  }
0x1a1: {  	[sflag:s12] =	ssyncset.done $0x0  }
0x1a2: {  	[sflag:s12] =	ssyncadd.s32 $0xFFFFC000  }
0x1a3: {  	_ =	swait.ge [sflag:s23], $0xA00  }
0x1a4: {  	[sflag:s23] =	ssyncset.done $0x0  }
0x1a5: {  	[sflag:s23] =	ssyncadd.s32 $0xFFFFF600  }
0x1a6: {  	_ =	swait.ge [sflag:s23], $0xA00  }
0x1a7: {  	[sflag:s23] =	ssyncset.done $0x0  }
0x1a8: {  	s9 =	rddreg [dreg:$0xa];
	[sflag:s23] =	ssyncadd.s32 $0xFFFFF600  }
0x1a9: {  	[tilespmem:s29], [sflag:$0x3] =	stream.linear.gather [hbm4b:s9+s4], $0xA00, $0x38;
	[tilespmem:$0x1F000] =	vst v63  }
0x1aa: {  	s9 =	rddreg [dreg:$0xb]  }
0x1ab: {  	[tilespmem:s5], [sflag:$0x3] =	stream.linear.gather [hbm4b:s9+s4], $0xA00, $0x38;
	[tilespmem:$0x1F000] =	vst v63  }
0x1ac: {  	_ = 	snop  }
0x1ad: {  	[tilespmem:s24], [sflag:$0x1] =	stream.indirect.gather [hbm4b:s1+s30], $0x80, s4, s30, $0xb8;
	[tilespmem:$0x1F000] =	vst v63  }
0x1ae: {  	_ = 	snop  }
0x1af: {  	[tilespmem:s31], [sflag:$0x2] =	stream.indirect.gather [hbm4b:s1+s30], $0x80, s30, s30, $0xb8;
	[tilespmem:$0x1F000] =	vst v63  }
0x1b0: {  	_ =	swait.ge [sflag:s0], $0x4000  }
0x1b1: {  	[sflag:s0] =	ssyncset.done $0x0  }
0x1b2: {  	[sflag:s0] =	ssyncadd.s32 $0xFFFFC000  }
0x1b3: {  	[spmem:s2] =	stream.indirect.scatter.add.f32 [tilespmem:s24], [sflag:$0x4], $0x80, s28, s30, $0xb8;
	[tilespmem:$0x1F000] =	vst v63  }
0x1b4: {  	_ =	swait.ge [sflag:s3], $0x4000  }
0x1b5: {  	[sflag:s3] =	ssyncset.done $0x0  }
0x1b6: {  	s9 =	simm.s32 $0xC80;
	[sflag:s3] =	ssyncadd.s32 $0xFFFFC000  }
0x1b7: {  	[spmem:s2] =	stream.indirect.scatter.add.f32 [tilespmem:s31], [sflag:$0x5], $0x80, s9, s30, $0xb8;
	[tilespmem:$0x1F000] =	vst v63  }
0x1b8: {  	_ =	swait.ge [sflag:s10], $0x4000  }
0x1b9: {  	[sflag:s10] =	ssyncset.done $0x0  }
0x1ba: {  	s9 =	simm.s32 $0x100;
	[sflag:s10] =	ssyncadd.s32 $0xFFFFC000  }
0x1bb: {  	[tilespmem:s24], [sflag:$0x1] =	stream.indirect.gather [hbm4b:s1+s30], $0x80, s9, s30, $0xb8;
	[tilespmem:$0x1F000] =	vst v63  }
0x1bc: {  	_ =	swait.ge [sflag:s12], $0x4000  }
0x1bd: {  	[sflag:s12] =	ssyncset.done $0x0  }
0x1be: {  	s9 =	simm.s32 $0x180;
	[sflag:s12] =	ssyncadd.s32 $0xFFFFC000  }
0x1bf: {  	[tilespmem:s31], [sflag:$0x2] =	stream.indirect.gather [hbm4b:s1+s30], $0x80, s9, s30, $0xb8;
	[tilespmem:$0x1F000] =	vst v63  }
0x1c0: {  	_ =	swait.ge [sflag:s0], $0x4000  }
0x1c1: {  	[sflag:s0] =	ssyncset.done $0x0  }
0x1c2: {  	s9 =	simm.s32 $0xD00;
	[sflag:s0] =	ssyncadd.s32 $0xFFFFC000  }
0x1c3: {  	[spmem:s2] =	stream.indirect.scatter.add.f32 [tilespmem:s24], [sflag:$0x4], $0x80, s9, s30, $0xb8;
	[tilespmem:$0x1F000] =	vst v63  }
0x1c4: {  	_ =	swait.ge [sflag:s3], $0x4000  }
0x1c5: {  	[sflag:s3] =	ssyncset.done $0x0  }
0x1c6: {  	s9 =	simm.s32 $0xD80;
	[sflag:s3] =	ssyncadd.s32 $0xFFFFC000  }
0x1c7: {  	[spmem:s2] =	stream.indirect.scatter.add.f32 [tilespmem:s31], [sflag:$0x5], $0x80, s9, s30, $0xb8;
	[tilespmem:$0x1F000] =	vst v63  }
0x1c8: {  	_ =	swait.ge [sflag:s10], $0x4000  }
0x1c9: {  	[sflag:s10] =	ssyncset.done $0x0  }
0x1ca: {  	s9 =	simm.s32 $0x200;
	[sflag:s10] =	ssyncadd.s32 $0xFFFFC000  }
0x1cb: {  	[tilespmem:s24], [sflag:$0x1] =	stream.indirect.gather [hbm4b:s1+s30], $0x80, s9, s30, $0xb8;
	[tilespmem:$0x1F000] =	vst v63  }
0x1cc: {  	_ =	swait.ge [sflag:s12], $0x4000  }
0x1cd: {  	[sflag:s12] =	ssyncset.done $0x0  }
0x1ce: {  	s9 =	simm.s32 $0x280;
	[sflag:s12] =	ssyncadd.s32 $0xFFFFC000  }
0x1cf: {  	[tilespmem:s31], [sflag:$0x2] =	stream.indirect.gather [hbm4b:s1+s30], $0x80, s9, s30, $0xb8;
	[tilespmem:$0x1F000] =	vst v63  }
0x1d0: {  	_ =	swait.ge [sflag:s0], $0x4000  }
0x1d1: {  	[sflag:s0] =	ssyncset.done $0x0  }
0x1d2: {  	s9 =	simm.s32 $0xE00;
	[sflag:s0] =	ssyncadd.s32 $0xFFFFC000  }
0x1d3: {  	[spmem:s2] =	stream.indirect.scatter.add.f32 [tilespmem:s24], [sflag:$0x4], $0x80, s9, s30, $0xb8;
	[tilespmem:$0x1F000] =	vst v63  }
0x1d4: {  	_ =	swait.ge [sflag:s3], $0x4000  }
0x1d5: {  	[sflag:s3] =	ssyncset.done $0x0  }
0x1d6: {  	s9 =	simm.s32 $0xE80;
	[sflag:s3] =	ssyncadd.s32 $0xFFFFC000  }
0x1d7: {  	[spmem:s2] =	stream.indirect.scatter.add.f32 [tilespmem:s31], [sflag:$0x5], $0x80, s9, s30, $0xb8;
	[tilespmem:$0x1F000] =	vst v63  }
0x1d8: {  	_ =	swait.ge [sflag:s10], $0x4000  }
0x1d9: {  	[sflag:s10] =	ssyncset.done $0x0  }
0x1da: {  	s9 =	simm.s32 $0x300;
	[sflag:s10] =	ssyncadd.s32 $0xFFFFC000  }
0x1db: {  	[tilespmem:s24], [sflag:$0x1] =	stream.indirect.gather [hbm4b:s1+s30], $0x80, s9, s30, $0xb8;
	[tilespmem:$0x1F000] =	vst v63  }
0x1dc: {  	_ =	swait.ge [sflag:s12], $0x4000  }
0x1dd: {  	[sflag:s12] =	ssyncset.done $0x0  }
0x1de: {  	s9 =	simm.s32 $0x380;
	[sflag:s12] =	ssyncadd.s32 $0xFFFFC000  }
0x1df: {  	[tilespmem:s31], [sflag:$0x2] =	stream.indirect.gather [hbm4b:s1+s30], $0x80, s9, s30, $0xb8;
	[tilespmem:$0x1F000] =	vst v63  }
0x1e0: {  	_ =	swait.ge [sflag:s0], $0x4000  }
0x1e1: {  	[sflag:s0] =	ssyncset.done $0x0  }
0x1e2: {  	s9 =	simm.s32 $0xF00;
	[sflag:s0] =	ssyncadd.s32 $0xFFFFC000  }
0x1e3: {  	[spmem:s2] =	stream.indirect.scatter.add.f32 [tilespmem:s24], [sflag:$0x4], $0x80, s9, s30, $0xb8;
	[tilespmem:$0x1F000] =	vst v63  }
0x1e4: {  	_ =	swait.ge [sflag:s3], $0x4000  }
0x1e5: {  	[sflag:s3] =	ssyncset.done $0x0  }
0x1e6: {  	s9 =	simm.s32 $0xF80;
	[sflag:s3] =	ssyncadd.s32 $0xFFFFC000  }
0x1e7: {  	[spmem:s2] =	stream.indirect.scatter.add.f32 [tilespmem:s31], [sflag:$0x5], $0x80, s9, s30, $0xb8;
	[tilespmem:$0x1F000] =	vst v63  }
0x1e8: {  	_ =	swait.ge [sflag:s10], $0x4000  }
0x1e9: {  	[sflag:s10] =	ssyncset.done $0x0  }
0x1ea: {  	s9 =	simm.s32 $0x400;
	[sflag:s10] =	ssyncadd.s32 $0xFFFFC000  }
0x1eb: {  	[tilespmem:s24], [sflag:$0x1] =	stream.indirect.gather [hbm4b:s1+s30], $0x80, s9, s30, $0xb8;
	[tilespmem:$0x1F000] =	vst v63  }
0x1ec: {  	_ =	swait.ge [sflag:s12], $0x4000  }
0x1ed: {  	[sflag:s12] =	ssyncset.done $0x0  }
0x1ee: {  	s9 =	simm.s32 $0x480;
	[sflag:s12] =	ssyncadd.s32 $0xFFFFC000  }
0x1ef: {  	[tilespmem:s31], [sflag:$0x2] =	stream.indirect.gather [hbm4b:s1+s30], $0x80, s9, s30, $0xb8;
	[tilespmem:$0x1F000] =	vst v63  }
0x1f0: {  	_ =	swait.ge [sflag:s0], $0x4000  }
0x1f1: {  	[sflag:s0] =	ssyncset.done $0x0  }
0x1f2: {  	s9 =	simm.s32 $0x1000;
	[sflag:s0] =	ssyncadd.s32 $0xFFFFC000  }
0x1f3: {  	[spmem:s2] =	stream.indirect.scatter.add.f32 [tilespmem:s24], [sflag:$0x4], $0x80, s9, s30, $0xb8;
	[tilespmem:$0x1F000] =	vst v63  }
0x1f4: {  	_ =	swait.ge [sflag:s3], $0x4000  }
0x1f5: {  	[sflag:s3] =	ssyncset.done $0x0  }
0x1f6: {  	s9 =	simm.s32 $0x1080;
	[sflag:s3] =	ssyncadd.s32 $0xFFFFC000  }
0x1f7: {  	[spmem:s2] =	stream.indirect.scatter.add.f32 [tilespmem:s31], [sflag:$0x5], $0x80, s9, s30, $0xb8;
	[tilespmem:$0x1F000] =	vst v63  }
0x1f8: {  	_ =	swait.ge [sflag:s10], $0x4000  }
0x1f9: {  	[sflag:s10] =	ssyncset.done $0x0  }
0x1fa: {  	s9 =	simm.s32 $0x500;
	[sflag:s10] =	ssyncadd.s32 $0xFFFFC000  }
0x1fb: {  	[tilespmem:s24], [sflag:$0x1] =	stream.indirect.gather [hbm4b:s1+s30], $0x80, s9, s30, $0xb8;
	[tilespmem:$0x1F000] =	vst v63  }
0x1fc: {  	_ =	swait.ge [sflag:s12], $0x4000  }
0x1fd: {  	[sflag:s12] =	ssyncset.done $0x0  }
0x1fe: {  	s9 =	simm.s32 $0x580;
	[sflag:s12] =	ssyncadd.s32 $0xFFFFC000  }
0x1ff: {  	[tilespmem:s31], [sflag:$0x2] =	stream.indirect.gather [hbm4b:s1+s30], $0x80, s9, s30, $0xb8;
	[tilespmem:$0x1F000] =	vst v63  }
0x200: {  	_ =	swait.ge [sflag:s0], $0x4000  }
0x201: {  	[sflag:s0] =	ssyncset.done $0x0  }
0x202: {  	s9 =	simm.s32 $0x1100;
	[sflag:s0] =	ssyncadd.s32 $0xFFFFC000  }
0x203: {  	[spmem:s2] =	stream.indirect.scatter.add.f32 [tilespmem:s24], [sflag:$0x4], $0x80, s9, s30, $0xb8;
	[tilespmem:$0x1F000] =	vst v63  }
0x204: {  	_ =	swait.ge [sflag:s3], $0x4000  }
0x205: {  	[sflag:s3] =	ssyncset.done $0x0  }
0x206: {  	s9 =	simm.s32 $0x1180;
	[sflag:s3] =	ssyncadd.s32 $0xFFFFC000  }
0x207: {  	[spmem:s2] =	stream.indirect.scatter.add.f32 [tilespmem:s31], [sflag:$0x5], $0x80, s9, s30, $0xb8;
	[tilespmem:$0x1F000] =	vst v63  }
0x208: {  	_ =	swait.ge [sflag:s10], $0x4000  }
0x209: {  	[sflag:s10] =	ssyncset.done $0x0  }
0x20a: {  	s9 =	simm.s32 $0x600;
	[sflag:s10] =	ssyncadd.s32 $0xFFFFC000  }
0x20b: {  	[tilespmem:s24], [sflag:$0x1] =	stream.indirect.gather [hbm4b:s1+s30], $0x80, s9, s30, $0xb8;
	[tilespmem:$0x1F000] =	vst v63  }
0x20c: {  	_ =	swait.ge [sflag:s12], $0x4000  }
0x20d: {  	[sflag:s12] =	ssyncset.done $0x0  }
0x20e: {  	s9 =	simm.s32 $0x680;
	[sflag:s12] =	ssyncadd.s32 $0xFFFFC000  }
0x20f: {  	[tilespmem:s31], [sflag:$0x2] =	stream.indirect.gather [hbm4b:s1+s30], $0x80, s9, s30, $0xb8;
	[tilespmem:$0x1F000] =	vst v63  }
0x210: {  	_ =	swait.ge [sflag:s0], $0x4000  }
0x211: {  	[sflag:s0] =	ssyncset.done $0x0  }
0x212: {  	s9 =	simm.s32 $0x1200;
	[sflag:s0] =	ssyncadd.s32 $0xFFFFC000  }
0x213: {  	[spmem:s2] =	stream.indirect.scatter.add.f32 [tilespmem:s24], [sflag:$0x4], $0x80, s9, s30, $0xb8;
	[tilespmem:$0x1F000] =	vst v63  }
0x214: {  	_ =	swait.ge [sflag:s3], $0x4000  }
0x215: {  	[sflag:s3] =	ssyncset.done $0x0  }
0x216: {  	s9 =	simm.s32 $0x1280;
	[sflag:s3] =	ssyncadd.s32 $0xFFFFC000  }
0x217: {  	[spmem:s2] =	stream.indirect.scatter.add.f32 [tilespmem:s31], [sflag:$0x5], $0x80, s9, s30, $0xb8;
	[tilespmem:$0x1F000] =	vst v63  }
0x218: {  	_ =	swait.ge [sflag:s10], $0x4000  }
0x219: {  	[sflag:s10] =	ssyncset.done $0x0  }
0x21a: {  	s9 =	simm.s32 $0x700;
	[sflag:s10] =	ssyncadd.s32 $0xFFFFC000  }
0x21b: {  	[tilespmem:s24], [sflag:$0x1] =	stream.indirect.gather [hbm4b:s1+s30], $0x80, s9, s30, $0xb8;
	[tilespmem:$0x1F000] =	vst v63  }
0x21c: {  	_ =	swait.ge [sflag:s12], $0x4000  }
0x21d: {  	[sflag:s12] =	ssyncset.done $0x0  }
0x21e: {  	s9 =	simm.s32 $0x780;
	[sflag:s12] =	ssyncadd.s32 $0xFFFFC000  }
0x21f: {  	[tilespmem:s31], [sflag:$0x2] =	stream.indirect.gather [hbm4b:s1+s30], $0x80, s9, s30, $0xb8;
	[tilespmem:$0x1F000] =	vst v63  }
0x220: {  	_ =	swait.ge [sflag:s0], $0x4000  }
0x221: {  	[sflag:s0] =	ssyncset.done $0x0  }
0x222: {  	s9 =	simm.s32 $0x1300;
	[sflag:s0] =	ssyncadd.s32 $0xFFFFC000  }
0x223: {  	[spmem:s2] =	stream.indirect.scatter.add.f32 [tilespmem:s24], [sflag:$0x4], $0x80, s9, s30, $0xb8;
	[tilespmem:$0x1F000] =	vst v63  }
0x224: {  	_ =	swait.ge [sflag:s3], $0x4000  }
0x225: {  	[sflag:s3] =	ssyncset.done $0x0  }
0x226: {  	s9 =	simm.s32 $0x1380;
	[sflag:s3] =	ssyncadd.s32 $0xFFFFC000  }
0x227: {  	[spmem:s2] =	stream.indirect.scatter.add.f32 [tilespmem:s31], [sflag:$0x5], $0x80, s9, s30, $0xb8;
	[tilespmem:$0x1F000] =	vst v63  }
0x228: {  	_ =	swait.ge [sflag:s10], $0x4000  }
0x229: {  	[sflag:s10] =	ssyncset.done $0x0  }
0x22a: {  	s9 =	simm.s32 $0x800;
	[sflag:s10] =	ssyncadd.s32 $0xFFFFC000  }
0x22b: {  	[tilespmem:s24], [sflag:$0x1] =	stream.indirect.gather [hbm4b:s1+s30], $0x80, s9, s30, $0xb8;
	[tilespmem:$0x1F000] =	vst v63  }
0x22c: {  	_ =	swait.ge [sflag:s12], $0x4000  }
0x22d: {  	[sflag:s12] =	ssyncset.done $0x0  }
0x22e: {  	s9 =	simm.s32 $0x880;
	[sflag:s12] =	ssyncadd.s32 $0xFFFFC000  }
0x22f: {  	[tilespmem:s31], [sflag:$0x2] =	stream.indirect.gather [hbm4b:s1+s30], $0x80, s9, s30, $0xb8;
	[tilespmem:$0x1F000] =	vst v63  }
0x230: {  	_ =	swait.ge [sflag:s0], $0x4000  }
0x231: {  	[sflag:s0] =	ssyncset.done $0x0  }
0x232: {  	s9 =	simm.s32 $0x1400;
	[sflag:s0] =	ssyncadd.s32 $0xFFFFC000  }
0x233: {  	[spmem:s2] =	stream.indirect.scatter.add.f32 [tilespmem:s24], [sflag:$0x4], $0x80, s9, s30, $0xb8;
	[tilespmem:$0x1F000] =	vst v63  }
0x234: {  	_ =	swait.ge [sflag:s3], $0x4000  }
0x235: {  	[sflag:s3] =	ssyncset.done $0x0  }
0x236: {  	s9 =	simm.s32 $0x1480;
	[sflag:s3] =	ssyncadd.s32 $0xFFFFC000  }
0x237: {  	[spmem:s2] =	stream.indirect.scatter.add.f32 [tilespmem:s31], [sflag:$0x5], $0x80, s9, s30, $0xb8;
	[tilespmem:$0x1F000] =	vst v63  }
0x238: {  	_ =	swait.ge [sflag:s10], $0x4000  }
0x239: {  	[sflag:s10] =	ssyncset.done $0x0  }
0x23a: {  	s9 =	simm.s32 $0x900;
	[sflag:s10] =	ssyncadd.s32 $0xFFFFC000  }
0x23b: {  	[tilespmem:s24], [sflag:$0x1] =	stream.indirect.gather [hbm4b:s1+s30], $0x80, s9, s30, $0xb8;
	[tilespmem:$0x1F000] =	vst v63  }
0x23c: {  	_ =	swait.ge [sflag:s12], $0x4000  }
0x23d: {  	[sflag:s12] =	ssyncset.done $0x0  }
0x23e: {  	s9 =	simm.s32 $0x980;
	[sflag:s12] =	ssyncadd.s32 $0xFFFFC000  }
0x23f: {  	[tilespmem:s31], [sflag:$0x2] =	stream.indirect.gather [hbm4b:s1+s30], $0x80, s9, s30, $0xb8;
	[tilespmem:$0x1F000] =	vst v63  }
0x240: {  	_ =	swait.ge [sflag:s0], $0x4000  }
0x241: {  	[sflag:s0] =	ssyncset.done $0x0  }
0x242: {  	s9 =	simm.s32 $0x1500;
	[sflag:s0] =	ssyncadd.s32 $0xFFFFC000  }
0x243: {  	[spmem:s2] =	stream.indirect.scatter.add.f32 [tilespmem:s24], [sflag:$0x4], $0x80, s9, s30, $0xb8;
	[tilespmem:$0x1F000] =	vst v63  }
0x244: {  	_ =	swait.ge [sflag:s3], $0x4000  }
0x245: {  	[sflag:s3] =	ssyncset.done $0x0  }
0x246: {  	s9 =	simm.s32 $0x1580;
	[sflag:s3] =	ssyncadd.s32 $0xFFFFC000  }
0x247: {  	[spmem:s2] =	stream.indirect.scatter.add.f32 [tilespmem:s31], [sflag:$0x5], $0x80, s9, s30, $0xb8;
	[tilespmem:$0x1F000] =	vst v63  }
0x248: {  	_ =	swait.ge [sflag:s10], $0x4000  }
0x249: {  	[sflag:s10] =	ssyncset.done $0x0  }
0x24a: {  	[sflag:s10] =	ssyncadd.s32 $0xFFFFC000  }
0x24b: {  	_ =	swait.ge [sflag:s12], $0x4000  }
0x24c: {  	[sflag:s12] =	ssyncset.done $0x0  }
0x24d: {  	[sflag:s12] =	ssyncadd.s32 $0xFFFFC000  }
0x24e: {  	_ =	swait.ge [sflag:s23], $0xA00  }
0x24f: {  	[sflag:s23] =	ssyncset.done $0x0  }
0x250: {  	[sflag:s23] =	ssyncadd.s32 $0xFFFFF600  }
0x251: {  	_ =	swait.ge [sflag:s23], $0xA00  }
0x252: {  	[sflag:s23] =	ssyncset.done $0x0  }
0x253: {  	[sflag:s23] =	ssyncadd.s32 $0xFFFFF600  }
0x254: {  	[tilespmem:s24], [sflag:$0x1] =	stream.indirect.gather [hbm4b:s1+s30], $0x80, s29, s30, $0xb8;
	[tilespmem:$0x1F000] =	vst v63  }
0x255: {  	_ = 	snop  }
0x256: {  	[tilespmem:s31], [sflag:$0x2] =	stream.indirect.gather [hbm4b:s1+s30], $0x80, s11, s30, $0xb8;
	[tilespmem:$0x1F000] =	vst v63  }
0x257: {  	_ =	swait.ge [sflag:s0], $0x4000  }
0x258: {  	[sflag:s0] =	ssyncset.done $0x0  }
0x259: {  	[sflag:s0] =	ssyncadd.s32 $0xFFFFC000  }
0x25a: {  	[spmem:s2] =	stream.indirect.scatter.add.f32 [tilespmem:s24], [sflag:$0x4], $0x80, s5, s30, $0xb8;
	[tilespmem:$0x1F000] =	vst v63  }
0x25b: {  	_ =	swait.ge [sflag:s3], $0x4000  }
0x25c: {  	[sflag:s3] =	ssyncset.done $0x0  }
0x25d: {  	[sflag:s3] =	ssyncadd.s32 $0xFFFFC000  }
0x25e: {  	[spmem:s2] =	stream.indirect.scatter.add.f32 [tilespmem:s31], [sflag:$0x5], $0x80, s13, s30, $0xb8;
	[tilespmem:$0x1F000] =	vst v63  }
0x25f: {  	_ =	swait.ge [sflag:s10], $0x4000  }
0x260: {  	[sflag:s10] =	ssyncset.done $0x0  }
0x261: {  	[sflag:s10] =	ssyncadd.s32 $0xFFFFC000  }
0x262: {  	[tilespmem:s24], [sflag:$0x1] =	stream.indirect.gather [hbm4b:s1+s30], $0x80, s14, s30, $0xb8;
	[tilespmem:$0x1F000] =	vst v63  }
0x263: {  	_ =	swait.ge [sflag:s12], $0x4000  }
0x264: {  	[sflag:s12] =	ssyncset.done $0x0  }
0x265: {  	[sflag:s12] =	ssyncadd.s32 $0xFFFFC000  }
0x266: {  	[tilespmem:s31], [sflag:$0x2] =	stream.indirect.gather [hbm4b:s1+s30], $0x80, s15, s30, $0xb8;
	[tilespmem:$0x1F000] =	vst v63  }
0x267: {  	_ =	swait.ge [sflag:s0], $0x4000  }
0x268: {  	[sflag:s0] =	ssyncset.done $0x0  }
0x269: {  	[sflag:s0] =	ssyncadd.s32 $0xFFFFC000  }
0x26a: {  	[spmem:s2] =	stream.indirect.scatter.add.f32 [tilespmem:s24], [sflag:$0x4], $0x80, s16, s30, $0xb8;
	[tilespmem:$0x1F000] =	vst v63  }
0x26b: {  	_ =	swait.ge [sflag:s3], $0x4000  }
0x26c: {  	[sflag:s3] =	ssyncset.done $0x0  }
0x26d: {  	[sflag:s3] =	ssyncadd.s32 $0xFFFFC000  }
0x26e: {  	[spmem:s2] =	stream.indirect.scatter.add.f32 [tilespmem:s31], [sflag:$0x5], $0x80, s17, s30, $0xb8;
	[tilespmem:$0x1F000] =	vst v63  }
0x26f: {  	_ =	swait.ge [sflag:s10], $0x4000  }
0x270: {  	[sflag:s10] =	ssyncset.done $0x0  }
0x271: {  	[sflag:s10] =	ssyncadd.s32 $0xFFFFC000  }
0x272: {  	[tilespmem:s24], [sflag:$0x1] =	stream.indirect.gather [hbm4b:s1+s30], $0x80, s18, s30, $0xb8;
	[tilespmem:$0x1F000] =	vst v63  }
0x273: {  	_ =	swait.ge [sflag:s12], $0x4000  }
0x274: {  	[sflag:s12] =	ssyncset.done $0x0  }
0x275: {  	[sflag:s12] =	ssyncadd.s32 $0xFFFFC000  }
0x276: {  	[tilespmem:s31], [sflag:$0x2] =	stream.indirect.gather [hbm4b:s1+s30], $0x80, s20, s30, $0xb8;
	[tilespmem:$0x1F000] =	vst v63  }
0x277: {  	_ =	swait.ge [sflag:s0], $0x4000  }
0x278: {  	[sflag:s0] =	ssyncset.done $0x0  }
0x279: {  	[sflag:s0] =	ssyncadd.s32 $0xFFFFC000  }
0x27a: {  	[spmem:s2] =	stream.indirect.scatter.add.f32 [tilespmem:s24], [sflag:$0x4], $0x80, s21, s30, $0xb8;
	[tilespmem:$0x1F000] =	vst v63  }
0x27b: {  	_ =	swait.ge [sflag:s3], $0x4000  }
0x27c: {  	[sflag:s3] =	ssyncset.done $0x0  }
0x27d: {  	[sflag:s3] =	ssyncadd.s32 $0xFFFFC000  }
0x27e: {  	[spmem:s2] =	stream.indirect.scatter.add.f32 [tilespmem:s31], [sflag:$0x5], $0x80, s22, s30, $0xb8;
	[tilespmem:$0x1F000] =	vst v63  }
0x27f: {  	_ =	swait.ge [sflag:s10], $0x4000  }
0x280: {  	[sflag:s10] =	ssyncset.done $0x0  }
0x281: {  	[sflag:s10] =	ssyncadd.s32 $0xFFFFC000  }
0x282: {  	[tilespmem:s24], [sflag:$0x1] =	stream.indirect.gather [hbm4b:s1+s30], $0x80, s26, s30, $0xb8;
	[tilespmem:$0x1F000] =	vst v63  }
0x283: {  	_ =	swait.ge [sflag:s12], $0x4000  }
0x284: {  	[sflag:s12] =	ssyncset.done $0x0  }
0x285: {  	s20 =	simm.s32 $0x1B80;
	[sflag:s12] =	ssyncadd.s32 $0xFFFFC000  }
0x286: {  	[tilespmem:s31], [sflag:$0x2] =	stream.indirect.gather [hbm4b:s1+s30], $0x80, s20, s30, $0xb8;
	[tilespmem:$0x1F000] =	vst v63  }
0x287: {  	_ =	swait.ge [sflag:s0], $0x4000  }
0x288: {  	[sflag:s0] =	ssyncset.done $0x0  }
0x289: {  	s9 =	simm.s32 $0x2700;
	[sflag:s0] =	ssyncadd.s32 $0xFFFFC000  }
0x28a: {  	[spmem:s2] =	stream.indirect.scatter.add.f32 [tilespmem:s24], [sflag:$0x4], $0x80, s9, s30, $0xb8;
	[tilespmem:$0x1F000] =	vst v63  }
0x28b: {  	_ =	swait.ge [sflag:s3], $0x4000  }
0x28c: {  	[sflag:s3] =	ssyncset.done $0x0  }
0x28d: {  	s20 =	simm.s32 $0x2780;
	[sflag:s3] =	ssyncadd.s32 $0xFFFFC000  }
0x28e: {  	[spmem:s2] =	stream.indirect.scatter.add.f32 [tilespmem:s31], [sflag:$0x5], $0x80, s20, s30, $0xb8;
	[tilespmem:$0x1F000] =	vst v63  }
0x28f: {  	_ =	swait.ge [sflag:s10], $0x4000  }
0x290: {  	[sflag:s10] =	ssyncset.done $0x0  }
0x291: {  	s9 =	simm.s32 $0x1C00;
	[sflag:s10] =	ssyncadd.s32 $0xFFFFC000  }
0x292: {  	[tilespmem:s24], [sflag:$0x1] =	stream.indirect.gather [hbm4b:s1+s30], $0x80, s9, s30, $0xb8;
	[tilespmem:$0x1F000] =	vst v63  }
0x293: {  	_ =	swait.ge [sflag:s12], $0x4000  }
0x294: {  	[sflag:s12] =	ssyncset.done $0x0  }
0x295: {  	s20 =	simm.s32 $0x1C80;
	[sflag:s12] =	ssyncadd.s32 $0xFFFFC000  }
0x296: {  	[tilespmem:s31], [sflag:$0x2] =	stream.indirect.gather [hbm4b:s1+s30], $0x80, s20, s30, $0xb8;
	[tilespmem:$0x1F000] =	vst v63  }
0x297: {  	_ =	swait.ge [sflag:s0], $0x4000  }
0x298: {  	[sflag:s0] =	ssyncset.done $0x0  }
0x299: {  	s9 =	simm.s32 $0x2800;
	[sflag:s0] =	ssyncadd.s32 $0xFFFFC000  }
0x29a: {  	[spmem:s2] =	stream.indirect.scatter.add.f32 [tilespmem:s24], [sflag:$0x4], $0x80, s9, s30, $0xb8;
	[tilespmem:$0x1F000] =	vst v63  }
0x29b: {  	_ =	swait.ge [sflag:s3], $0x4000  }
0x29c: {  	[sflag:s3] =	ssyncset.done $0x0  }
0x29d: {  	s20 =	simm.s32 $0x2880;
	[sflag:s3] =	ssyncadd.s32 $0xFFFFC000  }
0x29e: {  	[spmem:s2] =	stream.indirect.scatter.add.f32 [tilespmem:s31], [sflag:$0x5], $0x80, s20, s30, $0xb8;
	[tilespmem:$0x1F000] =	vst v63  }
0x29f: {  	_ =	swait.ge [sflag:s10], $0x4000  }
0x2a0: {  	[sflag:s10] =	ssyncset.done $0x0  }
0x2a1: {  	s9 =	simm.s32 $0x1D00;
	[sflag:s10] =	ssyncadd.s32 $0xFFFFC000  }
0x2a2: {  	[tilespmem:s24], [sflag:$0x1] =	stream.indirect.gather [hbm4b:s1+s30], $0x80, s9, s30, $0xb8;
	[tilespmem:$0x1F000] =	vst v63  }
0x2a3: {  	_ =	swait.ge [sflag:s12], $0x4000  }
0x2a4: {  	[sflag:s12] =	ssyncset.done $0x0  }
0x2a5: {  	s20 =	simm.s32 $0x1D80;
	[sflag:s12] =	ssyncadd.s32 $0xFFFFC000  }
0x2a6: {  	[tilespmem:s31], [sflag:$0x2] =	stream.indirect.gather [hbm4b:s1+s30], $0x80, s20, s30, $0xb8;
	[tilespmem:$0x1F000] =	vst v63  }
0x2a7: {  	_ =	swait.ge [sflag:s0], $0x4000  }
0x2a8: {  	[sflag:s0] =	ssyncset.done $0x0  }
0x2a9: {  	s9 =	simm.s32 $0x2900;
	[sflag:s0] =	ssyncadd.s32 $0xFFFFC000  }
0x2aa: {  	[spmem:s2] =	stream.indirect.scatter.add.f32 [tilespmem:s24], [sflag:$0x4], $0x80, s9, s30, $0xb8;
	[tilespmem:$0x1F000] =	vst v63  }
0x2ab: {  	_ =	swait.ge [sflag:s3], $0x4000  }
0x2ac: {  	[sflag:s3] =	ssyncset.done $0x0  }
0x2ad: {  	s20 =	simm.s32 $0x2980;
	[sflag:s3] =	ssyncadd.s32 $0xFFFFC000  }
0x2ae: {  	[spmem:s2] =	stream.indirect.scatter.add.f32 [tilespmem:s31], [sflag:$0x5], $0x80, s20, s30, $0xb8;
	[tilespmem:$0x1F000] =	vst v63  }
0x2af: {  	_ =	swait.ge [sflag:s10], $0x4000  }
0x2b0: {  	[sflag:s10] =	ssyncset.done $0x0  }
0x2b1: {  	s9 =	simm.s32 $0x1E00;
	[sflag:s10] =	ssyncadd.s32 $0xFFFFC000  }
0x2b2: {  	[tilespmem:s24], [sflag:$0x1] =	stream.indirect.gather [hbm4b:s1+s30], $0x80, s9, s30, $0xb8;
	[tilespmem:$0x1F000] =	vst v63  }
0x2b3: {  	_ =	swait.ge [sflag:s12], $0x4000  }
0x2b4: {  	[sflag:s12] =	ssyncset.done $0x0  }
0x2b5: {  	s20 =	simm.s32 $0x1E80;
	[sflag:s12] =	ssyncadd.s32 $0xFFFFC000  }
0x2b6: {  	[tilespmem:s31], [sflag:$0x2] =	stream.indirect.gather [hbm4b:s1+s30], $0x80, s20, s30, $0xb8;
	[tilespmem:$0x1F000] =	vst v63  }
0x2b7: {  	_ =	swait.ge [sflag:s0], $0x4000  }
0x2b8: {  	[sflag:s0] =	ssyncset.done $0x0  }
0x2b9: {  	s9 =	simm.s32 $0x2A00;
	[sflag:s0] =	ssyncadd.s32 $0xFFFFC000  }
0x2ba: {  	[spmem:s2] =	stream.indirect.scatter.add.f32 [tilespmem:s24], [sflag:$0x4], $0x80, s9, s30, $0xb8;
	[tilespmem:$0x1F000] =	vst v63  }
0x2bb: {  	_ =	swait.ge [sflag:s3], $0x4000  }
0x2bc: {  	[sflag:s3] =	ssyncset.done $0x0  }
0x2bd: {  	s20 =	simm.s32 $0x2A80;
	[sflag:s3] =	ssyncadd.s32 $0xFFFFC000  }
0x2be: {  	[spmem:s2] =	stream.indirect.scatter.add.f32 [tilespmem:s31], [sflag:$0x5], $0x80, s20, s30, $0xb8;
	[tilespmem:$0x1F000] =	vst v63  }
0x2bf: {  	_ =	swait.ge [sflag:s10], $0x4000  }
0x2c0: {  	[sflag:s10] =	ssyncset.done $0x0  }
0x2c1: {  	s9 =	simm.s32 $0x1F00;
	[sflag:s10] =	ssyncadd.s32 $0xFFFFC000  }
0x2c2: {  	[tilespmem:s24], [sflag:$0x1] =	stream.indirect.gather [hbm4b:s1+s30], $0x80, s9, s30, $0xb8;
	[tilespmem:$0x1F000] =	vst v63  }
0x2c3: {  	_ =	swait.ge [sflag:s12], $0x4000  }
0x2c4: {  	[sflag:s12] =	ssyncset.done $0x0  }
0x2c5: {  	s20 =	simm.s32 $0x1F80;
	[sflag:s12] =	ssyncadd.s32 $0xFFFFC000  }
0x2c6: {  	[tilespmem:s31], [sflag:$0x2] =	stream.indirect.gather [hbm4b:s1+s30], $0x80, s20, s30, $0xb8;
	[tilespmem:$0x1F000] =	vst v63  }
0x2c7: {  	_ =	swait.ge [sflag:s0], $0x4000  }
0x2c8: {  	[sflag:s0] =	ssyncset.done $0x0  }
0x2c9: {  	s9 =	simm.s32 $0x2B00;
	[sflag:s0] =	ssyncadd.s32 $0xFFFFC000  }
0x2ca: {  	[spmem:s2] =	stream.indirect.scatter.add.f32 [tilespmem:s24], [sflag:$0x4], $0x80, s9, s30, $0xb8;
	[tilespmem:$0x1F000] =	vst v63  }
0x2cb: {  	_ =	swait.ge [sflag:s3], $0x4000  }
0x2cc: {  	[sflag:s3] =	ssyncset.done $0x0  }
0x2cd: {  	s20 =	simm.s32 $0x2B80;
	[sflag:s3] =	ssyncadd.s32 $0xFFFFC000  }
0x2ce: {  	[spmem:s2] =	stream.indirect.scatter.add.f32 [tilespmem:s31], [sflag:$0x5], $0x80, s20, s30, $0xb8;
	[tilespmem:$0x1F000] =	vst v63  }
0x2cf: {  	_ =	swait.ge [sflag:s10], $0x4000  }
0x2d0: {  	[sflag:s10] =	ssyncset.done $0x0  }
0x2d1: {  	s9 =	simm.s32 $0x2000;
	[sflag:s10] =	ssyncadd.s32 $0xFFFFC000  }
0x2d2: {  	[tilespmem:s24], [sflag:$0x1] =	stream.indirect.gather [hbm4b:s1+s30], $0x80, s9, s30, $0xb8;
	[tilespmem:$0x1F000] =	vst v63  }
0x2d3: {  	_ =	swait.ge [sflag:s12], $0x4000  }
0x2d4: {  	[sflag:s12] =	ssyncset.done $0x0  }
0x2d5: {  	s20 =	simm.s32 $0x2080;
	[sflag:s12] =	ssyncadd.s32 $0xFFFFC000  }
0x2d6: {  	[tilespmem:s31], [sflag:$0x2] =	stream.indirect.gather [hbm4b:s1+s30], $0x80, s20, s30, $0xb8;
	[tilespmem:$0x1F000] =	vst v63  }
0x2d7: {  	_ =	swait.ge [sflag:s0], $0x4000  }
0x2d8: {  	[sflag:s0] =	ssyncset.done $0x0  }
0x2d9: {  	s9 =	simm.s32 $0x2C00;
	[sflag:s0] =	ssyncadd.s32 $0xFFFFC000  }
0x2da: {  	[spmem:s2] =	stream.indirect.scatter.add.f32 [tilespmem:s24], [sflag:$0x4], $0x80, s9, s30, $0xb8;
	[tilespmem:$0x1F000] =	vst v63  }
0x2db: {  	_ =	swait.ge [sflag:s3], $0x4000  }
0x2dc: {  	[sflag:s3] =	ssyncset.done $0x0  }
0x2dd: {  	s20 =	simm.s32 $0x2C80;
	[sflag:s3] =	ssyncadd.s32 $0xFFFFC000  }
0x2de: {  	[spmem:s2] =	stream.indirect.scatter.add.f32 [tilespmem:s31], [sflag:$0x5], $0x80, s20, s30, $0xb8;
	[tilespmem:$0x1F000] =	vst v63  }
0x2df: {  	_ =	swait.ge [sflag:s10], $0x4000  }
0x2e0: {  	[sflag:s10] =	ssyncset.done $0x0  }
0x2e1: {  	s9 =	simm.s32 $0x2100;
	[sflag:s10] =	ssyncadd.s32 $0xFFFFC000  }
0x2e2: {  	[tilespmem:s24], [sflag:$0x1] =	stream.indirect.gather [hbm4b:s1+s30], $0x80, s9, s30, $0xb8;
	[tilespmem:$0x1F000] =	vst v63  }
0x2e3: {  	_ =	swait.ge [sflag:s12], $0x4000  }
0x2e4: {  	[sflag:s12] =	ssyncset.done $0x0  }
0x2e5: {  	s20 =	simm.s32 $0x2180;
	[sflag:s12] =	ssyncadd.s32 $0xFFFFC000  }
0x2e6: {  	[tilespmem:s31], [sflag:$0x2] =	stream.indirect.gather [hbm4b:s1+s30], $0x80, s20, s30, $0xb8;
	[tilespmem:$0x1F000] =	vst v63  }
0x2e7: {  	_ =	swait.ge [sflag:s0], $0x4000  }
0x2e8: {  	[sflag:s0] =	ssyncset.done $0x0  }
0x2e9: {  	s9 =	simm.s32 $0x2D00;
	[sflag:s0] =	ssyncadd.s32 $0xFFFFC000  }
0x2ea: {  	[spmem:s2] =	stream.indirect.scatter.add.f32 [tilespmem:s24], [sflag:$0x4], $0x80, s9, s30, $0xb8;
	[tilespmem:$0x1F000] =	vst v63  }
0x2eb: {  	_ =	swait.ge [sflag:s3], $0x4000  }
0x2ec: {  	[sflag:s3] =	ssyncset.done $0x0  }
0x2ed: {  	s20 =	simm.s32 $0x2D80;
	[sflag:s3] =	ssyncadd.s32 $0xFFFFC000  }
0x2ee: {  	[spmem:s2] =	stream.indirect.scatter.add.f32 [tilespmem:s31], [sflag:$0x5], $0x80, s20, s30, $0xb8;
	[tilespmem:$0x1F000] =	vst v63  }
0x2ef: {  	_ =	swait.ge [sflag:s10], $0x4000  }
0x2f0: {  	[sflag:s10] =	ssyncset.done $0x0  }
0x2f1: {  	[sflag:s10] =	ssyncadd.s32 $0xFFFFC000  }
0x2f2: {  	_ =	swait.ge [sflag:s12], $0x4000  }
0x2f3: {  	[sflag:s12] =	ssyncset.done $0x0  }
0x2f4: {  	[sflag:s12] =	ssyncadd.s32 $0xFFFFC000  }
0x2f5: {  	[bflag:$0x0] =	sbarrier.arrive $0xFFFF  }
0x2f6: {  	[tilespmem:s24], [sflag:$0x6] =	stream.linear.gather [spmem:s6], $0x4000, $0x38;
	[tilespmem:$0x1F000] =	vst v63  }
0x2f7: {  	_ =	swait.ge [sflag:s25], $0x4000  }
0x2f8: {  	[sflag:s25] =	ssyncset.done $0x0  }
0x2f9: {  	s6 =	rddreg [dreg:$0xc];
	[sflag:s25] =	ssyncadd.s32 $0xFFFFC000  }
0x2fa: {  	[hbm4b:s6+s4] =	stream.linear.scatter [tilespmem:s24], [sflag:$0x1], $0x4000, $0x38;
	[tilespmem:$0x1F000] =	vst v63  }
0x2fb: {  	_ = 	snop  }
0x2fc: {  	[tilespmem:s31], [sflag:$0x6] =	stream.linear.gather [spmem:s7], $0x4000, $0x38;
	[tilespmem:$0x1F000] =	vst v63  }
0x2fd: {  	_ =	swait.ge [sflag:s25], $0x4000  }
0x2fe: {  	[sflag:s25] =	ssyncset.done $0x0  }
0x2ff: {  	s7 =	rddreg [dreg:$0xd];
	[sflag:s25] =	ssyncadd.s32 $0xFFFFC000  }
0x300: {  	[hbm4b:s7+s4] =	stream.linear.scatter [tilespmem:s31], [sflag:$0x2], $0x4000, $0x38;
	[tilespmem:$0x1F000] =	vst v63  }
0x301: {  	_ =	swait.ge [sflag:s0], $0x4000  }
0x302: {  	[sflag:s0] =	ssyncset.done $0x0  }
0x303: {  	[sflag:s0] =	ssyncadd.s32 $0xFFFFC000  }
0x304: {  	[tilespmem:s24], [sflag:$0x6] =	stream.linear.gather [spmem:s8], $0x4000, $0x38;
	[tilespmem:$0x1F000] =	vst v63  }
0x305: {  	_ =	swait.ge [sflag:s25], $0x4000  }
0x306: {  	[sflag:s25] =	ssyncset.done $0x0  }
0x307: {  	s8 =	rddreg [dreg:$0xe];
	[sflag:s25] =	ssyncadd.s32 $0xFFFFC000  }
0x308: {  	[hbm4b:s8+s4] =	stream.linear.scatter [tilespmem:s24], [sflag:$0x1], $0x4000, $0x38;
	[tilespmem:$0x1F000] =	vst v63  }
0x309: {  	_ =	swait.ge [sflag:s3], $0x4000  }
0x30a: {  	[sflag:s3] =	ssyncset.done $0x0  }
0x30b: {  	s20 =	rddreg [dreg:$0x15];
	[sflag:s3] =	ssyncadd.s32 $0xFFFFC000  }
0x30c: {  	[tilespmem:s31], [sflag:$0x6] =	stream.linear.gather [spmem:s20], $0x4000, $0x38;
	[tilespmem:$0x1F000] =	vst v63  }
0x30d: {  	_ =	swait.ge [sflag:s25], $0x4000  }
0x30e: {  	[sflag:s25] =	ssyncset.done $0x0  }
0x30f: {  	s6 =	rddreg [dreg:$0xf];
	[sflag:s25] =	ssyncadd.s32 $0xFFFFC000  }
0x310: {  	[hbm4b:s6+s4] =	stream.linear.scatter [tilespmem:s31], [sflag:$0x2], $0x4000, $0x38;
	[tilespmem:$0x1F000] =	vst v63  }
0x311: {  	_ =	swait.ge [sflag:s0], $0x4000  }
0x312: {  	[sflag:s0] =	ssyncset.done $0x0  }
0x313: {  	s7 =	rddreg [dreg:$0x16];
	[sflag:s0] =	ssyncadd.s32 $0xFFFFC000  }
0x314: {  	[tilespmem:s24], [sflag:$0x6] =	stream.linear.gather [spmem:s7], $0x4000, $0x38;
	[tilespmem:$0x1F000] =	vst v63  }
0x315: {  	_ =	swait.ge [sflag:s25], $0x4000  }
0x316: {  	[sflag:s25] =	ssyncset.done $0x0  }
0x317: {  	s8 =	rddreg [dreg:$0x10];
	[sflag:s25] =	ssyncadd.s32 $0xFFFFC000  }
0x318: {  	[hbm4b:s8+s4] =	stream.linear.scatter [tilespmem:s24], [sflag:$0x1], $0x4000, $0x38;
	[tilespmem:$0x1F000] =	vst v63  }
0x319: {  	_ =	swait.ge [sflag:s0], $0x4000  }
0x31a: {  	[sflag:s0] =	ssyncset.done $0x0  }
0x31b: {  	[sflag:s0] =	ssyncadd.s32 $0xFFFFC000  }
0x31c: {  	_ =	swait.ge [sflag:s3], $0x4000  }
0x31d: {  	s19 =	sadd.s32 $0x1, s19;
	s20 =	rddreg [dreg:$0x11]  }
0x31e: {  	p0 =	sne.s32 s19, s20  }
.Ltmp1:
0x31f: {  	_ = 	snop;
	(pc) =	sbr.rel @p0 .LBB2_1-.Ltmp1, $3  }
0x320: {  	_ =	sdelay $0x1  }
0x321: {  	[sflag:s3] =	ssyncset.done $0x0  }
0x322: {  	[sflag:s3] =	ssyncadd.s32 $0xFFFFC000  }
0x323: {  	_ =	sfence.sel $0x180000  }
0x324: {  	[bflag:$0x0] =	sbarrier.arrive $0xFFFF  }
0x325: {  	_ =	strace $0x9000004A  }
0x326: {  	s0 =	stileid.u32;
	[bflag:$0x2] =	sbarrier.arrive $0xFFFF  }
0x327: {  	p0 =	sne.s32 s0, $0x0;
	s0 =	rddreg [dreg:$0x3]  }
0x328: {  	s0 =	sadd.s32 @!p0 $0x100000, s0  }
0x329: {  	[sflag:s0] =	ssyncadd.tile.s32 @!p0 $0x1;
	_ =	shalt  }
.Lfunc_end2:
_tile_overlayer_lowered:
.L_overlay_start_2:
0x32a: {  	(tag) =	ssettag $0x2  }
0x32b: {  	s0 =	rddreg [dreg:$0x0];
	s2 =	stileid.u32  }
0x32c: {  	s1 =	rddreg [dreg:$0x1];
	p0 =	sne.s32 s2, $0x0  }
0x32d: {  	s3 =	rddreg [dreg:$0x2];
	[bflag:$0x3] =	sbarrier.arrive $0xFFFF;
	s2 =	simm.s32 @!p0 $0x1C06  }
0x32e: {  	[timem:s3], [sflag:s2] =	dma.local @!p0 [hbm:s0], s1  }
0x32f: {  	s0 =	simm.s32 @!p0 $0x6  }
0x330: {  	_ =	swait.ge @!p0 [sflag:s0], s1  }
0x331: {  	s1 =	ssub.s32 @!p0 $0x0, s1;
	[sflag:s0] =	ssyncset.done @!p0 $0x0  }
0x332: {  	[sflag:s0] =	ssyncadd.s32 @!p0 s1  }
0x333: {  	[bflag:$0x3] =	sbarrier.arrive $0xFFFF  }
0x334: {  	_ =	shalt  }

// kernel: kernel.14.cloned.1.call-start
scs
__scs_entry_jumppad:
0x0: {  	(pc) =	sbr.rel $0x88, $3  }
0x1: {  	(tag) =	ssettag $0x0;
	lr =	simm.s32 $0x1  }
0x2: {  	[smem:$0x3F9B] =	sst lr;
	_ =	strace $0xD0000000  }
0x3: {  	_ = 	snop  }
0x4: {  	_ = 	snop  }
0x5: {  	_ = 	snop  }
0x6: {  	_ = 	snop  }
0x7: {  	_ = 	snop  }
__scs_overlays_trampoline_lowered:
0x8: {  	[smem:$0x3FAA] =	sst s0  }
0x9: {  	[smem:$0x3FAB] =	sst s1  }
0xa: {  	[smem:$0x3FAC] =	sst s2  }
0xb: {  	[smem:$0x3FAD] =	sst s3  }
0xc: {  	[smem:$0x3FAE] =	sst s4  }
0xd: {  	[smem:$0x3FAF] =	sst s5  }
0xe: {  	[smem:$0x3FB0] =	sst s6  }
0xf: {  	[smem:$0x3FB1] =	sst s7  }
0x10: {  	[smem:$0x3FB2] =	sst s8  }
0x11: {  	[smem:$0x3FB3] =	sst s9;
	s0 =	simm.s32 @!p0 $0x0  }
0x12: {  	s1 =	sld [smem:$0x3F99];
	s0 =	simm.s32 @p0 $0x1  }
0x13: {  	[smem:$0x3FB4] =	sst s0;
	s0 =	simm.s32 @!p1 $0x0  }
0x14: {  	s2 =	sld [smem:$0x3F98];
	s0 =	simm.s32 @p1 $0x1  }
0x15: {  	[smem:$0x3FB5] =	sst s0;
	s0 =	simm.s32 @!p2 $0x0  }
0x16: {  	s3 =	sld [smem:$0x3FDB];
	s0 =	simm.s32 @p2 $0x1  }
0x17: {  	s4 =	simm.s32 $0x1BF5;
	[smem:$0x3FB7] =	sst s0  }
0x18: {  	s0 =	sld [smem:$0x3F9A];
	_ =	swait.ge [sflag:s4], $0x0  }
0x19: {  	s7 =	sld [smem:$0x3F9B]  }
0x1a: {  	s8 =	sadd.s32 $0xFFFFE003, lr  }
0x1b: {  	s9 =	sadd.s32 $0xFFFFFEF7, lr;
	s5 =	simm.s32 $0xFFFFFFFF;
	p2 =	slt.u32 s8, $0xFFFFF086  }
0x1c: {  	p1 =	slt.u32 s9, $0xF7A;
	s5 =	simm.s32 @!p2 $0x0  }
0x1d: {  	s5 =	simm.s32 @p1 $0x1;
	p0 =	seq.s32 s7, s2  }
0x1e: {  	s7 =	smul.u32 @!p0 $0xF7A, s2;
	p2 =	seq.s32 @!p0 s5, $0x0  }
0x1f: {  	s9 =	smul.u32 $0xF7A, s1;
	s8 =	simm.s32 @!p0 $0x1BF5;
	p2 =	por !p2, p0  }
0x20: {  	[sflag:s8] =	ssyncset.s32 @!p0 $0xFFFFF086;
	s6 =	sadd.s32 @!p0 s3, s7;
	s7 =	simm.s32 @!p0 $0x108  }
0x21: {  	s3 =	sadd.s32 s3, s9;
	s6 =	sadd.s32 @!p0 $0x88, s6;
	s7 =	simm.s32 @p2 $0x1082  }
0x22: {  	[simem:s7], [sflag:s8] =	dma.local @!p0 [hbm:s6], $0xF7A  }
0x23: {  	s9 =	sor.u32 $0xD0000000, s2;
	s6 =	simm.s32 $0x108;
	_ =	swait.ge @!p0 [sflag:s8], $0x0  }
0x24: {  	s3 =	sadd.s32 $0x88, s3;
	s6 =	simm.s32 @!p1 $0x1082;
	[sflag:s4] =	ssyncset.s32 $0xFFFFF086  }
0x25: {  	[simem:s6], [sflag:s4] =	dma.local [hbm:s3], $0xF7A  }
0x26: {  	[smem:$0x3F9B] =	sst s1;
	(tag) =	ssettag s2;
	_ =	strace s9  }
0x27: {  	s1 =	sld [smem:$0x3FAB]  }
0x28: {  	s2 =	sld [smem:$0x3FAC]  }
0x29: {  	s4 =	sld [smem:$0x3FAE]  }
0x2a: {  	p0 =	seq.s32 s5, $0x0;
	s5 =	sld [smem:$0x3FAF]  }
0x2b: {  	s6 =	sld [smem:$0x3FB0]  }
0x2c: {  	s7 =	sld [smem:$0x3FB1]  }
0x2d: {  	s3 =	simm.s32 $0x108;
	s8 =	sld [smem:$0x3FB2]  }
0x2e: {  	s3 =	simm.s32 @!p0 $0x1082;
	s9 =	sld [smem:$0x3FB3]  }
0x2f: {  	lr =	sadd.s32 s0, s3;
	s0 =	sld [smem:$0x3FAA]  }
0x30: {  	s3 =	sld [smem:$0x3FAD]  }
0x31: {  	[smem:$0x3FB6] =	sst s10  }
0x32: {  	s10 =	sld [smem:$0x3FB4];
	_ =	sdelay $0x3  }
0x33: {  	p0 =	seq.s32 s10, $0x1;
	s10 =	sld [smem:$0x3FB6];
	_ =	sdelay $0x3  }
0x34: {  	[smem:$0x3FB6] =	sst s10  }
0x35: {  	s10 =	sld [smem:$0x3FB5];
	_ =	sdelay $0x3  }
0x36: {  	p1 =	seq.s32 s10, $0x1;
	s10 =	sld [smem:$0x3FB6];
	_ =	sdelay $0x3  }
0x37: {  	[smem:$0x3FB6] =	sst s10  }
0x38: {  	s10 =	sld [smem:$0x3FB7]  }
0x39: {  	_ = 	snop;
	(pc) =	sbr.ind lr, $3  }
0x3a: {  	_ = 	snop  }
0x3b: {  	_ = 	snop  }
0x3c: {  	p2 =	seq.s32 s10, $0x1;
	s10 =	sld [smem:$0x3FB6]  }
0x3d: {  	_ =	shalt  }
0x3e: {  	_ =	shalt  }
0x3f: {  	_ =	shalt  }
0x40: {  	_ =	shalt  }
0x41: {  	_ =	shalt  }
0x42: {  	_ =	shalt  }
0x43: {  	_ =	shalt  }
0x44: {  	_ =	shalt  }
0x45: {  	_ =	shalt  }
0x46: {  	_ =	shalt  }
0x47: {  	_ =	shalt  }
0x48: {  	_ =	shalt  }
0x49: {  	_ =	shalt  }
0x4a: {  	_ =	shalt  }
0x4b: {  	_ =	shalt  }
0x4c: {  	_ =	shalt  }
0x4d: {  	_ =	shalt  }
0x4e: {  	_ =	shalt  }
0x4f: {  	_ =	shalt  }
0x50: {  	_ =	shalt  }
0x51: {  	_ =	shalt  }
0x52: {  	_ =	shalt  }
0x53: {  	_ =	shalt  }
0x54: {  	_ =	shalt  }
0x55: {  	_ =	shalt  }
0x56: {  	_ =	shalt  }
0x57: {  	_ =	shalt  }
0x58: {  	_ =	shalt  }
0x59: {  	_ =	shalt  }
0x5a: {  	_ =	shalt  }
0x5b: {  	_ =	shalt  }
0x5c: {  	_ =	shalt  }
0x5d: {  	_ =	shalt  }
0x5e: {  	_ =	shalt  }
0x5f: {  	_ =	shalt  }
0x60: {  	_ =	shalt  }
0x61: {  	_ =	shalt  }
0x62: {  	_ =	shalt  }
0x63: {  	_ =	shalt  }
0x64: {  	_ =	shalt  }
0x65: {  	_ =	shalt  }
0x66: {  	_ =	shalt  }
0x67: {  	_ =	shalt  }
0x68: {  	_ =	shalt  }
0x69: {  	_ =	shalt  }
0x6a: {  	_ =	shalt  }
0x6b: {  	_ =	shalt  }
0x6c: {  	_ =	shalt  }
0x6d: {  	_ =	shalt  }
0x6e: {  	_ =	shalt  }
0x6f: {  	_ =	shalt  }
0x70: {  	_ =	shalt  }
0x71: {  	_ =	shalt  }
0x72: {  	_ =	shalt  }
0x73: {  	_ =	shalt  }
0x74: {  	_ =	shalt  }
0x75: {  	_ =	shalt  }
0x76: {  	_ =	shalt  }
0x77: {  	_ =	shalt  }
0x78: {  	_ =	shalt  }
0x79: {  	_ =	shalt  }
0x7a: {  	_ =	shalt  }
0x7b: {  	_ =	shalt  }
0x7c: {  	_ =	shalt  }
0x7d: {  	_ =	shalt  }
0x7e: {  	_ =	shalt  }
0x7f: {  	_ =	shalt  }
0x80: {  	_ =	shalt  }
0x81: {  	_ =	shalt  }
0x82: {  	_ =	shalt  }
0x83: {  	_ =	shalt  }
0x84: {  	_ =	shalt  }
0x85: {  	_ =	shalt  }
0x86: {  	_ =	shalt  }
0x87: {  	_ =	shalt  }
.Lfunc_end0:
.L_simem_size_0:
called_computation.2_lowered:
.L_overlay_start_0:
0x88: {  	s2 =	sld [smem:$0x3FD9]  }
0x89: {  	s3 =	sld [smem:$0x3FFE];
	_ =	sdelay $0x1  }
0x8a: {  	s1 =	srdreg.scid  }
0x8b: {  	s0 =	sand.u32 $0x1, s1  }
0x8c: {  	s17 =	sshll.u32 s0, $0xA;
	s2 =	sadd.s32 s3, s2  }
0x8d: {  	s2 =	sadd.s32 s2, s17  }
0x8e: {  	[smem:$0x3FC2] =	sst s2  }
0x8f: {  	_ = 	snop  }
0x90: {  	s2 =	sld [smem:$0x3FD0];
	(tm) =	ssettm $0x1  }
0x91: {  	s18 =	sld [smem:$0x3FFB];
	_ =	sdelay $0x3  }
0x92: {  	_ =	strace s18  }
0x93: {  	s3 =	sld [smem:$0x3FFC];
	_ =	sdelay $0x3  }
0x94: {  	_ =	strace s3  }
0x95: {  	s3 =	sld [smem:$0x3FFD];
	_ =	sdelay $0x3  }
0x96: {  	_ =	strace s3  }
0x97: {  	_ =	strace $0x8FFFFFFF  }
0x98: {  	s19 =	sld [smem:$0x3FDB];
	_ =	sdelay $0x1  }
0x99: {  	s4 =	simm.s32 $_scs_section_size  }
0x9a: {  	s5 =	simm.s32 $_size__tile_overlayer_lowered;
	s6 =	simm.s32 $_tile_overlayer_lowered  }
0x9b: {  	s22 =	simm.s32 $0x1BFF;
	s21 =	sshll.u32 s6, $0x1;
	s3 =	sadd.s32 s4, s19  }
0x9c: {  	s7 =	simm.s32 $0x0;
	s20 =	sshll.u32 s5, $0x1;
	s5 =	sadd.s32 s21, s3  }
0x9d: {  	[timem:s7], [sflag:s22] =	dma.local [hbm:s5], s20  }
0x9e: {  	_ =	swait.ge [sflag:s22], s20  }
0x9f: {  	s4 =	ssub.s32 $0x0, s20;
	[sflag:s22] =	ssyncset.done $0x0  }
0xa0: {  	[sflag:s22] =	ssyncadd.s32 s4;
	_ =	sdelay $0x1  }
0xa1: {  	s23 =	simm.s32 $0x1B8B  }
0xa2: {  	_ =	swait.ge [sflag:s23], $0x1  }
0xa3: {  	[sflag:s23] =	ssyncset.done $0x0  }
0xa4: {  	s25 =	simm.s32 $0x1B8E;
	s24 =	sld [smem:$0x3FFE];
	[sflag:s23] =	ssyncadd.s32 $0xFFFFFFFF  }
0xa5: {  	s26 =	simm.s32 $execute0_lowered;
	[smem:$0x3FD2] =	sst s25  }
0xa6: {  	s5 =	sshll.u32 s26, $0x1;
	_ =	strace $0x8000004C;
	[dreg:$0x1] =	wrdreg $0xFFFFFFFF  }
0xa7: {  	s28 =	simm.s32 $_size_execute0_lowered;
	s3 =	sadd.s32 s3, s5;
	[dreg:$0x0] =	wrdreg $0x0  }
0xa8: {  	s5 =	sshll.u32 s28, $0x1;
	[dreg:$0x2] =	wrdreg s3  }
0xa9: {  	[dreg:$0x3] =	wrdreg s5  }
0xaa: {  	[dreg:$0x4] =	wrdreg $0xC0  }
0xab: {  	_ =	task [dreg:s7], $0x5FFFF  }
0xac: {  	[dreg:$0x1] =	wrdreg $0xFFFFFFFF  }
0xad: {  	[dreg:$0x0] =	wrdreg $0x60  }
0xae: {  	[dreg:$0x2] =	wrdreg s2  }
0xaf: {  	[dreg:$0x3] =	wrdreg s24  }
0xb0: {  	[dreg:$0x4] =	wrdreg $0xB0000  }
0xb1: {  	[dreg:$0x5] =	wrdreg $0x9  }
0xb2: {  	_ =	task.clear_ibuf [dreg:s7], $0x6FFFF;
	_ =	strace $0x9000004C  }
0xb3: {  	s29 =	simm.s32 $0x9;
	_ =	strace $0x8000004E  }
0xb4: {  	_ =	swait.ge [sflag:s29], $0x1  }
0xb5: {  	[sflag:s29] =	ssyncadd.s32 $0xFFFFFFFF  }
0xb6: {  	_ =	strace $0x9000004E  }
0xb7: {  	_ =	sfence  }
0xb8: {  	s30 =	sld [smem:$0x0];
	_ =	sdelay $0x2  }
0xb9: {  	s31 =	sshll.u32 s1, $0xD;
	s1 =	sshrl.u32 s1, $0x2  }
0xba: {  	s3 =	sand.u32 $0x4000, s31;
	s1 =	sadd.s32 s1, s30  }
0xbb: {  	s0 =	sor.u32 s3, s0;
	s1 =	sshll.u32 s1, $0x11  }
0xbc: {  	s0 =	sor.u32 s1, s0  }
0xbd: {  	s0 =	sadd.s32 $0x8F2B, s0  }
0xbe: {  	[sflag:s0] =	ssyncadd.remote.s32 $0x1  }
0xbf: {  	_ =	sfence.sel $0xFFFF  }
0xc0: {  	[dreg:$0x0] =	wrdreg $0xFFFFFFFF;
	(pc) =	sbr.abs _section_cstart, $3  }
0xc1: {  	[dreg:$0x1] =	wrdreg $0xFFFFFFFF  }
0xc2: {  	_ =	task.clear_ibuf [dreg:s7], $0x2FFFF;
	_ =	strace $0x9FFFFFFF  }
0xc3: {  	(tm) =	ssettm $0x7FFFFFFF  }
tec
execute0_lowered:
.L_overlay_start_1:
0x0: {  	(tag) =	ssettag $0x1  }
0x1: {  	s1 =	rddreg [dreg:$0x0]  }
0x2: {  	s0 =	rddreg [dreg:$0x1]  }
0x3: {  	s2 =	rddreg [dreg:$0x2];
	s4 =	simm.s32 $0x0  }
0x4: {  	s3 =	srdreg.scid;
	s11 =	stileid.u32;
	s30 =	simm.s32 $0x80  }
0x5: {  	s31 =	simm.s32 $0x7000;
	s28 =	simm.s32 $0xC00;
	s29 =	simm.s32 $0x1800  }
0x6: {  	[smem:$0x7FF] =	sst s4;
	s3 =	sand.u32 $0x1, s3;
	s9 =	sadd.s32 $0xE800, s0  }
0x7: {  	s6 =	smul.u32 $0x50000, s11;
	s10 =	sadd.s32 $0x2800, s0;
	s0 =	sadd.s32 $0x1A800, s0  }
0x8: {  	s8 =	sshll.u32 s11, $0x1;
	s11 =	smul.u32 $0x14000, s11;
	_ =	strace $0x8000004D  }
0x9: {  	s5 =	ssub.s32 $0x2, s3;
	s21 =	sor.u32 s3, s8;
	s3 =	smul.u32 $0x140000, s3  }
0xa: {  	s7 =	sshrl.u32 s5, $0x1;
	s6 =	sshrl.u32 s6, $0x2;
	s13 =	sadd.s32 $0x4000, s11  }
0xb: {  	s14 =	sadd.s32 $0x8000, s11;
	s15 =	smul.u32 $0x3000, s21;
	s22 =	sadd.s32 s6, s2  }
0xc: {  	s16 =	sadd.s32 $0xC000, s11;
	s23 =	sadd.s32 s13, s2;
	[dreg:$0x12] =	wrdreg s22  }
0xd: {  	s18 =	sadd.s32 $0x10000, s11;
	s24 =	sadd.s32 s14, s2;
	[dreg:$0x13] =	wrdreg s23  }
0xe: {  	s12 =	ssub.s32 s5, s7;
	s25 =	sadd.s32 s16, s2;
	[dreg:$0x14] =	wrdreg s24  }
0xf: {  	s20 =	sadd.s32 s3, s13;
	s21 =	sadd.s32 s18, s2;
	[dreg:$0x15] =	wrdreg s25  }
0x10: {  	s13 =	simm.s32 $0x2480;
	s15 =	sshrl.u32 s15, $0x3;
	[dreg:$0x16] =	wrdreg s21  }
0x11: {  	s22 =	sshrl.u32 s20, $0x3;
	s23 =	sadd.s32 s3, s14;
	s24 =	sadd.s32 s3, s16  }
0x12: {  	s14 =	simm.s32 $0x1900;
	s16 =	simm.s32 $0x2500;
	s17 =	sadd.s32 s9, s15  }
0x13: {  	s26 =	sadd.s32 s10, s15;
	s5 =	sor.u32 $0x180, s15;
	[dreg:$0x4] =	wrdreg s17  }
0x14: {  	s21 =	simm.s32 $0x2600;
	[dreg:$0x5] =	wrdreg s26;
	s19 =	sadd.s32 s9, s5  }
0x15: {  	s6 =	sadd.s32 $0x300, s15;
	s17 =	sadd.s32 s10, s5;
	[dreg:$0x6] =	wrdreg s19  }
0x16: {  	s15 =	sadd.s32 $0x480, s15;
	s7 =	sadd.s32 s9, s6;
	[dreg:$0x7] =	wrdreg s17  }
0x17: {  	s8 =	sadd.s32 s10, s6;
	s9 =	sadd.s32 s9, s15;
	[dreg:$0x8] =	wrdreg s7  }
0x18: {  	s10 =	sadd.s32 s10, s15;
	s26 =	smax.u32 s12, $0x1;
	[dreg:$0x9] =	wrdreg s8  }
0x19: {  	s12 =	simm.s32 $0x5;
	s15 =	simm.s32 $0x1980;
	[dreg:$0xa] =	wrdreg s9  }
0x1a: {  	s19 =	sadd.s32 s11, s3;
	[dreg:$0xb] =	wrdreg s10;
	s10 =	sshrl.u32 s24, $0x3  }
0x1b: {  	s3 =	sadd.s32 s3, s18;
	[dreg:$0x11] =	wrdreg s26;
	s24 =	simm.s32 $0x3000  }
0x1c: {  	s11 =	simm.s32 $0x1880;
	s17 =	simm.s32 $0x2580;
	s18 =	simm.s32 $0x1A00  }
0x1d: {  	s26 =	simm.s32 $0x1B00;
	s9 =	sshrl.u32 s19, $0x3;
	s25 =	sadd.s32 s0, s10  }
0x1e: {  	s3 =	sshrl.u32 s3, $0x3;
	s9 =	sadd.s32 s0, s9;
	[dreg:$0xf] =	wrdreg s25  }
0x1f: {  	s10 =	simm.s32 $0x4;
	[dreg:$0xc] =	wrdreg s9;
	s9 =	sadd.s32 s0, s22  }
0x20: {  	s19 =	simm.s32 $0x0;
	[dreg:$0xd] =	wrdreg s9;
	s9 =	sshrl.u32 s23, $0x3  }
0x21: {  	s25 =	simm.s32 $0x6;
	s22 =	simm.s32 $0x2680;
	s9 =	sadd.s32 s0, s9  }
0x22: {  	s23 =	simm.s32 $0x3;
	s0 =	sadd.s32 s0, s3;
	[dreg:$0xe] =	wrdreg s9  }
0x23: {  	v0 =	vimm.f32 $0.0e+00;
	s3 =	simm.s32 $0x2;
	[dreg:$0x10] =	wrdreg s0;
	s0 =	simm.s32 $0x1  }
.LBB2_1:
0x24: {  	s20 =	simm.s32 $0x0;
	s9 =	simm.s32 $0x200  }
.LBB2_2:
0x25: {  	p0 =	sne.s32 s9, $0xFE00;
	[tilespmem:s20+$0x3070] =	vst v0  }
0x26: {  	[tilespmem:s20+$0x3000] =	vst v0  }
0x27: {  	[tilespmem:s20+$0x3010] =	vst v0  }
.Ltmp0:
0x28: {  	[tilespmem:s20+$0x3020] =	vst v0;
	(pc) =	sbr.rel @p0 .LBB2_2-.Ltmp0, $4  }
0x29: {  	[tilespmem:s20+$0x3030] =	vst v0  }
0x2a: {  	[tilespmem:s20+$0x3040] =	vst v0  }
0x2b: {  	[tilespmem:s20+$0x3050] =	vst v0  }
0x2c: {  	[tilespmem:s20+$0x3060] =	vst v0;
	s20 =	sshra.s32 s9, $0x2;
	s9 =	sadd.s32 $0x200, s9  }
0x2d: {  	[tilespmem:s20+$0x3070] =	vst v0  }
0x2e: {  	[tilespmem:s20+$0x3000] =	vst v0  }
0x2f: {  	[tilespmem:s20+$0x3010] =	vst v0  }
0x30: {  	[tilespmem:s20+$0x3020] =	vst v0  }
0x31: {  	[tilespmem:s20+$0x3030] =	vst v0  }
0x32: {  	[tilespmem:s20+$0x3040] =	vst v0  }
0x33: {  	[tilespmem:s20+$0x3050] =	vst v0  }
0x34: {  	[tilespmem:s20+$0x3060] =	vst v0;
	s6 =	rddreg [dreg:$0x12]  }
0x35: {  	[spmem:s6] =	stream.linear.scatter [tilespmem:s24], [sflag:$0x6], $0x4000, $0x38;
	[tilespmem:$0x1F000] =	vst v63  }
0x36: {  	_ =	swait.ge [sflag:s25], $0x4000  }
0x37: {  	[sflag:s25] =	ssyncset.done $0x0  }
0x38: {  	s7 =	rddreg [dreg:$0x13];
	[sflag:s25] =	ssyncadd.s32 $0xFFFFC000  }
0x39: {  	[spmem:s7] =	stream.linear.scatter [tilespmem:s24], [sflag:$0x6], $0x4000, $0x38;
	[tilespmem:$0x1F000] =	vst v63  }
0x3a: {  	_ =	swait.ge [sflag:s25], $0x4000  }
0x3b: {  	[sflag:s25] =	ssyncset.done $0x0  }
0x3c: {  	s8 =	rddreg [dreg:$0x14];
	[sflag:s25] =	ssyncadd.s32 $0xFFFFC000  }
0x3d: {  	[spmem:s8] =	stream.linear.scatter [tilespmem:s24], [sflag:$0x6], $0x4000, $0x38;
	[tilespmem:$0x1F000] =	vst v63  }
0x3e: {  	_ =	swait.ge [sflag:s25], $0x4000  }
0x3f: {  	[sflag:s25] =	ssyncset.done $0x0  }
0x40: {  	s5 =	rddreg [dreg:$0x15];
	[sflag:s25] =	ssyncadd.s32 $0xFFFFC000  }
0x41: {  	[spmem:s5] =	stream.linear.scatter [tilespmem:s24], [sflag:$0x6], $0x4000, $0x38;
	[tilespmem:$0x1F000] =	vst v63  }
0x42: {  	_ =	swait.ge [sflag:s25], $0x4000  }
0x43: {  	[sflag:s25] =	ssyncset.done $0x0  }
0x44: {  	s9 =	rddreg [dreg:$0x16];
	[sflag:s25] =	ssyncadd.s32 $0xFFFFC000  }
0x45: {  	[spmem:s9] =	stream.linear.scatter [tilespmem:s24], [sflag:$0x6], $0x4000, $0x38;
	[tilespmem:$0x1F000] =	vst v63  }
0x46: {  	_ =	swait.ge [sflag:s25], $0x4000  }
0x47: {  	[sflag:s25] =	ssyncset.done $0x0  }
0x48: {  	[sflag:s25] =	ssyncadd.s32 $0xFFFFC000  }
0x49: {  	[bflag:$0x0] =	sbarrier.arrive $0xFFFF  }
0x4a: {  	s9 =	rddreg [dreg:$0x4]  }
0x4b: {  	[tilespmem:s4], [sflag:$0x6] =	stream.linear.gather [hbm4b:s9+s4], $0xA00, $0x38;
	[tilespmem:$0x1F000] =	vst v63  }
0x4c: {  	_ =	swait.ge [sflag:s25], $0xA00  }
0x4d: {  	[sflag:s25] =	ssyncset.done $0x0  }
0x4e: {  	s20 =	rddreg [dreg:$0x5];
	[sflag:s25] =	ssyncadd.s32 $0xFFFFF600  }
0x4f: {  	[tilespmem:s28], [sflag:$0x6] =	stream.linear.gather [hbm4b:s20+s4], $0xA00, $0x38;
	[tilespmem:$0x1F000] =	vst v63  }
0x50: {  	_ =	swait.ge [sflag:s25], $0xA00  }
0x51: {  	[sflag:s25] =	ssyncset.done $0x0  }
0x52: {  	s5 =	rddreg [dreg:$0x6];
	[sflag:s25] =	ssyncadd.s32 $0xFFFFF600  }
0x53: {  	[tilespmem:s29], [sflag:$0x3] =	stream.linear.gather [hbm4b:s5+s4], $0xA00, $0x38;
	[tilespmem:$0x1F000] =	vst v63  }
0x54: {  	s20 =	rddreg [dreg:$0x7];
	s5 =	simm.s32 $0x2400  }
0x55: {  	[tilespmem:s5], [sflag:$0x3] =	stream.linear.gather [hbm4b:s20+s4], $0xA00, $0x38;
	[tilespmem:$0x1F000] =	vst v63  }
0x56: {  	_ = 	snop  }
0x57: {  	[tilespmem:s24], [sflag:$0x1] =	stream.indirect.gather [hbm4b:s1+s30], $0x80, s4, s30, $0xb8;
	[tilespmem:$0x1F000] =	vst v63  }
0x58: {  	_ = 	snop  }
0x59: {  	[tilespmem:s31], [sflag:$0x2] =	stream.indirect.gather [hbm4b:s1+s30], $0x80, s30, s30, $0xb8;
	[tilespmem:$0x1F000] =	vst v63  }
0x5a: {  	_ =	swait.ge [sflag:s0], $0x4000  }
0x5b: {  	[sflag:s0] =	ssyncset.done $0x0  }
0x5c: {  	[sflag:s0] =	ssyncadd.s32 $0xFFFFC000  }
0x5d: {  	[spmem:s2] =	stream.indirect.scatter.add.f32 [tilespmem:s24], [sflag:$0x4], $0x80, s28, s30, $0xb8;
	[tilespmem:$0x1F000] =	vst v63  }
0x5e: {  	_ =	swait.ge [sflag:s3], $0x4000  }
0x5f: {  	[sflag:s3] =	ssyncset.done $0x0  }
0x60: {  	s20 =	simm.s32 $0xC80;
	[sflag:s3] =	ssyncadd.s32 $0xFFFFC000  }
0x61: {  	[spmem:s2] =	stream.indirect.scatter.add.f32 [tilespmem:s31], [sflag:$0x5], $0x80, s20, s30, $0xb8;
	[tilespmem:$0x1F000] =	vst v63  }
0x62: {  	_ =	swait.ge [sflag:s10], $0x4000  }
0x63: {  	[sflag:s10] =	ssyncset.done $0x0  }
0x64: {  	s20 =	simm.s32 $0x100;
	[sflag:s10] =	ssyncadd.s32 $0xFFFFC000  }
0x65: {  	[tilespmem:s24], [sflag:$0x1] =	stream.indirect.gather [hbm4b:s1+s30], $0x80, s20, s30, $0xb8;
	[tilespmem:$0x1F000] =	vst v63  }
0x66: {  	_ =	swait.ge [sflag:s12], $0x4000  }
0x67: {  	[sflag:s12] =	ssyncset.done $0x0  }
0x68: {  	s20 =	simm.s32 $0x180;
	[sflag:s12] =	ssyncadd.s32 $0xFFFFC000  }
0x69: {  	[tilespmem:s31], [sflag:$0x2] =	stream.indirect.gather [hbm4b:s1+s30], $0x80, s20, s30, $0xb8;
	[tilespmem:$0x1F000] =	vst v63  }
0x6a: {  	_ =	swait.ge [sflag:s0], $0x4000  }
0x6b: {  	[sflag:s0] =	ssyncset.done $0x0  }
0x6c: {  	s20 =	simm.s32 $0xD00;
	[sflag:s0] =	ssyncadd.s32 $0xFFFFC000  }
0x6d: {  	[spmem:s2] =	stream.indirect.scatter.add.f32 [tilespmem:s24], [sflag:$0x4], $0x80, s20, s30, $0xb8;
	[tilespmem:$0x1F000] =	vst v63  }
0x6e: {  	_ =	swait.ge [sflag:s3], $0x4000  }
0x6f: {  	[sflag:s3] =	ssyncset.done $0x0  }
0x70: {  	s20 =	simm.s32 $0xD80;
	[sflag:s3] =	ssyncadd.s32 $0xFFFFC000  }
0x71: {  	[spmem:s2] =	stream.indirect.scatter.add.f32 [tilespmem:s31], [sflag:$0x5], $0x80, s20, s30, $0xb8;
	[tilespmem:$0x1F000] =	vst v63  }
0x72: {  	_ =	swait.ge [sflag:s10], $0x4000  }
0x73: {  	[sflag:s10] =	ssyncset.done $0x0  }
0x74: {  	s20 =	simm.s32 $0x200;
	[sflag:s10] =	ssyncadd.s32 $0xFFFFC000  }
0x75: {  	[tilespmem:s24], [sflag:$0x1] =	stream.indirect.gather [hbm4b:s1+s30], $0x80, s20, s30, $0xb8;
	[tilespmem:$0x1F000] =	vst v63  }
0x76: {  	_ =	swait.ge [sflag:s12], $0x4000  }
0x77: {  	[sflag:s12] =	ssyncset.done $0x0  }
0x78: {  	s20 =	simm.s32 $0x280;
	[sflag:s12] =	ssyncadd.s32 $0xFFFFC000  }
0x79: {  	[tilespmem:s31], [sflag:$0x2] =	stream.indirect.gather [hbm4b:s1+s30], $0x80, s20, s30, $0xb8;
	[tilespmem:$0x1F000] =	vst v63  }
0x7a: {  	_ =	swait.ge [sflag:s0], $0x4000  }
0x7b: {  	[sflag:s0] =	ssyncset.done $0x0  }
0x7c: {  	s20 =	simm.s32 $0xE00;
	[sflag:s0] =	ssyncadd.s32 $0xFFFFC000  }
0x7d: {  	[spmem:s2] =	stream.indirect.scatter.add.f32 [tilespmem:s24], [sflag:$0x4], $0x80, s20, s30, $0xb8;
	[tilespmem:$0x1F000] =	vst v63  }
0x7e: {  	_ =	swait.ge [sflag:s3], $0x4000  }
0x7f: {  	[sflag:s3] =	ssyncset.done $0x0  }
0x80: {  	s20 =	simm.s32 $0xE80;
	[sflag:s3] =	ssyncadd.s32 $0xFFFFC000  }
0x81: {  	[spmem:s2] =	stream.indirect.scatter.add.f32 [tilespmem:s31], [sflag:$0x5], $0x80, s20, s30, $0xb8;
	[tilespmem:$0x1F000] =	vst v63  }
0x82: {  	_ =	swait.ge [sflag:s10], $0x4000  }
0x83: {  	[sflag:s10] =	ssyncset.done $0x0  }
0x84: {  	s20 =	simm.s32 $0x300;
	[sflag:s10] =	ssyncadd.s32 $0xFFFFC000  }
0x85: {  	[tilespmem:s24], [sflag:$0x1] =	stream.indirect.gather [hbm4b:s1+s30], $0x80, s20, s30, $0xb8;
	[tilespmem:$0x1F000] =	vst v63  }
0x86: {  	_ =	swait.ge [sflag:s12], $0x4000  }
0x87: {  	[sflag:s12] =	ssyncset.done $0x0  }
0x88: {  	s20 =	simm.s32 $0x380;
	[sflag:s12] =	ssyncadd.s32 $0xFFFFC000  }
0x89: {  	[tilespmem:s31], [sflag:$0x2] =	stream.indirect.gather [hbm4b:s1+s30], $0x80, s20, s30, $0xb8;
	[tilespmem:$0x1F000] =	vst v63  }
0x8a: {  	_ =	swait.ge [sflag:s0], $0x4000  }
0x8b: {  	[sflag:s0] =	ssyncset.done $0x0  }
0x8c: {  	s20 =	simm.s32 $0xF00;
	[sflag:s0] =	ssyncadd.s32 $0xFFFFC000  }
0x8d: {  	[spmem:s2] =	stream.indirect.scatter.add.f32 [tilespmem:s24], [sflag:$0x4], $0x80, s20, s30, $0xb8;
	[tilespmem:$0x1F000] =	vst v63  }
0x8e: {  	_ =	swait.ge [sflag:s3], $0x4000  }
0x8f: {  	[sflag:s3] =	ssyncset.done $0x0  }
0x90: {  	s20 =	simm.s32 $0xF80;
	[sflag:s3] =	ssyncadd.s32 $0xFFFFC000  }
0x91: {  	[spmem:s2] =	stream.indirect.scatter.add.f32 [tilespmem:s31], [sflag:$0x5], $0x80, s20, s30, $0xb8;
	[tilespmem:$0x1F000] =	vst v63  }
0x92: {  	_ =	swait.ge [sflag:s10], $0x4000  }
0x93: {  	[sflag:s10] =	ssyncset.done $0x0  }
0x94: {  	s20 =	simm.s32 $0x400;
	[sflag:s10] =	ssyncadd.s32 $0xFFFFC000  }
0x95: {  	[tilespmem:s24], [sflag:$0x1] =	stream.indirect.gather [hbm4b:s1+s30], $0x80, s20, s30, $0xb8;
	[tilespmem:$0x1F000] =	vst v63  }
0x96: {  	_ =	swait.ge [sflag:s12], $0x4000  }
0x97: {  	[sflag:s12] =	ssyncset.done $0x0  }
0x98: {  	s20 =	simm.s32 $0x480;
	[sflag:s12] =	ssyncadd.s32 $0xFFFFC000  }
0x99: {  	[tilespmem:s31], [sflag:$0x2] =	stream.indirect.gather [hbm4b:s1+s30], $0x80, s20, s30, $0xb8;
	[tilespmem:$0x1F000] =	vst v63  }
0x9a: {  	_ =	swait.ge [sflag:s0], $0x4000  }
0x9b: {  	[sflag:s0] =	ssyncset.done $0x0  }
0x9c: {  	s20 =	simm.s32 $0x1000;
	[sflag:s0] =	ssyncadd.s32 $0xFFFFC000  }
0x9d: {  	[spmem:s2] =	stream.indirect.scatter.add.f32 [tilespmem:s24], [sflag:$0x4], $0x80, s20, s30, $0xb8;
	[tilespmem:$0x1F000] =	vst v63  }
0x9e: {  	_ =	swait.ge [sflag:s3], $0x4000  }
0x9f: {  	[sflag:s3] =	ssyncset.done $0x0  }
0xa0: {  	s20 =	simm.s32 $0x1080;
	[sflag:s3] =	ssyncadd.s32 $0xFFFFC000  }
0xa1: {  	[spmem:s2] =	stream.indirect.scatter.add.f32 [tilespmem:s31], [sflag:$0x5], $0x80, s20, s30, $0xb8;
	[tilespmem:$0x1F000] =	vst v63  }
0xa2: {  	_ =	swait.ge [sflag:s10], $0x4000  }
0xa3: {  	[sflag:s10] =	ssyncset.done $0x0  }
0xa4: {  	s20 =	simm.s32 $0x500;
	[sflag:s10] =	ssyncadd.s32 $0xFFFFC000  }
0xa5: {  	[tilespmem:s24], [sflag:$0x1] =	stream.indirect.gather [hbm4b:s1+s30], $0x80, s20, s30, $0xb8;
	[tilespmem:$0x1F000] =	vst v63  }
0xa6: {  	_ =	swait.ge [sflag:s12], $0x4000  }
0xa7: {  	[sflag:s12] =	ssyncset.done $0x0  }
0xa8: {  	s20 =	simm.s32 $0x580;
	[sflag:s12] =	ssyncadd.s32 $0xFFFFC000  }
0xa9: {  	[tilespmem:s31], [sflag:$0x2] =	stream.indirect.gather [hbm4b:s1+s30], $0x80, s20, s30, $0xb8;
	[tilespmem:$0x1F000] =	vst v63  }
0xaa: {  	_ =	swait.ge [sflag:s0], $0x4000  }
0xab: {  	[sflag:s0] =	ssyncset.done $0x0  }
0xac: {  	s20 =	simm.s32 $0x1100;
	[sflag:s0] =	ssyncadd.s32 $0xFFFFC000  }
0xad: {  	[spmem:s2] =	stream.indirect.scatter.add.f32 [tilespmem:s24], [sflag:$0x4], $0x80, s20, s30, $0xb8;
	[tilespmem:$0x1F000] =	vst v63  }
0xae: {  	_ =	swait.ge [sflag:s3], $0x4000  }
0xaf: {  	[sflag:s3] =	ssyncset.done $0x0  }
0xb0: {  	s20 =	simm.s32 $0x1180;
	[sflag:s3] =	ssyncadd.s32 $0xFFFFC000  }
0xb1: {  	[spmem:s2] =	stream.indirect.scatter.add.f32 [tilespmem:s31], [sflag:$0x5], $0x80, s20, s30, $0xb8;
	[tilespmem:$0x1F000] =	vst v63  }
0xb2: {  	_ =	swait.ge [sflag:s10], $0x4000  }
0xb3: {  	[sflag:s10] =	ssyncset.done $0x0  }
0xb4: {  	s20 =	simm.s32 $0x600;
	[sflag:s10] =	ssyncadd.s32 $0xFFFFC000  }
0xb5: {  	[tilespmem:s24], [sflag:$0x1] =	stream.indirect.gather [hbm4b:s1+s30], $0x80, s20, s30, $0xb8;
	[tilespmem:$0x1F000] =	vst v63  }
0xb6: {  	_ =	swait.ge [sflag:s12], $0x4000  }
0xb7: {  	[sflag:s12] =	ssyncset.done $0x0  }
0xb8: {  	s20 =	simm.s32 $0x680;
	[sflag:s12] =	ssyncadd.s32 $0xFFFFC000  }
0xb9: {  	[tilespmem:s31], [sflag:$0x2] =	stream.indirect.gather [hbm4b:s1+s30], $0x80, s20, s30, $0xb8;
	[tilespmem:$0x1F000] =	vst v63  }
0xba: {  	_ =	swait.ge [sflag:s0], $0x4000  }
0xbb: {  	[sflag:s0] =	ssyncset.done $0x0  }
0xbc: {  	s20 =	simm.s32 $0x1200;
	[sflag:s0] =	ssyncadd.s32 $0xFFFFC000  }
0xbd: {  	[spmem:s2] =	stream.indirect.scatter.add.f32 [tilespmem:s24], [sflag:$0x4], $0x80, s20, s30, $0xb8;
	[tilespmem:$0x1F000] =	vst v63  }
0xbe: {  	_ =	swait.ge [sflag:s3], $0x4000  }
0xbf: {  	[sflag:s3] =	ssyncset.done $0x0  }
0xc0: {  	s20 =	simm.s32 $0x1280;
	[sflag:s3] =	ssyncadd.s32 $0xFFFFC000  }
0xc1: {  	[spmem:s2] =	stream.indirect.scatter.add.f32 [tilespmem:s31], [sflag:$0x5], $0x80, s20, s30, $0xb8;
	[tilespmem:$0x1F000] =	vst v63  }
0xc2: {  	_ =	swait.ge [sflag:s10], $0x4000  }
0xc3: {  	[sflag:s10] =	ssyncset.done $0x0  }
0xc4: {  	s20 =	simm.s32 $0x700;
	[sflag:s10] =	ssyncadd.s32 $0xFFFFC000  }
0xc5: {  	[tilespmem:s24], [sflag:$0x1] =	stream.indirect.gather [hbm4b:s1+s30], $0x80, s20, s30, $0xb8;
	[tilespmem:$0x1F000] =	vst v63  }
0xc6: {  	_ =	swait.ge [sflag:s12], $0x4000  }
0xc7: {  	[sflag:s12] =	ssyncset.done $0x0  }
0xc8: {  	s20 =	simm.s32 $0x780;
	[sflag:s12] =	ssyncadd.s32 $0xFFFFC000  }
0xc9: {  	[tilespmem:s31], [sflag:$0x2] =	stream.indirect.gather [hbm4b:s1+s30], $0x80, s20, s30, $0xb8;
	[tilespmem:$0x1F000] =	vst v63  }
0xca: {  	_ =	swait.ge [sflag:s0], $0x4000  }
0xcb: {  	[sflag:s0] =	ssyncset.done $0x0  }
0xcc: {  	s20 =	simm.s32 $0x1300;
	[sflag:s0] =	ssyncadd.s32 $0xFFFFC000  }
0xcd: {  	[spmem:s2] =	stream.indirect.scatter.add.f32 [tilespmem:s24], [sflag:$0x4], $0x80, s20, s30, $0xb8;
	[tilespmem:$0x1F000] =	vst v63  }
0xce: {  	_ =	swait.ge [sflag:s3], $0x4000  }
0xcf: {  	[sflag:s3] =	ssyncset.done $0x0  }
0xd0: {  	s20 =	simm.s32 $0x1380;
	[sflag:s3] =	ssyncadd.s32 $0xFFFFC000  }
0xd1: {  	[spmem:s2] =	stream.indirect.scatter.add.f32 [tilespmem:s31], [sflag:$0x5], $0x80, s20, s30, $0xb8;
	[tilespmem:$0x1F000] =	vst v63  }
0xd2: {  	_ =	swait.ge [sflag:s10], $0x4000  }
0xd3: {  	[sflag:s10] =	ssyncset.done $0x0  }
0xd4: {  	s20 =	simm.s32 $0x800;
	[sflag:s10] =	ssyncadd.s32 $0xFFFFC000  }
0xd5: {  	[tilespmem:s24], [sflag:$0x1] =	stream.indirect.gather [hbm4b:s1+s30], $0x80, s20, s30, $0xb8;
	[tilespmem:$0x1F000] =	vst v63  }
0xd6: {  	_ =	swait.ge [sflag:s12], $0x4000  }
0xd7: {  	[sflag:s12] =	ssyncset.done $0x0  }
0xd8: {  	s20 =	simm.s32 $0x880;
	[sflag:s12] =	ssyncadd.s32 $0xFFFFC000  }
0xd9: {  	[tilespmem:s31], [sflag:$0x2] =	stream.indirect.gather [hbm4b:s1+s30], $0x80, s20, s30, $0xb8;
	[tilespmem:$0x1F000] =	vst v63  }
0xda: {  	_ =	swait.ge [sflag:s0], $0x4000  }
0xdb: {  	[sflag:s0] =	ssyncset.done $0x0  }
0xdc: {  	s20 =	simm.s32 $0x1400;
	[sflag:s0] =	ssyncadd.s32 $0xFFFFC000  }
0xdd: {  	[spmem:s2] =	stream.indirect.scatter.add.f32 [tilespmem:s24], [sflag:$0x4], $0x80, s20, s30, $0xb8;
	[tilespmem:$0x1F000] =	vst v63  }
0xde: {  	_ =	swait.ge [sflag:s3], $0x4000  }
0xdf: {  	[sflag:s3] =	ssyncset.done $0x0  }
0xe0: {  	s20 =	simm.s32 $0x1480;
	[sflag:s3] =	ssyncadd.s32 $0xFFFFC000  }
0xe1: {  	[spmem:s2] =	stream.indirect.scatter.add.f32 [tilespmem:s31], [sflag:$0x5], $0x80, s20, s30, $0xb8;
	[tilespmem:$0x1F000] =	vst v63  }
0xe2: {  	_ =	swait.ge [sflag:s10], $0x4000  }
0xe3: {  	[sflag:s10] =	ssyncset.done $0x0  }
0xe4: {  	s20 =	simm.s32 $0x900;
	[sflag:s10] =	ssyncadd.s32 $0xFFFFC000  }
0xe5: {  	[tilespmem:s24], [sflag:$0x1] =	stream.indirect.gather [hbm4b:s1+s30], $0x80, s20, s30, $0xb8;
	[tilespmem:$0x1F000] =	vst v63  }
0xe6: {  	_ =	swait.ge [sflag:s12], $0x4000  }
0xe7: {  	[sflag:s12] =	ssyncset.done $0x0  }
0xe8: {  	s20 =	simm.s32 $0x980;
	[sflag:s12] =	ssyncadd.s32 $0xFFFFC000  }
0xe9: {  	[tilespmem:s31], [sflag:$0x2] =	stream.indirect.gather [hbm4b:s1+s30], $0x80, s20, s30, $0xb8;
	[tilespmem:$0x1F000] =	vst v63  }
0xea: {  	_ =	swait.ge [sflag:s0], $0x4000  }
0xeb: {  	[sflag:s0] =	ssyncset.done $0x0  }
0xec: {  	s20 =	simm.s32 $0x1500;
	[sflag:s0] =	ssyncadd.s32 $0xFFFFC000  }
0xed: {  	[spmem:s2] =	stream.indirect.scatter.add.f32 [tilespmem:s24], [sflag:$0x4], $0x80, s20, s30, $0xb8;
	[tilespmem:$0x1F000] =	vst v63  }
0xee: {  	_ =	swait.ge [sflag:s3], $0x4000  }
0xef: {  	[sflag:s3] =	ssyncset.done $0x0  }
0xf0: {  	s20 =	simm.s32 $0x1580;
	[sflag:s3] =	ssyncadd.s32 $0xFFFFC000  }
0xf1: {  	[spmem:s2] =	stream.indirect.scatter.add.f32 [tilespmem:s31], [sflag:$0x5], $0x80, s20, s30, $0xb8;
	[tilespmem:$0x1F000] =	vst v63  }
0xf2: {  	_ =	swait.ge [sflag:s10], $0x4000  }
0xf3: {  	[sflag:s10] =	ssyncset.done $0x0  }
0xf4: {  	[sflag:s10] =	ssyncadd.s32 $0xFFFFC000  }
0xf5: {  	_ =	swait.ge [sflag:s12], $0x4000  }
0xf6: {  	[sflag:s12] =	ssyncset.done $0x0  }
0xf7: {  	[sflag:s12] =	ssyncadd.s32 $0xFFFFC000  }
0xf8: {  	_ =	swait.ge [sflag:s23], $0xA00  }
0xf9: {  	[sflag:s23] =	ssyncset.done $0x0  }
0xfa: {  	[sflag:s23] =	ssyncadd.s32 $0xFFFFF600  }
0xfb: {  	_ =	swait.ge [sflag:s23], $0xA00  }
0xfc: {  	[sflag:s23] =	ssyncset.done $0x0  }
0xfd: {  	s20 =	rddreg [dreg:$0x8];
	[sflag:s23] =	ssyncadd.s32 $0xFFFFF600  }
0xfe: {  	[tilespmem:s4], [sflag:$0x3] =	stream.linear.gather [hbm4b:s20+s4], $0xA00, $0x38;
	[tilespmem:$0x1F000] =	vst v63  }
0xff: {  	s20 =	rddreg [dreg:$0x9]  }
0x100: {  	[tilespmem:s28], [sflag:$0x3] =	stream.linear.gather [hbm4b:s20+s4], $0xA00, $0x38;
	[tilespmem:$0x1F000] =	vst v63  }
0x101: {  	_ = 	snop  }
0x102: {  	[tilespmem:s24], [sflag:$0x1] =	stream.indirect.gather [hbm4b:s1+s30], $0x80, s29, s30, $0xb8;
	[tilespmem:$0x1F000] =	vst v63  }
0x103: {  	_ = 	snop  }
0x104: {  	[tilespmem:s31], [sflag:$0x2] =	stream.indirect.gather [hbm4b:s1+s30], $0x80, s11, s30, $0xb8;
	[tilespmem:$0x1F000] =	vst v63  }
0x105: {  	_ =	swait.ge [sflag:s0], $0x4000  }
0x106: {  	[sflag:s0] =	ssyncset.done $0x0  }
0x107: {  	[sflag:s0] =	ssyncadd.s32 $0xFFFFC000  }
0x108: {  	[spmem:s2] =	stream.indirect.scatter.add.f32 [tilespmem:s24], [sflag:$0x4], $0x80, s5, s30, $0xb8;
	[tilespmem:$0x1F000] =	vst v63  }
0x109: {  	_ =	swait.ge [sflag:s3], $0x4000  }
0x10a: {  	[sflag:s3] =	ssyncset.done $0x0  }
0x10b: {  	[sflag:s3] =	ssyncadd.s32 $0xFFFFC000  }
0x10c: {  	[spmem:s2] =	stream.indirect.scatter.add.f32 [tilespmem:s31], [sflag:$0x5], $0x80, s13, s30, $0xb8;
	[tilespmem:$0x1F000] =	vst v63  }
0x10d: {  	_ =	swait.ge [sflag:s10], $0x4000  }
0x10e: {  	[sflag:s10] =	ssyncset.done $0x0  }
0x10f: {  	[sflag:s10] =	ssyncadd.s32 $0xFFFFC000  }
0x110: {  	[tilespmem:s24], [sflag:$0x1] =	stream.indirect.gather [hbm4b:s1+s30], $0x80, s14, s30, $0xb8;
	[tilespmem:$0x1F000] =	vst v63  }
0x111: {  	_ =	swait.ge [sflag:s12], $0x4000  }
0x112: {  	[sflag:s12] =	ssyncset.done $0x0  }
0x113: {  	[sflag:s12] =	ssyncadd.s32 $0xFFFFC000  }
0x114: {  	[tilespmem:s31], [sflag:$0x2] =	stream.indirect.gather [hbm4b:s1+s30], $0x80, s15, s30, $0xb8;
	[tilespmem:$0x1F000] =	vst v63  }
0x115: {  	_ =	swait.ge [sflag:s0], $0x4000  }
0x116: {  	[sflag:s0] =	ssyncset.done $0x0  }
0x117: {  	[sflag:s0] =	ssyncadd.s32 $0xFFFFC000  }
0x118: {  	[spmem:s2] =	stream.indirect.scatter.add.f32 [tilespmem:s24], [sflag:$0x4], $0x80, s16, s30, $0xb8;
	[tilespmem:$0x1F000] =	vst v63  }
0x119: {  	_ =	swait.ge [sflag:s3], $0x4000  }
0x11a: {  	[sflag:s3] =	ssyncset.done $0x0  }
0x11b: {  	[sflag:s3] =	ssyncadd.s32 $0xFFFFC000  }
0x11c: {  	[spmem:s2] =	stream.indirect.scatter.add.f32 [tilespmem:s31], [sflag:$0x5], $0x80, s17, s30, $0xb8;
	[tilespmem:$0x1F000] =	vst v63  }
0x11d: {  	_ =	swait.ge [sflag:s10], $0x4000  }
0x11e: {  	[sflag:s10] =	ssyncset.done $0x0  }
0x11f: {  	[sflag:s10] =	ssyncadd.s32 $0xFFFFC000  }
0x120: {  	[tilespmem:s24], [sflag:$0x1] =	stream.indirect.gather [hbm4b:s1+s30], $0x80, s18, s30, $0xb8;
	[tilespmem:$0x1F000] =	vst v63  }
0x121: {  	_ =	swait.ge [sflag:s12], $0x4000  }
0x122: {  	[sflag:s12] =	ssyncset.done $0x0  }
0x123: {  	s20 =	simm.s32 $0x1A80;
	[sflag:s12] =	ssyncadd.s32 $0xFFFFC000  }
0x124: {  	[tilespmem:s31], [sflag:$0x2] =	stream.indirect.gather [hbm4b:s1+s30], $0x80, s20, s30, $0xb8;
	[tilespmem:$0x1F000] =	vst v63  }
0x125: {  	_ =	swait.ge [sflag:s0], $0x4000  }
0x126: {  	[sflag:s0] =	ssyncset.done $0x0  }
0x127: {  	[sflag:s0] =	ssyncadd.s32 $0xFFFFC000  }
0x128: {  	[spmem:s2] =	stream.indirect.scatter.add.f32 [tilespmem:s24], [sflag:$0x4], $0x80, s21, s30, $0xb8;
	[tilespmem:$0x1F000] =	vst v63  }
0x129: {  	_ =	swait.ge [sflag:s3], $0x4000  }
0x12a: {  	[sflag:s3] =	ssyncset.done $0x0  }
0x12b: {  	[sflag:s3] =	ssyncadd.s32 $0xFFFFC000  }
0x12c: {  	[spmem:s2] =	stream.indirect.scatter.add.f32 [tilespmem:s31], [sflag:$0x5], $0x80, s22, s30, $0xb8;
	[tilespmem:$0x1F000] =	vst v63  }
0x12d: {  	_ =	swait.ge [sflag:s10], $0x4000  }
0x12e: {  	[sflag:s10] =	ssyncset.done $0x0  }
0x12f: {  	[sflag:s10] =	ssyncadd.s32 $0xFFFFC000  }
0x130: {  	[tilespmem:s24], [sflag:$0x1] =	stream.indirect.gather [hbm4b:s1+s30], $0x80, s26, s30, $0xb8;
	[tilespmem:$0x1F000] =	vst v63  }
0x131: {  	_ =	swait.ge [sflag:s12], $0x4000  }
0x132: {  	[sflag:s12] =	ssyncset.done $0x0  }
0x133: {  	s9 =	simm.s32 $0x1B80;
	[sflag:s12] =	ssyncadd.s32 $0xFFFFC000  }
0x134: {  	[tilespmem:s31], [sflag:$0x2] =	stream.indirect.gather [hbm4b:s1+s30], $0x80, s9, s30, $0xb8;
	[tilespmem:$0x1F000] =	vst v63  }
0x135: {  	_ =	swait.ge [sflag:s0], $0x4000  }
0x136: {  	[sflag:s0] =	ssyncset.done $0x0  }
0x137: {  	s9 =	simm.s32 $0x2700;
	[sflag:s0] =	ssyncadd.s32 $0xFFFFC000  }
0x138: {  	[spmem:s2] =	stream.indirect.scatter.add.f32 [tilespmem:s24], [sflag:$0x4], $0x80, s9, s30, $0xb8;
	[tilespmem:$0x1F000] =	vst v63  }
0x139: {  	_ =	swait.ge [sflag:s3], $0x4000  }
0x13a: {  	[sflag:s3] =	ssyncset.done $0x0  }
0x13b: {  	s9 =	simm.s32 $0x2780;
	[sflag:s3] =	ssyncadd.s32 $0xFFFFC000  }
0x13c: {  	[spmem:s2] =	stream.indirect.scatter.add.f32 [tilespmem:s31], [sflag:$0x5], $0x80, s9, s30, $0xb8;
	[tilespmem:$0x1F000] =	vst v63  }
0x13d: {  	_ =	swait.ge [sflag:s10], $0x4000  }
0x13e: {  	[sflag:s10] =	ssyncset.done $0x0  }
0x13f: {  	s9 =	simm.s32 $0x1C00;
	[sflag:s10] =	ssyncadd.s32 $0xFFFFC000  }
0x140: {  	[tilespmem:s24], [sflag:$0x1] =	stream.indirect.gather [hbm4b:s1+s30], $0x80, s9, s30, $0xb8;
	[tilespmem:$0x1F000] =	vst v63  }
0x141: {  	_ =	swait.ge [sflag:s12], $0x4000  }
0x142: {  	[sflag:s12] =	ssyncset.done $0x0  }
0x143: {  	s9 =	simm.s32 $0x1C80;
	[sflag:s12] =	ssyncadd.s32 $0xFFFFC000  }
0x144: {  	[tilespmem:s31], [sflag:$0x2] =	stream.indirect.gather [hbm4b:s1+s30], $0x80, s9, s30, $0xb8;
	[tilespmem:$0x1F000] =	vst v63  }
0x145: {  	_ =	swait.ge [sflag:s0], $0x4000  }
0x146: {  	[sflag:s0] =	ssyncset.done $0x0  }
0x147: {  	s9 =	simm.s32 $0x2800;
	[sflag:s0] =	ssyncadd.s32 $0xFFFFC000  }
0x148: {  	[spmem:s2] =	stream.indirect.scatter.add.f32 [tilespmem:s24], [sflag:$0x4], $0x80, s9, s30, $0xb8;
	[tilespmem:$0x1F000] =	vst v63  }
0x149: {  	_ =	swait.ge [sflag:s3], $0x4000  }
0x14a: {  	[sflag:s3] =	ssyncset.done $0x0  }
0x14b: {  	s9 =	simm.s32 $0x2880;
	[sflag:s3] =	ssyncadd.s32 $0xFFFFC000  }
0x14c: {  	[spmem:s2] =	stream.indirect.scatter.add.f32 [tilespmem:s31], [sflag:$0x5], $0x80, s9, s30, $0xb8;
	[tilespmem:$0x1F000] =	vst v63  }
0x14d: {  	_ =	swait.ge [sflag:s10], $0x4000  }
0x14e: {  	[sflag:s10] =	ssyncset.done $0x0  }
0x14f: {  	s9 =	simm.s32 $0x1D00;
	[sflag:s10] =	ssyncadd.s32 $0xFFFFC000  }
0x150: {  	[tilespmem:s24], [sflag:$0x1] =	stream.indirect.gather [hbm4b:s1+s30], $0x80, s9, s30, $0xb8;
	[tilespmem:$0x1F000] =	vst v63  }
0x151: {  	_ =	swait.ge [sflag:s12], $0x4000  }
0x152: {  	[sflag:s12] =	ssyncset.done $0x0  }
0x153: {  	s9 =	simm.s32 $0x1D80;
	[sflag:s12] =	ssyncadd.s32 $0xFFFFC000  }
0x154: {  	[tilespmem:s31], [sflag:$0x2] =	stream.indirect.gather [hbm4b:s1+s30], $0x80, s9, s30, $0xb8;
	[tilespmem:$0x1F000] =	vst v63  }
0x155: {  	_ =	swait.ge [sflag:s0], $0x4000  }
0x156: {  	[sflag:s0] =	ssyncset.done $0x0  }
0x157: {  	s9 =	simm.s32 $0x2900;
	[sflag:s0] =	ssyncadd.s32 $0xFFFFC000  }
0x158: {  	[spmem:s2] =	stream.indirect.scatter.add.f32 [tilespmem:s24], [sflag:$0x4], $0x80, s9, s30, $0xb8;
	[tilespmem:$0x1F000] =	vst v63  }
0x159: {  	_ =	swait.ge [sflag:s3], $0x4000  }
0x15a: {  	[sflag:s3] =	ssyncset.done $0x0  }
0x15b: {  	s9 =	simm.s32 $0x2980;
	[sflag:s3] =	ssyncadd.s32 $0xFFFFC000  }
0x15c: {  	[spmem:s2] =	stream.indirect.scatter.add.f32 [tilespmem:s31], [sflag:$0x5], $0x80, s9, s30, $0xb8;
	[tilespmem:$0x1F000] =	vst v63  }
0x15d: {  	_ =	swait.ge [sflag:s10], $0x4000  }
0x15e: {  	[sflag:s10] =	ssyncset.done $0x0  }
0x15f: {  	s9 =	simm.s32 $0x1E00;
	[sflag:s10] =	ssyncadd.s32 $0xFFFFC000  }
0x160: {  	[tilespmem:s24], [sflag:$0x1] =	stream.indirect.gather [hbm4b:s1+s30], $0x80, s9, s30, $0xb8;
	[tilespmem:$0x1F000] =	vst v63  }
0x161: {  	_ =	swait.ge [sflag:s12], $0x4000  }
0x162: {  	[sflag:s12] =	ssyncset.done $0x0  }
0x163: {  	s9 =	simm.s32 $0x1E80;
	[sflag:s12] =	ssyncadd.s32 $0xFFFFC000  }
0x164: {  	[tilespmem:s31], [sflag:$0x2] =	stream.indirect.gather [hbm4b:s1+s30], $0x80, s9, s30, $0xb8;
	[tilespmem:$0x1F000] =	vst v63  }
0x165: {  	_ =	swait.ge [sflag:s0], $0x4000  }
0x166: {  	[sflag:s0] =	ssyncset.done $0x0  }
0x167: {  	s9 =	simm.s32 $0x2A00;
	[sflag:s0] =	ssyncadd.s32 $0xFFFFC000  }
0x168: {  	[spmem:s2] =	stream.indirect.scatter.add.f32 [tilespmem:s24], [sflag:$0x4], $0x80, s9, s30, $0xb8;
	[tilespmem:$0x1F000] =	vst v63  }
0x169: {  	_ =	swait.ge [sflag:s3], $0x4000  }
0x16a: {  	[sflag:s3] =	ssyncset.done $0x0  }
0x16b: {  	s9 =	simm.s32 $0x2A80;
	[sflag:s3] =	ssyncadd.s32 $0xFFFFC000  }
0x16c: {  	[spmem:s2] =	stream.indirect.scatter.add.f32 [tilespmem:s31], [sflag:$0x5], $0x80, s9, s30, $0xb8;
	[tilespmem:$0x1F000] =	vst v63  }
0x16d: {  	_ =	swait.ge [sflag:s10], $0x4000  }
0x16e: {  	[sflag:s10] =	ssyncset.done $0x0  }
0x16f: {  	s9 =	simm.s32 $0x1F00;
	[sflag:s10] =	ssyncadd.s32 $0xFFFFC000  }
0x170: {  	[tilespmem:s24], [sflag:$0x1] =	stream.indirect.gather [hbm4b:s1+s30], $0x80, s9, s30, $0xb8;
	[tilespmem:$0x1F000] =	vst v63  }
0x171: {  	_ =	swait.ge [sflag:s12], $0x4000  }
0x172: {  	[sflag:s12] =	ssyncset.done $0x0  }
0x173: {  	s9 =	simm.s32 $0x1F80;
	[sflag:s12] =	ssyncadd.s32 $0xFFFFC000  }
0x174: {  	[tilespmem:s31], [sflag:$0x2] =	stream.indirect.gather [hbm4b:s1+s30], $0x80, s9, s30, $0xb8;
	[tilespmem:$0x1F000] =	vst v63  }
0x175: {  	_ =	swait.ge [sflag:s0], $0x4000  }
0x176: {  	[sflag:s0] =	ssyncset.done $0x0  }
0x177: {  	s9 =	simm.s32 $0x2B00;
	[sflag:s0] =	ssyncadd.s32 $0xFFFFC000  }
0x178: {  	[spmem:s2] =	stream.indirect.scatter.add.f32 [tilespmem:s24], [sflag:$0x4], $0x80, s9, s30, $0xb8;
	[tilespmem:$0x1F000] =	vst v63  }
0x179: {  	_ =	swait.ge [sflag:s3], $0x4000  }
0x17a: {  	[sflag:s3] =	ssyncset.done $0x0  }
0x17b: {  	s9 =	simm.s32 $0x2B80;
	[sflag:s3] =	ssyncadd.s32 $0xFFFFC000  }
0x17c: {  	[spmem:s2] =	stream.indirect.scatter.add.f32 [tilespmem:s31], [sflag:$0x5], $0x80, s9, s30, $0xb8;
	[tilespmem:$0x1F000] =	vst v63  }
0x17d: {  	_ =	swait.ge [sflag:s10], $0x4000  }
0x17e: {  	[sflag:s10] =	ssyncset.done $0x0  }
0x17f: {  	s9 =	simm.s32 $0x2000;
	[sflag:s10] =	ssyncadd.s32 $0xFFFFC000  }
0x180: {  	[tilespmem:s24], [sflag:$0x1] =	stream.indirect.gather [hbm4b:s1+s30], $0x80, s9, s30, $0xb8;
	[tilespmem:$0x1F000] =	vst v63  }
0x181: {  	_ =	swait.ge [sflag:s12], $0x4000  }
0x182: {  	[sflag:s12] =	ssyncset.done $0x0  }
0x183: {  	s9 =	simm.s32 $0x2080;
	[sflag:s12] =	ssyncadd.s32 $0xFFFFC000  }
0x184: {  	[tilespmem:s31], [sflag:$0x2] =	stream.indirect.gather [hbm4b:s1+s30], $0x80, s9, s30, $0xb8;
	[tilespmem:$0x1F000] =	vst v63  }
0x185: {  	_ =	swait.ge [sflag:s0], $0x4000  }
0x186: {  	[sflag:s0] =	ssyncset.done $0x0  }
0x187: {  	s9 =	simm.s32 $0x2C00;
	[sflag:s0] =	ssyncadd.s32 $0xFFFFC000  }
0x188: {  	[spmem:s2] =	stream.indirect.scatter.add.f32 [tilespmem:s24], [sflag:$0x4], $0x80, s9, s30, $0xb8;
	[tilespmem:$0x1F000] =	vst v63  }
0x189: {  	_ =	swait.ge [sflag:s3], $0x4000  }
0x18a: {  	[sflag:s3] =	ssyncset.done $0x0  }
0x18b: {  	s9 =	simm.s32 $0x2C80;
	[sflag:s3] =	ssyncadd.s32 $0xFFFFC000  }
0x18c: {  	[spmem:s2] =	stream.indirect.scatter.add.f32 [tilespmem:s31], [sflag:$0x5], $0x80, s9, s30, $0xb8;
	[tilespmem:$0x1F000] =	vst v63  }
0x18d: {  	_ =	swait.ge [sflag:s10], $0x4000  }
0x18e: {  	[sflag:s10] =	ssyncset.done $0x0  }
0x18f: {  	s9 =	simm.s32 $0x2100;
	[sflag:s10] =	ssyncadd.s32 $0xFFFFC000  }
0x190: {  	[tilespmem:s24], [sflag:$0x1] =	stream.indirect.gather [hbm4b:s1+s30], $0x80, s9, s30, $0xb8;
	[tilespmem:$0x1F000] =	vst v63  }
0x191: {  	_ =	swait.ge [sflag:s12], $0x4000  }
0x192: {  	[sflag:s12] =	ssyncset.done $0x0  }
0x193: {  	s9 =	simm.s32 $0x2180;
	[sflag:s12] =	ssyncadd.s32 $0xFFFFC000  }
0x194: {  	[tilespmem:s31], [sflag:$0x2] =	stream.indirect.gather [hbm4b:s1+s30], $0x80, s9, s30, $0xb8;
	[tilespmem:$0x1F000] =	vst v63  }
0x195: {  	_ =	swait.ge [sflag:s0], $0x4000  }
0x196: {  	[sflag:s0] =	ssyncset.done $0x0  }
0x197: {  	s9 =	simm.s32 $0x2D00;
	[sflag:s0] =	ssyncadd.s32 $0xFFFFC000  }
0x198: {  	[spmem:s2] =	stream.indirect.scatter.add.f32 [tilespmem:s24], [sflag:$0x4], $0x80, s9, s30, $0xb8;
	[tilespmem:$0x1F000] =	vst v63  }
0x199: {  	_ =	swait.ge [sflag:s3], $0x4000  }
0x19a: {  	[sflag:s3] =	ssyncset.done $0x0  }
0x19b: {  	s9 =	simm.s32 $0x2D80;
	[sflag:s3] =	ssyncadd.s32 $0xFFFFC000  }
0x19c: {  	[spmem:s2] =	stream.indirect.scatter.add.f32 [tilespmem:s31], [sflag:$0x5], $0x80, s9, s30, $0xb8;
	[tilespmem:$0x1F000] =	vst v63  }
0x19d: {  	_ =	swait.ge [sflag:s10], $0x4000  }
0x19e: {  	[sflag:s10] =	ssyncset.done $0x0  }
0x19f: {  	[sflag:s10] =	ssyncadd.s32 $0xFFFFC000  }
0x1a0: {  	_ =	swait.ge [sflag:s12], $0x4000  }
0x1a1: {  	[sflag:s12] =	ssyncset.done $0x0  }
0x1a2: {  	[sflag:s12] =	ssyncadd.s32 $0xFFFFC000  }
0x1a3: {  	_ =	swait.ge [sflag:s23], $0xA00  }
0x1a4: {  	[sflag:s23] =	ssyncset.done $0x0  }
0x1a5: {  	[sflag:s23] =	ssyncadd.s32 $0xFFFFF600  }
0x1a6: {  	_ =	swait.ge [sflag:s23], $0xA00  }
0x1a7: {  	[sflag:s23] =	ssyncset.done $0x0  }
0x1a8: {  	s9 =	rddreg [dreg:$0xa];
	[sflag:s23] =	ssyncadd.s32 $0xFFFFF600  }
0x1a9: {  	[tilespmem:s29], [sflag:$0x3] =	stream.linear.gather [hbm4b:s9+s4], $0xA00, $0x38;
	[tilespmem:$0x1F000] =	vst v63  }
0x1aa: {  	s9 =	rddreg [dreg:$0xb]  }
0x1ab: {  	[tilespmem:s5], [sflag:$0x3] =	stream.linear.gather [hbm4b:s9+s4], $0xA00, $0x38;
	[tilespmem:$0x1F000] =	vst v63  }
0x1ac: {  	_ = 	snop  }
0x1ad: {  	[tilespmem:s24], [sflag:$0x1] =	stream.indirect.gather [hbm4b:s1+s30], $0x80, s4, s30, $0xb8;
	[tilespmem:$0x1F000] =	vst v63  }
0x1ae: {  	_ = 	snop  }
0x1af: {  	[tilespmem:s31], [sflag:$0x2] =	stream.indirect.gather [hbm4b:s1+s30], $0x80, s30, s30, $0xb8;
	[tilespmem:$0x1F000] =	vst v63  }
0x1b0: {  	_ =	swait.ge [sflag:s0], $0x4000  }
0x1b1: {  	[sflag:s0] =	ssyncset.done $0x0  }
0x1b2: {  	[sflag:s0] =	ssyncadd.s32 $0xFFFFC000  }
0x1b3: {  	[spmem:s2] =	stream.indirect.scatter.add.f32 [tilespmem:s24], [sflag:$0x4], $0x80, s28, s30, $0xb8;
	[tilespmem:$0x1F000] =	vst v63  }
0x1b4: {  	_ =	swait.ge [sflag:s3], $0x4000  }
0x1b5: {  	[sflag:s3] =	ssyncset.done $0x0  }
0x1b6: {  	s9 =	simm.s32 $0xC80;
	[sflag:s3] =	ssyncadd.s32 $0xFFFFC000  }
0x1b7: {  	[spmem:s2] =	stream.indirect.scatter.add.f32 [tilespmem:s31], [sflag:$0x5], $0x80, s9, s30, $0xb8;
	[tilespmem:$0x1F000] =	vst v63  }
0x1b8: {  	_ =	swait.ge [sflag:s10], $0x4000  }
0x1b9: {  	[sflag:s10] =	ssyncset.done $0x0  }
0x1ba: {  	s9 =	simm.s32 $0x100;
	[sflag:s10] =	ssyncadd.s32 $0xFFFFC000  }
0x1bb: {  	[tilespmem:s24], [sflag:$0x1] =	stream.indirect.gather [hbm4b:s1+s30], $0x80, s9, s30, $0xb8;
	[tilespmem:$0x1F000] =	vst v63  }
0x1bc: {  	_ =	swait.ge [sflag:s12], $0x4000  }
0x1bd: {  	[sflag:s12] =	ssyncset.done $0x0  }
0x1be: {  	s9 =	simm.s32 $0x180;
	[sflag:s12] =	ssyncadd.s32 $0xFFFFC000  }
0x1bf: {  	[tilespmem:s31], [sflag:$0x2] =	stream.indirect.gather [hbm4b:s1+s30], $0x80, s9, s30, $0xb8;
	[tilespmem:$0x1F000] =	vst v63  }
0x1c0: {  	_ =	swait.ge [sflag:s0], $0x4000  }
0x1c1: {  	[sflag:s0] =	ssyncset.done $0x0  }
0x1c2: {  	s9 =	simm.s32 $0xD00;
	[sflag:s0] =	ssyncadd.s32 $0xFFFFC000  }
0x1c3: {  	[spmem:s2] =	stream.indirect.scatter.add.f32 [tilespmem:s24], [sflag:$0x4], $0x80, s9, s30, $0xb8;
	[tilespmem:$0x1F000] =	vst v63  }
0x1c4: {  	_ =	swait.ge [sflag:s3], $0x4000  }
0x1c5: {  	[sflag:s3] =	ssyncset.done $0x0  }
0x1c6: {  	s9 =	simm.s32 $0xD80;
	[sflag:s3] =	ssyncadd.s32 $0xFFFFC000  }
0x1c7: {  	[spmem:s2] =	stream.indirect.scatter.add.f32 [tilespmem:s31], [sflag:$0x5], $0x80, s9, s30, $0xb8;
	[tilespmem:$0x1F000] =	vst v63  }
0x1c8: {  	_ =	swait.ge [sflag:s10], $0x4000  }
0x1c9: {  	[sflag:s10] =	ssyncset.done $0x0  }
0x1ca: {  	s9 =	simm.s32 $0x200;
	[sflag:s10] =	ssyncadd.s32 $0xFFFFC000  }
0x1cb: {  	[tilespmem:s24], [sflag:$0x1] =	stream.indirect.gather [hbm4b:s1+s30], $0x80, s9, s30, $0xb8;
	[tilespmem:$0x1F000] =	vst v63  }
0x1cc: {  	_ =	swait.ge [sflag:s12], $0x4000  }
0x1cd: {  	[sflag:s12] =	ssyncset.done $0x0  }
0x1ce: {  	s9 =	simm.s32 $0x280;
	[sflag:s12] =	ssyncadd.s32 $0xFFFFC000  }
0x1cf: {  	[tilespmem:s31], [sflag:$0x2] =	stream.indirect.gather [hbm4b:s1+s30], $0x80, s9, s30, $0xb8;
	[tilespmem:$0x1F000] =	vst v63  }
0x1d0: {  	_ =	swait.ge [sflag:s0], $0x4000  }
0x1d1: {  	[sflag:s0] =	ssyncset.done $0x0  }
0x1d2: {  	s9 =	simm.s32 $0xE00;
	[sflag:s0] =	ssyncadd.s32 $0xFFFFC000  }
0x1d3: {  	[spmem:s2] =	stream.indirect.scatter.add.f32 [tilespmem:s24], [sflag:$0x4], $0x80, s9, s30, $0xb8;
	[tilespmem:$0x1F000] =	vst v63  }
0x1d4: {  	_ =	swait.ge [sflag:s3], $0x4000  }
0x1d5: {  	[sflag:s3] =	ssyncset.done $0x0  }
0x1d6: {  	s9 =	simm.s32 $0xE80;
	[sflag:s3] =	ssyncadd.s32 $0xFFFFC000  }
0x1d7: {  	[spmem:s2] =	stream.indirect.scatter.add.f32 [tilespmem:s31], [sflag:$0x5], $0x80, s9, s30, $0xb8;
	[tilespmem:$0x1F000] =	vst v63  }
0x1d8: {  	_ =	swait.ge [sflag:s10], $0x4000  }
0x1d9: {  	[sflag:s10] =	ssyncset.done $0x0  }
0x1da: {  	s9 =	simm.s32 $0x300;
	[sflag:s10] =	ssyncadd.s32 $0xFFFFC000  }
0x1db: {  	[tilespmem:s24], [sflag:$0x1] =	stream.indirect.gather [hbm4b:s1+s30], $0x80, s9, s30, $0xb8;
	[tilespmem:$0x1F000] =	vst v63  }
0x1dc: {  	_ =	swait.ge [sflag:s12], $0x4000  }
0x1dd: {  	[sflag:s12] =	ssyncset.done $0x0  }
0x1de: {  	s9 =	simm.s32 $0x380;
	[sflag:s12] =	ssyncadd.s32 $0xFFFFC000  }
0x1df: {  	[tilespmem:s31], [sflag:$0x2] =	stream.indirect.gather [hbm4b:s1+s30], $0x80, s9, s30, $0xb8;
	[tilespmem:$0x1F000] =	vst v63  }
0x1e0: {  	_ =	swait.ge [sflag:s0], $0x4000  }
0x1e1: {  	[sflag:s0] =	ssyncset.done $0x0  }
0x1e2: {  	s9 =	simm.s32 $0xF00;
	[sflag:s0] =	ssyncadd.s32 $0xFFFFC000  }
0x1e3: {  	[spmem:s2] =	stream.indirect.scatter.add.f32 [tilespmem:s24], [sflag:$0x4], $0x80, s9, s30, $0xb8;
	[tilespmem:$0x1F000] =	vst v63  }
0x1e4: {  	_ =	swait.ge [sflag:s3], $0x4000  }
0x1e5: {  	[sflag:s3] =	ssyncset.done $0x0  }
0x1e6: {  	s9 =	simm.s32 $0xF80;
	[sflag:s3] =	ssyncadd.s32 $0xFFFFC000  }
0x1e7: {  	[spmem:s2] =	stream.indirect.scatter.add.f32 [tilespmem:s31], [sflag:$0x5], $0x80, s9, s30, $0xb8;
	[tilespmem:$0x1F000] =	vst v63  }
0x1e8: {  	_ =	swait.ge [sflag:s10], $0x4000  }
0x1e9: {  	[sflag:s10] =	ssyncset.done $0x0  }
0x1ea: {  	s9 =	simm.s32 $0x400;
	[sflag:s10] =	ssyncadd.s32 $0xFFFFC000  }
0x1eb: {  	[tilespmem:s24], [sflag:$0x1] =	stream.indirect.gather [hbm4b:s1+s30], $0x80, s9, s30, $0xb8;
	[tilespmem:$0x1F000] =	vst v63  }
0x1ec: {  	_ =	swait.ge [sflag:s12], $0x4000  }
0x1ed: {  	[sflag:s12] =	ssyncset.done $0x0  }
0x1ee: {  	s9 =	simm.s32 $0x480;
	[sflag:s12] =	ssyncadd.s32 $0xFFFFC000  }
0x1ef: {  	[tilespmem:s31], [sflag:$0x2] =	stream.indirect.gather [hbm4b:s1+s30], $0x80, s9, s30, $0xb8;
	[tilespmem:$0x1F000] =	vst v63  }
0x1f0: {  	_ =	swait.ge [sflag:s0], $0x4000  }
0x1f1: {  	[sflag:s0] =	ssyncset.done $0x0  }
0x1f2: {  	s9 =	simm.s32 $0x1000;
	[sflag:s0] =	ssyncadd.s32 $0xFFFFC000  }
0x1f3: {  	[spmem:s2] =	stream.indirect.scatter.add.f32 [tilespmem:s24], [sflag:$0x4], $0x80, s9, s30, $0xb8;
	[tilespmem:$0x1F000] =	vst v63  }
0x1f4: {  	_ =	swait.ge [sflag:s3], $0x4000  }
0x1f5: {  	[sflag:s3] =	ssyncset.done $0x0  }
0x1f6: {  	s9 =	simm.s32 $0x1080;
	[sflag:s3] =	ssyncadd.s32 $0xFFFFC000  }
0x1f7: {  	[spmem:s2] =	stream.indirect.scatter.add.f32 [tilespmem:s31], [sflag:$0x5], $0x80, s9, s30, $0xb8;
	[tilespmem:$0x1F000] =	vst v63  }
0x1f8: {  	_ =	swait.ge [sflag:s10], $0x4000  }
0x1f9: {  	[sflag:s10] =	ssyncset.done $0x0  }
0x1fa: {  	s9 =	simm.s32 $0x500;
	[sflag:s10] =	ssyncadd.s32 $0xFFFFC000  }
0x1fb: {  	[tilespmem:s24], [sflag:$0x1] =	stream.indirect.gather [hbm4b:s1+s30], $0x80, s9, s30, $0xb8;
	[tilespmem:$0x1F000] =	vst v63  }
0x1fc: {  	_ =	swait.ge [sflag:s12], $0x4000  }
0x1fd: {  	[sflag:s12] =	ssyncset.done $0x0  }
0x1fe: {  	s9 =	simm.s32 $0x580;
	[sflag:s12] =	ssyncadd.s32 $0xFFFFC000  }
0x1ff: {  	[tilespmem:s31], [sflag:$0x2] =	stream.indirect.gather [hbm4b:s1+s30], $0x80, s9, s30, $0xb8;
	[tilespmem:$0x1F000] =	vst v63  }
0x200: {  	_ =	swait.ge [sflag:s0], $0x4000  }
0x201: {  	[sflag:s0] =	ssyncset.done $0x0  }
0x202: {  	s9 =	simm.s32 $0x1100;
	[sflag:s0] =	ssyncadd.s32 $0xFFFFC000  }
0x203: {  	[spmem:s2] =	stream.indirect.scatter.add.f32 [tilespmem:s24], [sflag:$0x4], $0x80, s9, s30, $0xb8;
	[tilespmem:$0x1F000] =	vst v63  }
0x204: {  	_ =	swait.ge [sflag:s3], $0x4000  }
0x205: {  	[sflag:s3] =	ssyncset.done $0x0  }
0x206: {  	s9 =	simm.s32 $0x1180;
	[sflag:s3] =	ssyncadd.s32 $0xFFFFC000  }
0x207: {  	[spmem:s2] =	stream.indirect.scatter.add.f32 [tilespmem:s31], [sflag:$0x5], $0x80, s9, s30, $0xb8;
	[tilespmem:$0x1F000] =	vst v63  }
0x208: {  	_ =	swait.ge [sflag:s10], $0x4000  }
0x209: {  	[sflag:s10] =	ssyncset.done $0x0  }
0x20a: {  	s9 =	simm.s32 $0x600;
	[sflag:s10] =	ssyncadd.s32 $0xFFFFC000  }
0x20b: {  	[tilespmem:s24], [sflag:$0x1] =	stream.indirect.gather [hbm4b:s1+s30], $0x80, s9, s30, $0xb8;
	[tilespmem:$0x1F000] =	vst v63  }
0x20c: {  	_ =	swait.ge [sflag:s12], $0x4000  }
0x20d: {  	[sflag:s12] =	ssyncset.done $0x0  }
0x20e: {  	s9 =	simm.s32 $0x680;
	[sflag:s12] =	ssyncadd.s32 $0xFFFFC000  }
0x20f: {  	[tilespmem:s31], [sflag:$0x2] =	stream.indirect.gather [hbm4b:s1+s30], $0x80, s9, s30, $0xb8;
	[tilespmem:$0x1F000] =	vst v63  }
0x210: {  	_ =	swait.ge [sflag:s0], $0x4000  }
0x211: {  	[sflag:s0] =	ssyncset.done $0x0  }
0x212: {  	s9 =	simm.s32 $0x1200;
	[sflag:s0] =	ssyncadd.s32 $0xFFFFC000  }
0x213: {  	[spmem:s2] =	stream.indirect.scatter.add.f32 [tilespmem:s24], [sflag:$0x4], $0x80, s9, s30, $0xb8;
	[tilespmem:$0x1F000] =	vst v63  }
0x214: {  	_ =	swait.ge [sflag:s3], $0x4000  }
0x215: {  	[sflag:s3] =	ssyncset.done $0x0  }
0x216: {  	s9 =	simm.s32 $0x1280;
	[sflag:s3] =	ssyncadd.s32 $0xFFFFC000  }
0x217: {  	[spmem:s2] =	stream.indirect.scatter.add.f32 [tilespmem:s31], [sflag:$0x5], $0x80, s9, s30, $0xb8;
	[tilespmem:$0x1F000] =	vst v63  }
0x218: {  	_ =	swait.ge [sflag:s10], $0x4000  }
0x219: {  	[sflag:s10] =	ssyncset.done $0x0  }
0x21a: {  	s9 =	simm.s32 $0x700;
	[sflag:s10] =	ssyncadd.s32 $0xFFFFC000  }
0x21b: {  	[tilespmem:s24], [sflag:$0x1] =	stream.indirect.gather [hbm4b:s1+s30], $0x80, s9, s30, $0xb8;
	[tilespmem:$0x1F000] =	vst v63  }
0x21c: {  	_ =	swait.ge [sflag:s12], $0x4000  }
0x21d: {  	[sflag:s12] =	ssyncset.done $0x0  }
0x21e: {  	s9 =	simm.s32 $0x780;
	[sflag:s12] =	ssyncadd.s32 $0xFFFFC000  }
0x21f: {  	[tilespmem:s31], [sflag:$0x2] =	stream.indirect.gather [hbm4b:s1+s30], $0x80, s9, s30, $0xb8;
	[tilespmem:$0x1F000] =	vst v63  }
0x220: {  	_ =	swait.ge [sflag:s0], $0x4000  }
0x221: {  	[sflag:s0] =	ssyncset.done $0x0  }
0x222: {  	s9 =	simm.s32 $0x1300;
	[sflag:s0] =	ssyncadd.s32 $0xFFFFC000  }
0x223: {  	[spmem:s2] =	stream.indirect.scatter.add.f32 [tilespmem:s24], [sflag:$0x4], $0x80, s9, s30, $0xb8;
	[tilespmem:$0x1F000] =	vst v63  }
0x224: {  	_ =	swait.ge [sflag:s3], $0x4000  }
0x225: {  	[sflag:s3] =	ssyncset.done $0x0  }
0x226: {  	s9 =	simm.s32 $0x1380;
	[sflag:s3] =	ssyncadd.s32 $0xFFFFC000  }
0x227: {  	[spmem:s2] =	stream.indirect.scatter.add.f32 [tilespmem:s31], [sflag:$0x5], $0x80, s9, s30, $0xb8;
	[tilespmem:$0x1F000] =	vst v63  }
0x228: {  	_ =	swait.ge [sflag:s10], $0x4000  }
0x229: {  	[sflag:s10] =	ssyncset.done $0x0  }
0x22a: {  	s9 =	simm.s32 $0x800;
	[sflag:s10] =	ssyncadd.s32 $0xFFFFC000  }
0x22b: {  	[tilespmem:s24], [sflag:$0x1] =	stream.indirect.gather [hbm4b:s1+s30], $0x80, s9, s30, $0xb8;
	[tilespmem:$0x1F000] =	vst v63  }
0x22c: {  	_ =	swait.ge [sflag:s12], $0x4000  }
0x22d: {  	[sflag:s12] =	ssyncset.done $0x0  }
0x22e: {  	s9 =	simm.s32 $0x880;
	[sflag:s12] =	ssyncadd.s32 $0xFFFFC000  }
0x22f: {  	[tilespmem:s31], [sflag:$0x2] =	stream.indirect.gather [hbm4b:s1+s30], $0x80, s9, s30, $0xb8;
	[tilespmem:$0x1F000] =	vst v63  }
0x230: {  	_ =	swait.ge [sflag:s0], $0x4000  }
0x231: {  	[sflag:s0] =	ssyncset.done $0x0  }
0x232: {  	s9 =	simm.s32 $0x1400;
	[sflag:s0] =	ssyncadd.s32 $0xFFFFC000  }
0x233: {  	[spmem:s2] =	stream.indirect.scatter.add.f32 [tilespmem:s24], [sflag:$0x4], $0x80, s9, s30, $0xb8;
	[tilespmem:$0x1F000] =	vst v63  }
0x234: {  	_ =	swait.ge [sflag:s3], $0x4000  }
0x235: {  	[sflag:s3] =	ssyncset.done $0x0  }
0x236: {  	s9 =	simm.s32 $0x1480;
	[sflag:s3] =	ssyncadd.s32 $0xFFFFC000  }
0x237: {  	[spmem:s2] =	stream.indirect.scatter.add.f32 [tilespmem:s31], [sflag:$0x5], $0x80, s9, s30, $0xb8;
	[tilespmem:$0x1F000] =	vst v63  }
0x238: {  	_ =	swait.ge [sflag:s10], $0x4000  }
0x239: {  	[sflag:s10] =	ssyncset.done $0x0  }
0x23a: {  	s9 =	simm.s32 $0x900;
	[sflag:s10] =	ssyncadd.s32 $0xFFFFC000  }
0x23b: {  	[tilespmem:s24], [sflag:$0x1] =	stream.indirect.gather [hbm4b:s1+s30], $0x80, s9, s30, $0xb8;
	[tilespmem:$0x1F000] =	vst v63  }
0x23c: {  	_ =	swait.ge [sflag:s12], $0x4000  }
0x23d: {  	[sflag:s12] =	ssyncset.done $0x0  }
0x23e: {  	s9 =	simm.s32 $0x980;
	[sflag:s12] =	ssyncadd.s32 $0xFFFFC000  }
0x23f: {  	[tilespmem:s31], [sflag:$0x2] =	stream.indirect.gather [hbm4b:s1+s30], $0x80, s9, s30, $0xb8;
	[tilespmem:$0x1F000] =	vst v63  }
0x240: {  	_ =	swait.ge [sflag:s0], $0x4000  }
0x241: {  	[sflag:s0] =	ssyncset.done $0x0  }
0x242: {  	s9 =	simm.s32 $0x1500;
	[sflag:s0] =	ssyncadd.s32 $0xFFFFC000  }
0x243: {  	[spmem:s2] =	stream.indirect.scatter.add.f32 [tilespmem:s24], [sflag:$0x4], $0x80, s9, s30, $0xb8;
	[tilespmem:$0x1F000] =	vst v63  }
0x244: {  	_ =	swait.ge [sflag:s3], $0x4000  }
0x245: {  	[sflag:s3] =	ssyncset.done $0x0  }
0x246: {  	s9 =	simm.s32 $0x1580;
	[sflag:s3] =	ssyncadd.s32 $0xFFFFC000  }
0x247: {  	[spmem:s2] =	stream.indirect.scatter.add.f32 [tilespmem:s31], [sflag:$0x5], $0x80, s9, s30, $0xb8;
	[tilespmem:$0x1F000] =	vst v63  }
0x248: {  	_ =	swait.ge [sflag:s10], $0x4000  }
0x249: {  	[sflag:s10] =	ssyncset.done $0x0  }
0x24a: {  	[sflag:s10] =	ssyncadd.s32 $0xFFFFC000  }
0x24b: {  	_ =	swait.ge [sflag:s12], $0x4000  }
0x24c: {  	[sflag:s12] =	ssyncset.done $0x0  }
0x24d: {  	[sflag:s12] =	ssyncadd.s32 $0xFFFFC000  }
0x24e: {  	_ =	swait.ge [sflag:s23], $0xA00  }
0x24f: {  	[sflag:s23] =	ssyncset.done $0x0  }
0x250: {  	[sflag:s23] =	ssyncadd.s32 $0xFFFFF600  }
0x251: {  	_ =	swait.ge [sflag:s23], $0xA00  }
0x252: {  	[sflag:s23] =	ssyncset.done $0x0  }
0x253: {  	[sflag:s23] =	ssyncadd.s32 $0xFFFFF600  }
0x254: {  	[tilespmem:s24], [sflag:$0x1] =	stream.indirect.gather [hbm4b:s1+s30], $0x80, s29, s30, $0xb8;
	[tilespmem:$0x1F000] =	vst v63  }
0x255: {  	_ = 	snop  }
0x256: {  	[tilespmem:s31], [sflag:$0x2] =	stream.indirect.gather [hbm4b:s1+s30], $0x80, s11, s30, $0xb8;
	[tilespmem:$0x1F000] =	vst v63  }
0x257: {  	_ =	swait.ge [sflag:s0], $0x4000  }
0x258: {  	[sflag:s0] =	ssyncset.done $0x0  }
0x259: {  	[sflag:s0] =	ssyncadd.s32 $0xFFFFC000  }
0x25a: {  	[spmem:s2] =	stream.indirect.scatter.add.f32 [tilespmem:s24], [sflag:$0x4], $0x80, s5, s30, $0xb8;
	[tilespmem:$0x1F000] =	vst v63  }
0x25b: {  	_ =	swait.ge [sflag:s3], $0x4000  }
0x25c: {  	[sflag:s3] =	ssyncset.done $0x0  }
0x25d: {  	[sflag:s3] =	ssyncadd.s32 $0xFFFFC000  }
0x25e: {  	[spmem:s2] =	stream.indirect.scatter.add.f32 [tilespmem:s31], [sflag:$0x5], $0x80, s13, s30, $0xb8;
	[tilespmem:$0x1F000] =	vst v63  }
0x25f: {  	_ =	swait.ge [sflag:s10], $0x4000  }
0x260: {  	[sflag:s10] =	ssyncset.done $0x0  }
0x261: {  	[sflag:s10] =	ssyncadd.s32 $0xFFFFC000  }
0x262: {  	[tilespmem:s24], [sflag:$0x1] =	stream.indirect.gather [hbm4b:s1+s30], $0x80, s14, s30, $0xb8;
	[tilespmem:$0x1F000] =	vst v63  }
0x263: {  	_ =	swait.ge [sflag:s12], $0x4000  }
0x264: {  	[sflag:s12] =	ssyncset.done $0x0  }
0x265: {  	[sflag:s12] =	ssyncadd.s32 $0xFFFFC000  }
0x266: {  	[tilespmem:s31], [sflag:$0x2] =	stream.indirect.gather [hbm4b:s1+s30], $0x80, s15, s30, $0xb8;
	[tilespmem:$0x1F000] =	vst v63  }
0x267: {  	_ =	swait.ge [sflag:s0], $0x4000  }
0x268: {  	[sflag:s0] =	ssyncset.done $0x0  }
0x269: {  	[sflag:s0] =	ssyncadd.s32 $0xFFFFC000  }
0x26a: {  	[spmem:s2] =	stream.indirect.scatter.add.f32 [tilespmem:s24], [sflag:$0x4], $0x80, s16, s30, $0xb8;
	[tilespmem:$0x1F000] =	vst v63  }
0x26b: {  	_ =	swait.ge [sflag:s3], $0x4000  }
0x26c: {  	[sflag:s3] =	ssyncset.done $0x0  }
0x26d: {  	[sflag:s3] =	ssyncadd.s32 $0xFFFFC000  }
0x26e: {  	[spmem:s2] =	stream.indirect.scatter.add.f32 [tilespmem:s31], [sflag:$0x5], $0x80, s17, s30, $0xb8;
	[tilespmem:$0x1F000] =	vst v63  }
0x26f: {  	_ =	swait.ge [sflag:s10], $0x4000  }
0x270: {  	[sflag:s10] =	ssyncset.done $0x0  }
0x271: {  	[sflag:s10] =	ssyncadd.s32 $0xFFFFC000  }
0x272: {  	[tilespmem:s24], [sflag:$0x1] =	stream.indirect.gather [hbm4b:s1+s30], $0x80, s18, s30, $0xb8;
	[tilespmem:$0x1F000] =	vst v63  }
0x273: {  	_ =	swait.ge [sflag:s12], $0x4000  }
0x274: {  	[sflag:s12] =	ssyncset.done $0x0  }
0x275: {  	[sflag:s12] =	ssyncadd.s32 $0xFFFFC000  }
0x276: {  	[tilespmem:s31], [sflag:$0x2] =	stream.indirect.gather [hbm4b:s1+s30], $0x80, s20, s30, $0xb8;
	[tilespmem:$0x1F000] =	vst v63  }
0x277: {  	_ =	swait.ge [sflag:s0], $0x4000  }
0x278: {  	[sflag:s0] =	ssyncset.done $0x0  }
0x279: {  	[sflag:s0] =	ssyncadd.s32 $0xFFFFC000  }
0x27a: {  	[spmem:s2] =	stream.indirect.scatter.add.f32 [tilespmem:s24], [sflag:$0x4], $0x80, s21, s30, $0xb8;
	[tilespmem:$0x1F000] =	vst v63  }
0x27b: {  	_ =	swait.ge [sflag:s3], $0x4000  }
0x27c: {  	[sflag:s3] =	ssyncset.done $0x0  }
0x27d: {  	[sflag:s3] =	ssyncadd.s32 $0xFFFFC000  }
0x27e: {  	[spmem:s2] =	stream.indirect.scatter.add.f32 [tilespmem:s31], [sflag:$0x5], $0x80, s22, s30, $0xb8;
	[tilespmem:$0x1F000] =	vst v63  }
0x27f: {  	_ =	swait.ge [sflag:s10], $0x4000  }
0x280: {  	[sflag:s10] =	ssyncset.done $0x0  }
0x281: {  	[sflag:s10] =	ssyncadd.s32 $0xFFFFC000  }
0x282: {  	[tilespmem:s24], [sflag:$0x1] =	stream.indirect.gather [hbm4b:s1+s30], $0x80, s26, s30, $0xb8;
	[tilespmem:$0x1F000] =	vst v63  }
0x283: {  	_ =	swait.ge [sflag:s12], $0x4000  }
0x284: {  	[sflag:s12] =	ssyncset.done $0x0  }
0x285: {  	s20 =	simm.s32 $0x1B80;
	[sflag:s12] =	ssyncadd.s32 $0xFFFFC000  }
0x286: {  	[tilespmem:s31], [sflag:$0x2] =	stream.indirect.gather [hbm4b:s1+s30], $0x80, s20, s30, $0xb8;
	[tilespmem:$0x1F000] =	vst v63  }
0x287: {  	_ =	swait.ge [sflag:s0], $0x4000  }
0x288: {  	[sflag:s0] =	ssyncset.done $0x0  }
0x289: {  	s9 =	simm.s32 $0x2700;
	[sflag:s0] =	ssyncadd.s32 $0xFFFFC000  }
0x28a: {  	[spmem:s2] =	stream.indirect.scatter.add.f32 [tilespmem:s24], [sflag:$0x4], $0x80, s9, s30, $0xb8;
	[tilespmem:$0x1F000] =	vst v63  }
0x28b: {  	_ =	swait.ge [sflag:s3], $0x4000  }
0x28c: {  	[sflag:s3] =	ssyncset.done $0x0  }
0x28d: {  	s20 =	simm.s32 $0x2780;
	[sflag:s3] =	ssyncadd.s32 $0xFFFFC000  }
0x28e: {  	[spmem:s2] =	stream.indirect.scatter.add.f32 [tilespmem:s31], [sflag:$0x5], $0x80, s20, s30, $0xb8;
	[tilespmem:$0x1F000] =	vst v63  }
0x28f: {  	_ =	swait.ge [sflag:s10], $0x4000  }
0x290: {  	[sflag:s10] =	ssyncset.done $0x0  }
0x291: {  	s9 =	simm.s32 $0x1C00;
	[sflag:s10] =	ssyncadd.s32 $0xFFFFC000  }
0x292: {  	[tilespmem:s24], [sflag:$0x1] =	stream.indirect.gather [hbm4b:s1+s30], $0x80, s9, s30, $0xb8;
	[tilespmem:$0x1F000] =	vst v63  }
0x293: {  	_ =	swait.ge [sflag:s12], $0x4000  }
0x294: {  	[sflag:s12] =	ssyncset.done $0x0  }
0x295: {  	s20 =	simm.s32 $0x1C80;
	[sflag:s12] =	ssyncadd.s32 $0xFFFFC000  }
0x296: {  	[tilespmem:s31], [sflag:$0x2] =	stream.indirect.gather [hbm4b:s1+s30], $0x80, s20, s30, $0xb8;
	[tilespmem:$0x1F000] =	vst v63  }
0x297: {  	_ =	swait.ge [sflag:s0], $0x4000  }
0x298: {  	[sflag:s0] =	ssyncset.done $0x0  }
0x299: {  	s9 =	simm.s32 $0x2800;
	[sflag:s0] =	ssyncadd.s32 $0xFFFFC000  }
0x29a: {  	[spmem:s2] =	stream.indirect.scatter.add.f32 [tilespmem:s24], [sflag:$0x4], $0x80, s9, s30, $0xb8;
	[tilespmem:$0x1F000] =	vst v63  }
0x29b: {  	_ =	swait.ge [sflag:s3], $0x4000  }
0x29c: {  	[sflag:s3] =	ssyncset.done $0x0  }
0x29d: {  	s20 =	simm.s32 $0x2880;
	[sflag:s3] =	ssyncadd.s32 $0xFFFFC000  }
0x29e: {  	[spmem:s2] =	stream.indirect.scatter.add.f32 [tilespmem:s31], [sflag:$0x5], $0x80, s20, s30, $0xb8;
	[tilespmem:$0x1F000] =	vst v63  }
0x29f: {  	_ =	swait.ge [sflag:s10], $0x4000  }
0x2a0: {  	[sflag:s10] =	ssyncset.done $0x0  }
0x2a1: {  	s9 =	simm.s32 $0x1D00;
	[sflag:s10] =	ssyncadd.s32 $0xFFFFC000  }
0x2a2: {  	[tilespmem:s24], [sflag:$0x1] =	stream.indirect.gather [hbm4b:s1+s30], $0x80, s9, s30, $0xb8;
	[tilespmem:$0x1F000] =	vst v63  }
0x2a3: {  	_ =	swait.ge [sflag:s12], $0x4000  }
0x2a4: {  	[sflag:s12] =	ssyncset.done $0x0  }
0x2a5: {  	s20 =	simm.s32 $0x1D80;
	[sflag:s12] =	ssyncadd.s32 $0xFFFFC000  }
0x2a6: {  	[tilespmem:s31], [sflag:$0x2] =	stream.indirect.gather [hbm4b:s1+s30], $0x80, s20, s30, $0xb8;
	[tilespmem:$0x1F000] =	vst v63  }
0x2a7: {  	_ =	swait.ge [sflag:s0], $0x4000  }
0x2a8: {  	[sflag:s0] =	ssyncset.done $0x0  }
0x2a9: {  	s9 =	simm.s32 $0x2900;
	[sflag:s0] =	ssyncadd.s32 $0xFFFFC000  }
0x2aa: {  	[spmem:s2] =	stream.indirect.scatter.add.f32 [tilespmem:s24], [sflag:$0x4], $0x80, s9, s30, $0xb8;
	[tilespmem:$0x1F000] =	vst v63  }
0x2ab: {  	_ =	swait.ge [sflag:s3], $0x4000  }
0x2ac: {  	[sflag:s3] =	ssyncset.done $0x0  }
0x2ad: {  	s20 =	simm.s32 $0x2980;
	[sflag:s3] =	ssyncadd.s32 $0xFFFFC000  }
0x2ae: {  	[spmem:s2] =	stream.indirect.scatter.add.f32 [tilespmem:s31], [sflag:$0x5], $0x80, s20, s30, $0xb8;
	[tilespmem:$0x1F000] =	vst v63  }
0x2af: {  	_ =	swait.ge [sflag:s10], $0x4000  }
0x2b0: {  	[sflag:s10] =	ssyncset.done $0x0  }
0x2b1: {  	s9 =	simm.s32 $0x1E00;
	[sflag:s10] =	ssyncadd.s32 $0xFFFFC000  }
0x2b2: {  	[tilespmem:s24], [sflag:$0x1] =	stream.indirect.gather [hbm4b:s1+s30], $0x80, s9, s30, $0xb8;
	[tilespmem:$0x1F000] =	vst v63  }
0x2b3: {  	_ =	swait.ge [sflag:s12], $0x4000  }
0x2b4: {  	[sflag:s12] =	ssyncset.done $0x0  }
0x2b5: {  	s20 =	simm.s32 $0x1E80;
	[sflag:s12] =	ssyncadd.s32 $0xFFFFC000  }
0x2b6: {  	[tilespmem:s31], [sflag:$0x2] =	stream.indirect.gather [hbm4b:s1+s30], $0x80, s20, s30, $0xb8;
	[tilespmem:$0x1F000] =	vst v63  }
0x2b7: {  	_ =	swait.ge [sflag:s0], $0x4000  }
0x2b8: {  	[sflag:s0] =	ssyncset.done $0x0  }
0x2b9: {  	s9 =	simm.s32 $0x2A00;
	[sflag:s0] =	ssyncadd.s32 $0xFFFFC000  }
0x2ba: {  	[spmem:s2] =	stream.indirect.scatter.add.f32 [tilespmem:s24], [sflag:$0x4], $0x80, s9, s30, $0xb8;
	[tilespmem:$0x1F000] =	vst v63  }
0x2bb: {  	_ =	swait.ge [sflag:s3], $0x4000  }
0x2bc: {  	[sflag:s3] =	ssyncset.done $0x0  }
0x2bd: {  	s20 =	simm.s32 $0x2A80;
	[sflag:s3] =	ssyncadd.s32 $0xFFFFC000  }
0x2be: {  	[spmem:s2] =	stream.indirect.scatter.add.f32 [tilespmem:s31], [sflag:$0x5], $0x80, s20, s30, $0xb8;
	[tilespmem:$0x1F000] =	vst v63  }
0x2bf: {  	_ =	swait.ge [sflag:s10], $0x4000  }
0x2c0: {  	[sflag:s10] =	ssyncset.done $0x0  }
0x2c1: {  	s9 =	simm.s32 $0x1F00;
	[sflag:s10] =	ssyncadd.s32 $0xFFFFC000  }
0x2c2: {  	[tilespmem:s24], [sflag:$0x1] =	stream.indirect.gather [hbm4b:s1+s30], $0x80, s9, s30, $0xb8;
	[tilespmem:$0x1F000] =	vst v63  }
0x2c3: {  	_ =	swait.ge [sflag:s12], $0x4000  }
0x2c4: {  	[sflag:s12] =	ssyncset.done $0x0  }
0x2c5: {  	s20 =	simm.s32 $0x1F80;
	[sflag:s12] =	ssyncadd.s32 $0xFFFFC000  }
0x2c6: {  	[tilespmem:s31], [sflag:$0x2] =	stream.indirect.gather [hbm4b:s1+s30], $0x80, s20, s30, $0xb8;
	[tilespmem:$0x1F000] =	vst v63  }
0x2c7: {  	_ =	swait.ge [sflag:s0], $0x4000  }
0x2c8: {  	[sflag:s0] =	ssyncset.done $0x0  }
0x2c9: {  	s9 =	simm.s32 $0x2B00;
	[sflag:s0] =	ssyncadd.s32 $0xFFFFC000  }
0x2ca: {  	[spmem:s2] =	stream.indirect.scatter.add.f32 [tilespmem:s24], [sflag:$0x4], $0x80, s9, s30, $0xb8;
	[tilespmem:$0x1F000] =	vst v63  }
0x2cb: {  	_ =	swait.ge [sflag:s3], $0x4000  }
0x2cc: {  	[sflag:s3] =	ssyncset.done $0x0  }
0x2cd: {  	s20 =	simm.s32 $0x2B80;
	[sflag:s3] =	ssyncadd.s32 $0xFFFFC000  }
0x2ce: {  	[spmem:s2] =	stream.indirect.scatter.add.f32 [tilespmem:s31], [sflag:$0x5], $0x80, s20, s30, $0xb8;
	[tilespmem:$0x1F000] =	vst v63  }
0x2cf: {  	_ =	swait.ge [sflag:s10], $0x4000  }
0x2d0: {  	[sflag:s10] =	ssyncset.done $0x0  }
0x2d1: {  	s9 =	simm.s32 $0x2000;
	[sflag:s10] =	ssyncadd.s32 $0xFFFFC000  }
0x2d2: {  	[tilespmem:s24], [sflag:$0x1] =	stream.indirect.gather [hbm4b:s1+s30], $0x80, s9, s30, $0xb8;
	[tilespmem:$0x1F000] =	vst v63  }
0x2d3: {  	_ =	swait.ge [sflag:s12], $0x4000  }
0x2d4: {  	[sflag:s12] =	ssyncset.done $0x0  }
0x2d5: {  	s20 =	simm.s32 $0x2080;
	[sflag:s12] =	ssyncadd.s32 $0xFFFFC000  }
0x2d6: {  	[tilespmem:s31], [sflag:$0x2] =	stream.indirect.gather [hbm4b:s1+s30], $0x80, s20, s30, $0xb8;
	[tilespmem:$0x1F000] =	vst v63  }
0x2d7: {  	_ =	swait.ge [sflag:s0], $0x4000  }
0x2d8: {  	[sflag:s0] =	ssyncset.done $0x0  }
0x2d9: {  	s9 =	simm.s32 $0x2C00;
	[sflag:s0] =	ssyncadd.s32 $0xFFFFC000  }
0x2da: {  	[spmem:s2] =	stream.indirect.scatter.add.f32 [tilespmem:s24], [sflag:$0x4], $0x80, s9, s30, $0xb8;
	[tilespmem:$0x1F000] =	vst v63  }
0x2db: {  	_ =	swait.ge [sflag:s3], $0x4000  }
0x2dc: {  	[sflag:s3] =	ssyncset.done $0x0  }
0x2dd: {  	s20 =	simm.s32 $0x2C80;
	[sflag:s3] =	ssyncadd.s32 $0xFFFFC000  }
0x2de: {  	[spmem:s2] =	stream.indirect.scatter.add.f32 [tilespmem:s31], [sflag:$0x5], $0x80, s20, s30, $0xb8;
	[tilespmem:$0x1F000] =	vst v63  }
0x2df: {  	_ =	swait.ge [sflag:s10], $0x4000  }
0x2e0: {  	[sflag:s10] =	ssyncset.done $0x0  }
0x2e1: {  	s9 =	simm.s32 $0x2100;
	[sflag:s10] =	ssyncadd.s32 $0xFFFFC000  }
0x2e2: {  	[tilespmem:s24], [sflag:$0x1] =	stream.indirect.gather [hbm4b:s1+s30], $0x80, s9, s30, $0xb8;
	[tilespmem:$0x1F000] =	vst v63  }
0x2e3: {  	_ =	swait.ge [sflag:s12], $0x4000  }
0x2e4: {  	[sflag:s12] =	ssyncset.done $0x0  }
0x2e5: {  	s20 =	simm.s32 $0x2180;
	[sflag:s12] =	ssyncadd.s32 $0xFFFFC000  }
0x2e6: {  	[tilespmem:s31], [sflag:$0x2] =	stream.indirect.gather [hbm4b:s1+s30], $0x80, s20, s30, $0xb8;
	[tilespmem:$0x1F000] =	vst v63  }
0x2e7: {  	_ =	swait.ge [sflag:s0], $0x4000  }
0x2e8: {  	[sflag:s0] =	ssyncset.done $0x0  }
0x2e9: {  	s9 =	simm.s32 $0x2D00;
	[sflag:s0] =	ssyncadd.s32 $0xFFFFC000  }
0x2ea: {  	[spmem:s2] =	stream.indirect.scatter.add.f32 [tilespmem:s24], [sflag:$0x4], $0x80, s9, s30, $0xb8;
	[tilespmem:$0x1F000] =	vst v63  }
0x2eb: {  	_ =	swait.ge [sflag:s3], $0x4000  }
0x2ec: {  	[sflag:s3] =	ssyncset.done $0x0  }
0x2ed: {  	s20 =	simm.s32 $0x2D80;
	[sflag:s3] =	ssyncadd.s32 $0xFFFFC000  }
0x2ee: {  	[spmem:s2] =	stream.indirect.scatter.add.f32 [tilespmem:s31], [sflag:$0x5], $0x80, s20, s30, $0xb8;
	[tilespmem:$0x1F000] =	vst v63  }
0x2ef: {  	_ =	swait.ge [sflag:s10], $0x4000  }
0x2f0: {  	[sflag:s10] =	ssyncset.done $0x0  }
0x2f1: {  	[sflag:s10] =	ssyncadd.s32 $0xFFFFC000  }
0x2f2: {  	_ =	swait.ge [sflag:s12], $0x4000  }
0x2f3: {  	[sflag:s12] =	ssyncset.done $0x0  }
0x2f4: {  	[sflag:s12] =	ssyncadd.s32 $0xFFFFC000  }
0x2f5: {  	[bflag:$0x0] =	sbarrier.arrive $0xFFFF  }
0x2f6: {  	[tilespmem:s24], [sflag:$0x6] =	stream.linear.gather [spmem:s6], $0x4000, $0x38;
	[tilespmem:$0x1F000] =	vst v63  }
0x2f7: {  	_ =	swait.ge [sflag:s25], $0x4000  }
0x2f8: {  	[sflag:s25] =	ssyncset.done $0x0  }
0x2f9: {  	s6 =	rddreg [dreg:$0xc];
	[sflag:s25] =	ssyncadd.s32 $0xFFFFC000  }
0x2fa: {  	[hbm4b:s6+s4] =	stream.linear.scatter [tilespmem:s24], [sflag:$0x1], $0x4000, $0x38;
	[tilespmem:$0x1F000] =	vst v63  }
0x2fb: {  	_ = 	snop  }
0x2fc: {  	[tilespmem:s31], [sflag:$0x6] =	stream.linear.gather [spmem:s7], $0x4000, $0x38;
	[tilespmem:$0x1F000] =	vst v63  }
0x2fd: {  	_ =	swait.ge [sflag:s25], $0x4000  }
0x2fe: {  	[sflag:s25] =	ssyncset.done $0x0  }
0x2ff: {  	s7 =	rddreg [dreg:$0xd];
	[sflag:s25] =	ssyncadd.s32 $0xFFFFC000  }
0x300: {  	[hbm4b:s7+s4] =	stream.linear.scatter [tilespmem:s31], [sflag:$0x2], $0x4000, $0x38;
	[tilespmem:$0x1F000] =	vst v63  }
0x301: {  	_ =	swait.ge [sflag:s0], $0x4000  }
0x302: {  	[sflag:s0] =	ssyncset.done $0x0  }
0x303: {  	[sflag:s0] =	ssyncadd.s32 $0xFFFFC000  }
0x304: {  	[tilespmem:s24], [sflag:$0x6] =	stream.linear.gather [spmem:s8], $0x4000, $0x38;
	[tilespmem:$0x1F000] =	vst v63  }
0x305: {  	_ =	swait.ge [sflag:s25], $0x4000  }
0x306: {  	[sflag:s25] =	ssyncset.done $0x0  }
0x307: {  	s8 =	rddreg [dreg:$0xe];
	[sflag:s25] =	ssyncadd.s32 $0xFFFFC000  }
0x308: {  	[hbm4b:s8+s4] =	stream.linear.scatter [tilespmem:s24], [sflag:$0x1], $0x4000, $0x38;
	[tilespmem:$0x1F000] =	vst v63  }
0x309: {  	_ =	swait.ge [sflag:s3], $0x4000  }
0x30a: {  	[sflag:s3] =	ssyncset.done $0x0  }
0x30b: {  	s20 =	rddreg [dreg:$0x15];
	[sflag:s3] =	ssyncadd.s32 $0xFFFFC000  }
0x30c: {  	[tilespmem:s31], [sflag:$0x6] =	stream.linear.gather [spmem:s20], $0x4000, $0x38;
	[tilespmem:$0x1F000] =	vst v63  }
0x30d: {  	_ =	swait.ge [sflag:s25], $0x4000  }
0x30e: {  	[sflag:s25] =	ssyncset.done $0x0  }
0x30f: {  	s6 =	rddreg [dreg:$0xf];
	[sflag:s25] =	ssyncadd.s32 $0xFFFFC000  }
0x310: {  	[hbm4b:s6+s4] =	stream.linear.scatter [tilespmem:s31], [sflag:$0x2], $0x4000, $0x38;
	[tilespmem:$0x1F000] =	vst v63  }
0x311: {  	_ =	swait.ge [sflag:s0], $0x4000  }
0x312: {  	[sflag:s0] =	ssyncset.done $0x0  }
0x313: {  	s7 =	rddreg [dreg:$0x16];
	[sflag:s0] =	ssyncadd.s32 $0xFFFFC000  }
0x314: {  	[tilespmem:s24], [sflag:$0x6] =	stream.linear.gather [spmem:s7], $0x4000, $0x38;
	[tilespmem:$0x1F000] =	vst v63  }
0x315: {  	_ =	swait.ge [sflag:s25], $0x4000  }
0x316: {  	[sflag:s25] =	ssyncset.done $0x0  }
0x317: {  	s8 =	rddreg [dreg:$0x10];
	[sflag:s25] =	ssyncadd.s32 $0xFFFFC000  }
0x318: {  	[hbm4b:s8+s4] =	stream.linear.scatter [tilespmem:s24], [sflag:$0x1], $0x4000, $0x38;
	[tilespmem:$0x1F000] =	vst v63  }
0x319: {  	_ =	swait.ge [sflag:s0], $0x4000  }
0x31a: {  	[sflag:s0] =	ssyncset.done $0x0  }
0x31b: {  	[sflag:s0] =	ssyncadd.s32 $0xFFFFC000  }
0x31c: {  	_ =	swait.ge [sflag:s3], $0x4000  }
0x31d: {  	s19 =	sadd.s32 $0x1, s19;
	s20 =	rddreg [dreg:$0x11]  }
0x31e: {  	p0 =	sne.s32 s19, s20  }
.Ltmp1:
0x31f: {  	_ = 	snop;
	(pc) =	sbr.rel @p0 .LBB2_1-.Ltmp1, $3  }
0x320: {  	_ =	sdelay $0x1  }
0x321: {  	[sflag:s3] =	ssyncset.done $0x0  }
0x322: {  	[sflag:s3] =	ssyncadd.s32 $0xFFFFC000  }
0x323: {  	_ =	sfence.sel $0x180000  }
0x324: {  	[bflag:$0x0] =	sbarrier.arrive $0xFFFF  }
0x325: {  	_ =	strace $0x9000004D  }
0x326: {  	s0 =	stileid.u32;
	[bflag:$0x2] =	sbarrier.arrive $0xFFFF  }
0x327: {  	p0 =	sne.s32 s0, $0x0;
	s0 =	rddreg [dreg:$0x3]  }
0x328: {  	s0 =	sadd.s32 @!p0 $0x100000, s0  }
0x329: {  	[sflag:s0] =	ssyncadd.tile.s32 @!p0 $0x1;
	_ =	shalt  }
.Lfunc_end2:
_tile_overlayer_lowered:
.L_overlay_start_2:
0x32a: {  	(tag) =	ssettag $0x2  }
0x32b: {  	s0 =	rddreg [dreg:$0x0];
	s2 =	stileid.u32  }
0x32c: {  	s1 =	rddreg [dreg:$0x1];
	p0 =	sne.s32 s2, $0x0  }
0x32d: {  	s3 =	rddreg [dreg:$0x2];
	[bflag:$0x3] =	sbarrier.arrive $0xFFFF;
	s2 =	simm.s32 @!p0 $0x1C06  }
0x32e: {  	[timem:s3], [sflag:s2] =	dma.local @!p0 [hbm:s0], s1  }
0x32f: {  	s0 =	simm.s32 @!p0 $0x6  }
0x330: {  	_ =	swait.ge @!p0 [sflag:s0], s1  }
0x331: {  	s1 =	ssub.s32 @!p0 $0x0, s1;
	[sflag:s0] =	ssyncset.done @!p0 $0x0  }
0x332: {  	[sflag:s0] =	ssyncadd.s32 @!p0 s1  }
0x333: {  	[bflag:$0x3] =	sbarrier.arrive $0xFFFF  }
0x334: {  	_ =	shalt  }

// kernel: kernel.8.cloned.1.call-start
scs
__scs_entry_jumppad:
0x0: {  	(pc) =	sbr.rel $0x88, $3  }
0x1: {  	(tag) =	ssettag $0x0;
	lr =	simm.s32 $0x1  }
0x2: {  	[smem:$0x3F9B] =	sst lr;
	_ =	strace $0xD0000000  }
0x3: {  	_ = 	snop  }
0x4: {  	_ = 	snop  }
0x5: {  	_ = 	snop  }
0x6: {  	_ = 	snop  }
0x7: {  	_ = 	snop  }
__scs_overlays_trampoline_lowered:
0x8: {  	[smem:$0x3FAA] =	sst s0  }
0x9: {  	[smem:$0x3FAB] =	sst s1  }
0xa: {  	[smem:$0x3FAC] =	sst s2  }
0xb: {  	[smem:$0x3FAD] =	sst s3  }
0xc: {  	[smem:$0x3FAE] =	sst s4  }
0xd: {  	[smem:$0x3FAF] =	sst s5  }
0xe: {  	[smem:$0x3FB0] =	sst s6  }
0xf: {  	[smem:$0x3FB1] =	sst s7  }
0x10: {  	[smem:$0x3FB2] =	sst s8  }
0x11: {  	[smem:$0x3FB3] =	sst s9;
	s0 =	simm.s32 @!p0 $0x0  }
0x12: {  	s1 =	sld [smem:$0x3F99];
	s0 =	simm.s32 @p0 $0x1  }
0x13: {  	[smem:$0x3FB4] =	sst s0;
	s0 =	simm.s32 @!p1 $0x0  }
0x14: {  	s2 =	sld [smem:$0x3F98];
	s0 =	simm.s32 @p1 $0x1  }
0x15: {  	[smem:$0x3FB5] =	sst s0;
	s0 =	simm.s32 @!p2 $0x0  }
0x16: {  	s3 =	sld [smem:$0x3FDB];
	s0 =	simm.s32 @p2 $0x1  }
0x17: {  	s4 =	simm.s32 $0x1BF5;
	[smem:$0x3FB7] =	sst s0  }
0x18: {  	s0 =	sld [smem:$0x3F9A];
	_ =	swait.ge [sflag:s4], $0x0  }
0x19: {  	s7 =	sld [smem:$0x3F9B]  }
0x1a: {  	s8 =	sadd.s32 $0xFFFFE003, lr  }
0x1b: {  	s9 =	sadd.s32 $0xFFFFFEF7, lr;
	s5 =	simm.s32 $0xFFFFFFFF;
	p2 =	slt.u32 s8, $0xFFFFF086  }
0x1c: {  	p1 =	slt.u32 s9, $0xF7A;
	s5 =	simm.s32 @!p2 $0x0  }
0x1d: {  	s5 =	simm.s32 @p1 $0x1;
	p0 =	seq.s32 s7, s2  }
0x1e: {  	s7 =	smul.u32 @!p0 $0xF7A, s2;
	p2 =	seq.s32 @!p0 s5, $0x0  }
0x1f: {  	s9 =	smul.u32 $0xF7A, s1;
	s8 =	simm.s32 @!p0 $0x1BF5;
	p2 =	por !p2, p0  }
0x20: {  	[sflag:s8] =	ssyncset.s32 @!p0 $0xFFFFF086;
	s6 =	sadd.s32 @!p0 s3, s7;
	s7 =	simm.s32 @!p0 $0x108  }
0x21: {  	s3 =	sadd.s32 s3, s9;
	s6 =	sadd.s32 @!p0 $0x88, s6;
	s7 =	simm.s32 @p2 $0x1082  }
0x22: {  	[simem:s7], [sflag:s8] =	dma.local @!p0 [hbm:s6], $0xF7A  }
0x23: {  	s9 =	sor.u32 $0xD0000000, s2;
	s6 =	simm.s32 $0x108;
	_ =	swait.ge @!p0 [sflag:s8], $0x0  }
0x24: {  	s3 =	sadd.s32 $0x88, s3;
	s6 =	simm.s32 @!p1 $0x1082;
	[sflag:s4] =	ssyncset.s32 $0xFFFFF086  }
0x25: {  	[simem:s6], [sflag:s4] =	dma.local [hbm:s3], $0xF7A  }
0x26: {  	[smem:$0x3F9B] =	sst s1;
	(tag) =	ssettag s2;
	_ =	strace s9  }
0x27: {  	s1 =	sld [smem:$0x3FAB]  }
0x28: {  	s2 =	sld [smem:$0x3FAC]  }
0x29: {  	s4 =	sld [smem:$0x3FAE]  }
0x2a: {  	p0 =	seq.s32 s5, $0x0;
	s5 =	sld [smem:$0x3FAF]  }
0x2b: {  	s6 =	sld [smem:$0x3FB0]  }
0x2c: {  	s7 =	sld [smem:$0x3FB1]  }
0x2d: {  	s3 =	simm.s32 $0x108;
	s8 =	sld [smem:$0x3FB2]  }
0x2e: {  	s3 =	simm.s32 @!p0 $0x1082;
	s9 =	sld [smem:$0x3FB3]  }
0x2f: {  	lr =	sadd.s32 s0, s3;
	s0 =	sld [smem:$0x3FAA]  }
0x30: {  	s3 =	sld [smem:$0x3FAD]  }
0x31: {  	[smem:$0x3FB6] =	sst s10  }
0x32: {  	s10 =	sld [smem:$0x3FB4];
	_ =	sdelay $0x3  }
0x33: {  	p0 =	seq.s32 s10, $0x1;
	s10 =	sld [smem:$0x3FB6];
	_ =	sdelay $0x3  }
0x34: {  	[smem:$0x3FB6] =	sst s10  }
0x35: {  	s10 =	sld [smem:$0x3FB5];
	_ =	sdelay $0x3  }
0x36: {  	p1 =	seq.s32 s10, $0x1;
	s10 =	sld [smem:$0x3FB6];
	_ =	sdelay $0x3  }
0x37: {  	[smem:$0x3FB6] =	sst s10  }
0x38: {  	s10 =	sld [smem:$0x3FB7]  }
0x39: {  	_ = 	snop;
	(pc) =	sbr.ind lr, $3  }
0x3a: {  	_ = 	snop  }
0x3b: {  	_ = 	snop  }
0x3c: {  	p2 =	seq.s32 s10, $0x1;
	s10 =	sld [smem:$0x3FB6]  }
0x3d: {  	_ =	shalt  }
0x3e: {  	_ =	shalt  }
0x3f: {  	_ =	shalt  }
0x40: {  	_ =	shalt  }
0x41: {  	_ =	shalt  }
0x42: {  	_ =	shalt  }
0x43: {  	_ =	shalt  }
0x44: {  	_ =	shalt  }
0x45: {  	_ =	shalt  }
0x46: {  	_ =	shalt  }
0x47: {  	_ =	shalt  }
0x48: {  	_ =	shalt  }
0x49: {  	_ =	shalt  }
0x4a: {  	_ =	shalt  }
0x4b: {  	_ =	shalt  }
0x4c: {  	_ =	shalt  }
0x4d: {  	_ =	shalt  }
0x4e: {  	_ =	shalt  }
0x4f: {  	_ =	shalt  }
0x50: {  	_ =	shalt  }
0x51: {  	_ =	shalt  }
0x52: {  	_ =	shalt  }
0x53: {  	_ =	shalt  }
0x54: {  	_ =	shalt  }
0x55: {  	_ =	shalt  }
0x56: {  	_ =	shalt  }
0x57: {  	_ =	shalt  }
0x58: {  	_ =	shalt  }
0x59: {  	_ =	shalt  }
0x5a: {  	_ =	shalt  }
0x5b: {  	_ =	shalt  }
0x5c: {  	_ =	shalt  }
0x5d: {  	_ =	shalt  }
0x5e: {  	_ =	shalt  }
0x5f: {  	_ =	shalt  }
0x60: {  	_ =	shalt  }
0x61: {  	_ =	shalt  }
0x62: {  	_ =	shalt  }
0x63: {  	_ =	shalt  }
0x64: {  	_ =	shalt  }
0x65: {  	_ =	shalt  }
0x66: {  	_ =	shalt  }
0x67: {  	_ =	shalt  }
0x68: {  	_ =	shalt  }
0x69: {  	_ =	shalt  }
0x6a: {  	_ =	shalt  }
0x6b: {  	_ =	shalt  }
0x6c: {  	_ =	shalt  }
0x6d: {  	_ =	shalt  }
0x6e: {  	_ =	shalt  }
0x6f: {  	_ =	shalt  }
0x70: {  	_ =	shalt  }
0x71: {  	_ =	shalt  }
0x72: {  	_ =	shalt  }
0x73: {  	_ =	shalt  }
0x74: {  	_ =	shalt  }
0x75: {  	_ =	shalt  }
0x76: {  	_ =	shalt  }
0x77: {  	_ =	shalt  }
0x78: {  	_ =	shalt  }
0x79: {  	_ =	shalt  }
0x7a: {  	_ =	shalt  }
0x7b: {  	_ =	shalt  }
0x7c: {  	_ =	shalt  }
0x7d: {  	_ =	shalt  }
0x7e: {  	_ =	shalt  }
0x7f: {  	_ =	shalt  }
0x80: {  	_ =	shalt  }
0x81: {  	_ =	shalt  }
0x82: {  	_ =	shalt  }
0x83: {  	_ =	shalt  }
0x84: {  	_ =	shalt  }
0x85: {  	_ =	shalt  }
0x86: {  	_ =	shalt  }
0x87: {  	_ =	shalt  }
.Lfunc_end0:
.L_simem_size_0:
called_computation_lowered:
.L_overlay_start_0:
0x88: {  	s2 =	sld [smem:$0x3FD9]  }
0x89: {  	s3 =	sld [smem:$0x3FFE];
	_ =	sdelay $0x1  }
0x8a: {  	s1 =	srdreg.scid  }
0x8b: {  	s0 =	sand.u32 $0x1, s1  }
0x8c: {  	s17 =	sshll.u32 s0, $0xA;
	s2 =	sadd.s32 s3, s2  }
0x8d: {  	s2 =	sadd.s32 s2, s17  }
0x8e: {  	[smem:$0x3FC2] =	sst s2  }
0x8f: {  	_ = 	snop  }
0x90: {  	s2 =	sld [smem:$0x3FD0];
	(tm) =	ssettm $0x1  }
0x91: {  	s18 =	sld [smem:$0x3FFB];
	_ =	sdelay $0x3  }
0x92: {  	_ =	strace s18  }
0x93: {  	s3 =	sld [smem:$0x3FFC];
	_ =	sdelay $0x3  }
0x94: {  	_ =	strace s3  }
0x95: {  	s3 =	sld [smem:$0x3FFD];
	_ =	sdelay $0x3  }
0x96: {  	_ =	strace s3  }
0x97: {  	_ =	strace $0x8FFFFFFF  }
0x98: {  	s19 =	sld [smem:$0x3FDB];
	_ =	sdelay $0x1  }
0x99: {  	s4 =	simm.s32 $_scs_section_size  }
0x9a: {  	s5 =	simm.s32 $_size__tile_overlayer_lowered;
	s6 =	simm.s32 $_tile_overlayer_lowered  }
0x9b: {  	s22 =	simm.s32 $0x1BFF;
	s21 =	sshll.u32 s6, $0x1;
	s3 =	sadd.s32 s4, s19  }
0x9c: {  	s7 =	simm.s32 $0x0;
	s20 =	sshll.u32 s5, $0x1;
	s5 =	sadd.s32 s21, s3  }
0x9d: {  	[timem:s7], [sflag:s22] =	dma.local [hbm:s5], s20  }
0x9e: {  	_ =	swait.ge [sflag:s22], s20  }
0x9f: {  	s4 =	ssub.s32 $0x0, s20;
	[sflag:s22] =	ssyncset.done $0x0  }
0xa0: {  	[sflag:s22] =	ssyncadd.s32 s4;
	_ =	sdelay $0x1  }
0xa1: {  	s23 =	simm.s32 $0x1B8B  }
0xa2: {  	_ =	swait.ge [sflag:s23], $0x1  }
0xa3: {  	[sflag:s23] =	ssyncset.done $0x0  }
0xa4: {  	s25 =	simm.s32 $0x1B8E;
	s24 =	sld [smem:$0x3FFE];
	[sflag:s23] =	ssyncadd.s32 $0xFFFFFFFF  }
0xa5: {  	s26 =	simm.s32 $execute0_lowered;
	[smem:$0x3FD2] =	sst s25  }
0xa6: {  	s5 =	sshll.u32 s26, $0x1;
	_ =	strace $0x80000046;
	[dreg:$0x1] =	wrdreg $0xFFFFFFFF  }
0xa7: {  	s28 =	simm.s32 $_size_execute0_lowered;
	s3 =	sadd.s32 s3, s5;
	[dreg:$0x0] =	wrdreg $0x0  }
0xa8: {  	s5 =	sshll.u32 s28, $0x1;
	[dreg:$0x2] =	wrdreg s3  }
0xa9: {  	[dreg:$0x3] =	wrdreg s5  }
0xaa: {  	[dreg:$0x4] =	wrdreg $0xC0  }
0xab: {  	_ =	task [dreg:s7], $0x5FFFF  }
0xac: {  	[dreg:$0x1] =	wrdreg $0xFFFFFFFF  }
0xad: {  	[dreg:$0x0] =	wrdreg $0x60  }
0xae: {  	[dreg:$0x2] =	wrdreg s24  }
0xaf: {  	[dreg:$0x3] =	wrdreg s2  }
0xb0: {  	[dreg:$0x4] =	wrdreg $0x1B000  }
0xb1: {  	[dreg:$0x5] =	wrdreg $0x9  }
0xb2: {  	_ =	task.clear_ibuf [dreg:s7], $0x6FFFF;
	_ =	strace $0x90000046  }
0xb3: {  	s29 =	simm.s32 $0x9;
	_ =	strace $0x80000048  }
0xb4: {  	_ =	swait.ge [sflag:s29], $0x1  }
0xb5: {  	[sflag:s29] =	ssyncadd.s32 $0xFFFFFFFF  }
0xb6: {  	_ =	strace $0x90000048  }
0xb7: {  	_ =	sfence  }
0xb8: {  	s30 =	sld [smem:$0x0];
	_ =	sdelay $0x2  }
0xb9: {  	s31 =	sshll.u32 s1, $0xD;
	s1 =	sshrl.u32 s1, $0x2  }
0xba: {  	s3 =	sand.u32 $0x4000, s31;
	s1 =	sadd.s32 s1, s30  }
0xbb: {  	s0 =	sor.u32 s3, s0;
	s1 =	sshll.u32 s1, $0x11  }
0xbc: {  	s0 =	sor.u32 s1, s0  }
0xbd: {  	s0 =	sadd.s32 $0x8F2B, s0  }
0xbe: {  	[sflag:s0] =	ssyncadd.remote.s32 $0x1  }
0xbf: {  	_ =	sfence.sel $0xFFFF  }
0xc0: {  	[dreg:$0x0] =	wrdreg $0xFFFFFFFF;
	(pc) =	sbr.abs _section_cstart, $3  }
0xc1: {  	[dreg:$0x1] =	wrdreg $0xFFFFFFFF  }
0xc2: {  	_ =	task.clear_ibuf [dreg:s7], $0x2FFFF;
	_ =	strace $0x9FFFFFFF  }
0xc3: {  	(tm) =	ssettm $0x7FFFFFFF  }
tec
execute0_lowered:
.L_overlay_start_1:
0x0: {  	(tag) =	ssettag $0x1  }
0x1: {  	s3 =	rddreg [dreg:$0x0]  }
0x2: {  	s0 =	rddreg [dreg:$0x1];
	s4 =	simm.s32 $0x0  }
0x3: {  	v0 =	vimm.f32 $0.0e+00;
	[smem:$0x7FF] =	sst s4  }
0x4: {  	s1 =	rddreg [dreg:$0x2];
	_ =	strace $0x80000047;
	[tilespmem:$0x18A0] =	vst v0  }
0x5: {  	[tilespmem:$0x18B0] =	vst v0  }
0x6: {  	[tilespmem:$0x18C0] =	vst v0  }
0x7: {  	[tilespmem:$0x18D0] =	vst v0  }
0x8: {  	[tilespmem:$0x18E0] =	vst v0  }
0x9: {  	[tilespmem:$0x18F0] =	vst v0  }
0xa: {  	[tilespmem:$0x1900] =	vst v0  }
0xb: {  	[tilespmem:$0x1910] =	vst v0  }
0xc: {  	[tilespmem:$0x1920] =	vst v0  }
0xd: {  	[tilespmem:$0x1930] =	vst v0  }
0xe: {  	[tilespmem:$0x1940] =	vst v0  }
0xf: {  	[tilespmem:$0x1950] =	vst v0  }
0x10: {  	[tilespmem:$0x1960] =	vst v0  }
0x11: {  	[tilespmem:$0x1970] =	vst v0  }
0x12: {  	[tilespmem:$0x1980] =	vst v0  }
0x13: {  	[tilespmem:$0x1990] =	vst v0  }
0x14: {  	[tilespmem:$0x19A0] =	vst v0  }
0x15: {  	[tilespmem:$0x19B0] =	vst v0  }
0x16: {  	[tilespmem:$0x19C0] =	vst v0  }
0x17: {  	[tilespmem:$0x19D0] =	vst v0  }
0x18: {  	[tilespmem:$0x19E0] =	vst v0  }
0x19: {  	[tilespmem:$0x19F0] =	vst v0  }
0x1a: {  	v1 =	vimm.f32 $1.000000000e+00;
	[tilespmem:$0x1880] =	vst v0  }
0x1b: {  	[tilespmem:$0x1870] =	vst v1  }
0x1c: {  	[tilespmem:$0x1860] =	vst v1  }
0x1d: {  	[tilespmem:$0x1850] =	vst v1  }
0x1e: {  	[tilespmem:$0x1840] =	vst v1  }
0x1f: {  	[tilespmem:$0x1830] =	vst v1  }
0x20: {  	[tilespmem:$0x1820] =	vst v1  }
0x21: {  	[tilespmem:$0x1810] =	vst v1  }
0x22: {  	[tilespmem:$0x1800] =	vst v1  }
0x23: {  	[tilespmem:$0x1AF0] =	vst v0  }
0x24: {  	[tilespmem:$0x1AE0] =	vst v0  }
0x25: {  	[tilespmem:$0x1AD0] =	vst v0  }
0x26: {  	[tilespmem:$0x1AC0] =	vst v0  }
0x27: {  	[tilespmem:$0x1AB0] =	vst v0  }
0x28: {  	[tilespmem:$0x1AA0] =	vst v0  }
0x29: {  	[tilespmem:$0x1A90] =	vst v0  }
0x2a: {  	[tilespmem:$0x1A80] =	vst v0  }
0x2b: {  	[tilespmem:$0x1A70] =	vst v0  }
0x2c: {  	[tilespmem:$0x1A60] =	vst v0  }
0x2d: {  	[tilespmem:$0x1A50] =	vst v0  }
0x2e: {  	[tilespmem:$0x1A40] =	vst v0  }
0x2f: {  	s2 =	srdreg.scid;
	s5 =	stileid.u32;
	[tilespmem:$0x1A30] =	vst v0  }
0x30: {  	s6 =	sand.u32 $0x1, s2;
	s20 =	sshll.u32 s5, $0x1;
	s21 =	smul.u32 $0x280, s5;
	[tilespmem:$0x1A20] =	vst v0  }
0x31: {  	s2 =	sor.u32 s6, s20;
	[dreg:$0xa] =	wrdreg s6;
	s6 =	smul.u32 $0x2800, s6;
	[tilespmem:$0x1A10] =	vst v0  }
0x32: {  	s26 =	simm.s32 $0x1880;
	[tilespmem:$0x1A00] =	vst v0  }
0x33: {  	[tilespmem:$0x1890] =	vst v0;
	s2 =	smul.u32 $0x3000, s2;
	s7 =	sadd.s32 s21, s1;
	s6 =	sadd.s32 s21, s6  }
0x34: {  	[spmem:s7] =	stream.linear.scatter [tilespmem:s26], [sflag:$0x3], $0x280, $0x38;
	[tilespmem:$0x1D80] =	vst v63  }
0x35: {  	s2 =	sshrl.u32 s2, $0x3;
	s25 =	sshrl.u32 s6, $0x3  }
0x36: {  	s3 =	sadd.s32 s2, s3;
	s0 =	sadd.s32 s0, s25  }
0x37: {  	s22 =	sadd.s32 $0x2800, s3;
	[dreg:$0x8] =	wrdreg s0  }
0x38: {  	s23 =	sadd.s32 $0x2980, s3;
	[dreg:$0x4] =	wrdreg s22  }
0x39: {  	s24 =	sadd.s32 $0x2B00, s3;
	[dreg:$0x5] =	wrdreg s23  }
0x3a: {  	s3 =	sadd.s32 $0x2C80, s3;
	[dreg:$0x6] =	wrdreg s24  }
0x3b: {  	s5 =	simm.s32 $0x3;
	[dreg:$0x7] =	wrdreg s3  }
0x3c: {  	_ =	swait.ge [sflag:s5], $0x280  }
0x3d: {  	[sflag:s5] =	ssyncset.done $0x0  }
0x3e: {  	[sflag:s5] =	ssyncadd.s32 $0xFFFFFD80  }
0x3f: {  	[bflag:$0x0] =	sbarrier.arrive $0xFFFF  }
0x40: {  	s28 =	rddreg [dreg:$0x4]  }
0x41: {  	[tilespmem:s4], [sflag:$0x3] =	stream.linear.gather [hbm4b:s28+s4], $0xA00, $0x38;
	[tilespmem:$0x1D80] =	vst v63  }
0x42: {  	_ =	swait.ge [sflag:s5], $0xA00  }
0x43: {  	[sflag:s5] =	ssyncset.done $0x0  }
0x44: {  	s25 =	simm.s32 $0xC00;
	s31 =	rddreg [dreg:$0x5];
	[sflag:s5] =	ssyncadd.s32 $0xFFFFF600  }
0x45: {  	[tilespmem:s25], [sflag:$0x2] =	stream.linear.gather [hbm4b:s31+s4], $0xA00, $0x38;
	[tilespmem:$0x1D80] =	vst v63  }
0x46: {  	s8 =	simm.s32 $0x80;
	s9 =	simm.s32 $0x1800  }
0x47: {  	[spmem:s1] =	stream.indirect.scatter.add.f32 [tilespmem:s9], [sflag:$0x1], $0x1, s4, s8, $0xb8;
	[tilespmem:$0x1D80] =	vst v63  }
0x48: {  	_ = 	snop  }
0x49: {  	[spmem:s1] =	stream.indirect.scatter.add.f32 [tilespmem:s9], [sflag:$0x1], $0x1, s8, s8, $0xb8;
	[tilespmem:$0x1D80] =	vst v63  }
0x4a: {  	s2 =	simm.s32 $0x100  }
0x4b: {  	[spmem:s1] =	stream.indirect.scatter.add.f32 [tilespmem:s9], [sflag:$0x1], $0x1, s2, s8, $0xb8;
	[tilespmem:$0x1D80] =	vst v63  }
0x4c: {  	s3 =	simm.s32 $0x180  }
0x4d: {  	[spmem:s1] =	stream.indirect.scatter.add.f32 [tilespmem:s9], [sflag:$0x1], $0x1, s3, s8, $0xb8;
	[tilespmem:$0x1D80] =	vst v63  }
0x4e: {  	s6 =	simm.s32 $0x200  }
0x4f: {  	[spmem:s1] =	stream.indirect.scatter.add.f32 [tilespmem:s9], [sflag:$0x1], $0x1, s6, s8, $0xb8;
	[tilespmem:$0x1D80] =	vst v63  }
0x50: {  	s10 =	simm.s32 $0x280  }
0x51: {  	[spmem:s1] =	stream.indirect.scatter.add.f32 [tilespmem:s9], [sflag:$0x1], $0x1, s10, s8, $0xb8;
	[tilespmem:$0x1D80] =	vst v63  }
0x52: {  	s11 =	simm.s32 $0x300  }
0x53: {  	[spmem:s1] =	stream.indirect.scatter.add.f32 [tilespmem:s9], [sflag:$0x1], $0x1, s11, s8, $0xb8;
	[tilespmem:$0x1D80] =	vst v63  }
0x54: {  	s12 =	simm.s32 $0x380  }
0x55: {  	[spmem:s1] =	stream.indirect.scatter.add.f32 [tilespmem:s9], [sflag:$0x1], $0x1, s12, s8, $0xb8;
	[tilespmem:$0x1D80] =	vst v63  }
0x56: {  	s13 =	simm.s32 $0x400  }
0x57: {  	[spmem:s1] =	stream.indirect.scatter.add.f32 [tilespmem:s9], [sflag:$0x1], $0x1, s13, s8, $0xb8;
	[tilespmem:$0x1D80] =	vst v63  }
0x58: {  	s14 =	simm.s32 $0x480  }
0x59: {  	[spmem:s1] =	stream.indirect.scatter.add.f32 [tilespmem:s9], [sflag:$0x1], $0x1, s14, s8, $0xb8;
	[tilespmem:$0x1D80] =	vst v63  }
0x5a: {  	s15 =	simm.s32 $0x500  }
0x5b: {  	[spmem:s1] =	stream.indirect.scatter.add.f32 [tilespmem:s9], [sflag:$0x1], $0x1, s15, s8, $0xb8;
	[tilespmem:$0x1D80] =	vst v63  }
0x5c: {  	s16 =	simm.s32 $0x580  }
0x5d: {  	[spmem:s1] =	stream.indirect.scatter.add.f32 [tilespmem:s9], [sflag:$0x1], $0x1, s16, s8, $0xb8;
	[tilespmem:$0x1D80] =	vst v63  }
0x5e: {  	s17 =	simm.s32 $0x600  }
0x5f: {  	[spmem:s1] =	stream.indirect.scatter.add.f32 [tilespmem:s9], [sflag:$0x1], $0x1, s17, s8, $0xb8;
	[tilespmem:$0x1D80] =	vst v63  }
0x60: {  	s18 =	simm.s32 $0x680  }
0x61: {  	[spmem:s1] =	stream.indirect.scatter.add.f32 [tilespmem:s9], [sflag:$0x1], $0x1, s18, s8, $0xb8;
	[tilespmem:$0x1D80] =	vst v63  }
0x62: {  	s19 =	simm.s32 $0x700  }
0x63: {  	[spmem:s1] =	stream.indirect.scatter.add.f32 [tilespmem:s9], [sflag:$0x1], $0x1, s19, s8, $0xb8;
	[tilespmem:$0x1D80] =	vst v63  }
0x64: {  	s20 =	simm.s32 $0x780  }
0x65: {  	[spmem:s1] =	stream.indirect.scatter.add.f32 [tilespmem:s9], [sflag:$0x1], $0x1, s20, s8, $0xb8;
	[tilespmem:$0x1D80] =	vst v63  }
0x66: {  	s21 =	simm.s32 $0x800  }
0x67: {  	[spmem:s1] =	stream.indirect.scatter.add.f32 [tilespmem:s9], [sflag:$0x1], $0x1, s21, s8, $0xb8;
	[tilespmem:$0x1D80] =	vst v63  }
0x68: {  	s22 =	simm.s32 $0x880  }
0x69: {  	[spmem:s1] =	stream.indirect.scatter.add.f32 [tilespmem:s9], [sflag:$0x1], $0x1, s22, s8, $0xb8;
	[tilespmem:$0x1D80] =	vst v63  }
0x6a: {  	s31 =	simm.s32 $0x900  }
0x6b: {  	[spmem:s1] =	stream.indirect.scatter.add.f32 [tilespmem:s9], [sflag:$0x1], $0x1, s31, s8, $0xb8;
	[tilespmem:$0x1D80] =	vst v63  }
0x6c: {  	s29 =	simm.s32 $0x1;
	s28 =	simm.s32 $0x980  }
0x6d: {  	[spmem:s1] =	stream.indirect.scatter.add.f32 [tilespmem:s9], [sflag:$0x1], $0x1, s28, s8, $0xb8;
	[tilespmem:$0x1D80] =	vst v63  }
0x6e: {  	_ =	swait.ge [sflag:s29], $0x80  }
0x6f: {  	[sflag:s29] =	ssyncset.done $0x0  }
0x70: {  	[sflag:s29] =	ssyncadd.s32 $0xFFFFFF80  }
0x71: {  	_ =	swait.ge [sflag:s29], $0x80  }
0x72: {  	[sflag:s29] =	ssyncset.done $0x0  }
0x73: {  	[sflag:s29] =	ssyncadd.s32 $0xFFFFFF80  }
0x74: {  	_ =	swait.ge [sflag:s29], $0x80  }
0x75: {  	[sflag:s29] =	ssyncset.done $0x0  }
0x76: {  	[sflag:s29] =	ssyncadd.s32 $0xFFFFFF80  }
0x77: {  	_ =	swait.ge [sflag:s29], $0x80  }
0x78: {  	[sflag:s29] =	ssyncset.done $0x0  }
0x79: {  	[sflag:s29] =	ssyncadd.s32 $0xFFFFFF80  }
0x7a: {  	_ =	swait.ge [sflag:s29], $0x80  }
0x7b: {  	[sflag:s29] =	ssyncset.done $0x0  }
0x7c: {  	[sflag:s29] =	ssyncadd.s32 $0xFFFFFF80  }
0x7d: {  	_ =	swait.ge [sflag:s29], $0x80  }
0x7e: {  	[sflag:s29] =	ssyncset.done $0x0  }
0x7f: {  	[sflag:s29] =	ssyncadd.s32 $0xFFFFFF80  }
0x80: {  	_ =	swait.ge [sflag:s29], $0x80  }
0x81: {  	[sflag:s29] =	ssyncset.done $0x0  }
0x82: {  	[sflag:s29] =	ssyncadd.s32 $0xFFFFFF80  }
0x83: {  	_ =	swait.ge [sflag:s29], $0x80  }
0x84: {  	[sflag:s29] =	ssyncset.done $0x0  }
0x85: {  	[sflag:s29] =	ssyncadd.s32 $0xFFFFFF80  }
0x86: {  	_ =	swait.ge [sflag:s29], $0x80  }
0x87: {  	[sflag:s29] =	ssyncset.done $0x0  }
0x88: {  	[sflag:s29] =	ssyncadd.s32 $0xFFFFFF80  }
0x89: {  	_ =	swait.ge [sflag:s29], $0x80  }
0x8a: {  	[sflag:s29] =	ssyncset.done $0x0  }
0x8b: {  	[sflag:s29] =	ssyncadd.s32 $0xFFFFFF80  }
0x8c: {  	_ =	swait.ge [sflag:s29], $0x80  }
0x8d: {  	[sflag:s29] =	ssyncset.done $0x0  }
0x8e: {  	[sflag:s29] =	ssyncadd.s32 $0xFFFFFF80  }
0x8f: {  	_ =	swait.ge [sflag:s29], $0x80  }
0x90: {  	[sflag:s29] =	ssyncset.done $0x0  }
0x91: {  	[sflag:s29] =	ssyncadd.s32 $0xFFFFFF80  }
0x92: {  	_ =	swait.ge [sflag:s29], $0x80  }
0x93: {  	[sflag:s29] =	ssyncset.done $0x0  }
0x94: {  	[sflag:s29] =	ssyncadd.s32 $0xFFFFFF80  }
0x95: {  	_ =	swait.ge [sflag:s29], $0x80  }
0x96: {  	[sflag:s29] =	ssyncset.done $0x0  }
0x97: {  	[sflag:s29] =	ssyncadd.s32 $0xFFFFFF80  }
0x98: {  	_ =	swait.ge [sflag:s29], $0x80  }
0x99: {  	[sflag:s29] =	ssyncset.done $0x0  }
0x9a: {  	[sflag:s29] =	ssyncadd.s32 $0xFFFFFF80  }
0x9b: {  	_ =	swait.ge [sflag:s29], $0x80  }
0x9c: {  	[sflag:s29] =	ssyncset.done $0x0  }
0x9d: {  	[sflag:s29] =	ssyncadd.s32 $0xFFFFFF80  }
0x9e: {  	_ =	swait.ge [sflag:s29], $0x80  }
0x9f: {  	[sflag:s29] =	ssyncset.done $0x0  }
0xa0: {  	[sflag:s29] =	ssyncadd.s32 $0xFFFFFF80  }
0xa1: {  	_ =	swait.ge [sflag:s29], $0x80  }
0xa2: {  	[sflag:s29] =	ssyncset.done $0x0  }
0xa3: {  	[sflag:s29] =	ssyncadd.s32 $0xFFFFFF80  }
0xa4: {  	_ =	swait.ge [sflag:s29], $0x80  }
0xa5: {  	[sflag:s29] =	ssyncset.done $0x0  }
0xa6: {  	[sflag:s29] =	ssyncadd.s32 $0xFFFFFF80  }
0xa7: {  	_ =	swait.ge [sflag:s29], $0x80  }
0xa8: {  	[sflag:s29] =	ssyncset.done $0x0  }
0xa9: {  	s30 =	simm.s32 $0x2;
	[sflag:s29] =	ssyncadd.s32 $0xFFFFFF80  }
0xaa: {  	_ =	swait.ge [sflag:s30], $0xA00  }
0xab: {  	[sflag:s30] =	ssyncset.done $0x0  }
0xac: {  	s23 =	rddreg [dreg:$0x6];
	[sflag:s30] =	ssyncadd.s32 $0xFFFFF600  }
0xad: {  	[tilespmem:s4], [sflag:$0x2] =	stream.linear.gather [hbm4b:s23+s4], $0xA00, $0x38;
	[tilespmem:$0x1D80] =	vst v63  }
0xae: {  	_ = 	snop  }
0xaf: {  	[spmem:s1] =	stream.indirect.scatter.add.f32 [tilespmem:s9], [sflag:$0x1], $0x1, s25, s8, $0xb8;
	[tilespmem:$0x1D80] =	vst v63  }
0xb0: {  	s24 =	simm.s32 $0xC80  }
0xb1: {  	[spmem:s1] =	stream.indirect.scatter.add.f32 [tilespmem:s9], [sflag:$0x1], $0x1, s24, s8, $0xb8;
	[tilespmem:$0x1D80] =	vst v63  }
0xb2: {  	s23 =	simm.s32 $0xD00  }
0xb3: {  	[spmem:s1] =	stream.indirect.scatter.add.f32 [tilespmem:s9], [sflag:$0x1], $0x1, s23, s8, $0xb8;
	[tilespmem:$0x1D80] =	vst v63  }
0xb4: {  	s22 =	simm.s32 $0xD80  }
0xb5: {  	[spmem:s1] =	stream.indirect.scatter.add.f32 [tilespmem:s9], [sflag:$0x1], $0x1, s22, s8, $0xb8;
	[tilespmem:$0x1D80] =	vst v63  }
0xb6: {  	s21 =	simm.s32 $0xE00  }
0xb7: {  	[spmem:s1] =	stream.indirect.scatter.add.f32 [tilespmem:s9], [sflag:$0x1], $0x1, s21, s8, $0xb8;
	[tilespmem:$0x1D80] =	vst v63  }
0xb8: {  	s20 =	simm.s32 $0xE80  }
0xb9: {  	[spmem:s1] =	stream.indirect.scatter.add.f32 [tilespmem:s9], [sflag:$0x1], $0x1, s20, s8, $0xb8;
	[tilespmem:$0x1D80] =	vst v63  }
0xba: {  	s19 =	simm.s32 $0xF00  }
0xbb: {  	[spmem:s1] =	stream.indirect.scatter.add.f32 [tilespmem:s9], [sflag:$0x1], $0x1, s19, s8, $0xb8;
	[tilespmem:$0x1D80] =	vst v63  }
0xbc: {  	s18 =	simm.s32 $0xF80  }
0xbd: {  	[spmem:s1] =	stream.indirect.scatter.add.f32 [tilespmem:s9], [sflag:$0x1], $0x1, s18, s8, $0xb8;
	[tilespmem:$0x1D80] =	vst v63  }
0xbe: {  	s17 =	simm.s32 $0x1000  }
0xbf: {  	[spmem:s1] =	stream.indirect.scatter.add.f32 [tilespmem:s9], [sflag:$0x1], $0x1, s17, s8, $0xb8;
	[tilespmem:$0x1D80] =	vst v63  }
0xc0: {  	s16 =	simm.s32 $0x1080  }
0xc1: {  	[spmem:s1] =	stream.indirect.scatter.add.f32 [tilespmem:s9], [sflag:$0x1], $0x1, s16, s8, $0xb8;
	[tilespmem:$0x1D80] =	vst v63  }
0xc2: {  	s15 =	simm.s32 $0x1100  }
0xc3: {  	[spmem:s1] =	stream.indirect.scatter.add.f32 [tilespmem:s9], [sflag:$0x1], $0x1, s15, s8, $0xb8;
	[tilespmem:$0x1D80] =	vst v63  }
0xc4: {  	s14 =	simm.s32 $0x1180  }
0xc5: {  	[spmem:s1] =	stream.indirect.scatter.add.f32 [tilespmem:s9], [sflag:$0x1], $0x1, s14, s8, $0xb8;
	[tilespmem:$0x1D80] =	vst v63  }
0xc6: {  	s13 =	simm.s32 $0x1200  }
0xc7: {  	[spmem:s1] =	stream.indirect.scatter.add.f32 [tilespmem:s9], [sflag:$0x1], $0x1, s13, s8, $0xb8;
	[tilespmem:$0x1D80] =	vst v63  }
0xc8: {  	s12 =	simm.s32 $0x1280  }
0xc9: {  	[spmem:s1] =	stream.indirect.scatter.add.f32 [tilespmem:s9], [sflag:$0x1], $0x1, s12, s8, $0xb8;
	[tilespmem:$0x1D80] =	vst v63  }
0xca: {  	s11 =	simm.s32 $0x1300  }
0xcb: {  	[spmem:s1] =	stream.indirect.scatter.add.f32 [tilespmem:s9], [sflag:$0x1], $0x1, s11, s8, $0xb8;
	[tilespmem:$0x1D80] =	vst v63  }
0xcc: {  	s10 =	simm.s32 $0x1380  }
0xcd: {  	[spmem:s1] =	stream.indirect.scatter.add.f32 [tilespmem:s9], [sflag:$0x1], $0x1, s10, s8, $0xb8;
	[tilespmem:$0x1D80] =	vst v63  }
0xce: {  	s6 =	simm.s32 $0x1400  }
0xcf: {  	[spmem:s1] =	stream.indirect.scatter.add.f32 [tilespmem:s9], [sflag:$0x1], $0x1, s6, s8, $0xb8;
	[tilespmem:$0x1D80] =	vst v63  }
0xd0: {  	s3 =	simm.s32 $0x1480  }
0xd1: {  	[spmem:s1] =	stream.indirect.scatter.add.f32 [tilespmem:s9], [sflag:$0x1], $0x1, s3, s8, $0xb8;
	[tilespmem:$0x1D80] =	vst v63  }
0xd2: {  	s2 =	simm.s32 $0x1500  }
0xd3: {  	[spmem:s1] =	stream.indirect.scatter.add.f32 [tilespmem:s9], [sflag:$0x1], $0x1, s2, s8, $0xb8;
	[tilespmem:$0x1D80] =	vst v63  }
0xd4: {  	s0 =	simm.s32 $0x1580  }
0xd5: {  	[spmem:s1] =	stream.indirect.scatter.add.f32 [tilespmem:s9], [sflag:$0x1], $0x1, s0, s8, $0xb8;
	[tilespmem:$0x1D80] =	vst v63  }
0xd6: {  	_ =	swait.ge [sflag:s29], $0x80  }
0xd7: {  	[sflag:s29] =	ssyncset.done $0x0  }
0xd8: {  	[sflag:s29] =	ssyncadd.s32 $0xFFFFFF80  }
0xd9: {  	_ =	swait.ge [sflag:s29], $0x80  }
0xda: {  	[sflag:s29] =	ssyncset.done $0x0  }
0xdb: {  	[sflag:s29] =	ssyncadd.s32 $0xFFFFFF80  }
0xdc: {  	_ =	swait.ge [sflag:s29], $0x80  }
0xdd: {  	[sflag:s29] =	ssyncset.done $0x0  }
0xde: {  	[sflag:s29] =	ssyncadd.s32 $0xFFFFFF80  }
0xdf: {  	_ =	swait.ge [sflag:s29], $0x80  }
0xe0: {  	[sflag:s29] =	ssyncset.done $0x0  }
0xe1: {  	[sflag:s29] =	ssyncadd.s32 $0xFFFFFF80  }
0xe2: {  	_ =	swait.ge [sflag:s29], $0x80  }
0xe3: {  	[sflag:s29] =	ssyncset.done $0x0  }
0xe4: {  	[sflag:s29] =	ssyncadd.s32 $0xFFFFFF80  }
0xe5: {  	_ =	swait.ge [sflag:s29], $0x80  }
0xe6: {  	[sflag:s29] =	ssyncset.done $0x0  }
0xe7: {  	[sflag:s29] =	ssyncadd.s32 $0xFFFFFF80  }
0xe8: {  	_ =	swait.ge [sflag:s29], $0x80  }
0xe9: {  	[sflag:s29] =	ssyncset.done $0x0  }
0xea: {  	[sflag:s29] =	ssyncadd.s32 $0xFFFFFF80  }
0xeb: {  	_ =	swait.ge [sflag:s29], $0x80  }
0xec: {  	[sflag:s29] =	ssyncset.done $0x0  }
0xed: {  	[sflag:s29] =	ssyncadd.s32 $0xFFFFFF80  }
0xee: {  	_ =	swait.ge [sflag:s29], $0x80  }
0xef: {  	[sflag:s29] =	ssyncset.done $0x0  }
0xf0: {  	[sflag:s29] =	ssyncadd.s32 $0xFFFFFF80  }
0xf1: {  	_ =	swait.ge [sflag:s29], $0x80  }
0xf2: {  	[sflag:s29] =	ssyncset.done $0x0  }
0xf3: {  	[sflag:s29] =	ssyncadd.s32 $0xFFFFFF80  }
0xf4: {  	_ =	swait.ge [sflag:s29], $0x80  }
0xf5: {  	[sflag:s29] =	ssyncset.done $0x0  }
0xf6: {  	[sflag:s29] =	ssyncadd.s32 $0xFFFFFF80  }
0xf7: {  	_ =	swait.ge [sflag:s29], $0x80  }
0xf8: {  	[sflag:s29] =	ssyncset.done $0x0  }
0xf9: {  	[sflag:s29] =	ssyncadd.s32 $0xFFFFFF80  }
0xfa: {  	_ =	swait.ge [sflag:s29], $0x80  }
0xfb: {  	[sflag:s29] =	ssyncset.done $0x0  }
0xfc: {  	[sflag:s29] =	ssyncadd.s32 $0xFFFFFF80  }
0xfd: {  	_ =	swait.ge [sflag:s29], $0x80  }
0xfe: {  	[sflag:s29] =	ssyncset.done $0x0  }
0xff: {  	[sflag:s29] =	ssyncadd.s32 $0xFFFFFF80  }
0x100: {  	_ =	swait.ge [sflag:s29], $0x80  }
0x101: {  	[sflag:s29] =	ssyncset.done $0x0  }
0x102: {  	[sflag:s29] =	ssyncadd.s32 $0xFFFFFF80  }
0x103: {  	_ =	swait.ge [sflag:s29], $0x80  }
0x104: {  	[sflag:s29] =	ssyncset.done $0x0  }
0x105: {  	[sflag:s29] =	ssyncadd.s32 $0xFFFFFF80  }
0x106: {  	_ =	swait.ge [sflag:s29], $0x80  }
0x107: {  	[sflag:s29] =	ssyncset.done $0x0  }
0x108: {  	[sflag:s29] =	ssyncadd.s32 $0xFFFFFF80  }
0x109: {  	_ =	swait.ge [sflag:s29], $0x80  }
0x10a: {  	[sflag:s29] =	ssyncset.done $0x0  }
0x10b: {  	[sflag:s29] =	ssyncadd.s32 $0xFFFFFF80  }
0x10c: {  	_ =	swait.ge [sflag:s29], $0x80  }
0x10d: {  	[sflag:s29] =	ssyncset.done $0x0  }
0x10e: {  	[sflag:s29] =	ssyncadd.s32 $0xFFFFFF80  }
0x10f: {  	_ =	swait.ge [sflag:s29], $0x80  }
0x110: {  	[sflag:s29] =	ssyncset.done $0x0  }
0x111: {  	[sflag:s29] =	ssyncadd.s32 $0xFFFFFF80  }
0x112: {  	_ =	swait.ge [sflag:s30], $0xA00  }
0x113: {  	[sflag:s30] =	ssyncset.done $0x0  }
0x114: {  	s26 =	rddreg [dreg:$0x7];
	[sflag:s30] =	ssyncadd.s32 $0xFFFFF600  }
0x115: {  	[tilespmem:s25], [sflag:$0x2] =	stream.linear.gather [hbm4b:s26+s4], $0xA00, $0x38;
	[tilespmem:$0x1D80] =	vst v63  }
0x116: {  	_ = 	snop  }
0x117: {  	[spmem:s1] =	stream.indirect.scatter.add.f32 [tilespmem:s9], [sflag:$0x1], $0x1, s4, s8, $0xb8;
	[tilespmem:$0x1D80] =	vst v63  }
0x118: {  	_ = 	snop  }
0x119: {  	[spmem:s1] =	stream.indirect.scatter.add.f32 [tilespmem:s9], [sflag:$0x1], $0x1, s8, s8, $0xb8;
	[tilespmem:$0x1D80] =	vst v63  }
0x11a: {  	s26 =	simm.s32 $0x100  }
0x11b: {  	[spmem:s1] =	stream.indirect.scatter.add.f32 [tilespmem:s9], [sflag:$0x1], $0x1, s26, s8, $0xb8;
	[tilespmem:$0x1D80] =	vst v63  }
0x11c: {  	s26 =	simm.s32 $0x180  }
0x11d: {  	[spmem:s1] =	stream.indirect.scatter.add.f32 [tilespmem:s9], [sflag:$0x1], $0x1, s26, s8, $0xb8;
	[tilespmem:$0x1D80] =	vst v63  }
0x11e: {  	s26 =	simm.s32 $0x200  }
0x11f: {  	[spmem:s1] =	stream.indirect.scatter.add.f32 [tilespmem:s9], [sflag:$0x1], $0x1, s26, s8, $0xb8;
	[tilespmem:$0x1D80] =	vst v63  }
0x120: {  	s26 =	simm.s32 $0x280  }
0x121: {  	[spmem:s1] =	stream.indirect.scatter.add.f32 [tilespmem:s9], [sflag:$0x1], $0x1, s26, s8, $0xb8;
	[tilespmem:$0x1D80] =	vst v63  }
0x122: {  	s26 =	simm.s32 $0x300  }
0x123: {  	[spmem:s1] =	stream.indirect.scatter.add.f32 [tilespmem:s9], [sflag:$0x1], $0x1, s26, s8, $0xb8;
	[tilespmem:$0x1D80] =	vst v63  }
0x124: {  	s26 =	simm.s32 $0x380  }
0x125: {  	[spmem:s1] =	stream.indirect.scatter.add.f32 [tilespmem:s9], [sflag:$0x1], $0x1, s26, s8, $0xb8;
	[tilespmem:$0x1D80] =	vst v63  }
0x126: {  	s26 =	simm.s32 $0x400  }
0x127: {  	[spmem:s1] =	stream.indirect.scatter.add.f32 [tilespmem:s9], [sflag:$0x1], $0x1, s26, s8, $0xb8;
	[tilespmem:$0x1D80] =	vst v63  }
0x128: {  	s26 =	simm.s32 $0x480  }
0x129: {  	[spmem:s1] =	stream.indirect.scatter.add.f32 [tilespmem:s9], [sflag:$0x1], $0x1, s26, s8, $0xb8;
	[tilespmem:$0x1D80] =	vst v63  }
0x12a: {  	s26 =	simm.s32 $0x500  }
0x12b: {  	[spmem:s1] =	stream.indirect.scatter.add.f32 [tilespmem:s9], [sflag:$0x1], $0x1, s26, s8, $0xb8;
	[tilespmem:$0x1D80] =	vst v63  }
0x12c: {  	s26 =	simm.s32 $0x580  }
0x12d: {  	[spmem:s1] =	stream.indirect.scatter.add.f32 [tilespmem:s9], [sflag:$0x1], $0x1, s26, s8, $0xb8;
	[tilespmem:$0x1D80] =	vst v63  }
0x12e: {  	s26 =	simm.s32 $0x600  }
0x12f: {  	[spmem:s1] =	stream.indirect.scatter.add.f32 [tilespmem:s9], [sflag:$0x1], $0x1, s26, s8, $0xb8;
	[tilespmem:$0x1D80] =	vst v63  }
0x130: {  	s26 =	simm.s32 $0x680  }
0x131: {  	[spmem:s1] =	stream.indirect.scatter.add.f32 [tilespmem:s9], [sflag:$0x1], $0x1, s26, s8, $0xb8;
	[tilespmem:$0x1D80] =	vst v63  }
0x132: {  	s26 =	simm.s32 $0x700  }
0x133: {  	[spmem:s1] =	stream.indirect.scatter.add.f32 [tilespmem:s9], [sflag:$0x1], $0x1, s26, s8, $0xb8;
	[tilespmem:$0x1D80] =	vst v63  }
0x134: {  	s26 =	simm.s32 $0x780  }
0x135: {  	[spmem:s1] =	stream.indirect.scatter.add.f32 [tilespmem:s9], [sflag:$0x1], $0x1, s26, s8, $0xb8;
	[tilespmem:$0x1D80] =	vst v63  }
0x136: {  	s26 =	simm.s32 $0x800  }
0x137: {  	[spmem:s1] =	stream.indirect.scatter.add.f32 [tilespmem:s9], [sflag:$0x1], $0x1, s26, s8, $0xb8;
	[tilespmem:$0x1D80] =	vst v63  }
0x138: {  	s26 =	simm.s32 $0x880  }
0x139: {  	[spmem:s1] =	stream.indirect.scatter.add.f32 [tilespmem:s9], [sflag:$0x1], $0x1, s26, s8, $0xb8;
	[tilespmem:$0x1D80] =	vst v63  }
0x13a: {  	_ = 	snop  }
0x13b: {  	[spmem:s1] =	stream.indirect.scatter.add.f32 [tilespmem:s9], [sflag:$0x1], $0x1, s31, s8, $0xb8;
	[tilespmem:$0x1D80] =	vst v63  }
0x13c: {  	_ = 	snop  }
0x13d: {  	[spmem:s1] =	stream.indirect.scatter.add.f32 [tilespmem:s9], [sflag:$0x1], $0x1, s28, s8, $0xb8;
	[tilespmem:$0x1D80] =	vst v63  }
0x13e: {  	_ =	swait.ge [sflag:s29], $0x80  }
0x13f: {  	[sflag:s29] =	ssyncset.done $0x0  }
0x140: {  	[sflag:s29] =	ssyncadd.s32 $0xFFFFFF80  }
0x141: {  	_ =	swait.ge [sflag:s29], $0x80  }
0x142: {  	[sflag:s29] =	ssyncset.done $0x0  }
0x143: {  	[sflag:s29] =	ssyncadd.s32 $0xFFFFFF80  }
0x144: {  	_ =	swait.ge [sflag:s29], $0x80  }
0x145: {  	[sflag:s29] =	ssyncset.done $0x0  }
0x146: {  	[sflag:s29] =	ssyncadd.s32 $0xFFFFFF80  }
0x147: {  	_ =	swait.ge [sflag:s29], $0x80  }
0x148: {  	[sflag:s29] =	ssyncset.done $0x0  }
0x149: {  	[sflag:s29] =	ssyncadd.s32 $0xFFFFFF80  }
0x14a: {  	_ =	swait.ge [sflag:s29], $0x80  }
0x14b: {  	[sflag:s29] =	ssyncset.done $0x0  }
0x14c: {  	[sflag:s29] =	ssyncadd.s32 $0xFFFFFF80  }
0x14d: {  	_ =	swait.ge [sflag:s29], $0x80  }
0x14e: {  	[sflag:s29] =	ssyncset.done $0x0  }
0x14f: {  	[sflag:s29] =	ssyncadd.s32 $0xFFFFFF80  }
0x150: {  	_ =	swait.ge [sflag:s29], $0x80  }
0x151: {  	[sflag:s29] =	ssyncset.done $0x0  }
0x152: {  	[sflag:s29] =	ssyncadd.s32 $0xFFFFFF80  }
0x153: {  	_ =	swait.ge [sflag:s29], $0x80  }
0x154: {  	[sflag:s29] =	ssyncset.done $0x0  }
0x155: {  	[sflag:s29] =	ssyncadd.s32 $0xFFFFFF80  }
0x156: {  	_ =	swait.ge [sflag:s29], $0x80  }
0x157: {  	[sflag:s29] =	ssyncset.done $0x0  }
0x158: {  	[sflag:s29] =	ssyncadd.s32 $0xFFFFFF80  }
0x159: {  	_ =	swait.ge [sflag:s29], $0x80  }
0x15a: {  	[sflag:s29] =	ssyncset.done $0x0  }
0x15b: {  	[sflag:s29] =	ssyncadd.s32 $0xFFFFFF80  }
0x15c: {  	_ =	swait.ge [sflag:s29], $0x80  }
0x15d: {  	[sflag:s29] =	ssyncset.done $0x0  }
0x15e: {  	[sflag:s29] =	ssyncadd.s32 $0xFFFFFF80  }
0x15f: {  	_ =	swait.ge [sflag:s29], $0x80  }
0x160: {  	[sflag:s29] =	ssyncset.done $0x0  }
0x161: {  	[sflag:s29] =	ssyncadd.s32 $0xFFFFFF80  }
0x162: {  	_ =	swait.ge [sflag:s29], $0x80  }
0x163: {  	[sflag:s29] =	ssyncset.done $0x0  }
0x164: {  	[sflag:s29] =	ssyncadd.s32 $0xFFFFFF80  }
0x165: {  	_ =	swait.ge [sflag:s29], $0x80  }
0x166: {  	[sflag:s29] =	ssyncset.done $0x0  }
0x167: {  	[sflag:s29] =	ssyncadd.s32 $0xFFFFFF80  }
0x168: {  	_ =	swait.ge [sflag:s29], $0x80  }
0x169: {  	[sflag:s29] =	ssyncset.done $0x0  }
0x16a: {  	[sflag:s29] =	ssyncadd.s32 $0xFFFFFF80  }
0x16b: {  	_ =	swait.ge [sflag:s29], $0x80  }
0x16c: {  	[sflag:s29] =	ssyncset.done $0x0  }
0x16d: {  	[sflag:s29] =	ssyncadd.s32 $0xFFFFFF80  }
0x16e: {  	_ =	swait.ge [sflag:s29], $0x80  }
0x16f: {  	[sflag:s29] =	ssyncset.done $0x0  }
0x170: {  	[sflag:s29] =	ssyncadd.s32 $0xFFFFFF80  }
0x171: {  	_ =	swait.ge [sflag:s29], $0x80  }
0x172: {  	[sflag:s29] =	ssyncset.done $0x0  }
0x173: {  	[sflag:s29] =	ssyncadd.s32 $0xFFFFFF80  }
0x174: {  	_ =	swait.ge [sflag:s29], $0x80  }
0x175: {  	[sflag:s29] =	ssyncset.done $0x0  }
0x176: {  	[sflag:s29] =	ssyncadd.s32 $0xFFFFFF80  }
0x177: {  	_ =	swait.ge [sflag:s29], $0x80  }
0x178: {  	[sflag:s29] =	ssyncset.done $0x0  }
0x179: {  	[sflag:s29] =	ssyncadd.s32 $0xFFFFFF80  }
0x17a: {  	_ =	swait.ge [sflag:s30], $0xA00  }
0x17b: {  	[sflag:s30] =	ssyncset.done $0x0  }
0x17c: {  	[sflag:s30] =	ssyncadd.s32 $0xFFFFF600  }
0x17d: {  	[spmem:s1] =	stream.indirect.scatter.add.f32 [tilespmem:s9], [sflag:$0x1], $0x1, s25, s8, $0xb8;
	[tilespmem:$0x1D80] =	vst v63  }
0x17e: {  	_ = 	snop  }
0x17f: {  	[spmem:s1] =	stream.indirect.scatter.add.f32 [tilespmem:s9], [sflag:$0x1], $0x1, s24, s8, $0xb8;
	[tilespmem:$0x1D80] =	vst v63  }
0x180: {  	_ = 	snop  }
0x181: {  	[spmem:s1] =	stream.indirect.scatter.add.f32 [tilespmem:s9], [sflag:$0x1], $0x1, s23, s8, $0xb8;
	[tilespmem:$0x1D80] =	vst v63  }
0x182: {  	_ = 	snop  }
0x183: {  	[spmem:s1] =	stream.indirect.scatter.add.f32 [tilespmem:s9], [sflag:$0x1], $0x1, s22, s8, $0xb8;
	[tilespmem:$0x1D80] =	vst v63  }
0x184: {  	_ = 	snop  }
0x185: {  	[spmem:s1] =	stream.indirect.scatter.add.f32 [tilespmem:s9], [sflag:$0x1], $0x1, s21, s8, $0xb8;
	[tilespmem:$0x1D80] =	vst v63  }
0x186: {  	_ = 	snop  }
0x187: {  	[spmem:s1] =	stream.indirect.scatter.add.f32 [tilespmem:s9], [sflag:$0x1], $0x1, s20, s8, $0xb8;
	[tilespmem:$0x1D80] =	vst v63  }
0x188: {  	_ = 	snop  }
0x189: {  	[spmem:s1] =	stream.indirect.scatter.add.f32 [tilespmem:s9], [sflag:$0x1], $0x1, s19, s8, $0xb8;
	[tilespmem:$0x1D80] =	vst v63  }
0x18a: {  	_ = 	snop  }
0x18b: {  	[spmem:s1] =	stream.indirect.scatter.add.f32 [tilespmem:s9], [sflag:$0x1], $0x1, s18, s8, $0xb8;
	[tilespmem:$0x1D80] =	vst v63  }
0x18c: {  	_ = 	snop  }
0x18d: {  	[spmem:s1] =	stream.indirect.scatter.add.f32 [tilespmem:s9], [sflag:$0x1], $0x1, s17, s8, $0xb8;
	[tilespmem:$0x1D80] =	vst v63  }
0x18e: {  	_ = 	snop  }
0x18f: {  	[spmem:s1] =	stream.indirect.scatter.add.f32 [tilespmem:s9], [sflag:$0x1], $0x1, s16, s8, $0xb8;
	[tilespmem:$0x1D80] =	vst v63  }
0x190: {  	_ = 	snop  }
0x191: {  	[spmem:s1] =	stream.indirect.scatter.add.f32 [tilespmem:s9], [sflag:$0x1], $0x1, s15, s8, $0xb8;
	[tilespmem:$0x1D80] =	vst v63  }
0x192: {  	_ = 	snop  }
0x193: {  	[spmem:s1] =	stream.indirect.scatter.add.f32 [tilespmem:s9], [sflag:$0x1], $0x1, s14, s8, $0xb8;
	[tilespmem:$0x1D80] =	vst v63  }
0x194: {  	_ = 	snop  }
0x195: {  	[spmem:s1] =	stream.indirect.scatter.add.f32 [tilespmem:s9], [sflag:$0x1], $0x1, s13, s8, $0xb8;
	[tilespmem:$0x1D80] =	vst v63  }
0x196: {  	_ = 	snop  }
0x197: {  	[spmem:s1] =	stream.indirect.scatter.add.f32 [tilespmem:s9], [sflag:$0x1], $0x1, s12, s8, $0xb8;
	[tilespmem:$0x1D80] =	vst v63  }
0x198: {  	_ = 	snop  }
0x199: {  	[spmem:s1] =	stream.indirect.scatter.add.f32 [tilespmem:s9], [sflag:$0x1], $0x1, s11, s8, $0xb8;
	[tilespmem:$0x1D80] =	vst v63  }
0x19a: {  	_ = 	snop  }
0x19b: {  	[spmem:s1] =	stream.indirect.scatter.add.f32 [tilespmem:s9], [sflag:$0x1], $0x1, s10, s8, $0xb8;
	[tilespmem:$0x1D80] =	vst v63  }
0x19c: {  	_ = 	snop  }
0x19d: {  	[spmem:s1] =	stream.indirect.scatter.add.f32 [tilespmem:s9], [sflag:$0x1], $0x1, s6, s8, $0xb8;
	[tilespmem:$0x1D80] =	vst v63  }
0x19e: {  	_ = 	snop  }
0x19f: {  	[spmem:s1] =	stream.indirect.scatter.add.f32 [tilespmem:s9], [sflag:$0x1], $0x1, s3, s8, $0xb8;
	[tilespmem:$0x1D80] =	vst v63  }
0x1a0: {  	_ = 	snop  }
0x1a1: {  	[spmem:s1] =	stream.indirect.scatter.add.f32 [tilespmem:s9], [sflag:$0x1], $0x1, s2, s8, $0xb8;
	[tilespmem:$0x1D80] =	vst v63  }
0x1a2: {  	_ = 	snop  }
0x1a3: {  	[spmem:s1] =	stream.indirect.scatter.add.f32 [tilespmem:s9], [sflag:$0x1], $0x1, s0, s8, $0xb8;
	[tilespmem:$0x1D80] =	vst v63  }
0x1a4: {  	_ =	swait.ge [sflag:s29], $0x80  }
0x1a5: {  	[sflag:s29] =	ssyncset.done $0x0  }
0x1a6: {  	[sflag:s29] =	ssyncadd.s32 $0xFFFFFF80  }
0x1a7: {  	_ =	swait.ge [sflag:s29], $0x80  }
0x1a8: {  	[sflag:s29] =	ssyncset.done $0x0  }
0x1a9: {  	[sflag:s29] =	ssyncadd.s32 $0xFFFFFF80  }
0x1aa: {  	_ =	swait.ge [sflag:s29], $0x80  }
0x1ab: {  	[sflag:s29] =	ssyncset.done $0x0  }
0x1ac: {  	[sflag:s29] =	ssyncadd.s32 $0xFFFFFF80  }
0x1ad: {  	_ =	swait.ge [sflag:s29], $0x80  }
0x1ae: {  	[sflag:s29] =	ssyncset.done $0x0  }
0x1af: {  	[sflag:s29] =	ssyncadd.s32 $0xFFFFFF80  }
0x1b0: {  	_ =	swait.ge [sflag:s29], $0x80  }
0x1b1: {  	[sflag:s29] =	ssyncset.done $0x0  }
0x1b2: {  	[sflag:s29] =	ssyncadd.s32 $0xFFFFFF80  }
0x1b3: {  	_ =	swait.ge [sflag:s29], $0x80  }
0x1b4: {  	[sflag:s29] =	ssyncset.done $0x0  }
0x1b5: {  	[sflag:s29] =	ssyncadd.s32 $0xFFFFFF80  }
0x1b6: {  	_ =	swait.ge [sflag:s29], $0x80  }
0x1b7: {  	[sflag:s29] =	ssyncset.done $0x0  }
0x1b8: {  	[sflag:s29] =	ssyncadd.s32 $0xFFFFFF80  }
0x1b9: {  	_ =	swait.ge [sflag:s29], $0x80  }
0x1ba: {  	[sflag:s29] =	ssyncset.done $0x0  }
0x1bb: {  	[sflag:s29] =	ssyncadd.s32 $0xFFFFFF80  }
0x1bc: {  	_ =	swait.ge [sflag:s29], $0x80  }
0x1bd: {  	[sflag:s29] =	ssyncset.done $0x0  }
0x1be: {  	[sflag:s29] =	ssyncadd.s32 $0xFFFFFF80  }
0x1bf: {  	_ =	swait.ge [sflag:s29], $0x80  }
0x1c0: {  	[sflag:s29] =	ssyncset.done $0x0  }
0x1c1: {  	[sflag:s29] =	ssyncadd.s32 $0xFFFFFF80  }
0x1c2: {  	_ =	swait.ge [sflag:s29], $0x80  }
0x1c3: {  	[sflag:s29] =	ssyncset.done $0x0  }
0x1c4: {  	[sflag:s29] =	ssyncadd.s32 $0xFFFFFF80  }
0x1c5: {  	_ =	swait.ge [sflag:s29], $0x80  }
0x1c6: {  	[sflag:s29] =	ssyncset.done $0x0  }
0x1c7: {  	[sflag:s29] =	ssyncadd.s32 $0xFFFFFF80  }
0x1c8: {  	_ =	swait.ge [sflag:s29], $0x80  }
0x1c9: {  	[sflag:s29] =	ssyncset.done $0x0  }
0x1ca: {  	[sflag:s29] =	ssyncadd.s32 $0xFFFFFF80  }
0x1cb: {  	_ =	swait.ge [sflag:s29], $0x80  }
0x1cc: {  	[sflag:s29] =	ssyncset.done $0x0  }
0x1cd: {  	[sflag:s29] =	ssyncadd.s32 $0xFFFFFF80  }
0x1ce: {  	_ =	swait.ge [sflag:s29], $0x80  }
0x1cf: {  	[sflag:s29] =	ssyncset.done $0x0  }
0x1d0: {  	[sflag:s29] =	ssyncadd.s32 $0xFFFFFF80  }
0x1d1: {  	_ =	swait.ge [sflag:s29], $0x80  }
0x1d2: {  	[sflag:s29] =	ssyncset.done $0x0  }
0x1d3: {  	[sflag:s29] =	ssyncadd.s32 $0xFFFFFF80  }
0x1d4: {  	_ =	swait.ge [sflag:s29], $0x80  }
0x1d5: {  	[sflag:s29] =	ssyncset.done $0x0  }
0x1d6: {  	[sflag:s29] =	ssyncadd.s32 $0xFFFFFF80  }
0x1d7: {  	_ =	swait.ge [sflag:s29], $0x80  }
0x1d8: {  	[sflag:s29] =	ssyncset.done $0x0  }
0x1d9: {  	[sflag:s29] =	ssyncadd.s32 $0xFFFFFF80  }
0x1da: {  	_ =	swait.ge [sflag:s29], $0x80  }
0x1db: {  	[sflag:s29] =	ssyncset.done $0x0  }
0x1dc: {  	[sflag:s29] =	ssyncadd.s32 $0xFFFFFF80  }
0x1dd: {  	_ =	swait.ge [sflag:s29], $0x80  }
0x1de: {  	[sflag:s29] =	ssyncset.done $0x0  }
0x1df: {  	[sflag:s29] =	ssyncadd.s32 $0xFFFFFF80  }
0x1e0: {  	[bflag:$0x0] =	sbarrier.arrive $0xFFFF  }
0x1e1: {  	s24 =	simm.s32 $0x1880;
	[dreg:$0x9] =	wrdreg s7  }
0x1e2: {  	[tilespmem:s24], [sflag:$0x3] =	stream.linear.gather [spmem:s7], $0x280, $0x38;
	[tilespmem:$0x1D80] =	vst v63  }
0x1e3: {  	_ =	swait.ge [sflag:s5], $0x280  }
0x1e4: {  	s25 =	rddreg [dreg:$0xa]  }
0x1e5: {  	s26 =	ssub.s32 $0x2, s25  }
0x1e6: {  	s31 =	sshrl.u32 s26, $0x1  }
0x1e7: {  	s26 =	ssub.s32 s26, s31  }
0x1e8: {  	s26 =	smax.u32 s26, $0x1  }
0x1e9: {  	p0 =	sne.s32 s26, $0x1  }
.Ltmp0:
0x1ea: {  	[sflag:s5] =	ssyncset.done $0x0;
	(pc) =	sbr.rel @!p0 .LBB2_3-.Ltmp0, $4  }
0x1eb: {  	s28 =	rddreg [dreg:$0x8];
	[sflag:s5] =	ssyncadd.s32 $0xFFFFFD80  }
0x1ec: {  	[hbm4b:s28+s4] =	stream.linear.scatter [tilespmem:s24], [sflag:$0x3], $0x280, $0x38;
	[tilespmem:$0x1D80] =	vst v63  }
0x1ed: {  	_ =	swait.ge [sflag:s5], $0x280  }
0x1ee: {  	[sflag:s5] =	ssyncset.done $0x0;
	s26 =	sadd.s32 $0xFFFFFFFF, s26  }
0x1ef: {  	s31 =	simm.s32 $0x100  }
0x1f0: {  	s25 =	simm.s32 $0xC80;
	s6 =	simm.s32 $0xD00;
	s4 =	simm.s32 $0xD80  }
0x1f1: {  	s10 =	simm.s32 $0xE80;
	s11 =	simm.s32 $0xF00;
	s12 =	simm.s32 $0xF80  }
0x1f2: {  	s13 =	simm.s32 $0x1000;
	s14 =	simm.s32 $0x1080;
	s15 =	simm.s32 $0x1100  }
0x1f3: {  	s16 =	simm.s32 $0x1180;
	s17 =	simm.s32 $0x1200;
	s18 =	simm.s32 $0x1280  }
0x1f4: {  	s19 =	simm.s32 $0x1300;
	s20 =	simm.s32 $0x1380;
	s21 =	simm.s32 $0x1400  }
0x1f5: {  	s22 =	simm.s32 $0x1480;
	s23 =	simm.s32 $0x1500;
	s24 =	simm.s32 $0x1580  }
.LBB2_2:
0x1f6: {  	[sflag:s5] =	ssyncadd.s32 $0xFFFFFD80  }
0x1f7: {  	[tilespmem:$0x18A0] =	vst v0  }
0x1f8: {  	[tilespmem:$0x18B0] =	vst v0  }
0x1f9: {  	[tilespmem:$0x18C0] =	vst v0  }
0x1fa: {  	[tilespmem:$0x18D0] =	vst v0  }
0x1fb: {  	[tilespmem:$0x18E0] =	vst v0  }
0x1fc: {  	[tilespmem:$0x18F0] =	vst v0  }
0x1fd: {  	[tilespmem:$0x1900] =	vst v0  }
0x1fe: {  	[tilespmem:$0x1910] =	vst v0  }
0x1ff: {  	[tilespmem:$0x1920] =	vst v0  }
0x200: {  	[tilespmem:$0x1930] =	vst v0  }
0x201: {  	[tilespmem:$0x1940] =	vst v0  }
0x202: {  	[tilespmem:$0x1950] =	vst v0  }
0x203: {  	[tilespmem:$0x1960] =	vst v0  }
0x204: {  	[tilespmem:$0x1970] =	vst v0  }
0x205: {  	[tilespmem:$0x1980] =	vst v0  }
0x206: {  	[tilespmem:$0x1990] =	vst v0  }
0x207: {  	[tilespmem:$0x19A0] =	vst v0  }
0x208: {  	[tilespmem:$0x19B0] =	vst v0  }
0x209: {  	[tilespmem:$0x19C0] =	vst v0  }
0x20a: {  	[tilespmem:$0x19D0] =	vst v0  }
0x20b: {  	[tilespmem:$0x19E0] =	vst v0  }
0x20c: {  	[tilespmem:$0x19F0] =	vst v0  }
0x20d: {  	[tilespmem:$0x1880] =	vst v0  }
0x20e: {  	[tilespmem:$0x1870] =	vst v1  }
0x20f: {  	[tilespmem:$0x1860] =	vst v1  }
0x210: {  	[tilespmem:$0x1850] =	vst v1  }
0x211: {  	[tilespmem:$0x1840] =	vst v1  }
0x212: {  	[tilespmem:$0x1830] =	vst v1  }
0x213: {  	[tilespmem:$0x1820] =	vst v1  }
0x214: {  	[tilespmem:$0x1810] =	vst v1  }
0x215: {  	[tilespmem:$0x1800] =	vst v1  }
0x216: {  	[tilespmem:$0x1AF0] =	vst v0  }
0x217: {  	[tilespmem:$0x1AE0] =	vst v0  }
0x218: {  	[tilespmem:$0x1AD0] =	vst v0  }
0x219: {  	[tilespmem:$0x1AC0] =	vst v0  }
0x21a: {  	[tilespmem:$0x1AB0] =	vst v0  }
0x21b: {  	[tilespmem:$0x1AA0] =	vst v0  }
0x21c: {  	[tilespmem:$0x1A90] =	vst v0  }
0x21d: {  	[tilespmem:$0x1A80] =	vst v0  }
0x21e: {  	[tilespmem:$0x1A70] =	vst v0  }
0x21f: {  	[tilespmem:$0x1A60] =	vst v0  }
0x220: {  	[tilespmem:$0x1A50] =	vst v0  }
0x221: {  	[tilespmem:$0x1A40] =	vst v0  }
0x222: {  	[tilespmem:$0x1A30] =	vst v0  }
0x223: {  	[tilespmem:$0x1A20] =	vst v0  }
0x224: {  	[tilespmem:$0x1A10] =	vst v0  }
0x225: {  	[tilespmem:$0x1A00] =	vst v0  }
0x226: {  	s0 =	simm.s32 $0x1880;
	s7 =	rddreg [dreg:$0x9];
	[tilespmem:$0x1890] =	vst v0  }
0x227: {  	[spmem:s7] =	stream.linear.scatter [tilespmem:s0], [sflag:$0x3], $0x280, $0x38;
	[tilespmem:$0x1D80] =	vst v63  }
0x228: {  	_ =	swait.ge [sflag:s5], $0x280  }
0x229: {  	[sflag:s5] =	ssyncset.done $0x0  }
0x22a: {  	[sflag:s5] =	ssyncadd.s32 $0xFFFFFD80  }
0x22b: {  	[bflag:$0x0] =	sbarrier.arrive $0xFFFF  }
0x22c: {  	s0 =	simm.s32 $0x0;
	s28 =	rddreg [dreg:$0x4]  }
0x22d: {  	[tilespmem:s0], [sflag:$0x3] =	stream.linear.gather [hbm4b:s28+s0], $0xA00, $0x38;
	[tilespmem:$0x1D80] =	vst v63  }
0x22e: {  	_ =	swait.ge [sflag:s5], $0xA00  }
0x22f: {  	[sflag:s5] =	ssyncset.done $0x0  }
0x230: {  	s2 =	simm.s32 $0xC00;
	s3 =	rddreg [dreg:$0x5];
	[sflag:s5] =	ssyncadd.s32 $0xFFFFF600  }
0x231: {  	[tilespmem:s2], [sflag:$0x2] =	stream.linear.gather [hbm4b:s3+s0], $0xA00, $0x38;
	[tilespmem:$0x1D80] =	vst v63  }
0x232: {  	_ = 	snop  }
0x233: {  	[spmem:s1] =	stream.indirect.scatter.add.f32 [tilespmem:s9], [sflag:$0x1], $0x1, s0, s8, $0xb8;
	[tilespmem:$0x1D80] =	vst v63  }
0x234: {  	_ = 	snop  }
0x235: {  	[spmem:s1] =	stream.indirect.scatter.add.f32 [tilespmem:s9], [sflag:$0x1], $0x1, s8, s8, $0xb8;
	[tilespmem:$0x1D80] =	vst v63  }
0x236: {  	_ = 	snop  }
0x237: {  	[spmem:s1] =	stream.indirect.scatter.add.f32 [tilespmem:s9], [sflag:$0x1], $0x1, s31, s8, $0xb8;
	[tilespmem:$0x1D80] =	vst v63  }
0x238: {  	s3 =	simm.s32 $0x180  }
0x239: {  	[spmem:s1] =	stream.indirect.scatter.add.f32 [tilespmem:s9], [sflag:$0x1], $0x1, s3, s8, $0xb8;
	[tilespmem:$0x1D80] =	vst v63  }
0x23a: {  	s28 =	simm.s32 $0x200  }
0x23b: {  	[spmem:s1] =	stream.indirect.scatter.add.f32 [tilespmem:s9], [sflag:$0x1], $0x1, s28, s8, $0xb8;
	[tilespmem:$0x1D80] =	vst v63  }
0x23c: {  	s28 =	simm.s32 $0x280  }
0x23d: {  	[spmem:s1] =	stream.indirect.scatter.add.f32 [tilespmem:s9], [sflag:$0x1], $0x1, s28, s8, $0xb8;
	[tilespmem:$0x1D80] =	vst v63  }
0x23e: {  	s28 =	simm.s32 $0x300  }
0x23f: {  	[spmem:s1] =	stream.indirect.scatter.add.f32 [tilespmem:s9], [sflag:$0x1], $0x1, s28, s8, $0xb8;
	[tilespmem:$0x1D80] =	vst v63  }
0x240: {  	s28 =	simm.s32 $0x380  }
0x241: {  	[spmem:s1] =	stream.indirect.scatter.add.f32 [tilespmem:s9], [sflag:$0x1], $0x1, s28, s8, $0xb8;
	[tilespmem:$0x1D80] =	vst v63  }
0x242: {  	s28 =	simm.s32 $0x400  }
0x243: {  	[spmem:s1] =	stream.indirect.scatter.add.f32 [tilespmem:s9], [sflag:$0x1], $0x1, s28, s8, $0xb8;
	[tilespmem:$0x1D80] =	vst v63  }
0x244: {  	s28 =	simm.s32 $0x480  }
0x245: {  	[spmem:s1] =	stream.indirect.scatter.add.f32 [tilespmem:s9], [sflag:$0x1], $0x1, s28, s8, $0xb8;
	[tilespmem:$0x1D80] =	vst v63  }
0x246: {  	s28 =	simm.s32 $0x500  }
0x247: {  	[spmem:s1] =	stream.indirect.scatter.add.f32 [tilespmem:s9], [sflag:$0x1], $0x1, s28, s8, $0xb8;
	[tilespmem:$0x1D80] =	vst v63  }
0x248: {  	s28 =	simm.s32 $0x580  }
0x249: {  	[spmem:s1] =	stream.indirect.scatter.add.f32 [tilespmem:s9], [sflag:$0x1], $0x1, s28, s8, $0xb8;
	[tilespmem:$0x1D80] =	vst v63  }
0x24a: {  	s28 =	simm.s32 $0x600  }
0x24b: {  	[spmem:s1] =	stream.indirect.scatter.add.f32 [tilespmem:s9], [sflag:$0x1], $0x1, s28, s8, $0xb8;
	[tilespmem:$0x1D80] =	vst v63  }
0x24c: {  	s28 =	simm.s32 $0x680  }
0x24d: {  	[spmem:s1] =	stream.indirect.scatter.add.f32 [tilespmem:s9], [sflag:$0x1], $0x1, s28, s8, $0xb8;
	[tilespmem:$0x1D80] =	vst v63  }
0x24e: {  	s28 =	simm.s32 $0x700  }
0x24f: {  	[spmem:s1] =	stream.indirect.scatter.add.f32 [tilespmem:s9], [sflag:$0x1], $0x1, s28, s8, $0xb8;
	[tilespmem:$0x1D80] =	vst v63  }
0x250: {  	s28 =	simm.s32 $0x780  }
0x251: {  	[spmem:s1] =	stream.indirect.scatter.add.f32 [tilespmem:s9], [sflag:$0x1], $0x1, s28, s8, $0xb8;
	[tilespmem:$0x1D80] =	vst v63  }
0x252: {  	s28 =	simm.s32 $0x800  }
0x253: {  	[spmem:s1] =	stream.indirect.scatter.add.f32 [tilespmem:s9], [sflag:$0x1], $0x1, s28, s8, $0xb8;
	[tilespmem:$0x1D80] =	vst v63  }
0x254: {  	s28 =	simm.s32 $0x880  }
0x255: {  	[spmem:s1] =	stream.indirect.scatter.add.f32 [tilespmem:s9], [sflag:$0x1], $0x1, s28, s8, $0xb8;
	[tilespmem:$0x1D80] =	vst v63  }
0x256: {  	s28 =	simm.s32 $0x900  }
0x257: {  	[spmem:s1] =	stream.indirect.scatter.add.f32 [tilespmem:s9], [sflag:$0x1], $0x1, s28, s8, $0xb8;
	[tilespmem:$0x1D80] =	vst v63  }
0x258: {  	s28 =	simm.s32 $0x980  }
0x259: {  	[spmem:s1] =	stream.indirect.scatter.add.f32 [tilespmem:s9], [sflag:$0x1], $0x1, s28, s8, $0xb8;
	[tilespmem:$0x1D80] =	vst v63  }
0x25a: {  	_ =	swait.ge [sflag:s29], $0x80  }
0x25b: {  	[sflag:s29] =	ssyncset.done $0x0  }
0x25c: {  	[sflag:s29] =	ssyncadd.s32 $0xFFFFFF80  }
0x25d: {  	_ =	swait.ge [sflag:s29], $0x80  }
0x25e: {  	[sflag:s29] =	ssyncset.done $0x0  }
0x25f: {  	[sflag:s29] =	ssyncadd.s32 $0xFFFFFF80  }
0x260: {  	_ =	swait.ge [sflag:s29], $0x80  }
0x261: {  	[sflag:s29] =	ssyncset.done $0x0  }
0x262: {  	[sflag:s29] =	ssyncadd.s32 $0xFFFFFF80  }
0x263: {  	_ =	swait.ge [sflag:s29], $0x80  }
0x264: {  	[sflag:s29] =	ssyncset.done $0x0  }
0x265: {  	[sflag:s29] =	ssyncadd.s32 $0xFFFFFF80  }
0x266: {  	_ =	swait.ge [sflag:s29], $0x80  }
0x267: {  	[sflag:s29] =	ssyncset.done $0x0  }
0x268: {  	[sflag:s29] =	ssyncadd.s32 $0xFFFFFF80  }
0x269: {  	_ =	swait.ge [sflag:s29], $0x80  }
0x26a: {  	[sflag:s29] =	ssyncset.done $0x0  }
0x26b: {  	[sflag:s29] =	ssyncadd.s32 $0xFFFFFF80  }
0x26c: {  	_ =	swait.ge [sflag:s29], $0x80  }
0x26d: {  	[sflag:s29] =	ssyncset.done $0x0  }
0x26e: {  	[sflag:s29] =	ssyncadd.s32 $0xFFFFFF80  }
0x26f: {  	_ =	swait.ge [sflag:s29], $0x80  }
0x270: {  	[sflag:s29] =	ssyncset.done $0x0  }
0x271: {  	[sflag:s29] =	ssyncadd.s32 $0xFFFFFF80  }
0x272: {  	_ =	swait.ge [sflag:s29], $0x80  }
0x273: {  	[sflag:s29] =	ssyncset.done $0x0  }
0x274: {  	[sflag:s29] =	ssyncadd.s32 $0xFFFFFF80  }
0x275: {  	_ =	swait.ge [sflag:s29], $0x80  }
0x276: {  	[sflag:s29] =	ssyncset.done $0x0  }
0x277: {  	[sflag:s29] =	ssyncadd.s32 $0xFFFFFF80  }
0x278: {  	_ =	swait.ge [sflag:s29], $0x80  }
0x279: {  	[sflag:s29] =	ssyncset.done $0x0  }
0x27a: {  	[sflag:s29] =	ssyncadd.s32 $0xFFFFFF80  }
0x27b: {  	_ =	swait.ge [sflag:s29], $0x80  }
0x27c: {  	[sflag:s29] =	ssyncset.done $0x0  }
0x27d: {  	[sflag:s29] =	ssyncadd.s32 $0xFFFFFF80  }
0x27e: {  	_ =	swait.ge [sflag:s29], $0x80  }
0x27f: {  	[sflag:s29] =	ssyncset.done $0x0  }
0x280: {  	[sflag:s29] =	ssyncadd.s32 $0xFFFFFF80  }
0x281: {  	_ =	swait.ge [sflag:s29], $0x80  }
0x282: {  	[sflag:s29] =	ssyncset.done $0x0  }
0x283: {  	[sflag:s29] =	ssyncadd.s32 $0xFFFFFF80  }
0x284: {  	_ =	swait.ge [sflag:s29], $0x80  }
0x285: {  	[sflag:s29] =	ssyncset.done $0x0  }
0x286: {  	[sflag:s29] =	ssyncadd.s32 $0xFFFFFF80  }
0x287: {  	_ =	swait.ge [sflag:s29], $0x80  }
0x288: {  	[sflag:s29] =	ssyncset.done $0x0  }
0x289: {  	[sflag:s29] =	ssyncadd.s32 $0xFFFFFF80  }
0x28a: {  	_ =	swait.ge [sflag:s29], $0x80  }
0x28b: {  	[sflag:s29] =	ssyncset.done $0x0  }
0x28c: {  	[sflag:s29] =	ssyncadd.s32 $0xFFFFFF80  }
0x28d: {  	_ =	swait.ge [sflag:s29], $0x80  }
0x28e: {  	[sflag:s29] =	ssyncset.done $0x0  }
0x28f: {  	[sflag:s29] =	ssyncadd.s32 $0xFFFFFF80  }
0x290: {  	_ =	swait.ge [sflag:s29], $0x80  }
0x291: {  	[sflag:s29] =	ssyncset.done $0x0  }
0x292: {  	[sflag:s29] =	ssyncadd.s32 $0xFFFFFF80  }
0x293: {  	_ =	swait.ge [sflag:s29], $0x80  }
0x294: {  	[sflag:s29] =	ssyncset.done $0x0  }
0x295: {  	[sflag:s29] =	ssyncadd.s32 $0xFFFFFF80  }
0x296: {  	_ =	swait.ge [sflag:s30], $0xA00  }
0x297: {  	[sflag:s30] =	ssyncset.done $0x0  }
0x298: {  	s3 =	rddreg [dreg:$0x6];
	[sflag:s30] =	ssyncadd.s32 $0xFFFFF600  }
0x299: {  	[tilespmem:s0], [sflag:$0x2] =	stream.linear.gather [hbm4b:s3+s0], $0xA00, $0x38;
	[tilespmem:$0x1D80] =	vst v63  }
0x29a: {  	_ = 	snop  }
0x29b: {  	[spmem:s1] =	stream.indirect.scatter.add.f32 [tilespmem:s9], [sflag:$0x1], $0x1, s2, s8, $0xb8;
	[tilespmem:$0x1D80] =	vst v63  }
0x29c: {  	_ = 	snop  }
0x29d: {  	[spmem:s1] =	stream.indirect.scatter.add.f32 [tilespmem:s9], [sflag:$0x1], $0x1, s25, s8, $0xb8;
	[tilespmem:$0x1D80] =	vst v63  }
0x29e: {  	_ = 	snop  }
0x29f: {  	[spmem:s1] =	stream.indirect.scatter.add.f32 [tilespmem:s9], [sflag:$0x1], $0x1, s6, s8, $0xb8;
	[tilespmem:$0x1D80] =	vst v63  }
0x2a0: {  	_ = 	snop  }
0x2a1: {  	[spmem:s1] =	stream.indirect.scatter.add.f32 [tilespmem:s9], [sflag:$0x1], $0x1, s4, s8, $0xb8;
	[tilespmem:$0x1D80] =	vst v63  }
0x2a2: {  	s3 =	simm.s32 $0xE00  }
0x2a3: {  	[spmem:s1] =	stream.indirect.scatter.add.f32 [tilespmem:s9], [sflag:$0x1], $0x1, s3, s8, $0xb8;
	[tilespmem:$0x1D80] =	vst v63  }
0x2a4: {  	_ = 	snop  }
0x2a5: {  	[spmem:s1] =	stream.indirect.scatter.add.f32 [tilespmem:s9], [sflag:$0x1], $0x1, s10, s8, $0xb8;
	[tilespmem:$0x1D80] =	vst v63  }
0x2a6: {  	_ = 	snop  }
0x2a7: {  	[spmem:s1] =	stream.indirect.scatter.add.f32 [tilespmem:s9], [sflag:$0x1], $0x1, s11, s8, $0xb8;
	[tilespmem:$0x1D80] =	vst v63  }
0x2a8: {  	_ = 	snop  }
0x2a9: {  	[spmem:s1] =	stream.indirect.scatter.add.f32 [tilespmem:s9], [sflag:$0x1], $0x1, s12, s8, $0xb8;
	[tilespmem:$0x1D80] =	vst v63  }
0x2aa: {  	_ = 	snop  }
0x2ab: {  	[spmem:s1] =	stream.indirect.scatter.add.f32 [tilespmem:s9], [sflag:$0x1], $0x1, s13, s8, $0xb8;
	[tilespmem:$0x1D80] =	vst v63  }
0x2ac: {  	_ = 	snop  }
0x2ad: {  	[spmem:s1] =	stream.indirect.scatter.add.f32 [tilespmem:s9], [sflag:$0x1], $0x1, s14, s8, $0xb8;
	[tilespmem:$0x1D80] =	vst v63  }
0x2ae: {  	_ = 	snop  }
0x2af: {  	[spmem:s1] =	stream.indirect.scatter.add.f32 [tilespmem:s9], [sflag:$0x1], $0x1, s15, s8, $0xb8;
	[tilespmem:$0x1D80] =	vst v63  }
0x2b0: {  	_ = 	snop  }
0x2b1: {  	[spmem:s1] =	stream.indirect.scatter.add.f32 [tilespmem:s9], [sflag:$0x1], $0x1, s16, s8, $0xb8;
	[tilespmem:$0x1D80] =	vst v63  }
0x2b2: {  	_ = 	snop  }
0x2b3: {  	[spmem:s1] =	stream.indirect.scatter.add.f32 [tilespmem:s9], [sflag:$0x1], $0x1, s17, s8, $0xb8;
	[tilespmem:$0x1D80] =	vst v63  }
0x2b4: {  	_ = 	snop  }
0x2b5: {  	[spmem:s1] =	stream.indirect.scatter.add.f32 [tilespmem:s9], [sflag:$0x1], $0x1, s18, s8, $0xb8;
	[tilespmem:$0x1D80] =	vst v63  }
0x2b6: {  	_ = 	snop  }
0x2b7: {  	[spmem:s1] =	stream.indirect.scatter.add.f32 [tilespmem:s9], [sflag:$0x1], $0x1, s19, s8, $0xb8;
	[tilespmem:$0x1D80] =	vst v63  }
0x2b8: {  	_ = 	snop  }
0x2b9: {  	[spmem:s1] =	stream.indirect.scatter.add.f32 [tilespmem:s9], [sflag:$0x1], $0x1, s20, s8, $0xb8;
	[tilespmem:$0x1D80] =	vst v63  }
0x2ba: {  	_ = 	snop  }
0x2bb: {  	[spmem:s1] =	stream.indirect.scatter.add.f32 [tilespmem:s9], [sflag:$0x1], $0x1, s21, s8, $0xb8;
	[tilespmem:$0x1D80] =	vst v63  }
0x2bc: {  	_ = 	snop  }
0x2bd: {  	[spmem:s1] =	stream.indirect.scatter.add.f32 [tilespmem:s9], [sflag:$0x1], $0x1, s22, s8, $0xb8;
	[tilespmem:$0x1D80] =	vst v63  }
0x2be: {  	_ = 	snop  }
0x2bf: {  	[spmem:s1] =	stream.indirect.scatter.add.f32 [tilespmem:s9], [sflag:$0x1], $0x1, s23, s8, $0xb8;
	[tilespmem:$0x1D80] =	vst v63  }
0x2c0: {  	_ = 	snop  }
0x2c1: {  	[spmem:s1] =	stream.indirect.scatter.add.f32 [tilespmem:s9], [sflag:$0x1], $0x1, s24, s8, $0xb8;
	[tilespmem:$0x1D80] =	vst v63  }
0x2c2: {  	_ =	swait.ge [sflag:s29], $0x80  }
0x2c3: {  	[sflag:s29] =	ssyncset.done $0x0  }
0x2c4: {  	[sflag:s29] =	ssyncadd.s32 $0xFFFFFF80  }
0x2c5: {  	_ =	swait.ge [sflag:s29], $0x80  }
0x2c6: {  	[sflag:s29] =	ssyncset.done $0x0  }
0x2c7: {  	[sflag:s29] =	ssyncadd.s32 $0xFFFFFF80  }
0x2c8: {  	_ =	swait.ge [sflag:s29], $0x80  }
0x2c9: {  	[sflag:s29] =	ssyncset.done $0x0  }
0x2ca: {  	[sflag:s29] =	ssyncadd.s32 $0xFFFFFF80  }
0x2cb: {  	_ =	swait.ge [sflag:s29], $0x80  }
0x2cc: {  	[sflag:s29] =	ssyncset.done $0x0  }
0x2cd: {  	[sflag:s29] =	ssyncadd.s32 $0xFFFFFF80  }
0x2ce: {  	_ =	swait.ge [sflag:s29], $0x80  }
0x2cf: {  	[sflag:s29] =	ssyncset.done $0x0  }
0x2d0: {  	[sflag:s29] =	ssyncadd.s32 $0xFFFFFF80  }
0x2d1: {  	_ =	swait.ge [sflag:s29], $0x80  }
0x2d2: {  	[sflag:s29] =	ssyncset.done $0x0  }
0x2d3: {  	[sflag:s29] =	ssyncadd.s32 $0xFFFFFF80  }
0x2d4: {  	_ =	swait.ge [sflag:s29], $0x80  }
0x2d5: {  	[sflag:s29] =	ssyncset.done $0x0  }
0x2d6: {  	[sflag:s29] =	ssyncadd.s32 $0xFFFFFF80  }
0x2d7: {  	_ =	swait.ge [sflag:s29], $0x80  }
0x2d8: {  	[sflag:s29] =	ssyncset.done $0x0  }
0x2d9: {  	[sflag:s29] =	ssyncadd.s32 $0xFFFFFF80  }
0x2da: {  	_ =	swait.ge [sflag:s29], $0x80  }
0x2db: {  	[sflag:s29] =	ssyncset.done $0x0  }
0x2dc: {  	[sflag:s29] =	ssyncadd.s32 $0xFFFFFF80  }
0x2dd: {  	_ =	swait.ge [sflag:s29], $0x80  }
0x2de: {  	[sflag:s29] =	ssyncset.done $0x0  }
0x2df: {  	[sflag:s29] =	ssyncadd.s32 $0xFFFFFF80  }
0x2e0: {  	_ =	swait.ge [sflag:s29], $0x80  }
0x2e1: {  	[sflag:s29] =	ssyncset.done $0x0  }
0x2e2: {  	[sflag:s29] =	ssyncadd.s32 $0xFFFFFF80  }
0x2e3: {  	_ =	swait.ge [sflag:s29], $0x80  }
0x2e4: {  	[sflag:s29] =	ssyncset.done $0x0  }
0x2e5: {  	[sflag:s29] =	ssyncadd.s32 $0xFFFFFF80  }
0x2e6: {  	_ =	swait.ge [sflag:s29], $0x80  }
0x2e7: {  	[sflag:s29] =	ssyncset.done $0x0  }
0x2e8: {  	[sflag:s29] =	ssyncadd.s32 $0xFFFFFF80  }
0x2e9: {  	_ =	swait.ge [sflag:s29], $0x80  }
0x2ea: {  	[sflag:s29] =	ssyncset.done $0x0  }
0x2eb: {  	[sflag:s29] =	ssyncadd.s32 $0xFFFFFF80  }
0x2ec: {  	_ =	swait.ge [sflag:s29], $0x80  }
0x2ed: {  	[sflag:s29] =	ssyncset.done $0x0  }
0x2ee: {  	[sflag:s29] =	ssyncadd.s32 $0xFFFFFF80  }
0x2ef: {  	_ =	swait.ge [sflag:s29], $0x80  }
0x2f0: {  	[sflag:s29] =	ssyncset.done $0x0  }
0x2f1: {  	[sflag:s29] =	ssyncadd.s32 $0xFFFFFF80  }
0x2f2: {  	_ =	swait.ge [sflag:s29], $0x80  }
0x2f3: {  	[sflag:s29] =	ssyncset.done $0x0  }
0x2f4: {  	[sflag:s29] =	ssyncadd.s32 $0xFFFFFF80  }
0x2f5: {  	_ =	swait.ge [sflag:s29], $0x80  }
0x2f6: {  	[sflag:s29] =	ssyncset.done $0x0  }
0x2f7: {  	[sflag:s29] =	ssyncadd.s32 $0xFFFFFF80  }
0x2f8: {  	_ =	swait.ge [sflag:s29], $0x80  }
0x2f9: {  	[sflag:s29] =	ssyncset.done $0x0  }
0x2fa: {  	[sflag:s29] =	ssyncadd.s32 $0xFFFFFF80  }
0x2fb: {  	_ =	swait.ge [sflag:s29], $0x80  }
0x2fc: {  	[sflag:s29] =	ssyncset.done $0x0  }
0x2fd: {  	[sflag:s29] =	ssyncadd.s32 $0xFFFFFF80  }
0x2fe: {  	_ =	swait.ge [sflag:s30], $0xA00  }
0x2ff: {  	[sflag:s30] =	ssyncset.done $0x0  }
0x300: {  	s28 =	rddreg [dreg:$0x7];
	[sflag:s30] =	ssyncadd.s32 $0xFFFFF600  }
0x301: {  	[tilespmem:s2], [sflag:$0x2] =	stream.linear.gather [hbm4b:s28+s0], $0xA00, $0x38;
	[tilespmem:$0x1D80] =	vst v63  }
0x302: {  	_ = 	snop  }
0x303: {  	[spmem:s1] =	stream.indirect.scatter.add.f32 [tilespmem:s9], [sflag:$0x1], $0x1, s0, s8, $0xb8;
	[tilespmem:$0x1D80] =	vst v63  }
0x304: {  	_ = 	snop  }
0x305: {  	[spmem:s1] =	stream.indirect.scatter.add.f32 [tilespmem:s9], [sflag:$0x1], $0x1, s8, s8, $0xb8;
	[tilespmem:$0x1D80] =	vst v63  }
0x306: {  	_ = 	snop  }
0x307: {  	[spmem:s1] =	stream.indirect.scatter.add.f32 [tilespmem:s9], [sflag:$0x1], $0x1, s31, s8, $0xb8;
	[tilespmem:$0x1D80] =	vst v63  }
0x308: {  	s28 =	simm.s32 $0x180  }
0x309: {  	[spmem:s1] =	stream.indirect.scatter.add.f32 [tilespmem:s9], [sflag:$0x1], $0x1, s28, s8, $0xb8;
	[tilespmem:$0x1D80] =	vst v63  }
0x30a: {  	s28 =	simm.s32 $0x200  }
0x30b: {  	[spmem:s1] =	stream.indirect.scatter.add.f32 [tilespmem:s9], [sflag:$0x1], $0x1, s28, s8, $0xb8;
	[tilespmem:$0x1D80] =	vst v63  }
0x30c: {  	s28 =	simm.s32 $0x280  }
0x30d: {  	[spmem:s1] =	stream.indirect.scatter.add.f32 [tilespmem:s9], [sflag:$0x1], $0x1, s28, s8, $0xb8;
	[tilespmem:$0x1D80] =	vst v63  }
0x30e: {  	s28 =	simm.s32 $0x300  }
0x30f: {  	[spmem:s1] =	stream.indirect.scatter.add.f32 [tilespmem:s9], [sflag:$0x1], $0x1, s28, s8, $0xb8;
	[tilespmem:$0x1D80] =	vst v63  }
0x310: {  	s28 =	simm.s32 $0x380  }
0x311: {  	[spmem:s1] =	stream.indirect.scatter.add.f32 [tilespmem:s9], [sflag:$0x1], $0x1, s28, s8, $0xb8;
	[tilespmem:$0x1D80] =	vst v63  }
0x312: {  	s28 =	simm.s32 $0x400  }
0x313: {  	[spmem:s1] =	stream.indirect.scatter.add.f32 [tilespmem:s9], [sflag:$0x1], $0x1, s28, s8, $0xb8;
	[tilespmem:$0x1D80] =	vst v63  }
0x314: {  	s28 =	simm.s32 $0x480  }
0x315: {  	[spmem:s1] =	stream.indirect.scatter.add.f32 [tilespmem:s9], [sflag:$0x1], $0x1, s28, s8, $0xb8;
	[tilespmem:$0x1D80] =	vst v63  }
0x316: {  	s28 =	simm.s32 $0x500  }
0x317: {  	[spmem:s1] =	stream.indirect.scatter.add.f32 [tilespmem:s9], [sflag:$0x1], $0x1, s28, s8, $0xb8;
	[tilespmem:$0x1D80] =	vst v63  }
0x318: {  	s28 =	simm.s32 $0x580  }
0x319: {  	[spmem:s1] =	stream.indirect.scatter.add.f32 [tilespmem:s9], [sflag:$0x1], $0x1, s28, s8, $0xb8;
	[tilespmem:$0x1D80] =	vst v63  }
0x31a: {  	s28 =	simm.s32 $0x600  }
0x31b: {  	[spmem:s1] =	stream.indirect.scatter.add.f32 [tilespmem:s9], [sflag:$0x1], $0x1, s28, s8, $0xb8;
	[tilespmem:$0x1D80] =	vst v63  }
0x31c: {  	s28 =	simm.s32 $0x680  }
0x31d: {  	[spmem:s1] =	stream.indirect.scatter.add.f32 [tilespmem:s9], [sflag:$0x1], $0x1, s28, s8, $0xb8;
	[tilespmem:$0x1D80] =	vst v63  }
0x31e: {  	s28 =	simm.s32 $0x700  }
0x31f: {  	[spmem:s1] =	stream.indirect.scatter.add.f32 [tilespmem:s9], [sflag:$0x1], $0x1, s28, s8, $0xb8;
	[tilespmem:$0x1D80] =	vst v63  }
0x320: {  	s28 =	simm.s32 $0x780  }
0x321: {  	[spmem:s1] =	stream.indirect.scatter.add.f32 [tilespmem:s9], [sflag:$0x1], $0x1, s28, s8, $0xb8;
	[tilespmem:$0x1D80] =	vst v63  }
0x322: {  	s28 =	simm.s32 $0x800  }
0x323: {  	[spmem:s1] =	stream.indirect.scatter.add.f32 [tilespmem:s9], [sflag:$0x1], $0x1, s28, s8, $0xb8;
	[tilespmem:$0x1D80] =	vst v63  }
0x324: {  	s28 =	simm.s32 $0x880  }
0x325: {  	[spmem:s1] =	stream.indirect.scatter.add.f32 [tilespmem:s9], [sflag:$0x1], $0x1, s28, s8, $0xb8;
	[tilespmem:$0x1D80] =	vst v63  }
0x326: {  	s28 =	simm.s32 $0x900  }
0x327: {  	[spmem:s1] =	stream.indirect.scatter.add.f32 [tilespmem:s9], [sflag:$0x1], $0x1, s28, s8, $0xb8;
	[tilespmem:$0x1D80] =	vst v63  }
0x328: {  	s28 =	simm.s32 $0x980  }
0x329: {  	[spmem:s1] =	stream.indirect.scatter.add.f32 [tilespmem:s9], [sflag:$0x1], $0x1, s28, s8, $0xb8;
	[tilespmem:$0x1D80] =	vst v63  }
0x32a: {  	_ =	swait.ge [sflag:s29], $0x80  }
0x32b: {  	[sflag:s29] =	ssyncset.done $0x0  }
0x32c: {  	[sflag:s29] =	ssyncadd.s32 $0xFFFFFF80  }
0x32d: {  	_ =	swait.ge [sflag:s29], $0x80  }
0x32e: {  	[sflag:s29] =	ssyncset.done $0x0  }
0x32f: {  	[sflag:s29] =	ssyncadd.s32 $0xFFFFFF80  }
0x330: {  	_ =	swait.ge [sflag:s29], $0x80  }
0x331: {  	[sflag:s29] =	ssyncset.done $0x0  }
0x332: {  	[sflag:s29] =	ssyncadd.s32 $0xFFFFFF80  }
0x333: {  	_ =	swait.ge [sflag:s29], $0x80  }
0x334: {  	[sflag:s29] =	ssyncset.done $0x0  }
0x335: {  	[sflag:s29] =	ssyncadd.s32 $0xFFFFFF80  }
0x336: {  	_ =	swait.ge [sflag:s29], $0x80  }
0x337: {  	[sflag:s29] =	ssyncset.done $0x0  }
0x338: {  	[sflag:s29] =	ssyncadd.s32 $0xFFFFFF80  }
0x339: {  	_ =	swait.ge [sflag:s29], $0x80  }
0x33a: {  	[sflag:s29] =	ssyncset.done $0x0  }
0x33b: {  	[sflag:s29] =	ssyncadd.s32 $0xFFFFFF80  }
0x33c: {  	_ =	swait.ge [sflag:s29], $0x80  }
0x33d: {  	[sflag:s29] =	ssyncset.done $0x0  }
0x33e: {  	[sflag:s29] =	ssyncadd.s32 $0xFFFFFF80  }
0x33f: {  	_ =	swait.ge [sflag:s29], $0x80  }
0x340: {  	[sflag:s29] =	ssyncset.done $0x0  }
0x341: {  	[sflag:s29] =	ssyncadd.s32 $0xFFFFFF80  }
0x342: {  	_ =	swait.ge [sflag:s29], $0x80  }
0x343: {  	[sflag:s29] =	ssyncset.done $0x0  }
0x344: {  	[sflag:s29] =	ssyncadd.s32 $0xFFFFFF80  }
0x345: {  	_ =	swait.ge [sflag:s29], $0x80  }
0x346: {  	[sflag:s29] =	ssyncset.done $0x0  }
0x347: {  	[sflag:s29] =	ssyncadd.s32 $0xFFFFFF80  }
0x348: {  	_ =	swait.ge [sflag:s29], $0x80  }
0x349: {  	[sflag:s29] =	ssyncset.done $0x0  }
0x34a: {  	[sflag:s29] =	ssyncadd.s32 $0xFFFFFF80  }
0x34b: {  	_ =	swait.ge [sflag:s29], $0x80  }
0x34c: {  	[sflag:s29] =	ssyncset.done $0x0  }
0x34d: {  	[sflag:s29] =	ssyncadd.s32 $0xFFFFFF80  }
0x34e: {  	_ =	swait.ge [sflag:s29], $0x80  }
0x34f: {  	[sflag:s29] =	ssyncset.done $0x0  }
0x350: {  	[sflag:s29] =	ssyncadd.s32 $0xFFFFFF80  }
0x351: {  	_ =	swait.ge [sflag:s29], $0x80  }
0x352: {  	[sflag:s29] =	ssyncset.done $0x0  }
0x353: {  	[sflag:s29] =	ssyncadd.s32 $0xFFFFFF80  }
0x354: {  	_ =	swait.ge [sflag:s29], $0x80  }
0x355: {  	[sflag:s29] =	ssyncset.done $0x0  }
0x356: {  	[sflag:s29] =	ssyncadd.s32 $0xFFFFFF80  }
0x357: {  	_ =	swait.ge [sflag:s29], $0x80  }
0x358: {  	[sflag:s29] =	ssyncset.done $0x0  }
0x359: {  	[sflag:s29] =	ssyncadd.s32 $0xFFFFFF80  }
0x35a: {  	_ =	swait.ge [sflag:s29], $0x80  }
0x35b: {  	[sflag:s29] =	ssyncset.done $0x0  }
0x35c: {  	[sflag:s29] =	ssyncadd.s32 $0xFFFFFF80  }
0x35d: {  	_ =	swait.ge [sflag:s29], $0x80  }
0x35e: {  	[sflag:s29] =	ssyncset.done $0x0  }
0x35f: {  	[sflag:s29] =	ssyncadd.s32 $0xFFFFFF80  }
0x360: {  	_ =	swait.ge [sflag:s29], $0x80  }
0x361: {  	[sflag:s29] =	ssyncset.done $0x0  }
0x362: {  	[sflag:s29] =	ssyncadd.s32 $0xFFFFFF80  }
0x363: {  	_ =	swait.ge [sflag:s29], $0x80  }
0x364: {  	[sflag:s29] =	ssyncset.done $0x0  }
0x365: {  	[sflag:s29] =	ssyncadd.s32 $0xFFFFFF80  }
0x366: {  	_ =	swait.ge [sflag:s30], $0xA00  }
0x367: {  	[sflag:s30] =	ssyncset.done $0x0  }
0x368: {  	[sflag:s30] =	ssyncadd.s32 $0xFFFFF600  }
0x369: {  	[spmem:s1] =	stream.indirect.scatter.add.f32 [tilespmem:s9], [sflag:$0x1], $0x1, s2, s8, $0xb8;
	[tilespmem:$0x1D80] =	vst v63  }
0x36a: {  	_ = 	snop  }
0x36b: {  	[spmem:s1] =	stream.indirect.scatter.add.f32 [tilespmem:s9], [sflag:$0x1], $0x1, s25, s8, $0xb8;
	[tilespmem:$0x1D80] =	vst v63  }
0x36c: {  	_ = 	snop  }
0x36d: {  	[spmem:s1] =	stream.indirect.scatter.add.f32 [tilespmem:s9], [sflag:$0x1], $0x1, s6, s8, $0xb8;
	[tilespmem:$0x1D80] =	vst v63  }
0x36e: {  	_ = 	snop  }
0x36f: {  	[spmem:s1] =	stream.indirect.scatter.add.f32 [tilespmem:s9], [sflag:$0x1], $0x1, s4, s8, $0xb8;
	[tilespmem:$0x1D80] =	vst v63  }
0x370: {  	_ = 	snop  }
0x371: {  	[spmem:s1] =	stream.indirect.scatter.add.f32 [tilespmem:s9], [sflag:$0x1], $0x1, s3, s8, $0xb8;
	[tilespmem:$0x1D80] =	vst v63  }
0x372: {  	_ = 	snop  }
0x373: {  	[spmem:s1] =	stream.indirect.scatter.add.f32 [tilespmem:s9], [sflag:$0x1], $0x1, s10, s8, $0xb8;
	[tilespmem:$0x1D80] =	vst v63  }
0x374: {  	_ = 	snop  }
0x375: {  	[spmem:s1] =	stream.indirect.scatter.add.f32 [tilespmem:s9], [sflag:$0x1], $0x1, s11, s8, $0xb8;
	[tilespmem:$0x1D80] =	vst v63  }
0x376: {  	_ = 	snop  }
0x377: {  	[spmem:s1] =	stream.indirect.scatter.add.f32 [tilespmem:s9], [sflag:$0x1], $0x1, s12, s8, $0xb8;
	[tilespmem:$0x1D80] =	vst v63  }
0x378: {  	_ = 	snop  }
0x379: {  	[spmem:s1] =	stream.indirect.scatter.add.f32 [tilespmem:s9], [sflag:$0x1], $0x1, s13, s8, $0xb8;
	[tilespmem:$0x1D80] =	vst v63  }
0x37a: {  	_ = 	snop  }
0x37b: {  	[spmem:s1] =	stream.indirect.scatter.add.f32 [tilespmem:s9], [sflag:$0x1], $0x1, s14, s8, $0xb8;
	[tilespmem:$0x1D80] =	vst v63  }
0x37c: {  	_ = 	snop  }
0x37d: {  	[spmem:s1] =	stream.indirect.scatter.add.f32 [tilespmem:s9], [sflag:$0x1], $0x1, s15, s8, $0xb8;
	[tilespmem:$0x1D80] =	vst v63  }
0x37e: {  	_ = 	snop  }
0x37f: {  	[spmem:s1] =	stream.indirect.scatter.add.f32 [tilespmem:s9], [sflag:$0x1], $0x1, s16, s8, $0xb8;
	[tilespmem:$0x1D80] =	vst v63  }
0x380: {  	_ = 	snop  }
0x381: {  	[spmem:s1] =	stream.indirect.scatter.add.f32 [tilespmem:s9], [sflag:$0x1], $0x1, s17, s8, $0xb8;
	[tilespmem:$0x1D80] =	vst v63  }
0x382: {  	_ = 	snop  }
0x383: {  	[spmem:s1] =	stream.indirect.scatter.add.f32 [tilespmem:s9], [sflag:$0x1], $0x1, s18, s8, $0xb8;
	[tilespmem:$0x1D80] =	vst v63  }
0x384: {  	_ = 	snop  }
0x385: {  	[spmem:s1] =	stream.indirect.scatter.add.f32 [tilespmem:s9], [sflag:$0x1], $0x1, s19, s8, $0xb8;
	[tilespmem:$0x1D80] =	vst v63  }
0x386: {  	_ = 	snop  }
0x387: {  	[spmem:s1] =	stream.indirect.scatter.add.f32 [tilespmem:s9], [sflag:$0x1], $0x1, s20, s8, $0xb8;
	[tilespmem:$0x1D80] =	vst v63  }
0x388: {  	_ = 	snop  }
0x389: {  	[spmem:s1] =	stream.indirect.scatter.add.f32 [tilespmem:s9], [sflag:$0x1], $0x1, s21, s8, $0xb8;
	[tilespmem:$0x1D80] =	vst v63  }
0x38a: {  	_ = 	snop  }
0x38b: {  	[spmem:s1] =	stream.indirect.scatter.add.f32 [tilespmem:s9], [sflag:$0x1], $0x1, s22, s8, $0xb8;
	[tilespmem:$0x1D80] =	vst v63  }
0x38c: {  	_ = 	snop  }
0x38d: {  	[spmem:s1] =	stream.indirect.scatter.add.f32 [tilespmem:s9], [sflag:$0x1], $0x1, s23, s8, $0xb8;
	[tilespmem:$0x1D80] =	vst v63  }
0x38e: {  	_ = 	snop  }
0x38f: {  	[spmem:s1] =	stream.indirect.scatter.add.f32 [tilespmem:s9], [sflag:$0x1], $0x1, s24, s8, $0xb8;
	[tilespmem:$0x1D80] =	vst v63  }
0x390: {  	_ =	swait.ge [sflag:s29], $0x80  }
0x391: {  	[sflag:s29] =	ssyncset.done $0x0  }
0x392: {  	[sflag:s29] =	ssyncadd.s32 $0xFFFFFF80  }
0x393: {  	_ =	swait.ge [sflag:s29], $0x80  }
0x394: {  	[sflag:s29] =	ssyncset.done $0x0  }
0x395: {  	[sflag:s29] =	ssyncadd.s32 $0xFFFFFF80  }
0x396: {  	_ =	swait.ge [sflag:s29], $0x80  }
0x397: {  	[sflag:s29] =	ssyncset.done $0x0  }
0x398: {  	[sflag:s29] =	ssyncadd.s32 $0xFFFFFF80  }
0x399: {  	_ =	swait.ge [sflag:s29], $0x80  }
0x39a: {  	[sflag:s29] =	ssyncset.done $0x0  }
0x39b: {  	[sflag:s29] =	ssyncadd.s32 $0xFFFFFF80  }
0x39c: {  	_ =	swait.ge [sflag:s29], $0x80  }
0x39d: {  	[sflag:s29] =	ssyncset.done $0x0  }
0x39e: {  	[sflag:s29] =	ssyncadd.s32 $0xFFFFFF80  }
0x39f: {  	_ =	swait.ge [sflag:s29], $0x80  }
0x3a0: {  	[sflag:s29] =	ssyncset.done $0x0  }
0x3a1: {  	[sflag:s29] =	ssyncadd.s32 $0xFFFFFF80  }
0x3a2: {  	_ =	swait.ge [sflag:s29], $0x80  }
0x3a3: {  	[sflag:s29] =	ssyncset.done $0x0  }
0x3a4: {  	[sflag:s29] =	ssyncadd.s32 $0xFFFFFF80  }
0x3a5: {  	_ =	swait.ge [sflag:s29], $0x80  }
0x3a6: {  	[sflag:s29] =	ssyncset.done $0x0  }
0x3a7: {  	[sflag:s29] =	ssyncadd.s32 $0xFFFFFF80  }
0x3a8: {  	_ =	swait.ge [sflag:s29], $0x80  }
0x3a9: {  	[sflag:s29] =	ssyncset.done $0x0  }
0x3aa: {  	[sflag:s29] =	ssyncadd.s32 $0xFFFFFF80  }
0x3ab: {  	_ =	swait.ge [sflag:s29], $0x80  }
0x3ac: {  	[sflag:s29] =	ssyncset.done $0x0  }
0x3ad: {  	[sflag:s29] =	ssyncadd.s32 $0xFFFFFF80  }
0x3ae: {  	_ =	swait.ge [sflag:s29], $0x80  }
0x3af: {  	[sflag:s29] =	ssyncset.done $0x0  }
0x3b0: {  	[sflag:s29] =	ssyncadd.s32 $0xFFFFFF80  }
0x3b1: {  	_ =	swait.ge [sflag:s29], $0x80  }
0x3b2: {  	[sflag:s29] =	ssyncset.done $0x0  }
0x3b3: {  	[sflag:s29] =	ssyncadd.s32 $0xFFFFFF80  }
0x3b4: {  	_ =	swait.ge [sflag:s29], $0x80  }
0x3b5: {  	[sflag:s29] =	ssyncset.done $0x0  }
0x3b6: {  	[sflag:s29] =	ssyncadd.s32 $0xFFFFFF80  }
0x3b7: {  	_ =	swait.ge [sflag:s29], $0x80  }
0x3b8: {  	[sflag:s29] =	ssyncset.done $0x0  }
0x3b9: {  	[sflag:s29] =	ssyncadd.s32 $0xFFFFFF80  }
0x3ba: {  	_ =	swait.ge [sflag:s29], $0x80  }
0x3bb: {  	[sflag:s29] =	ssyncset.done $0x0  }
0x3bc: {  	[sflag:s29] =	ssyncadd.s32 $0xFFFFFF80  }
0x3bd: {  	_ =	swait.ge [sflag:s29], $0x80  }
0x3be: {  	[sflag:s29] =	ssyncset.done $0x0  }
0x3bf: {  	[sflag:s29] =	ssyncadd.s32 $0xFFFFFF80  }
0x3c0: {  	_ =	swait.ge [sflag:s29], $0x80  }
0x3c1: {  	[sflag:s29] =	ssyncset.done $0x0  }
0x3c2: {  	[sflag:s29] =	ssyncadd.s32 $0xFFFFFF80  }
0x3c3: {  	_ =	swait.ge [sflag:s29], $0x80  }
0x3c4: {  	[sflag:s29] =	ssyncset.done $0x0  }
0x3c5: {  	[sflag:s29] =	ssyncadd.s32 $0xFFFFFF80  }
0x3c6: {  	_ =	swait.ge [sflag:s29], $0x80  }
0x3c7: {  	[sflag:s29] =	ssyncset.done $0x0  }
0x3c8: {  	[sflag:s29] =	ssyncadd.s32 $0xFFFFFF80  }
0x3c9: {  	_ =	swait.ge [sflag:s29], $0x80  }
0x3ca: {  	[sflag:s29] =	ssyncset.done $0x0  }
0x3cb: {  	[sflag:s29] =	ssyncadd.s32 $0xFFFFFF80  }
0x3cc: {  	s3 =	simm.s32 $0x1880;
	[bflag:$0x0] =	sbarrier.arrive $0xFFFF  }
0x3cd: {  	[tilespmem:s3], [sflag:$0x3] =	stream.linear.gather [spmem:s7], $0x280, $0x38;
	[tilespmem:$0x1D80] =	vst v63  }
0x3ce: {  	p0 =	sne.s32 s26, $0x1;
	_ =	swait.ge [sflag:s5], $0x280  }
.Ltmp1:
0x3cf: {  	[sflag:s5] =	ssyncset.done $0x0;
	(pc) =	sbr.rel @p0 .LBB2_2-.Ltmp1, $4  }
0x3d0: {  	s7 =	rddreg [dreg:$0x8];
	[sflag:s5] =	ssyncadd.s32 $0xFFFFFD80  }
0x3d1: {  	[hbm4b:s7+s0] =	stream.linear.scatter [tilespmem:s3], [sflag:$0x3], $0x280, $0x38;
	[tilespmem:$0x1D80] =	vst v63  }
0x3d2: {  	_ =	swait.ge [sflag:s5], $0x280  }
0x3d3: {  	s26 =	sadd.s32 $0xFFFFFFFF, s26;
	[sflag:s5] =	ssyncset.done $0x0  }
.LBB2_3:
0x3d4: {  	[sflag:s5] =	ssyncadd.s32 $0xFFFFFD80  }
0x3d5: {  	_ =	sfence.sel $0x180000  }
0x3d6: {  	[bflag:$0x0] =	sbarrier.arrive $0xFFFF  }
0x3d7: {  	_ =	strace $0x90000047  }
0x3d8: {  	s0 =	stileid.u32;
	[bflag:$0x2] =	sbarrier.arrive $0xFFFF  }
0x3d9: {  	p0 =	sne.s32 s0, $0x0;
	s0 =	rddreg [dreg:$0x3]  }
0x3da: {  	s0 =	sadd.s32 @!p0 $0x100000, s0  }
0x3db: {  	[sflag:s0] =	ssyncadd.tile.s32 @!p0 $0x1;
	_ =	shalt  }
.Lfunc_end2:
_tile_overlayer_lowered:
.L_overlay_start_2:
0x3dc: {  	(tag) =	ssettag $0x2  }
0x3dd: {  	s0 =	rddreg [dreg:$0x0];
	s2 =	stileid.u32  }
0x3de: {  	s1 =	rddreg [dreg:$0x1];
	p0 =	sne.s32 s2, $0x0  }
0x3df: {  	s3 =	rddreg [dreg:$0x2];
	[bflag:$0x3] =	sbarrier.arrive $0xFFFF;
	s2 =	simm.s32 @!p0 $0x1C03  }
0x3e0: {  	[timem:s3], [sflag:s2] =	dma.local @!p0 [hbm:s0], s1  }
0x3e1: {  	s0 =	simm.s32 @!p0 $0x3  }
0x3e2: {  	_ =	swait.ge @!p0 [sflag:s0], s1  }
0x3e3: {  	s1 =	ssub.s32 @!p0 $0x0, s1;
	[sflag:s0] =	ssyncset.done @!p0 $0x0  }
0x3e4: {  	[sflag:s0] =	ssyncadd.s32 @!p0 s1  }
0x3e5: {  	[bflag:$0x3] =	sbarrier.arrive $0xFFFF  }
0x3e6: {  	_ =	shalt  }

</sc_bundles>
